<compile_context>
chip_gen: v7x
topology: tpu7x:2x2x1
jax: 0.10.2.dev20260603
libtpu: 0.0.44.dev20260713+nightly
codegen_flags: <defaults>
</compile_context>

<pallas_src>
import functools

import jax
import jax.numpy as jnp
from jax import lax
from jax.experimental import pallas as pl
from jax.experimental.pallas import tpu as pltpu
from jax.experimental.pallas import tpu_sc as plsc

_B, _T, _D, _S, _NT = 16, 2048, 128, 512, 8192
_L = 16
_CH = 64
_NCH = _T // _CH
_UNROLL = 8


def _sc_forward_body(obs_hbm, packed_hbm, prob_hbm, leaky_hbm, final_hbm,
                     len_hbm, scales_out, fp_out,
                     obs2, packed_v, prob_v, leaky_v, final_v, alpha_v, anew_v,
                     scales_v, fp_v, len_v, sem0, sem1):
    g = lax.axis_index("c")
    b = lax.axis_index("s")
    chain = g * _B + b

    pltpu.sync_copy(packed_hbm.at[g], packed_v)
    pltpu.sync_copy(prob_hbm.at[g], prob_v)
    pltpu.sync_copy(leaky_hbm.at[g], leaky_v)
    pltpu.sync_copy(final_hbm.at[g], final_v)
    pltpu.sync_copy(len_hbm, len_v)

    zero16 = jnp.zeros((_L,), jnp.float32)
    iota16 = lax.iota(jnp.int32, _L)
    lane0 = iota16 == 0

    for m in range(_S // _L):
        alpha_v[pl.ds(m * _L, _L)] = zero16
        anew_v[pl.ds(m * _L, _L)] = zero16
    alpha_v[pl.ds(0, _L)] = jnp.where(lane0, 1.0, 0.0).astype(jnp.float32)

    gdn = lax.GatherDimensionNumbers(
        offset_dims=(), collapsed_slice_dims=(0,), start_index_map=(0,))

    def xlane_sum(v):
        for sh in (8, 4, 2, 1):
            perm = lax.gather(v, (iota16 ^ sh)[:, None], gdn, (1,),
                              mode=lax.GatherScatterMode.PROMISE_IN_BOUNDS)
            v = v + perm
        return v

    acc = zero16
    for m in range(_S // _L):
        acc = acc + leaky_v[pl.ds(m * _L, _L)]
    sum_leaky = xlane_sum(acc)

    leaky_coef = jnp.where(g == 0, 1e-5, 1e-20).astype(jnp.float32)

    lv = len_v[pl.ds(0, _L)]
    lenb = lax.gather(lv, jnp.full((_L, 1), b, jnp.int32), gdn, (1,),
                      mode=lax.GatherScatterMode.PROMISE_IN_BOUNDS)

    pltpu.async_copy(obs_hbm.at[b, pl.ds(0, _CH * _D)],
                     obs2.at[pl.ds(0, _CH * _D)], sem0)

    def do_chunk(c, slot):
        def step(i, _):
            base = jnp.full((_L,), (slot * _CH + i) * _D, jnp.int32)

            @plsc.parallel_loop(0, _NT, _L, unroll=_UNROLL)
            def grp(off):
                pk = packed_v[pl.ds(off, _L)]
                fr = pk & 511
                to = lax.shift_right_logical(pk, 9) & 511
                pdf = lax.shift_right_logical(pk, 18)
                ag = plsc.load_gather(alpha_v, [fr])
                og = plsc.load_gather(obs2, [base + pdf])
                pr = prob_v[pl.ds(off, _L)]
                plsc.addupdate_scatter(anew_v, [to], ag * pr * og)

            tvec = jnp.full((_L,), c * _CH + i, jnp.int32)

            accs = [zero16] * 4
            for m in range(_S // _L):
                accs[m % 4] = accs[m % 4] + anew_v[pl.ds(m * _L, _L)]
            tot = xlane_sum((accs[0] + accs[1]) + (accs[2] + accs[3]))
            scale = tot + leaky_coef * tot * sum_leaky + 1e-30
            inv = 1.0 / scale
            active = tvec < lenb
            scale_vec = jnp.where(active, scale, 1.0)
            plsc.store_scatter(scales_v, [tvec], scale_vec, mask=lane0)
            ltotv = leaky_coef * tot
            invv = inv
            for m in range(_S // _L):
                ds_ = pl.ds(m * _L, _L)
                nrm = (anew_v[ds_] + ltotv * leaky_v[ds_]) * invv
                alpha_v[ds_] = jnp.where(active, nrm, alpha_v[ds_])
                anew_v[ds_] = zero16
            return 0

        lax.fori_loop(0, _CH, step, 0)

    def pair(c2, _):
        pltpu.make_async_copy(
            obs_hbm.at[b, pl.ds(0, _CH * _D)],
            obs2.at[pl.ds(0, _CH * _D)], sem0).wait()
        pltpu.async_copy(
            obs_hbm.at[b, pl.ds((2 * c2 + 1) * (_CH * _D), _CH * _D)],
            obs2.at[pl.ds(_CH * _D, _CH * _D)], sem1)
        do_chunk(2 * c2, 0)

        @pl.when(c2 < _NCH // 2 - 1)
        def _():
            pltpu.async_copy(
                obs_hbm.at[b, pl.ds((2 * c2 + 2) * (_CH * _D), _CH * _D)],
                obs2.at[pl.ds(0, _CH * _D)], sem0)

        pltpu.make_async_copy(
            obs_hbm.at[b, pl.ds(0, _CH * _D)],
            obs2.at[pl.ds(_CH * _D, _CH * _D)], sem1).wait()
        do_chunk(2 * c2 + 1, 1)
        return 0

    lax.fori_loop(0, _NCH // 2, pair, 0)

    accf = zero16
    for m in range(_S // _L):
        accf = accf + alpha_v[pl.ds(m * _L, _L)] * final_v[pl.ds(m * _L, _L)]
    fp_v[pl.ds(0, _L)] = accf

    pltpu.sync_copy(scales_v, scales_out.at[chain])
    pltpu.sync_copy(fp_v, fp_out.at[chain])


_sc_forward = functools.partial(
    pl.kernel,
    mesh=plsc.VectorSubcoreMesh(core_axis_name="c", subcore_axis_name="s"),
    compiler_params=pltpu.CompilerParams(needs_layout_passes=False),
    out_type=[
        jax.ShapeDtypeStruct((2 * _B, _T), jnp.float32),
        jax.ShapeDtypeStruct((2 * _B, _L), jnp.float32),
    ],
    scratch_types=[
        pltpu.VMEM((2 * _CH * _D,), jnp.float32),
        pltpu.VMEM((_NT,), jnp.int32),
        pltpu.VMEM((_NT,), jnp.float32),
        pltpu.VMEM((_S,), jnp.float32),
        pltpu.VMEM((_S,), jnp.float32),
        pltpu.VMEM((_S,), jnp.float32),
        pltpu.VMEM((_S,), jnp.float32),
        pltpu.VMEM((_T,), jnp.float32),
        pltpu.VMEM((_L,), jnp.float32),
        pltpu.VMEM((_B,), jnp.int32),
        pltpu.SemaphoreType.DMA,
        pltpu.SemaphoreType.DMA,
    ],
)(_sc_forward_body)


def _exp_body(x_ref, o_ref):
    o_ref[...] = jnp.exp(jnp.clip(x_ref[...], -30.0, 30.0))


def _reduce_body(scales_ref, fp_ref, len_ref, o_ref):
    per = jnp.sum(jnp.log(scales_ref[...]), axis=1, keepdims=True)
    fin = jnp.sum(fp_ref[...], axis=1, keepdims=True)
    per = per + jnp.log(fin + 1e-30)
    den = jnp.sum(per[:_B])
    num = jnp.sum(per[_B:])
    tl = jnp.sum(len_ref[...])
    o_ref[...] = (-(num - den) / tl).reshape(1, 1)


def _prep_graph(t_from, t_to, t_pdf, t_prob):
    packed = (t_from | (t_to << 9) | (t_pdf << 18)).astype(jnp.int32)
    order = jnp.argsort((t_to % _L) * _S + t_to)
    order = order.reshape(_L, _NT // _L).T.reshape(-1)
    return packed[order], t_prob[order]


def kernel(x, x_lengths, den_from, den_to, den_pdf, den_prob, den_leaky,
           den_final, num_from, num_to, num_pdf, num_prob, num_leaky,
           num_final):
    obs = pl.pallas_call(
        _exp_body,
        out_shape=jax.ShapeDtypeStruct((_B, _T, _D), jnp.float32),
        grid=(_B,),
        in_specs=[pl.BlockSpec((1, _T, _D), lambda i: (i, 0, 0))],
        out_specs=pl.BlockSpec((1, _T, _D), lambda i: (i, 0, 0)),
    )(x).reshape(_B, _T * _D)

    dp, dpr = _prep_graph(den_from, den_to, den_pdf, den_prob)
    np_, npr = _prep_graph(num_from, num_to, num_pdf, num_prob)
    packed = jnp.stack([dp, np_])
    prob = jnp.stack([dpr, npr])
    leaky = jnp.stack([den_leaky, num_leaky])
    final = jnp.stack([den_final, num_final])

    scales, fp = _sc_forward(obs, packed, prob, leaky, final,
                             x_lengths.astype(jnp.int32))

    out = pl.pallas_call(
        _reduce_body,
        out_shape=jax.ShapeDtypeStruct((1, 1), jnp.float32),
    )(scales, fp, x_lengths.astype(jnp.float32).reshape(1, _B))
    return out.reshape(())

# --- scband reference (transcript-rebuilt; emitter-appended) ---
"""Pipeline reference for scband-chain-loss-67319317397938 (READ-ONLY COPY).

The authoritative reference and input builder live on the scoring server;
editing this copy changes nothing except your own understanding.
"""

import jax, jax.numpy as jnp
import numpy as np


def _chain_objf(x, x_lengths, t_from, t_to, t_pdf, t_prob, leaky_probs, final_probs, leaky_coef):
    # Scaled forward algorithm in probability domain with leaky-HMM, like pychain_C.forward_backward.
    exp_input = jnp.exp(jnp.clip(x, -30.0, 30.0))
    B, T, D = x.shape
    S = leaky_probs.shape[0]
    start_state = 0
    alpha0 = jnp.zeros((B, S), dtype=x.dtype).at[:, start_state].set(1.0)

    def step(carry, inp):
        alpha, logp = carry
        obs, t = inp  # obs: [B, D]
        trans_obs = jnp.take(obs, t_pdf, axis=1)            # gather pdf posteriors per transition [B, nT]
        contrib = jnp.take(alpha, t_from, axis=1) * t_prob[None, :] * trans_obs
        alpha_new = jax.ops.segment_sum(contrib.T, t_to, num_segments=S).T  # scatter-add over dest states [B, S]
        tot = jnp.sum(alpha_new, axis=1, keepdims=True)
        alpha_new = alpha_new + leaky_coef * tot * leaky_probs[None, :]
        scale = jnp.sum(alpha_new, axis=1, keepdims=True) + 1e-30
        alpha_new = alpha_new / scale
        active = t < x_lengths
        alpha = jnp.where(active[:, None], alpha_new, alpha)
        logp = logp + jnp.where(active, jnp.log(scale[:, 0]), 0.0)
        return (alpha, logp), None

    xs = (jnp.moveaxis(exp_input, 0, 1), jnp.arange(T, dtype=jnp.int32))
    (alpha, logp), _ = jax.lax.scan(step, (alpha0, jnp.zeros((B,), dtype=x.dtype)), xs)
    final = jnp.sum(alpha * final_probs[None, :], axis=1)
    logp = logp + jnp.log(final + 1e-30)
    return jnp.sum(logp)


def setup_inputs(seed: int = 0):
    key = jax.random.key(seed)
    ks = jax.random.split(key, 16)
    B, T, D, S, NT = 16, 2048, 128, 512, 8192
    x = jax.random.normal(ks[0], (B, T, D), dtype=jnp.float32)
    lengths = jnp.sort(jax.random.randint(ks[1], (B,), 1, T + 1))[::-1].astype(jnp.int32)
    lengths = lengths.at[0].set(T)
    den_from = jax.random.randint(ks[2], (NT,), 0, S, dtype=jnp.int32)
    den_to = jax.random.randint(ks[3], (NT,), 0, S, dtype=jnp.int32)
    den_pdf = jax.random.randint(ks[4], (NT,), 0, D, dtype=jnp.int32)
    den_prob = jax.random.uniform(ks[5], (NT,), minval=0.01, maxval=1.0, dtype=jnp.float32)
    den_leaky = jax.random.uniform(ks[6], (S,), minval=0.0, maxval=1.0, dtype=jnp.float32)
    den_leaky = den_leaky / den_leaky.sum()
    den_final = jax.random.uniform(ks[7], (S,), minval=0.01, maxval=1.0, dtype=jnp.float32)
    num_from = jax.random.randint(ks[8], (NT,), 0, S, dtype=jnp.int32)
    num_to = jax.random.randint(ks[9], (NT,), 0, S, dtype=jnp.int32)
    num_pdf = jax.random.randint(ks[10], (NT,), 0, D, dtype=jnp.int32)
    num_prob = jax.random.uniform(ks[11], (NT,), minval=0.01, maxval=1.0, dtype=jnp.float32)
    num_leaky = jax.random.uniform(ks[12], (S,), minval=0.0, maxval=1.0, dtype=jnp.float32)
    num_leaky = num_leaky / num_leaky.sum()
    num_final = jax.random.uniform(ks[13], (S,), minval=0.01, maxval=1.0, dtype=jnp.float32)
    return {"x": x, "x_lengths": lengths,
            "den_from": den_from, "den_to": den_to, "den_pdf": den_pdf,
            "den_prob": den_prob, "den_leaky": den_leaky, "den_final": den_final,
            "num_from": num_from, "num_to": num_to, "num_pdf": num_pdf,
            "num_prob": num_prob, "num_leaky": num_leaky, "num_final": num_final}


def reference(x, x_lengths, den_from, den_to, den_pdf, den_prob, den_leaky, den_final,
              num_from, num_to, num_pdf, num_prob, num_leaky, num_final):
    den_objf = _chain_objf(x, x_lengths, den_from, den_to, den_pdf, den_prob, den_leaky, den_final, 1e-05)
    num_objf = _chain_objf(x, x_lengths, num_from, num_to, num_pdf, num_prob, num_leaky, num_final, 1e-20)
    objf = -(num_objf - den_objf)
    return objf / jnp.sum(x_lengths).astype(x.dtype)

if __name__ == "__main__":
    import jax
    _d = setup_inputs()
    print(jax.jit(kernel)(*tuple(_d.values())))

</pallas_src>

<mosaic_0001>
#map = affine_map<(d0, d1) -> (0, 0)>
#map1 = affine_map<(d0, d1) -> (0)>
module attributes {stable_mosaic.version = 14 : i64} {
  func.func @_sc_forward_body(%arg0: i32, %arg1: i32, %arg2: memref<16x262144xf32, #tpu.memory_space<hbm>>, %arg3: memref<2x8192xi32, #tpu.memory_space<hbm>>, %arg4: memref<2x8192xf32, #tpu.memory_space<hbm>>, %arg5: memref<2x512xf32, #tpu.memory_space<hbm>>, %arg6: memref<2x512xf32, #tpu.memory_space<hbm>>, %arg7: memref<16xi32, #tpu.memory_space<hbm>>, %arg8: memref<32x2048xf32, #tpu.memory_space<hbm>>, %arg9: memref<32x16xf32, #tpu.memory_space<hbm>>, %arg10: memref<16384xf32, #tpu.memory_space<vmem>>, %arg11: memref<8192xi32, #tpu.memory_space<vmem>>, %arg12: memref<8192xf32, #tpu.memory_space<vmem>>, %arg13: memref<512xf32, #tpu.memory_space<vmem>>, %arg14: memref<512xf32, #tpu.memory_space<vmem>>, %arg15: memref<512xf32, #tpu.memory_space<vmem>>, %arg16: memref<512xf32, #tpu.memory_space<vmem>>, %arg17: memref<2048xf32, #tpu.memory_space<vmem>>, %arg18: memref<16xf32, #tpu.memory_space<vmem>>, %arg19: memref<16xi32, #tpu.memory_space<vmem>>, %arg20: memref<!tpu.dma_semaphore, #tpu.memory_space<semaphore_mem>>, %arg21: memref<!tpu.dma_semaphore, #tpu.memory_space<semaphore_mem>>) attributes {dimension_semantics = [#tpu.dimension_semantics<core_parallel>, #tpu.dimension_semantics<subcore_parallel>], iteration_bounds = array<i64: 2, 16>, scalar_prefetch = 0 : i64, scratch_operands = 12 : i64, tpu.core_type = #tpu.core_type<sc_vector_subcore>, window_params = [{transform_indices = #map}, {transform_indices = #map}, {transform_indices = #map}, {transform_indices = #map}, {transform_indices = #map}, {transform_indices = #map1}, {transform_indices = #map}, {transform_indices = #map}]} {
    %mul3A = arith.constant 16 : i32
    %mul3A_0 = arith.muli %arg0, %mul3A : i32
    %add3A = arith.addi %mul3A_0, %arg1 : i32
    "tpu.region"() ({
      %run_scoped3A = tpu.sem_alloc : memref<!tpu.dma_semaphore, #tpu.memory_space<semaphore_mem>>
      %dma_start3A_476 = arith.constant 0 : i32
      %dma_start3A_477 = tpu.memref_slice %arg3[%arg0, %dma_start3A_476] : memref<2x8192xi32, #tpu.memory_space<hbm>> -> memref<1x8192xi32, #tpu.memory_space<hbm>>
      %dma_start3A_478 = tpu.memref_squeeze %dma_start3A_477 : memref<1x8192xi32, #tpu.memory_space<hbm>> -> memref<8192xi32, #tpu.memory_space<hbm>>
      %dma_start3A_479 = arith.constant 0 : i32
      %dma_start3A_480 = tpu.memref_slice %arg3[%arg0, %dma_start3A_479] : memref<2x8192xi32, #tpu.memory_space<hbm>> -> memref<1x8192xi32, #tpu.memory_space<hbm>>
      %dma_start3A_481 = tpu.memref_squeeze %dma_start3A_480 : memref<1x8192xi32, #tpu.memory_space<hbm>> -> memref<8192xi32, #tpu.memory_space<hbm>>
      tpu.enqueue_dma source(%dma_start3A_481 : memref<8192xi32, #tpu.memory_space<hbm>>) target(%arg11 : memref<8192xi32, #tpu.memory_space<vmem>>) target_semaphore(%run_scoped3A : memref<!tpu.dma_semaphore, #tpu.memory_space<semaphore_mem>>)
      %dma_wait3A = arith.constant 0 : i32
      %dma_wait3A_482 = tpu.memref_slice %arg3[%arg0, %dma_wait3A] : memref<2x8192xi32, #tpu.memory_space<hbm>> -> memref<1x8192xi32, #tpu.memory_space<hbm>>
      %dma_wait3A_483 = tpu.memref_squeeze %dma_wait3A_482 : memref<1x8192xi32, #tpu.memory_space<hbm>> -> memref<8192xi32, #tpu.memory_space<hbm>>
      %dma_wait3A_484 = arith.constant 0 : i32
      %dma_wait3A_485 = tpu.memref_slice %arg3[%arg0, %dma_wait3A_484] : memref<2x8192xi32, #tpu.memory_space<hbm>> -> memref<1x8192xi32, #tpu.memory_space<hbm>>
      %dma_wait3A_486 = tpu.memref_squeeze %dma_wait3A_485 : memref<1x8192xi32, #tpu.memory_space<hbm>> -> memref<8192xi32, #tpu.memory_space<hbm>>
      tpu.wait_dma2 semaphore(%run_scoped3A : memref<!tpu.dma_semaphore, #tpu.memory_space<semaphore_mem>>) src(%dma_wait3A_486 : memref<8192xi32, #tpu.memory_space<hbm>>) dst(%arg11 : memref<8192xi32, #tpu.memory_space<vmem>>)
      tpu.yield
    }) : () -> ()
    "tpu.region"() ({
      %run_scoped3A = tpu.sem_alloc : memref<!tpu.dma_semaphore, #tpu.memory_space<semaphore_mem>>
      %dma_start3A_476 = arith.constant 0 : i32
      %dma_start3A_477 = tpu.memref_slice %arg4[%arg0, %dma_start3A_476] : memref<2x8192xf32, #tpu.memory_space<hbm>> -> memref<1x8192xf32, #tpu.memory_space<hbm>>
      %dma_start3A_478 = tpu.memref_squeeze %dma_start3A_477 : memref<1x8192xf32, #tpu.memory_space<hbm>> -> memref<8192xf32, #tpu.memory_space<hbm>>
      %dma_start3A_479 = arith.constant 0 : i32
      %dma_start3A_480 = tpu.memref_slice %arg4[%arg0, %dma_start3A_479] : memref<2x8192xf32, #tpu.memory_space<hbm>> -> memref<1x8192xf32, #tpu.memory_space<hbm>>
      %dma_start3A_481 = tpu.memref_squeeze %dma_start3A_480 : memref<1x8192xf32, #tpu.memory_space<hbm>> -> memref<8192xf32, #tpu.memory_space<hbm>>
      tpu.enqueue_dma source(%dma_start3A_481 : memref<8192xf32, #tpu.memory_space<hbm>>) target(%arg12 : memref<8192xf32, #tpu.memory_space<vmem>>) target_semaphore(%run_scoped3A : memref<!tpu.dma_semaphore, #tpu.memory_space<semaphore_mem>>)
      %dma_wait3A = arith.constant 0 : i32
      %dma_wait3A_482 = tpu.memref_slice %arg4[%arg0, %dma_wait3A] : memref<2x8192xf32, #tpu.memory_space<hbm>> -> memref<1x8192xf32, #tpu.memory_space<hbm>>
      %dma_wait3A_483 = tpu.memref_squeeze %dma_wait3A_482 : memref<1x8192xf32, #tpu.memory_space<hbm>> -> memref<8192xf32, #tpu.memory_space<hbm>>
      %dma_wait3A_484 = arith.constant 0 : i32
      %dma_wait3A_485 = tpu.memref_slice %arg4[%arg0, %dma_wait3A_484] : memref<2x8192xf32, #tpu.memory_space<hbm>> -> memref<1x8192xf32, #tpu.memory_space<hbm>>
      %dma_wait3A_486 = tpu.memref_squeeze %dma_wait3A_485 : memref<1x8192xf32, #tpu.memory_space<hbm>> -> memref<8192xf32, #tpu.memory_space<hbm>>
      tpu.wait_dma2 semaphore(%run_scoped3A : memref<!tpu.dma_semaphore, #tpu.memory_space<semaphore_mem>>) src(%dma_wait3A_486 : memref<8192xf32, #tpu.memory_space<hbm>>) dst(%arg12 : memref<8192xf32, #tpu.memory_space<vmem>>)
      tpu.yield
    }) : () -> ()
    "tpu.region"() ({
      %run_scoped3A = tpu.sem_alloc : memref<!tpu.dma_semaphore, #tpu.memory_space<semaphore_mem>>
      %dma_start3A_476 = arith.constant 0 : i32
      %dma_start3A_477 = tpu.memref_slice %arg5[%arg0, %dma_start3A_476] : memref<2x512xf32, #tpu.memory_space<hbm>> -> memref<1x512xf32, #tpu.memory_space<hbm>>
      %dma_start3A_478 = tpu.memref_squeeze %dma_start3A_477 : memref<1x512xf32, #tpu.memory_space<hbm>> -> memref<512xf32, #tpu.memory_space<hbm>>
      %dma_start3A_479 = arith.constant 0 : i32
      %dma_start3A_480 = tpu.memref_slice %arg5[%arg0, %dma_start3A_479] : memref<2x512xf32, #tpu.memory_space<hbm>> -> memref<1x512xf32, #tpu.memory_space<hbm>>
      %dma_start3A_481 = tpu.memref_squeeze %dma_start3A_480 : memref<1x512xf32, #tpu.memory_space<hbm>> -> memref<512xf32, #tpu.memory_space<hbm>>
      tpu.enqueue_dma source(%dma_start3A_481 : memref<512xf32, #tpu.memory_space<hbm>>) target(%arg13 : memref<512xf32, #tpu.memory_space<vmem>>) target_semaphore(%run_scoped3A : memref<!tpu.dma_semaphore, #tpu.memory_space<semaphore_mem>>)
      %dma_wait3A = arith.constant 0 : i32
      %dma_wait3A_482 = tpu.memref_slice %arg5[%arg0, %dma_wait3A] : memref<2x512xf32, #tpu.memory_space<hbm>> -> memref<1x512xf32, #tpu.memory_space<hbm>>
      %dma_wait3A_483 = tpu.memref_squeeze %dma_wait3A_482 : memref<1x512xf32, #tpu.memory_space<hbm>> -> memref<512xf32, #tpu.memory_space<hbm>>
      %dma_wait3A_484 = arith.constant 0 : i32
      %dma_wait3A_485 = tpu.memref_slice %arg5[%arg0, %dma_wait3A_484] : memref<2x512xf32, #tpu.memory_space<hbm>> -> memref<1x512xf32, #tpu.memory_space<hbm>>
      %dma_wait3A_486 = tpu.memref_squeeze %dma_wait3A_485 : memref<1x512xf32, #tpu.memory_space<hbm>> -> memref<512xf32, #tpu.memory_space<hbm>>
      tpu.wait_dma2 semaphore(%run_scoped3A : memref<!tpu.dma_semaphore, #tpu.memory_space<semaphore_mem>>) src(%dma_wait3A_486 : memref<512xf32, #tpu.memory_space<hbm>>) dst(%arg13 : memref<512xf32, #tpu.memory_space<vmem>>)
      tpu.yield
    }) : () -> ()
    "tpu.region"() ({
      %run_scoped3A = tpu.sem_alloc : memref<!tpu.dma_semaphore, #tpu.memory_space<semaphore_mem>>
      %dma_start3A_476 = arith.constant 0 : i32
      %dma_start3A_477 = tpu.memref_slice %arg6[%arg0, %dma_start3A_476] : memref<2x512xf32, #tpu.memory_space<hbm>> -> memref<1x512xf32, #tpu.memory_space<hbm>>
      %dma_start3A_478 = tpu.memref_squeeze %dma_start3A_477 : memref<1x512xf32, #tpu.memory_space<hbm>> -> memref<512xf32, #tpu.memory_space<hbm>>
      %dma_start3A_479 = arith.constant 0 : i32
      %dma_start3A_480 = tpu.memref_slice %arg6[%arg0, %dma_start3A_479] : memref<2x512xf32, #tpu.memory_space<hbm>> -> memref<1x512xf32, #tpu.memory_space<hbm>>
      %dma_start3A_481 = tpu.memref_squeeze %dma_start3A_480 : memref<1x512xf32, #tpu.memory_space<hbm>> -> memref<512xf32, #tpu.memory_space<hbm>>
      tpu.enqueue_dma source(%dma_start3A_481 : memref<512xf32, #tpu.memory_space<hbm>>) target(%arg14 : memref<512xf32, #tpu.memory_space<vmem>>) target_semaphore(%run_scoped3A : memref<!tpu.dma_semaphore, #tpu.memory_space<semaphore_mem>>)
      %dma_wait3A = arith.constant 0 : i32
      %dma_wait3A_482 = tpu.memref_slice %arg6[%arg0, %dma_wait3A] : memref<2x512xf32, #tpu.memory_space<hbm>> -> memref<1x512xf32, #tpu.memory_space<hbm>>
      %dma_wait3A_483 = tpu.memref_squeeze %dma_wait3A_482 : memref<1x512xf32, #tpu.memory_space<hbm>> -> memref<512xf32, #tpu.memory_space<hbm>>
      %dma_wait3A_484 = arith.constant 0 : i32
      %dma_wait3A_485 = tpu.memref_slice %arg6[%arg0, %dma_wait3A_484] : memref<2x512xf32, #tpu.memory_space<hbm>> -> memref<1x512xf32, #tpu.memory_space<hbm>>
      %dma_wait3A_486 = tpu.memref_squeeze %dma_wait3A_485 : memref<1x512xf32, #tpu.memory_space<hbm>> -> memref<512xf32, #tpu.memory_space<hbm>>
      tpu.wait_dma2 semaphore(%run_scoped3A : memref<!tpu.dma_semaphore, #tpu.memory_space<semaphore_mem>>) src(%dma_wait3A_486 : memref<512xf32, #tpu.memory_space<hbm>>) dst(%arg14 : memref<512xf32, #tpu.memory_space<vmem>>)
      tpu.yield
    }) : () -> ()
    "tpu.region"() ({
      %run_scoped3A = tpu.sem_alloc : memref<!tpu.dma_semaphore, #tpu.memory_space<semaphore_mem>>
      tpu.enqueue_dma source(%arg7 : memref<16xi32, #tpu.memory_space<hbm>>) target(%arg19 : memref<16xi32, #tpu.memory_space<vmem>>) target_semaphore(%run_scoped3A : memref<!tpu.dma_semaphore, #tpu.memory_space<semaphore_mem>>)
      tpu.wait_dma2 semaphore(%run_scoped3A : memref<!tpu.dma_semaphore, #tpu.memory_space<semaphore_mem>>) src(%arg7 : memref<16xi32, #tpu.memory_space<hbm>>) dst(%arg19 : memref<16xi32, #tpu.memory_space<vmem>>)
      tpu.yield
    }) : () -> ()
    %broadcast_in_dim3A = arith.constant 0.000000e+00 : f32
    %broadcast_in_dim3A_1 = vector.broadcast %broadcast_in_dim3A : f32 to vector<16xf32>
    %iota3A = tpu.iota {dimensions = array<i32: 0>} : vector<16xi32>
    %eq3A = arith.constant 0 : i32
    %eq3A_2 = vector.broadcast %eq3A : i32 to vector<16xi32>
    %eq3A_3 = arith.cmpi eq, %iota3A, %eq3A_2 : vector<16xi32>
    %swap3A = arith.constant 0 : index
    %swap3A_4 = tpu.vector_load %arg15[%swap3A] {strides = array<i32>} : memref<512xf32, #tpu.memory_space<vmem>>, vector<16xf32>,
    tpu.vector_store %arg15[%swap3A], %broadcast_in_dim3A_1 {strides = array<i32>} : memref<512xf32, #tpu.memory_space<vmem>>, vector<16xf32>,
    %swap3A_5 = arith.constant 0 : index
    %swap3A_6 = tpu.vector_load %arg16[%swap3A_5] {strides = array<i32>} : memref<512xf32, #tpu.memory_space<vmem>>, vector<16xf32>,
    tpu.vector_store %arg16[%swap3A_5], %broadcast_in_dim3A_1 {strides = array<i32>} : memref<512xf32, #tpu.memory_space<vmem>>, vector<16xf32>,
    %swap3A_7 = arith.constant 16 : index
    %swap3A_8 = tpu.vector_load %arg15[%swap3A_7] {strides = array<i32>} : memref<512xf32, #tpu.memory_space<vmem>>, vector<16xf32>,
    tpu.vector_store %arg15[%swap3A_7], %broadcast_in_dim3A_1 {strides = array<i32>} : memref<512xf32, #tpu.memory_space<vmem>>, vector<16xf32>,
    %swap3A_9 = arith.constant 16 : index
    %swap3A_10 = tpu.vector_load %arg16[%swap3A_9] {strides = array<i32>} : memref<512xf32, #tpu.memory_space<vmem>>, vector<16xf32>,
    tpu.vector_store %arg16[%swap3A_9], %broadcast_in_dim3A_1 {strides = array<i32>} : memref<512xf32, #tpu.memory_space<vmem>>, vector<16xf32>,
    %swap3A_11 = arith.constant 32 : index
    %swap3A_12 = tpu.vector_load %arg15[%swap3A_11] {strides = array<i32>} : memref<512xf32, #tpu.memory_space<vmem>>, vector<16xf32>,
    tpu.vector_store %arg15[%swap3A_11], %broadcast_in_dim3A_1 {strides = array<i32>} : memref<512xf32, #tpu.memory_space<vmem>>, vector<16xf32>,
    %swap3A_13 = arith.constant 32 : index
    %swap3A_14 = tpu.vector_load %arg16[%swap3A_13] {strides = array<i32>} : memref<512xf32, #tpu.memory_space<vmem>>, vector<16xf32>,
    tpu.vector_store %arg16[%swap3A_13], %broadcast_in_dim3A_1 {strides = array<i32>} : memref<512xf32, #tpu.memory_space<vmem>>, vector<16xf32>,
    %swap3A_15 = arith.constant 48 : index
    %swap3A_16 = tpu.vector_load %arg15[%swap3A_15] {strides = array<i32>} : memref<512xf32, #tpu.memory_space<vmem>>, vector<16xf32>,
    tpu.vector_store %arg15[%swap3A_15], %broadcast_in_dim3A_1 {strides = array<i32>} : memref<512xf32, #tpu.memory_space<vmem>>, vector<16xf32>,
    %swap3A_17 = arith.constant 48 : index
    %swap3A_18 = tpu.vector_load %arg16[%swap3A_17] {strides = array<i32>} : memref<512xf32, #tpu.memory_space<vmem>>, vector<16xf32>,
    tpu.vector_store %arg16[%swap3A_17], %broadcast_in_dim3A_1 {strides = array<i32>} : memref<512xf32, #tpu.memory_space<vmem>>, vector<16xf32>,
    %swap3A_19 = arith.constant 64 : index
    %swap3A_20 = tpu.vector_load %arg15[%swap3A_19] {strides = array<i32>} : memref<512xf32, #tpu.memory_space<vmem>>, vector<16xf32>,
    tpu.vector_store %arg15[%swap3A_19], %broadcast_in_dim3A_1 {strides = array<i32>} : memref<512xf32, #tpu.memory_space<vmem>>, vector<16xf32>,
    %swap3A_21 = arith.constant 64 : index
    %swap3A_22 = tpu.vector_load %arg16[%swap3A_21] {strides = array<i32>} : memref<512xf32, #tpu.memory_space<vmem>>, vector<16xf32>,
    tpu.vector_store %arg16[%swap3A_21], %broadcast_in_dim3A_1 {strides = array<i32>} : memref<512xf32, #tpu.memory_space<vmem>>, vector<16xf32>,
    %swap3A_23 = arith.constant 80 : index
    %swap3A_24 = tpu.vector_load %arg15[%swap3A_23] {strides = array<i32>} : memref<512xf32, #tpu.memory_space<vmem>>, vector<16xf32>,
    tpu.vector_store %arg15[%swap3A_23], %broadcast_in_dim3A_1 {strides = array<i32>} : memref<512xf32, #tpu.memory_space<vmem>>, vector<16xf32>,
    %swap3A_25 = arith.constant 80 : index
    %swap3A_26 = tpu.vector_load %arg16[%swap3A_25] {strides = array<i32>} : memref<512xf32, #tpu.memory_space<vmem>>, vector<16xf32>,
    tpu.vector_store %arg16[%swap3A_25], %broadcast_in_dim3A_1 {strides = array<i32>} : memref<512xf32, #tpu.memory_space<vmem>>, vector<16xf32>,
    %swap3A_27 = arith.constant 96 : index
    %swap3A_28 = tpu.vector_load %arg15[%swap3A_27] {strides = array<i32>} : memref<512xf32, #tpu.memory_space<vmem>>, vector<16xf32>,
    tpu.vector_store %arg15[%swap3A_27], %broadcast_in_dim3A_1 {strides = array<i32>} : memref<512xf32, #tpu.memory_space<vmem>>, vector<16xf32>,
    %swap3A_29 = arith.constant 96 : index
    %swap3A_30 = tpu.vector_load %arg16[%swap3A_29] {strides = array<i32>} : memref<512xf32, #tpu.memory_space<vmem>>, vector<16xf32>,
    tpu.vector_store %arg16[%swap3A_29], %broadcast_in_dim3A_1 {strides = array<i32>} : memref<512xf32, #tpu.memory_space<vmem>>, vector<16xf32>,
    %swap3A_31 = arith.constant 112 : index
    %swap3A_32 = tpu.vector_load %arg15[%swap3A_31] {strides = array<i32>} : memref<512xf32, #tpu.memory_space<vmem>>, vector<16xf32>,
    tpu.vector_store %arg15[%swap3A_31], %broadcast_in_dim3A_1 {strides = array<i32>} : memref<512xf32, #tpu.memory_space<vmem>>, vector<16xf32>,
    %swap3A_33 = arith.constant 112 : index
    %swap3A_34 = tpu.vector_load %arg16[%swap3A_33] {strides = array<i32>} : memref<512xf32, #tpu.memory_space<vmem>>, vector<16xf32>,
    tpu.vector_store %arg16[%swap3A_33], %broadcast_in_dim3A_1 {strides = array<i32>} : memref<512xf32, #tpu.memory_space<vmem>>, vector<16xf32>,
    %swap3A_35 = arith.constant 128 : index
    %swap3A_36 = tpu.vector_load %arg15[%swap3A_35] {strides = array<i32>} : memref<512xf32, #tpu.memory_space<vmem>>, vector<16xf32>,
    tpu.vector_store %arg15[%swap3A_35], %broadcast_in_dim3A_1 {strides = array<i32>} : memref<512xf32, #tpu.memory_space<vmem>>, vector<16xf32>,
    %swap3A_37 = arith.constant 128 : index
    %swap3A_38 = tpu.vector_load %arg16[%swap3A_37] {strides = array<i32>} : memref<512xf32, #tpu.memory_space<vmem>>, vector<16xf32>,
    tpu.vector_store %arg16[%swap3A_37], %broadcast_in_dim3A_1 {strides = array<i32>} : memref<512xf32, #tpu.memory_space<vmem>>, vector<16xf32>,
    %swap3A_39 = arith.constant 144 : index
    %swap3A_40 = tpu.vector_load %arg15[%swap3A_39] {strides = array<i32>} : memref<512xf32, #tpu.memory_space<vmem>>, vector<16xf32>,
    tpu.vector_store %arg15[%swap3A_39], %broadcast_in_dim3A_1 {strides = array<i32>} : memref<512xf32, #tpu.memory_space<vmem>>, vector<16xf32>,
    %swap3A_41 = arith.constant 144 : index
    %swap3A_42 = tpu.vector_load %arg16[%swap3A_41] {strides = array<i32>} : memref<512xf32, #tpu.memory_space<vmem>>, vector<16xf32>,
    tpu.vector_store %arg16[%swap3A_41], %broadcast_in_dim3A_1 {strides = array<i32>} : memref<512xf32, #tpu.memory_space<vmem>>, vector<16xf32>,
    %swap3A_43 = arith.constant 160 : index
    %swap3A_44 = tpu.vector_load %arg15[%swap3A_43] {strides = array<i32>} : memref<512xf32, #tpu.memory_space<vmem>>, vector<16xf32>,
    tpu.vector_store %arg15[%swap3A_43], %broadcast_in_dim3A_1 {strides = array<i32>} : memref<512xf32, #tpu.memory_space<vmem>>, vector<16xf32>,
    %swap3A_45 = arith.constant 160 : index
    %swap3A_46 = tpu.vector_load %arg16[%swap3A_45] {strides = array<i32>} : memref<512xf32, #tpu.memory_space<vmem>>, vector<16xf32>,
    tpu.vector_store %arg16[%swap3A_45], %broadcast_in_dim3A_1 {strides = array<i32>} : memref<512xf32, #tpu.memory_space<vmem>>, vector<16xf32>,
    %swap3A_47 = arith.constant 176 : index
    %swap3A_48 = tpu.vector_load %arg15[%swap3A_47] {strides = array<i32>} : memref<512xf32, #tpu.memory_space<vmem>>, vector<16xf32>,
    tpu.vector_store %arg15[%swap3A_47], %broadcast_in_dim3A_1 {strides = array<i32>} : memref<512xf32, #tpu.memory_space<vmem>>, vector<16xf32>,
    %swap3A_49 = arith.constant 176 : index
    %swap3A_50 = tpu.vector_load %arg16[%swap3A_49] {strides = array<i32>} : memref<512xf32, #tpu.memory_space<vmem>>, vector<16xf32>,
    tpu.vector_store %arg16[%swap3A_49], %broadcast_in_dim3A_1 {strides = array<i32>} : memref<512xf32, #tpu.memory_space<vmem>>, vector<16xf32>,
    %swap3A_51 = arith.constant 192 : index
    %swap3A_52 = tpu.vector_load %arg15[%swap3A_51] {strides = array<i32>} : memref<512xf32, #tpu.memory_space<vmem>>, vector<16xf32>,
    tpu.vector_store %arg15[%swap3A_51], %broadcast_in_dim3A_1 {strides = array<i32>} : memref<512xf32, #tpu.memory_space<vmem>>, vector<16xf32>,
    %swap3A_53 = arith.constant 192 : index
    %swap3A_54 = tpu.vector_load %arg16[%swap3A_53] {strides = array<i32>} : memref<512xf32, #tpu.memory_space<vmem>>, vector<16xf32>,
    tpu.vector_store %arg16[%swap3A_53], %broadcast_in_dim3A_1 {strides = array<i32>} : memref<512xf32, #tpu.memory_space<vmem>>, vector<16xf32>,
    %swap3A_55 = arith.constant 208 : index
    %swap3A_56 = tpu.vector_load %arg15[%swap3A_55] {strides = array<i32>} : memref<512xf32, #tpu.memory_space<vmem>>, vector<16xf32>,
    tpu.vector_store %arg15[%swap3A_55], %broadcast_in_dim3A_1 {strides = array<i32>} : memref<512xf32, #tpu.memory_space<vmem>>, vector<16xf32>,
    %swap3A_57 = arith.constant 208 : index
    %swap3A_58 = tpu.vector_load %arg16[%swap3A_57] {strides = array<i32>} : memref<512xf32, #tpu.memory_space<vmem>>, vector<16xf32>,
    tpu.vector_store %arg16[%swap3A_57], %broadcast_in_dim3A_1 {strides = array<i32>} : memref<512xf32, #tpu.memory_space<vmem>>, vector<16xf32>,
    %swap3A_59 = arith.constant 224 : index
    %swap3A_60 = tpu.vector_load %arg15[%swap3A_59] {strides = array<i32>} : memref<512xf32, #tpu.memory_space<vmem>>, vector<16xf32>,
    tpu.vector_store %arg15[%swap3A_59], %broadcast_in_dim3A_1 {strides = array<i32>} : memref<512xf32, #tpu.memory_space<vmem>>, vector<16xf32>,
    %swap3A_61 = arith.constant 224 : index
    %swap3A_62 = tpu.vector_load %arg16[%swap3A_61] {strides = array<i32>} : memref<512xf32, #tpu.memory_space<vmem>>, vector<16xf32>,
    tpu.vector_store %arg16[%swap3A_61], %broadcast_in_dim3A_1 {strides = array<i32>} : memref<512xf32, #tpu.memory_space<vmem>>, vector<16xf32>,
    %swap3A_63 = arith.constant 240 : index
    %swap3A_64 = tpu.vector_load %arg15[%swap3A_63] {strides = array<i32>} : memref<512xf32, #tpu.memory_space<vmem>>, vector<16xf32>,
    tpu.vector_store %arg15[%swap3A_63], %broadcast_in_dim3A_1 {strides = array<i32>} : memref<512xf32, #tpu.memory_space<vmem>>, vector<16xf32>,
    %swap3A_65 = arith.constant 240 : index
    %swap3A_66 = tpu.vector_load %arg16[%swap3A_65] {strides = array<i32>} : memref<512xf32, #tpu.memory_space<vmem>>, vector<16xf32>,
    tpu.vector_store %arg16[%swap3A_65], %broadcast_in_dim3A_1 {strides = array<i32>} : memref<512xf32, #tpu.memory_space<vmem>>, vector<16xf32>,
    %swap3A_67 = arith.constant 256 : index
    %swap3A_68 = tpu.vector_load %arg15[%swap3A_67] {strides = array<i32>} : memref<512xf32, #tpu.memory_space<vmem>>, vector<16xf32>,
    tpu.vector_store %arg15[%swap3A_67], %broadcast_in_dim3A_1 {strides = array<i32>} : memref<512xf32, #tpu.memory_space<vmem>>, vector<16xf32>,
    %swap3A_69 = arith.constant 256 : index
    %swap3A_70 = tpu.vector_load %arg16[%swap3A_69] {strides = array<i32>} : memref<512xf32, #tpu.memory_space<vmem>>, vector<16xf32>,
    tpu.vector_store %arg16[%swap3A_69], %broadcast_in_dim3A_1 {strides = array<i32>} : memref<512xf32, #tpu.memory_space<vmem>>, vector<16xf32>,
    %swap3A_71 = arith.constant 272 : index
    %swap3A_72 = tpu.vector_load %arg15[%swap3A_71] {strides = array<i32>} : memref<512xf32, #tpu.memory_space<vmem>>, vector<16xf32>,
    tpu.vector_store %arg15[%swap3A_71], %broadcast_in_dim3A_1 {strides = array<i32>} : memref<512xf32, #tpu.memory_space<vmem>>, vector<16xf32>,
    %swap3A_73 = arith.constant 272 : index
    %swap3A_74 = tpu.vector_load %arg16[%swap3A_73] {strides = array<i32>} : memref<512xf32, #tpu.memory_space<vmem>>, vector<16xf32>,
    tpu.vector_store %arg16[%swap3A_73], %broadcast_in_dim3A_1 {strides = array<i32>} : memref<512xf32, #tpu.memory_space<vmem>>, vector<16xf32>,
    %swap3A_75 = arith.constant 288 : index
    %swap3A_76 = tpu.vector_load %arg15[%swap3A_75] {strides = array<i32>} : memref<512xf32, #tpu.memory_space<vmem>>, vector<16xf32>,
    tpu.vector_store %arg15[%swap3A_75], %broadcast_in_dim3A_1 {strides = array<i32>} : memref<512xf32, #tpu.memory_space<vmem>>, vector<16xf32>,
    %swap3A_77 = arith.constant 288 : index
    %swap3A_78 = tpu.vector_load %arg16[%swap3A_77] {strides = array<i32>} : memref<512xf32, #tpu.memory_space<vmem>>, vector<16xf32>,
    tpu.vector_store %arg16[%swap3A_77], %broadcast_in_dim3A_1 {strides = array<i32>} : memref<512xf32, #tpu.memory_space<vmem>>, vector<16xf32>,
    %swap3A_79 = arith.constant 304 : index
    %swap3A_80 = tpu.vector_load %arg15[%swap3A_79] {strides = array<i32>} : memref<512xf32, #tpu.memory_space<vmem>>, vector<16xf32>,
    tpu.vector_store %arg15[%swap3A_79], %broadcast_in_dim3A_1 {strides = array<i32>} : memref<512xf32, #tpu.memory_space<vmem>>, vector<16xf32>,
    %swap3A_81 = arith.constant 304 : index
    %swap3A_82 = tpu.vector_load %arg16[%swap3A_81] {strides = array<i32>} : memref<512xf32, #tpu.memory_space<vmem>>, vector<16xf32>,
    tpu.vector_store %arg16[%swap3A_81], %broadcast_in_dim3A_1 {strides = array<i32>} : memref<512xf32, #tpu.memory_space<vmem>>, vector<16xf32>,
    %swap3A_83 = arith.constant 320 : index
    %swap3A_84 = tpu.vector_load %arg15[%swap3A_83] {strides = array<i32>} : memref<512xf32, #tpu.memory_space<vmem>>, vector<16xf32>,
    tpu.vector_store %arg15[%swap3A_83], %broadcast_in_dim3A_1 {strides = array<i32>} : memref<512xf32, #tpu.memory_space<vmem>>, vector<16xf32>,
    %swap3A_85 = arith.constant 320 : index
    %swap3A_86 = tpu.vector_load %arg16[%swap3A_85] {strides = array<i32>} : memref<512xf32, #tpu.memory_space<vmem>>, vector<16xf32>,
    tpu.vector_store %arg16[%swap3A_85], %broadcast_in_dim3A_1 {strides = array<i32>} : memref<512xf32, #tpu.memory_space<vmem>>, vector<16xf32>,
    %swap3A_87 = arith.constant 336 : index
    %swap3A_88 = tpu.vector_load %arg15[%swap3A_87] {strides = array<i32>} : memref<512xf32, #tpu.memory_space<vmem>>, vector<16xf32>,
    tpu.vector_store %arg15[%swap3A_87], %broadcast_in_dim3A_1 {strides = array<i32>} : memref<512xf32, #tpu.memory_space<vmem>>, vector<16xf32>,
    %swap3A_89 = arith.constant 336 : index
    %swap3A_90 = tpu.vector_load %arg16[%swap3A_89] {strides = array<i32>} : memref<512xf32, #tpu.memory_space<vmem>>, vector<16xf32>,
    tpu.vector_store %arg16[%swap3A_89], %broadcast_in_dim3A_1 {strides = array<i32>} : memref<512xf32, #tpu.memory_space<vmem>>, vector<16xf32>,
    %swap3A_91 = arith.constant 352 : index
    %swap3A_92 = tpu.vector_load %arg15[%swap3A_91] {strides = array<i32>} : memref<512xf32, #tpu.memory_space<vmem>>, vector<16xf32>,
    tpu.vector_store %arg15[%swap3A_91], %broadcast_in_dim3A_1 {strides = array<i32>} : memref<512xf32, #tpu.memory_space<vmem>>, vector<16xf32>,
    %swap3A_93 = arith.constant 352 : index
    %swap3A_94 = tpu.vector_load %arg16[%swap3A_93] {strides = array<i32>} : memref<512xf32, #tpu.memory_space<vmem>>, vector<16xf32>,
    tpu.vector_store %arg16[%swap3A_93], %broadcast_in_dim3A_1 {strides = array<i32>} : memref<512xf32, #tpu.memory_space<vmem>>, vector<16xf32>,
    %swap3A_95 = arith.constant 368 : index
    %swap3A_96 = tpu.vector_load %arg15[%swap3A_95] {strides = array<i32>} : memref<512xf32, #tpu.memory_space<vmem>>, vector<16xf32>,
    tpu.vector_store %arg15[%swap3A_95], %broadcast_in_dim3A_1 {strides = array<i32>} : memref<512xf32, #tpu.memory_space<vmem>>, vector<16xf32>,
    %swap3A_97 = arith.constant 368 : index
    %swap3A_98 = tpu.vector_load %arg16[%swap3A_97] {strides = array<i32>} : memref<512xf32, #tpu.memory_space<vmem>>, vector<16xf32>,
    tpu.vector_store %arg16[%swap3A_97], %broadcast_in_dim3A_1 {strides = array<i32>} : memref<512xf32, #tpu.memory_space<vmem>>, vector<16xf32>,
    %swap3A_99 = arith.constant 384 : index
    %swap3A_100 = tpu.vector_load %arg15[%swap3A_99] {strides = array<i32>} : memref<512xf32, #tpu.memory_space<vmem>>, vector<16xf32>,
    tpu.vector_store %arg15[%swap3A_99], %broadcast_in_dim3A_1 {strides = array<i32>} : memref<512xf32, #tpu.memory_space<vmem>>, vector<16xf32>,
    %swap3A_101 = arith.constant 384 : index
    %swap3A_102 = tpu.vector_load %arg16[%swap3A_101] {strides = array<i32>} : memref<512xf32, #tpu.memory_space<vmem>>, vector<16xf32>,
    tpu.vector_store %arg16[%swap3A_101], %broadcast_in_dim3A_1 {strides = array<i32>} : memref<512xf32, #tpu.memory_space<vmem>>, vector<16xf32>,
    %swap3A_103 = arith.constant 400 : index
    %swap3A_104 = tpu.vector_load %arg15[%swap3A_103] {strides = array<i32>} : memref<512xf32, #tpu.memory_space<vmem>>, vector<16xf32>,
    tpu.vector_store %arg15[%swap3A_103], %broadcast_in_dim3A_1 {strides = array<i32>} : memref<512xf32, #tpu.memory_space<vmem>>, vector<16xf32>,
    %swap3A_105 = arith.constant 400 : index
    %swap3A_106 = tpu.vector_load %arg16[%swap3A_105] {strides = array<i32>} : memref<512xf32, #tpu.memory_space<vmem>>, vector<16xf32>,
    tpu.vector_store %arg16[%swap3A_105], %broadcast_in_dim3A_1 {strides = array<i32>} : memref<512xf32, #tpu.memory_space<vmem>>, vector<16xf32>,
    %swap3A_107 = arith.constant 416 : index
    %swap3A_108 = tpu.vector_load %arg15[%swap3A_107] {strides = array<i32>} : memref<512xf32, #tpu.memory_space<vmem>>, vector<16xf32>,
    tpu.vector_store %arg15[%swap3A_107], %broadcast_in_dim3A_1 {strides = array<i32>} : memref<512xf32, #tpu.memory_space<vmem>>, vector<16xf32>,
    %swap3A_109 = arith.constant 416 : index
    %swap3A_110 = tpu.vector_load %arg16[%swap3A_109] {strides = array<i32>} : memref<512xf32, #tpu.memory_space<vmem>>, vector<16xf32>,
    tpu.vector_store %arg16[%swap3A_109], %broadcast_in_dim3A_1 {strides = array<i32>} : memref<512xf32, #tpu.memory_space<vmem>>, vector<16xf32>,
    %swap3A_111 = arith.constant 432 : index
    %swap3A_112 = tpu.vector_load %arg15[%swap3A_111] {strides = array<i32>} : memref<512xf32, #tpu.memory_space<vmem>>, vector<16xf32>,
    tpu.vector_store %arg15[%swap3A_111], %broadcast_in_dim3A_1 {strides = array<i32>} : memref<512xf32, #tpu.memory_space<vmem>>, vector<16xf32>,
    %swap3A_113 = arith.constant 432 : index
    %swap3A_114 = tpu.vector_load %arg16[%swap3A_113] {strides = array<i32>} : memref<512xf32, #tpu.memory_space<vmem>>, vector<16xf32>,
    tpu.vector_store %arg16[%swap3A_113], %broadcast_in_dim3A_1 {strides = array<i32>} : memref<512xf32, #tpu.memory_space<vmem>>, vector<16xf32>,
    %swap3A_115 = arith.constant 448 : index
    %swap3A_116 = tpu.vector_load %arg15[%swap3A_115] {strides = array<i32>} : memref<512xf32, #tpu.memory_space<vmem>>, vector<16xf32>,
    tpu.vector_store %arg15[%swap3A_115], %broadcast_in_dim3A_1 {strides = array<i32>} : memref<512xf32, #tpu.memory_space<vmem>>, vector<16xf32>,
    %swap3A_117 = arith.constant 448 : index
    %swap3A_118 = tpu.vector_load %arg16[%swap3A_117] {strides = array<i32>} : memref<512xf32, #tpu.memory_space<vmem>>, vector<16xf32>,
    tpu.vector_store %arg16[%swap3A_117], %broadcast_in_dim3A_1 {strides = array<i32>} : memref<512xf32, #tpu.memory_space<vmem>>, vector<16xf32>,
    %swap3A_119 = arith.constant 464 : index
    %swap3A_120 = tpu.vector_load %arg15[%swap3A_119] {strides = array<i32>} : memref<512xf32, #tpu.memory_space<vmem>>, vector<16xf32>,
    tpu.vector_store %arg15[%swap3A_119], %broadcast_in_dim3A_1 {strides = array<i32>} : memref<512xf32, #tpu.memory_space<vmem>>, vector<16xf32>,
    %swap3A_121 = arith.constant 464 : index
    %swap3A_122 = tpu.vector_load %arg16[%swap3A_121] {strides = array<i32>} : memref<512xf32, #tpu.memory_space<vmem>>, vector<16xf32>,
    tpu.vector_store %arg16[%swap3A_121], %broadcast_in_dim3A_1 {strides = array<i32>} : memref<512xf32, #tpu.memory_space<vmem>>, vector<16xf32>,
    %swap3A_123 = arith.constant 480 : index
    %swap3A_124 = tpu.vector_load %arg15[%swap3A_123] {strides = array<i32>} : memref<512xf32, #tpu.memory_space<vmem>>, vector<16xf32>,
    tpu.vector_store %arg15[%swap3A_123], %broadcast_in_dim3A_1 {strides = array<i32>} : memref<512xf32, #tpu.memory_space<vmem>>, vector<16xf32>,
    %swap3A_125 = arith.constant 480 : index
    %swap3A_126 = tpu.vector_load %arg16[%swap3A_125] {strides = array<i32>} : memref<512xf32, #tpu.memory_space<vmem>>, vector<16xf32>,
    tpu.vector_store %arg16[%swap3A_125], %broadcast_in_dim3A_1 {strides = array<i32>} : memref<512xf32, #tpu.memory_space<vmem>>, vector<16xf32>,
    %swap3A_127 = arith.constant 496 : index
    %swap3A_128 = tpu.vector_load %arg15[%swap3A_127] {strides = array<i32>} : memref<512xf32, #tpu.memory_space<vmem>>, vector<16xf32>,
    tpu.vector_store %arg15[%swap3A_127], %broadcast_in_dim3A_1 {strides = array<i32>} : memref<512xf32, #tpu.memory_space<vmem>>, vector<16xf32>,
    %swap3A_129 = arith.constant 496 : index
    %swap3A_130 = tpu.vector_load %arg16[%swap3A_129] {strides = array<i32>} : memref<512xf32, #tpu.memory_space<vmem>>, vector<16xf32>,
    tpu.vector_store %arg16[%swap3A_129], %broadcast_in_dim3A_1 {strides = array<i32>} : memref<512xf32, #tpu.memory_space<vmem>>, vector<16xf32>,
    %jit3A = arith.constant 1.000000e+00 : f32
    %jit3A_131 = arith.constant 0.000000e+00 : f32
    %broadcast_in_dim3A_132 = vector.broadcast %jit3A : f32 to vector<16xf32>
    %broadcast_in_dim3A_133 = vector.broadcast %jit3A_131 : f32 to vector<16xf32>
    %select_n3A = arith.select %eq3A_3, %broadcast_in_dim3A_132, %broadcast_in_dim3A_133 : vector<16xi1>, vector<16xf32>
    %swap3A_134 = arith.constant 0 : index
    %swap3A_135 = tpu.vector_load %arg15[%swap3A_134] {strides = array<i32>} : memref<512xf32, #tpu.memory_space<vmem>>, vector<16xf32>,
    tpu.vector_store %arg15[%swap3A_134], %select_n3A {strides = array<i32>} : memref<512xf32, #tpu.memory_space<vmem>>, vector<16xf32>,
    %get3A = arith.constant 0 : index
    %get3A_136 = tpu.vector_load %arg13[%get3A] {strides = array<i32>} : memref<512xf32, #tpu.memory_space<vmem>>, vector<16xf32>,
    %add3A_137 = arith.addf %broadcast_in_dim3A_1, %get3A_136 : vector<16xf32>
    %get3A_138 = arith.constant 16 : index
    %get3A_139 = tpu.vector_load %arg13[%get3A_138] {strides = array<i32>} : memref<512xf32, #tpu.memory_space<vmem>>, vector<16xf32>,
    %add3A_140 = arith.addf %add3A_137, %get3A_139 : vector<16xf32>
    %get3A_141 = arith.constant 32 : index
    %get3A_142 = tpu.vector_load %arg13[%get3A_141] {strides = array<i32>} : memref<512xf32, #tpu.memory_space<vmem>>, vector<16xf32>,
    %add3A_143 = arith.addf %add3A_140, %get3A_142 : vector<16xf32>
    %get3A_144 = arith.constant 48 : index
    %get3A_145 = tpu.vector_load %arg13[%get3A_144] {strides = array<i32>} : memref<512xf32, #tpu.memory_space<vmem>>, vector<16xf32>,
    %add3A_146 = arith.addf %add3A_143, %get3A_145 : vector<16xf32>
    %get3A_147 = arith.constant 64 : index
    %get3A_148 = tpu.vector_load %arg13[%get3A_147] {strides = array<i32>} : memref<512xf32, #tpu.memory_space<vmem>>, vector<16xf32>,
    %add3A_149 = arith.addf %add3A_146, %get3A_148 : vector<16xf32>
    %get3A_150 = arith.constant 80 : index
    %get3A_151 = tpu.vector_load %arg13[%get3A_150] {strides = array<i32>} : memref<512xf32, #tpu.memory_space<vmem>>, vector<16xf32>,
    %add3A_152 = arith.addf %add3A_149, %get3A_151 : vector<16xf32>
    %get3A_153 = arith.constant 96 : index
    %get3A_154 = tpu.vector_load %arg13[%get3A_153] {strides = array<i32>} : memref<512xf32, #tpu.memory_space<vmem>>, vector<16xf32>,
    %add3A_155 = arith.addf %add3A_152, %get3A_154 : vector<16xf32>
    %get3A_156 = arith.constant 112 : index
    %get3A_157 = tpu.vector_load %arg13[%get3A_156] {strides = array<i32>} : memref<512xf32, #tpu.memory_space<vmem>>, vector<16xf32>,
    %add3A_158 = arith.addf %add3A_155, %get3A_157 : vector<16xf32>
    %get3A_159 = arith.constant 128 : index
    %get3A_160 = tpu.vector_load %arg13[%get3A_159] {strides = array<i32>} : memref<512xf32, #tpu.memory_space<vmem>>, vector<16xf32>,
    %add3A_161 = arith.addf %add3A_158, %get3A_160 : vector<16xf32>
    %get3A_162 = arith.constant 144 : index
    %get3A_163 = tpu.vector_load %arg13[%get3A_162] {strides = array<i32>} : memref<512xf32, #tpu.memory_space<vmem>>, vector<16xf32>,
    %add3A_164 = arith.addf %add3A_161, %get3A_163 : vector<16xf32>
    %get3A_165 = arith.constant 160 : index
    %get3A_166 = tpu.vector_load %arg13[%get3A_165] {strides = array<i32>} : memref<512xf32, #tpu.memory_space<vmem>>, vector<16xf32>,
    %add3A_167 = arith.addf %add3A_164, %get3A_166 : vector<16xf32>
    %get3A_168 = arith.constant 176 : index
    %get3A_169 = tpu.vector_load %arg13[%get3A_168] {strides = array<i32>} : memref<512xf32, #tpu.memory_space<vmem>>, vector<16xf32>,
    %add3A_170 = arith.addf %add3A_167, %get3A_169 : vector<16xf32>
    %get3A_171 = arith.constant 192 : index
    %get3A_172 = tpu.vector_load %arg13[%get3A_171] {strides = array<i32>} : memref<512xf32, #tpu.memory_space<vmem>>, vector<16xf32>,
    %add3A_173 = arith.addf %add3A_170, %get3A_172 : vector<16xf32>
    %get3A_174 = arith.constant 208 : index
    %get3A_175 = tpu.vector_load %arg13[%get3A_174] {strides = array<i32>} : memref<512xf32, #tpu.memory_space<vmem>>, vector<16xf32>,
    %add3A_176 = arith.addf %add3A_173, %get3A_175 : vector<16xf32>
    %get3A_177 = arith.constant 224 : index
    %get3A_178 = tpu.vector_load %arg13[%get3A_177] {strides = array<i32>} : memref<512xf32, #tpu.memory_space<vmem>>, vector<16xf32>,
    %add3A_179 = arith.addf %add3A_176, %get3A_178 : vector<16xf32>
    %get3A_180 = arith.constant 240 : index
    %get3A_181 = tpu.vector_load %arg13[%get3A_180] {strides = array<i32>} : memref<512xf32, #tpu.memory_space<vmem>>, vector<16xf32>,
    %add3A_182 = arith.addf %add3A_179, %get3A_181 : vector<16xf32>
    %get3A_183 = arith.constant 256 : index
    %get3A_184 = tpu.vector_load %arg13[%get3A_183] {strides = array<i32>} : memref<512xf32, #tpu.memory_space<vmem>>, vector<16xf32>,
    %add3A_185 = arith.addf %add3A_182, %get3A_184 : vector<16xf32>
    %get3A_186 = arith.constant 272 : index
    %get3A_187 = tpu.vector_load %arg13[%get3A_186] {strides = array<i32>} : memref<512xf32, #tpu.memory_space<vmem>>, vector<16xf32>,
    %add3A_188 = arith.addf %add3A_185, %get3A_187 : vector<16xf32>
    %get3A_189 = arith.constant 288 : index
    %get3A_190 = tpu.vector_load %arg13[%get3A_189] {strides = array<i32>} : memref<512xf32, #tpu.memory_space<vmem>>, vector<16xf32>,
    %add3A_191 = arith.addf %add3A_188, %get3A_190 : vector<16xf32>
    %get3A_192 = arith.constant 304 : index
    %get3A_193 = tpu.vector_load %arg13[%get3A_192] {strides = array<i32>} : memref<512xf32, #tpu.memory_space<vmem>>, vector<16xf32>,
    %add3A_194 = arith.addf %add3A_191, %get3A_193 : vector<16xf32>
    %get3A_195 = arith.constant 320 : index
    %get3A_196 = tpu.vector_load %arg13[%get3A_195] {strides = array<i32>} : memref<512xf32, #tpu.memory_space<vmem>>, vector<16xf32>,
    %add3A_197 = arith.addf %add3A_194, %get3A_196 : vector<16xf32>
    %get3A_198 = arith.constant 336 : index
    %get3A_199 = tpu.vector_load %arg13[%get3A_198] {strides = array<i32>} : memref<512xf32, #tpu.memory_space<vmem>>, vector<16xf32>,
    %add3A_200 = arith.addf %add3A_197, %get3A_199 : vector<16xf32>
    %get3A_201 = arith.constant 352 : index
    %get3A_202 = tpu.vector_load %arg13[%get3A_201] {strides = array<i32>} : memref<512xf32, #tpu.memory_space<vmem>>, vector<16xf32>,
    %add3A_203 = arith.addf %add3A_200, %get3A_202 : vector<16xf32>
    %get3A_204 = arith.constant 368 : index
    %get3A_205 = tpu.vector_load %arg13[%get3A_204] {strides = array<i32>} : memref<512xf32, #tpu.memory_space<vmem>>, vector<16xf32>,
    %add3A_206 = arith.addf %add3A_203, %get3A_205 : vector<16xf32>
    %get3A_207 = arith.constant 384 : index
    %get3A_208 = tpu.vector_load %arg13[%get3A_207] {strides = array<i32>} : memref<512xf32, #tpu.memory_space<vmem>>, vector<16xf32>,
    %add3A_209 = arith.addf %add3A_206, %get3A_208 : vector<16xf32>
    %get3A_210 = arith.constant 400 : index
    %get3A_211 = tpu.vector_load %arg13[%get3A_210] {strides = array<i32>} : memref<512xf32, #tpu.memory_space<vmem>>, vector<16xf32>,
    %add3A_212 = arith.addf %add3A_209, %get3A_211 : vector<16xf32>
    %get3A_213 = arith.constant 416 : index
    %get3A_214 = tpu.vector_load %arg13[%get3A_213] {strides = array<i32>} : memref<512xf32, #tpu.memory_space<vmem>>, vector<16xf32>,
    %add3A_215 = arith.addf %add3A_212, %get3A_214 : vector<16xf32>
    %get3A_216 = arith.constant 432 : index
    %get3A_217 = tpu.vector_load %arg13[%get3A_216] {strides = array<i32>} : memref<512xf32, #tpu.memory_space<vmem>>, vector<16xf32>,
    %add3A_218 = arith.addf %add3A_215, %get3A_217 : vector<16xf32>
    %get3A_219 = arith.constant 448 : index
    %get3A_220 = tpu.vector_load %arg13[%get3A_219] {strides = array<i32>} : memref<512xf32, #tpu.memory_space<vmem>>, vector<16xf32>,
    %add3A_221 = arith.addf %add3A_218, %get3A_220 : vector<16xf32>
    %get3A_222 = arith.constant 464 : index
    %get3A_223 = tpu.vector_load %arg13[%get3A_222] {strides = array<i32>} : memref<512xf32, #tpu.memory_space<vmem>>, vector<16xf32>,
    %add3A_224 = arith.addf %add3A_221, %get3A_223 : vector<16xf32>
    %get3A_225 = arith.constant 480 : index
    %get3A_226 = tpu.vector_load %arg13[%get3A_225] {strides = array<i32>} : memref<512xf32, #tpu.memory_space<vmem>>, vector<16xf32>,
    %add3A_227 = arith.addf %add3A_224, %get3A_226 : vector<16xf32>
    %get3A_228 = arith.constant 496 : index
    %get3A_229 = tpu.vector_load %arg13[%get3A_228] {strides = array<i32>} : memref<512xf32, #tpu.memory_space<vmem>>, vector<16xf32>,
    %add3A_230 = arith.addf %add3A_227, %get3A_229 : vector<16xf32>
    %xor3A = arith.constant 8 : i32
    %xor3A_231 = vector.broadcast %xor3A : i32 to vector<16xi32>
    %xor3A_232 = arith.xori %iota3A, %xor3A_231 : vector<16xi32>
    %broadcast_in_dim3A_233 = vector.shape_cast %xor3A_232 : vector<16xi32> to vector<16x1xi32>
    %gather3A = vector.shape_cast %broadcast_in_dim3A_233 : vector<16x1xi32> to vector<16xi32>
    %gather3A_234 = tpu.dynamic_gather %add3A_230[%gather3A] in [0] : vector<16xf32>, vector<16xi32> -> vector<16xf32>
    %add3A_235 = arith.addf %add3A_230, %gather3A_234 : vector<16xf32>
    %xor3A_236 = arith.constant 4 : i32
    %xor3A_237 = vector.broadcast %xor3A_236 : i32 to vector<16xi32>
    %xor3A_238 = arith.xori %iota3A, %xor3A_237 : vector<16xi32>
    %broadcast_in_dim3A_239 = vector.shape_cast %xor3A_238 : vector<16xi32> to vector<16x1xi32>
    %gather3A_240 = vector.shape_cast %broadcast_in_dim3A_239 : vector<16x1xi32> to vector<16xi32>
    %gather3A_241 = tpu.dynamic_gather %add3A_235[%gather3A_240] in [0] : vector<16xf32>, vector<16xi32> -> vector<16xf32>
    %add3A_242 = arith.addf %add3A_235, %gather3A_241 : vector<16xf32>
    %xor3A_243 = arith.constant 2 : i32
    %xor3A_244 = vector.broadcast %xor3A_243 : i32 to vector<16xi32>
    %xor3A_245 = arith.xori %iota3A, %xor3A_244 : vector<16xi32>
    %broadcast_in_dim3A_246 = vector.shape_cast %xor3A_245 : vector<16xi32> to vector<16x1xi32>
    %gather3A_247 = vector.shape_cast %broadcast_in_dim3A_246 : vector<16x1xi32> to vector<16xi32>
    %gather3A_248 = tpu.dynamic_gather %add3A_242[%gather3A_247] in [0] : vector<16xf32>, vector<16xi32> -> vector<16xf32>
    %add3A_249 = arith.addf %add3A_242, %gather3A_248 : vector<16xf32>
    %xor3A_250 = arith.constant 1 : i32
    %xor3A_251 = vector.broadcast %xor3A_250 : i32 to vector<16xi32>
    %xor3A_252 = arith.xori %iota3A, %xor3A_251 : vector<16xi32>
    %broadcast_in_dim3A_253 = vector.shape_cast %xor3A_252 : vector<16xi32> to vector<16x1xi32>
    %gather3A_254 = vector.shape_cast %broadcast_in_dim3A_253 : vector<16x1xi32> to vector<16xi32>
    %gather3A_255 = tpu.dynamic_gather %add3A_249[%gather3A_254] in [0] : vector<16xf32>, vector<16xi32> -> vector<16xf32>
    %add3A_256 = arith.addf %add3A_249, %gather3A_255 : vector<16xf32>
    %eq3A_257 = arith.constant 0 : i32
    %eq3A_258 = arith.cmpi eq, %arg0, %eq3A_257 : i32
    %jit3A_259 = arith.constant 9.99999974E-6 : f32
    %jit3A_260 = arith.constant 9.99999968E-21 : f32
    %select_n3A_261 = arith.select %eq3A_258, %jit3A_259, %jit3A_260 : f32
    %get3A_262 = arith.constant 0 : index
    %get3A_263 = tpu.vector_load %arg19[%get3A_262] {strides = array<i32>} : memref<16xi32, #tpu.memory_space<vmem>>, vector<16xi32>,
    %broadcast_in_dim3A_264 = vector.broadcast %arg1 : i32 to vector<16x1xi32>
    %gather3A_265 = vector.shape_cast %broadcast_in_dim3A_264 : vector<16x1xi32> to vector<16xi32>
    %gather3A_266 = tpu.dynamic_gather %get3A_263[%gather3A_265] in [0] : vector<16xi32>, vector<16xi32> -> vector<16xi32>
    %dma_start3A = arith.constant 0 : i32
    %dma_start3A_267 = tpu.memref_slice %arg10[%dma_start3A] : memref<16384xf32, #tpu.memory_space<vmem>> -> memref<8192xf32, #tpu.memory_space<vmem>>
    %dma_start3A_268 = arith.constant 0 : i32
    %dma_start3A_269 = tpu.memref_slice %arg2[%arg1, %dma_start3A_268] : memref<16x262144xf32, #tpu.memory_space<hbm>> -> memref<1x8192xf32, #tpu.memory_space<hbm>>
    %dma_start3A_270 = tpu.memref_squeeze %dma_start3A_269 : memref<1x8192xf32, #tpu.memory_space<hbm>> -> memref<8192xf32, #tpu.memory_space<hbm>>
    %dma_start3A_271 = arith.constant 0 : i32
    %dma_start3A_272 = tpu.memref_slice %arg10[%dma_start3A_271] : memref<16384xf32, #tpu.memory_space<vmem>> -> memref<8192xf32, #tpu.memory_space<vmem>>
    %dma_start3A_273 = arith.constant 0 : i32
    %dma_start3A_274 = tpu.memref_slice %arg2[%arg1, %dma_start3A_273] : memref<16x262144xf32, #tpu.memory_space<hbm>> -> memref<1x8192xf32, #tpu.memory_space<hbm>>
    %dma_start3A_275 = tpu.memref_squeeze %dma_start3A_274 : memref<1x8192xf32, #tpu.memory_space<hbm>> -> memref<8192xf32, #tpu.memory_space<hbm>>
    tpu.enqueue_dma source(%dma_start3A_275 : memref<8192xf32, #tpu.memory_space<hbm>>) target(%dma_start3A_272 : memref<8192xf32, #tpu.memory_space<vmem>>) target_semaphore(%arg20 : memref<!tpu.dma_semaphore, #tpu.memory_space<semaphore_mem>>)
    %scan3A = arith.constant 0 : i32
    %scan3A_276 = arith.constant 0 : i32
    %scan3A_277 = arith.constant 16 : i32
    %scan3A_278 = arith.addi %scan3A_276, %scan3A_277 : i32
    %scan3A_279 = arith.constant 1 : i32
    %scan3A_280 = scf.for %scan3A_476 = %scan3A_276 to %scan3A_278 step %scan3A_279 iter_args(%scan3A_477 = %scan3A) -> (i32)  : i32 {
      %dma_wait3A = arith.constant 0 : i32
      %dma_wait3A_478 = tpu.memref_slice %arg10[%dma_wait3A] : memref<16384xf32, #tpu.memory_space<vmem>> -> memref<8192xf32, #tpu.memory_space<vmem>>
      %dma_wait3A_479 = arith.constant 0 : i32
      %dma_wait3A_480 = tpu.memref_slice %arg2[%arg1, %dma_wait3A_479] : memref<16x262144xf32, #tpu.memory_space<hbm>> -> memref<1x8192xf32, #tpu.memory_space<hbm>>
      %dma_wait3A_481 = tpu.memref_squeeze %dma_wait3A_480 : memref<1x8192xf32, #tpu.memory_space<hbm>> -> memref<8192xf32, #tpu.memory_space<hbm>>
      %dma_wait3A_482 = arith.constant 0 : i32
      %dma_wait3A_483 = tpu.memref_slice %arg10[%dma_wait3A_482] : memref<16384xf32, #tpu.memory_space<vmem>> -> memref<8192xf32, #tpu.memory_space<vmem>>
      %dma_wait3A_484 = arith.constant 0 : i32
      %dma_wait3A_485 = tpu.memref_slice %arg2[%arg1, %dma_wait3A_484] : memref<16x262144xf32, #tpu.memory_space<hbm>> -> memref<1x8192xf32, #tpu.memory_space<hbm>>
      %dma_wait3A_486 = tpu.memref_squeeze %dma_wait3A_485 : memref<1x8192xf32, #tpu.memory_space<hbm>> -> memref<8192xf32, #tpu.memory_space<hbm>>
      tpu.wait_dma2 semaphore(%arg20 : memref<!tpu.dma_semaphore, #tpu.memory_space<semaphore_mem>>) src(%dma_wait3A_486 : memref<8192xf32, #tpu.memory_space<hbm>>) dst(%dma_wait3A_483 : memref<8192xf32, #tpu.memory_space<vmem>>)
      %mul3A_487 = arith.constant 2 : i32
      %mul3A_488 = arith.muli %mul3A_487, %scan3A_476 : i32
      %add3A_489 = arith.constant 1 : i32
      %add3A_490 = arith.addi %mul3A_488, %add3A_489 : i32
      %mul3A_491 = arith.constant 8192 : i32
      %mul3A_492 = arith.muli %add3A_490, %mul3A_491 : i32
      %dma_start3A_493 = arith.constant 8192 : i32
      %dma_start3A_494 = tpu.memref_slice %arg10[%dma_start3A_493] : memref<16384xf32, #tpu.memory_space<vmem>> -> memref<8192xf32, #tpu.memory_space<vmem>>
      %dma_start3A_495 = tpu.memref_slice %arg2[%arg1, %mul3A_492] : memref<16x262144xf32, #tpu.memory_space<hbm>> -> memref<1x8192xf32, #tpu.memory_space<hbm>>
      %dma_start3A_496 = tpu.memref_squeeze %dma_start3A_495 : memref<1x8192xf32, #tpu.memory_space<hbm>> -> memref<8192xf32, #tpu.memory_space<hbm>>
      %dma_start3A_497 = arith.constant 8192 : i32
      %dma_start3A_498 = tpu.memref_slice %arg10[%dma_start3A_497] : memref<16384xf32, #tpu.memory_space<vmem>> -> memref<8192xf32, #tpu.memory_space<vmem>>
      %dma_start3A_499 = tpu.memref_slice %arg2[%arg1, %mul3A_492] : memref<16x262144xf32, #tpu.memory_space<hbm>> -> memref<1x8192xf32, #tpu.memory_space<hbm>>
      %dma_start3A_500 = tpu.memref_squeeze %dma_start3A_499 : memref<1x8192xf32, #tpu.memory_space<hbm>> -> memref<8192xf32, #tpu.memory_space<hbm>>
      tpu.enqueue_dma source(%dma_start3A_500 : memref<8192xf32, #tpu.memory_space<hbm>>) target(%dma_start3A_498 : memref<8192xf32, #tpu.memory_space<vmem>>) target_semaphore(%arg21 : memref<!tpu.dma_semaphore, #tpu.memory_space<semaphore_mem>>)
      %mul3A_501 = arith.constant 2 : i32
      %mul3A_502 = arith.muli %mul3A_501, %scan3A_476 : i32
      %scan3A_503 = arith.constant 0 : i32
      %scan3A_504 = arith.constant 0 : i32
      %scan3A_505 = arith.constant 64 : i32
      %scan3A_506 = arith.addi %scan3A_504, %scan3A_505 : i32
      %scan3A_507 = arith.constant 1 : i32
      %scan3A_508 = scf.for %scan3A_534 = %scan3A_504 to %scan3A_506 step %scan3A_507 iter_args(%scan3A_535 = %scan3A_503) -> (i32)  : i32 {
        %add3A_536 = arith.constant 0 : i32
        %add3A_537 = arith.addi %add3A_536, %scan3A_534 : i32
        %mul3A_538 = arith.constant 128 : i32
        %mul3A_539 = arith.muli %add3A_537, %mul3A_538 : i32
        %broadcast_in_dim3A_540 = vector.broadcast %mul3A_539 : i32 to vector<16xi32>
        %parallel_loop3A = arith.constant 0 : i32
        %parallel_loop3A_541 = arith.constant 8192 : i32
        %parallel_loop3A_542 = arith.constant 16 : i32
        scf.for %parallel_loop3A_1138 = %parallel_loop3A to %parallel_loop3A_541 step %parallel_loop3A_542  : i32 {
          %parallel_loop3A_1139 = arith.index_cast %parallel_loop3A_1138 : i32 to index
          %parallel_loop3A_1140 = tpu.vector_load %arg11[%parallel_loop3A_1139] {strides = array<i32>} : memref<8192xi32, #tpu.memory_space<vmem>>, vector<16xi32>,
          %parallel_loop3A_1141 = arith.constant 511 : i32
          %parallel_loop3A_1142 = vector.broadcast %parallel_loop3A_1141 : i32 to vector<16xi32>
          %parallel_loop3A_1143 = arith.andi %parallel_loop3A_1140, %parallel_loop3A_1142 : vector<16xi32>
          %parallel_loop3A_1144 = arith.constant 9 : i32
          %parallel_loop3A_1145 = vector.broadcast %parallel_loop3A_1144 : i32 to vector<16xi32>
          %parallel_loop3A_1146 = arith.shrui %parallel_loop3A_1140, %parallel_loop3A_1145 : vector<16xi32>
          %parallel_loop3A_1147 = arith.constant 511 : i32
          %parallel_loop3A_1148 = vector.broadcast %parallel_loop3A_1147 : i32 to vector<16xi32>
          %parallel_loop3A_1149 = arith.andi %parallel_loop3A_1146, %parallel_loop3A_1148 : vector<16xi32>
          %parallel_loop3A_1150 = arith.constant 18 : i32
          %parallel_loop3A_1151 = vector.broadcast %parallel_loop3A_1150 : i32 to vector<16xi32>
          %parallel_loop3A_1152 = arith.shrui %parallel_loop3A_1140, %parallel_loop3A_1151 : vector<16xi32>
          %parallel_loop3A_1153 = tpu.vector_load_idx %arg15[%parallel_loop3A_1143] : memref<512xf32, #tpu.memory_space<vmem>>[vector<16xi32>], vector<16xf32>,
          %parallel_loop3A_1154 = arith.addi %broadcast_in_dim3A_540, %parallel_loop3A_1152 : vector<16xi32>
          %parallel_loop3A_1155 = tpu.vector_load_idx %arg10[%parallel_loop3A_1154] : memref<16384xf32, #tpu.memory_space<vmem>>[vector<16xi32>], vector<16xf32>,
          %parallel_loop3A_1156 = arith.index_cast %parallel_loop3A_1138 : i32 to index
          %parallel_loop3A_1157 = tpu.vector_load %arg12[%parallel_loop3A_1156] {strides = array<i32>} : memref<8192xf32, #tpu.memory_space<vmem>>, vector<16xf32>,
          %parallel_loop3A_1158 = arith.mulf %parallel_loop3A_1153, %parallel_loop3A_1157 : vector<16xf32>
          %parallel_loop3A_1159 = arith.mulf %parallel_loop3A_1158, %parallel_loop3A_1155 : vector<16xf32>
          tpu.vector_store_idx %arg16[%parallel_loop3A_1149], %parallel_loop3A_1159 {add = true} : memref<512xf32, #tpu.memory_space<vmem>>[vector<16xi32>], vector<16xf32>,
        } {sc.loop_unroll_factor = 8 : i64, sc.parallel_access}
        %mul3A_543 = arith.constant 64 : i32
        %mul3A_544 = arith.muli %mul3A_502, %mul3A_543 : i32
        %add3A_545 = arith.addi %mul3A_544, %scan3A_534 : i32
        %broadcast_in_dim3A_546 = vector.broadcast %add3A_545 : i32 to vector<16xi32>
        %get3A_547 = arith.constant 0 : index
        %get3A_548 = tpu.vector_load %arg16[%get3A_547] {strides = array<i32>} : memref<512xf32, #tpu.memory_space<vmem>>, vector<16xf32>,
        %add3A_549 = arith.addf %broadcast_in_dim3A_1, %get3A_548 : vector<16xf32>
        %get3A_550 = arith.constant 16 : index
        %get3A_551 = tpu.vector_load %arg16[%get3A_550] {strides = array<i32>} : memref<512xf32, #tpu.memory_space<vmem>>, vector<16xf32>,
        %add3A_552 = arith.addf %broadcast_in_dim3A_1, %get3A_551 : vector<16xf32>
        %get3A_553 = arith.constant 32 : index
        %get3A_554 = tpu.vector_load %arg16[%get3A_553] {strides = array<i32>} : memref<512xf32, #tpu.memory_space<vmem>>, vector<16xf32>,
        %add3A_555 = arith.addf %broadcast_in_dim3A_1, %get3A_554 : vector<16xf32>
        %get3A_556 = arith.constant 48 : index
        %get3A_557 = tpu.vector_load %arg16[%get3A_556] {strides = array<i32>} : memref<512xf32, #tpu.memory_space<vmem>>, vector<16xf32>,
        %add3A_558 = arith.addf %broadcast_in_dim3A_1, %get3A_557 : vector<16xf32>
        %get3A_559 = arith.constant 64 : index
        %get3A_560 = tpu.vector_load %arg16[%get3A_559] {strides = array<i32>} : memref<512xf32, #tpu.memory_space<vmem>>, vector<16xf32>,
        %add3A_561 = arith.addf %add3A_549, %get3A_560 : vector<16xf32>
        %get3A_562 = arith.constant 80 : index
        %get3A_563 = tpu.vector_load %arg16[%get3A_562] {strides = array<i32>} : memref<512xf32, #tpu.memory_space<vmem>>, vector<16xf32>,
        %add3A_564 = arith.addf %add3A_552, %get3A_563 : vector<16xf32>
        %get3A_565 = arith.constant 96 : index
        %get3A_566 = tpu.vector_load %arg16[%get3A_565] {strides = array<i32>} : memref<512xf32, #tpu.memory_space<vmem>>, vector<16xf32>,
        %add3A_567 = arith.addf %add3A_555, %get3A_566 : vector<16xf32>
        %get3A_568 = arith.constant 112 : index
        %get3A_569 = tpu.vector_load %arg16[%get3A_568] {strides = array<i32>} : memref<512xf32, #tpu.memory_space<vmem>>, vector<16xf32>,
        %add3A_570 = arith.addf %add3A_558, %get3A_569 : vector<16xf32>
        %get3A_571 = arith.constant 128 : index
        %get3A_572 = tpu.vector_load %arg16[%get3A_571] {strides = array<i32>} : memref<512xf32, #tpu.memory_space<vmem>>, vector<16xf32>,
        %add3A_573 = arith.addf %add3A_561, %get3A_572 : vector<16xf32>
        %get3A_574 = arith.constant 144 : index
        %get3A_575 = tpu.vector_load %arg16[%get3A_574] {strides = array<i32>} : memref<512xf32, #tpu.memory_space<vmem>>, vector<16xf32>,
        %add3A_576 = arith.addf %add3A_564, %get3A_575 : vector<16xf32>
        %get3A_577 = arith.constant 160 : index
        %get3A_578 = tpu.vector_load %arg16[%get3A_577] {strides = array<i32>} : memref<512xf32, #tpu.memory_space<vmem>>, vector<16xf32>,
        %add3A_579 = arith.addf %add3A_567, %get3A_578 : vector<16xf32>
        %get3A_580 = arith.constant 176 : index
        %get3A_581 = tpu.vector_load %arg16[%get3A_580] {strides = array<i32>} : memref<512xf32, #tpu.memory_space<vmem>>, vector<16xf32>,
        %add3A_582 = arith.addf %add3A_570, %get3A_581 : vector<16xf32>
        %get3A_583 = arith.constant 192 : index
        %get3A_584 = tpu.vector_load %arg16[%get3A_583] {strides = array<i32>} : memref<512xf32, #tpu.memory_space<vmem>>, vector<16xf32>,
        %add3A_585 = arith.addf %add3A_573, %get3A_584 : vector<16xf32>
        %get3A_586 = arith.constant 208 : index
        %get3A_587 = tpu.vector_load %arg16[%get3A_586] {strides = array<i32>} : memref<512xf32, #tpu.memory_space<vmem>>, vector<16xf32>,
        %add3A_588 = arith.addf %add3A_576, %get3A_587 : vector<16xf32>
        %get3A_589 = arith.constant 224 : index
        %get3A_590 = tpu.vector_load %arg16[%get3A_589] {strides = array<i32>} : memref<512xf32, #tpu.memory_space<vmem>>, vector<16xf32>,
        %add3A_591 = arith.addf %add3A_579, %get3A_590 : vector<16xf32>
        %get3A_592 = arith.constant 240 : index
        %get3A_593 = tpu.vector_load %arg16[%get3A_592] {strides = array<i32>} : memref<512xf32, #tpu.memory_space<vmem>>, vector<16xf32>,
        %add3A_594 = arith.addf %add3A_582, %get3A_593 : vector<16xf32>
        %get3A_595 = arith.constant 256 : index
        %get3A_596 = tpu.vector_load %arg16[%get3A_595] {strides = array<i32>} : memref<512xf32, #tpu.memory_space<vmem>>, vector<16xf32>,
        %add3A_597 = arith.addf %add3A_585, %get3A_596 : vector<16xf32>
        %get3A_598 = arith.constant 272 : index
        %get3A_599 = tpu.vector_load %arg16[%get3A_598] {strides = array<i32>} : memref<512xf32, #tpu.memory_space<vmem>>, vector<16xf32>,
        %add3A_600 = arith.addf %add3A_588, %get3A_599 : vector<16xf32>
        %get3A_601 = arith.constant 288 : index
        %get3A_602 = tpu.vector_load %arg16[%get3A_601] {strides = array<i32>} : memref<512xf32, #tpu.memory_space<vmem>>, vector<16xf32>,
        %add3A_603 = arith.addf %add3A_591, %get3A_602 : vector<16xf32>
        %get3A_604 = arith.constant 304 : index
        %get3A_605 = tpu.vector_load %arg16[%get3A_604] {strides = array<i32>} : memref<512xf32, #tpu.memory_space<vmem>>, vector<16xf32>,
        %add3A_606 = arith.addf %add3A_594, %get3A_605 : vector<16xf32>
        %get3A_607 = arith.constant 320 : index
        %get3A_608 = tpu.vector_load %arg16[%get3A_607] {strides = array<i32>} : memref<512xf32, #tpu.memory_space<vmem>>, vector<16xf32>,
        %add3A_609 = arith.addf %add3A_597, %get3A_608 : vector<16xf32>
        %get3A_610 = arith.constant 336 : index
        %get3A_611 = tpu.vector_load %arg16[%get3A_610] {strides = array<i32>} : memref<512xf32, #tpu.memory_space<vmem>>, vector<16xf32>,
        %add3A_612 = arith.addf %add3A_600, %get3A_611 : vector<16xf32>
        %get3A_613 = arith.constant 352 : index
        %get3A_614 = tpu.vector_load %arg16[%get3A_613] {strides = array<i32>} : memref<512xf32, #tpu.memory_space<vmem>>, vector<16xf32>,
        %add3A_615 = arith.addf %add3A_603, %get3A_614 : vector<16xf32>
        %get3A_616 = arith.constant 368 : index
        %get3A_617 = tpu.vector_load %arg16[%get3A_616] {strides = array<i32>} : memref<512xf32, #tpu.memory_space<vmem>>, vector<16xf32>,
        %add3A_618 = arith.addf %add3A_606, %get3A_617 : vector<16xf32>
        %get3A_619 = arith.constant 384 : index
        %get3A_620 = tpu.vector_load %arg16[%get3A_619] {strides = array<i32>} : memref<512xf32, #tpu.memory_space<vmem>>, vector<16xf32>,
        %add3A_621 = arith.addf %add3A_609, %get3A_620 : vector<16xf32>
        %get3A_622 = arith.constant 400 : index
        %get3A_623 = tpu.vector_load %arg16[%get3A_622] {strides = array<i32>} : memref<512xf32, #tpu.memory_space<vmem>>, vector<16xf32>,
        %add3A_624 = arith.addf %add3A_612, %get3A_623 : vector<16xf32>
        %get3A_625 = arith.constant 416 : index
        %get3A_626 = tpu.vector_load %arg16[%get3A_625] {strides = array<i32>} : memref<512xf32, #tpu.memory_space<vmem>>, vector<16xf32>,
        %add3A_627 = arith.addf %add3A_615, %get3A_626 : vector<16xf32>
        %get3A_628 = arith.constant 432 : index
        %get3A_629 = tpu.vector_load %arg16[%get3A_628] {strides = array<i32>} : memref<512xf32, #tpu.memory_space<vmem>>, vector<16xf32>,
        %add3A_630 = arith.addf %add3A_618, %get3A_629 : vector<16xf32>
        %get3A_631 = arith.constant 448 : index
        %get3A_632 = tpu.vector_load %arg16[%get3A_631] {strides = array<i32>} : memref<512xf32, #tpu.memory_space<vmem>>, vector<16xf32>,
        %add3A_633 = arith.addf %add3A_621, %get3A_632 : vector<16xf32>
        %get3A_634 = arith.constant 464 : index
        %get3A_635 = tpu.vector_load %arg16[%get3A_634] {strides = array<i32>} : memref<512xf32, #tpu.memory_space<vmem>>, vector<16xf32>,
        %add3A_636 = arith.addf %add3A_624, %get3A_635 : vector<16xf32>
        %get3A_637 = arith.constant 480 : index
        %get3A_638 = tpu.vector_load %arg16[%get3A_637] {strides = array<i32>} : memref<512xf32, #tpu.memory_space<vmem>>, vector<16xf32>,
        %add3A_639 = arith.addf %add3A_627, %get3A_638 : vector<16xf32>
        %get3A_640 = arith.constant 496 : index
        %get3A_641 = tpu.vector_load %arg16[%get3A_640] {strides = array<i32>} : memref<512xf32, #tpu.memory_space<vmem>>, vector<16xf32>,
        %add3A_642 = arith.addf %add3A_630, %get3A_641 : vector<16xf32>
        %add3A_643 = arith.addf %add3A_633, %add3A_636 : vector<16xf32>
        %add3A_644 = arith.addf %add3A_639, %add3A_642 : vector<16xf32>
        %add3A_645 = arith.addf %add3A_643, %add3A_644 : vector<16xf32>
        %xor3A_646 = arith.constant 8 : i32
        %xor3A_647 = vector.broadcast %xor3A_646 : i32 to vector<16xi32>
        %xor3A_648 = arith.xori %iota3A, %xor3A_647 : vector<16xi32>
        %broadcast_in_dim3A_649 = vector.shape_cast %xor3A_648 : vector<16xi32> to vector<16x1xi32>
        %gather3A_650 = vector.shape_cast %broadcast_in_dim3A_649 : vector<16x1xi32> to vector<16xi32>
        %gather3A_651 = tpu.dynamic_gather %add3A_645[%gather3A_650] in [0] : vector<16xf32>, vector<16xi32> -> vector<16xf32>
        %add3A_652 = arith.addf %add3A_645, %gather3A_651 : vector<16xf32>
        %xor3A_653 = arith.constant 4 : i32
        %xor3A_654 = vector.broadcast %xor3A_653 : i32 to vector<16xi32>
        %xor3A_655 = arith.xori %iota3A, %xor3A_654 : vector<16xi32>
        %broadcast_in_dim3A_656 = vector.shape_cast %xor3A_655 : vector<16xi32> to vector<16x1xi32>
        %gather3A_657 = vector.shape_cast %broadcast_in_dim3A_656 : vector<16x1xi32> to vector<16xi32>
        %gather3A_658 = tpu.dynamic_gather %add3A_652[%gather3A_657] in [0] : vector<16xf32>, vector<16xi32> -> vector<16xf32>
        %add3A_659 = arith.addf %add3A_652, %gather3A_658 : vector<16xf32>
        %xor3A_660 = arith.constant 2 : i32
        %xor3A_661 = vector.broadcast %xor3A_660 : i32 to vector<16xi32>
        %xor3A_662 = arith.xori %iota3A, %xor3A_661 : vector<16xi32>
        %broadcast_in_dim3A_663 = vector.shape_cast %xor3A_662 : vector<16xi32> to vector<16x1xi32>
        %gather3A_664 = vector.shape_cast %broadcast_in_dim3A_663 : vector<16x1xi32> to vector<16xi32>
        %gather3A_665 = tpu.dynamic_gather %add3A_659[%gather3A_664] in [0] : vector<16xf32>, vector<16xi32> -> vector<16xf32>
        %add3A_666 = arith.addf %add3A_659, %gather3A_665 : vector<16xf32>
        %xor3A_667 = arith.constant 1 : i32
        %xor3A_668 = vector.broadcast %xor3A_667 : i32 to vector<16xi32>
        %xor3A_669 = arith.xori %iota3A, %xor3A_668 : vector<16xi32>
        %broadcast_in_dim3A_670 = vector.shape_cast %xor3A_669 : vector<16xi32> to vector<16x1xi32>
        %gather3A_671 = vector.shape_cast %broadcast_in_dim3A_670 : vector<16x1xi32> to vector<16xi32>
        %gather3A_672 = tpu.dynamic_gather %add3A_666[%gather3A_671] in [0] : vector<16xf32>, vector<16xi32> -> vector<16xf32>
        %add3A_673 = arith.addf %add3A_666, %gather3A_672 : vector<16xf32>
        %mul3A_674 = vector.broadcast %select_n3A_261 : f32 to vector<16xf32>
        %mul3A_675 = arith.mulf %mul3A_674, %add3A_673 : vector<16xf32>
        %mul3A_676 = arith.mulf %mul3A_675, %add3A_256 : vector<16xf32>
        %add3A_677 = arith.addf %add3A_673, %mul3A_676 : vector<16xf32>
        %add3A_678 = arith.constant 1.000000e-30 : f32
        %add3A_679 = vector.broadcast %add3A_678 : f32 to vector<16xf32>
        %add3A_680 = arith.addf %add3A_677, %add3A_679 : vector<16xf32>
        %div3A = arith.constant 1.000000e+00 : f32
        %div3A_681 = vector.broadcast %div3A : f32 to vector<16xf32>
        %div3A_682 = arith.divf %div3A_681, %add3A_680 : vector<16xf32>
        %lt3A_683 = arith.cmpi slt, %broadcast_in_dim3A_546, %gather3A_266 : vector<16xi32>
        %jit3A_684 = arith.constant 1.000000e+00 : f32
        %broadcast_in_dim3A_685 = vector.broadcast %jit3A_684 : f32 to vector<16xf32>
        %select_n3A_686 = arith.select %lt3A_683, %add3A_680, %broadcast_in_dim3A_685 : vector<16xi1>, vector<16xf32>
        tpu.vector_store_idx %arg17[%broadcast_in_dim3A_546], %select_n3A_686 masked %eq3A_3 : memref<2048xf32, #tpu.memory_space<vmem>>[vector<16xi32>], vector<16xf32>, vector<16xi1>
        %mul3A_687 = vector.broadcast %select_n3A_261 : f32 to vector<16xf32>
        %mul3A_688 = arith.mulf %mul3A_687, %add3A_673 : vector<16xf32>
        %get3A_689 = arith.constant 0 : index
        %get3A_690 = tpu.vector_load %arg16[%get3A_689] {strides = array<i32>} : memref<512xf32, #tpu.memory_space<vmem>>, vector<16xf32>,
        %get3A_691 = arith.constant 0 : index
        %get3A_692 = tpu.vector_load %arg13[%get3A_691] {strides = array<i32>} : memref<512xf32, #tpu.memory_space<vmem>>, vector<16xf32>,
        %mul3A_693 = arith.mulf %mul3A_688, %get3A_692 : vector<16xf32>
        %add3A_694 = arith.addf %get3A_690, %mul3A_693 : vector<16xf32>
        %mul3A_695 = arith.mulf %add3A_694, %div3A_682 : vector<16xf32>
        %get3A_696 = arith.constant 0 : index
        %get3A_697 = tpu.vector_load %arg15[%get3A_696] {strides = array<i32>} : memref<512xf32, #tpu.memory_space<vmem>>, vector<16xf32>,
        %select_n3A_698 = arith.select %lt3A_683, %mul3A_695, %get3A_697 : vector<16xi1>, vector<16xf32>
        %swap3A_699 = arith.constant 0 : index
        %swap3A_700 = tpu.vector_load %arg15[%swap3A_699] {strides = array<i32>} : memref<512xf32, #tpu.memory_space<vmem>>, vector<16xf32>,
        tpu.vector_store %arg15[%swap3A_699], %select_n3A_698 {strides = array<i32>} : memref<512xf32, #tpu.memory_space<vmem>>, vector<16xf32>,
        %swap3A_701 = arith.constant 0 : index
        %swap3A_702 = tpu.vector_load %arg16[%swap3A_701] {strides = array<i32>} : memref<512xf32, #tpu.memory_space<vmem>>, vector<16xf32>,
        tpu.vector_store %arg16[%swap3A_701], %broadcast_in_dim3A_1 {strides = array<i32>} : memref<512xf32, #tpu.memory_space<vmem>>, vector<16xf32>,
        %get3A_703 = arith.constant 16 : index
        %get3A_704 = tpu.vector_load %arg16[%get3A_703] {strides = array<i32>} : memref<512xf32, #tpu.memory_space<vmem>>, vector<16xf32>,
        %get3A_705 = arith.constant 16 : index
        %get3A_706 = tpu.vector_load %arg13[%get3A_705] {strides = array<i32>} : memref<512xf32, #tpu.memory_space<vmem>>, vector<16xf32>,
        %mul3A_707 = arith.mulf %mul3A_688, %get3A_706 : vector<16xf32>
        %add3A_708 = arith.addf %get3A_704, %mul3A_707 : vector<16xf32>
        %mul3A_709 = arith.mulf %add3A_708, %div3A_682 : vector<16xf32>
        %get3A_710 = arith.constant 16 : index
        %get3A_711 = tpu.vector_load %arg15[%get3A_710] {strides = array<i32>} : memref<512xf32, #tpu.memory_space<vmem>>, vector<16xf32>,
        %select_n3A_712 = arith.select %lt3A_683, %mul3A_709, %get3A_711 : vector<16xi1>, vector<16xf32>
        %swap3A_713 = arith.constant 16 : index
        %swap3A_714 = tpu.vector_load %arg15[%swap3A_713] {strides = array<i32>} : memref<512xf32, #tpu.memory_space<vmem>>, vector<16xf32>,
        tpu.vector_store %arg15[%swap3A_713], %select_n3A_712 {strides = array<i32>} : memref<512xf32, #tpu.memory_space<vmem>>, vector<16xf32>,
        %swap3A_715 = arith.constant 16 : index
        %swap3A_716 = tpu.vector_load %arg16[%swap3A_715] {strides = array<i32>} : memref<512xf32, #tpu.memory_space<vmem>>, vector<16xf32>,
        tpu.vector_store %arg16[%swap3A_715], %broadcast_in_dim3A_1 {strides = array<i32>} : memref<512xf32, #tpu.memory_space<vmem>>, vector<16xf32>,
        %get3A_717 = arith.constant 32 : index
        %get3A_718 = tpu.vector_load %arg16[%get3A_717] {strides = array<i32>} : memref<512xf32, #tpu.memory_space<vmem>>, vector<16xf32>,
        %get3A_719 = arith.constant 32 : index
        %get3A_720 = tpu.vector_load %arg13[%get3A_719] {strides = array<i32>} : memref<512xf32, #tpu.memory_space<vmem>>, vector<16xf32>,
        %mul3A_721 = arith.mulf %mul3A_688, %get3A_720 : vector<16xf32>
        %add3A_722 = arith.addf %get3A_718, %mul3A_721 : vector<16xf32>
        %mul3A_723 = arith.mulf %add3A_722, %div3A_682 : vector<16xf32>
        %get3A_724 = arith.constant 32 : index
        %get3A_725 = tpu.vector_load %arg15[%get3A_724] {strides = array<i32>} : memref<512xf32, #tpu.memory_space<vmem>>, vector<16xf32>,
        %select_n3A_726 = arith.select %lt3A_683, %mul3A_723, %get3A_725 : vector<16xi1>, vector<16xf32>
        %swap3A_727 = arith.constant 32 : index
        %swap3A_728 = tpu.vector_load %arg15[%swap3A_727] {strides = array<i32>} : memref<512xf32, #tpu.memory_space<vmem>>, vector<16xf32>,
        tpu.vector_store %arg15[%swap3A_727], %select_n3A_726 {strides = array<i32>} : memref<512xf32, #tpu.memory_space<vmem>>, vector<16xf32>,
        %swap3A_729 = arith.constant 32 : index
        %swap3A_730 = tpu.vector_load %arg16[%swap3A_729] {strides = array<i32>} : memref<512xf32, #tpu.memory_space<vmem>>, vector<16xf32>,
        tpu.vector_store %arg16[%swap3A_729], %broadcast_in_dim3A_1 {strides = array<i32>} : memref<512xf32, #tpu.memory_space<vmem>>, vector<16xf32>,
        %get3A_731 = arith.constant 48 : index
        %get3A_732 = tpu.vector_load %arg16[%get3A_731] {strides = array<i32>} : memref<512xf32, #tpu.memory_space<vmem>>, vector<16xf32>,
        %get3A_733 = arith.constant 48 : index
        %get3A_734 = tpu.vector_load %arg13[%get3A_733] {strides = array<i32>} : memref<512xf32, #tpu.memory_space<vmem>>, vector<16xf32>,
        %mul3A_735 = arith.mulf %mul3A_688, %get3A_734 : vector<16xf32>
        %add3A_736 = arith.addf %get3A_732, %mul3A_735 : vector<16xf32>
        %mul3A_737 = arith.mulf %add3A_736, %div3A_682 : vector<16xf32>
        %get3A_738 = arith.constant 48 : index
        %get3A_739 = tpu.vector_load %arg15[%get3A_738] {strides = array<i32>} : memref<512xf32, #tpu.memory_space<vmem>>, vector<16xf32>,
        %select_n3A_740 = arith.select %lt3A_683, %mul3A_737, %get3A_739 : vector<16xi1>, vector<16xf32>
        %swap3A_741 = arith.constant 48 : index
        %swap3A_742 = tpu.vector_load %arg15[%swap3A_741] {strides = array<i32>} : memref<512xf32, #tpu.memory_space<vmem>>, vector<16xf32>,
        tpu.vector_store %arg15[%swap3A_741], %select_n3A_740 {strides = array<i32>} : memref<512xf32, #tpu.memory_space<vmem>>, vector<16xf32>,
        %swap3A_743 = arith.constant 48 : index
        %swap3A_744 = tpu.vector_load %arg16[%swap3A_743] {strides = array<i32>} : memref<512xf32, #tpu.memory_space<vmem>>, vector<16xf32>,
        tpu.vector_store %arg16[%swap3A_743], %broadcast_in_dim3A_1 {strides = array<i32>} : memref<512xf32, #tpu.memory_space<vmem>>, vector<16xf32>,
        %get3A_745 = arith.constant 64 : index
        %get3A_746 = tpu.vector_load %arg16[%get3A_745] {strides = array<i32>} : memref<512xf32, #tpu.memory_space<vmem>>, vector<16xf32>,
        %get3A_747 = arith.constant 64 : index
        %get3A_748 = tpu.vector_load %arg13[%get3A_747] {strides = array<i32>} : memref<512xf32, #tpu.memory_space<vmem>>, vector<16xf32>,
        %mul3A_749 = arith.mulf %mul3A_688, %get3A_748 : vector<16xf32>
        %add3A_750 = arith.addf %get3A_746, %mul3A_749 : vector<16xf32>
        %mul3A_751 = arith.mulf %add3A_750, %div3A_682 : vector<16xf32>
        %get3A_752 = arith.constant 64 : index
        %get3A_753 = tpu.vector_load %arg15[%get3A_752] {strides = array<i32>} : memref<512xf32, #tpu.memory_space<vmem>>, vector<16xf32>,
        %select_n3A_754 = arith.select %lt3A_683, %mul3A_751, %get3A_753 : vector<16xi1>, vector<16xf32>
        %swap3A_755 = arith.constant 64 : index
        %swap3A_756 = tpu.vector_load %arg15[%swap3A_755] {strides = array<i32>} : memref<512xf32, #tpu.memory_space<vmem>>, vector<16xf32>,
        tpu.vector_store %arg15[%swap3A_755], %select_n3A_754 {strides = array<i32>} : memref<512xf32, #tpu.memory_space<vmem>>, vector<16xf32>,
        %swap3A_757 = arith.constant 64 : index
        %swap3A_758 = tpu.vector_load %arg16[%swap3A_757] {strides = array<i32>} : memref<512xf32, #tpu.memory_space<vmem>>, vector<16xf32>,
        tpu.vector_store %arg16[%swap3A_757], %broadcast_in_dim3A_1 {strides = array<i32>} : memref<512xf32, #tpu.memory_space<vmem>>, vector<16xf32>,
        %get3A_759 = arith.constant 80 : index
        %get3A_760 = tpu.vector_load %arg16[%get3A_759] {strides = array<i32>} : memref<512xf32, #tpu.memory_space<vmem>>, vector<16xf32>,
        %get3A_761 = arith.constant 80 : index
        %get3A_762 = tpu.vector_load %arg13[%get3A_761] {strides = array<i32>} : memref<512xf32, #tpu.memory_space<vmem>>, vector<16xf32>,
        %mul3A_763 = arith.mulf %mul3A_688, %get3A_762 : vector<16xf32>
        %add3A_764 = arith.addf %get3A_760, %mul3A_763 : vector<16xf32>
        %mul3A_765 = arith.mulf %add3A_764, %div3A_682 : vector<16xf32>
        %get3A_766 = arith.constant 80 : index
        %get3A_767 = tpu.vector_load %arg15[%get3A_766] {strides = array<i32>} : memref<512xf32, #tpu.memory_space<vmem>>, vector<16xf32>,
        %select_n3A_768 = arith.select %lt3A_683, %mul3A_765, %get3A_767 : vector<16xi1>, vector<16xf32>
        %swap3A_769 = arith.constant 80 : index
        %swap3A_770 = tpu.vector_load %arg15[%swap3A_769] {strides = array<i32>} : memref<512xf32, #tpu.memory_space<vmem>>, vector<16xf32>,
        tpu.vector_store %arg15[%swap3A_769], %select_n3A_768 {strides = array<i32>} : memref<512xf32, #tpu.memory_space<vmem>>, vector<16xf32>,
        %swap3A_771 = arith.constant 80 : index
        %swap3A_772 = tpu.vector_load %arg16[%swap3A_771] {strides = array<i32>} : memref<512xf32, #tpu.memory_space<vmem>>, vector<16xf32>,
        tpu.vector_store %arg16[%swap3A_771], %broadcast_in_dim3A_1 {strides = array<i32>} : memref<512xf32, #tpu.memory_space<vmem>>, vector<16xf32>,
        %get3A_773 = arith.constant 96 : index
        %get3A_774 = tpu.vector_load %arg16[%get3A_773] {strides = array<i32>} : memref<512xf32, #tpu.memory_space<vmem>>, vector<16xf32>,
        %get3A_775 = arith.constant 96 : index
        %get3A_776 = tpu.vector_load %arg13[%get3A_775] {strides = array<i32>} : memref<512xf32, #tpu.memory_space<vmem>>, vector<16xf32>,
        %mul3A_777 = arith.mulf %mul3A_688, %get3A_776 : vector<16xf32>
        %add3A_778 = arith.addf %get3A_774, %mul3A_777 : vector<16xf32>
        %mul3A_779 = arith.mulf %add3A_778, %div3A_682 : vector<16xf32>
        %get3A_780 = arith.constant 96 : index
        %get3A_781 = tpu.vector_load %arg15[%get3A_780] {strides = array<i32>} : memref<512xf32, #tpu.memory_space<vmem>>, vector<16xf32>,
        %select_n3A_782 = arith.select %lt3A_683, %mul3A_779, %get3A_781 : vector<16xi1>, vector<16xf32>
        %swap3A_783 = arith.constant 96 : index
        %swap3A_784 = tpu.vector_load %arg15[%swap3A_783] {strides = array<i32>} : memref<512xf32, #tpu.memory_space<vmem>>, vector<16xf32>,
        tpu.vector_store %arg15[%swap3A_783], %select_n3A_782 {strides = array<i32>} : memref<512xf32, #tpu.memory_space<vmem>>, vector<16xf32>,
        %swap3A_785 = arith.constant 96 : index
        %swap3A_786 = tpu.vector_load %arg16[%swap3A_785] {strides = array<i32>} : memref<512xf32, #tpu.memory_space<vmem>>, vector<16xf32>,
        tpu.vector_store %arg16[%swap3A_785], %broadcast_in_dim3A_1 {strides = array<i32>} : memref<512xf32, #tpu.memory_space<vmem>>, vector<16xf32>,
        %get3A_787 = arith.constant 112 : index
        %get3A_788 = tpu.vector_load %arg16[%get3A_787] {strides = array<i32>} : memref<512xf32, #tpu.memory_space<vmem>>, vector<16xf32>,
        %get3A_789 = arith.constant 112 : index
        %get3A_790 = tpu.vector_load %arg13[%get3A_789] {strides = array<i32>} : memref<512xf32, #tpu.memory_space<vmem>>, vector<16xf32>,
        %mul3A_791 = arith.mulf %mul3A_688, %get3A_790 : vector<16xf32>
        %add3A_792 = arith.addf %get3A_788, %mul3A_791 : vector<16xf32>
        %mul3A_793 = arith.mulf %add3A_792, %div3A_682 : vector<16xf32>
        %get3A_794 = arith.constant 112 : index
        %get3A_795 = tpu.vector_load %arg15[%get3A_794] {strides = array<i32>} : memref<512xf32, #tpu.memory_space<vmem>>, vector<16xf32>,
        %select_n3A_796 = arith.select %lt3A_683, %mul3A_793, %get3A_795 : vector<16xi1>, vector<16xf32>
        %swap3A_797 = arith.constant 112 : index
        %swap3A_798 = tpu.vector_load %arg15[%swap3A_797] {strides = array<i32>} : memref<512xf32, #tpu.memory_space<vmem>>, vector<16xf32>,
        tpu.vector_store %arg15[%swap3A_797], %select_n3A_796 {strides = array<i32>} : memref<512xf32, #tpu.memory_space<vmem>>, vector<16xf32>,
        %swap3A_799 = arith.constant 112 : index
        %swap3A_800 = tpu.vector_load %arg16[%swap3A_799] {strides = array<i32>} : memref<512xf32, #tpu.memory_space<vmem>>, vector<16xf32>,
        tpu.vector_store %arg16[%swap3A_799], %broadcast_in_dim3A_1 {strides = array<i32>} : memref<512xf32, #tpu.memory_space<vmem>>, vector<16xf32>,
        %get3A_801 = arith.constant 128 : index
        %get3A_802 = tpu.vector_load %arg16[%get3A_801] {strides = array<i32>} : memref<512xf32, #tpu.memory_space<vmem>>, vector<16xf32>,
        %get3A_803 = arith.constant 128 : index
        %get3A_804 = tpu.vector_load %arg13[%get3A_803] {strides = array<i32>} : memref<512xf32, #tpu.memory_space<vmem>>, vector<16xf32>,
        %mul3A_805 = arith.mulf %mul3A_688, %get3A_804 : vector<16xf32>
        %add3A_806 = arith.addf %get3A_802, %mul3A_805 : vector<16xf32>
        %mul3A_807 = arith.mulf %add3A_806, %div3A_682 : vector<16xf32>
        %get3A_808 = arith.constant 128 : index
        %get3A_809 = tpu.vector_load %arg15[%get3A_808] {strides = array<i32>} : memref<512xf32, #tpu.memory_space<vmem>>, vector<16xf32>,
        %select_n3A_810 = arith.select %lt3A_683, %mul3A_807, %get3A_809 : vector<16xi1>, vector<16xf32>
        %swap3A_811 = arith.constant 128 : index
        %swap3A_812 = tpu.vector_load %arg15[%swap3A_811] {strides = array<i32>} : memref<512xf32, #tpu.memory_space<vmem>>, vector<16xf32>,
        tpu.vector_store %arg15[%swap3A_811], %select_n3A_810 {strides = array<i32>} : memref<512xf32, #tpu.memory_space<vmem>>, vector<16xf32>,
        %swap3A_813 = arith.constant 128 : index
        %swap3A_814 = tpu.vector_load %arg16[%swap3A_813] {strides = array<i32>} : memref<512xf32, #tpu.memory_space<vmem>>, vector<16xf32>,
        tpu.vector_store %arg16[%swap3A_813], %broadcast_in_dim3A_1 {strides = array<i32>} : memref<512xf32, #tpu.memory_space<vmem>>, vector<16xf32>,
        %get3A_815 = arith.constant 144 : index
        %get3A_816 = tpu.vector_load %arg16[%get3A_815] {strides = array<i32>} : memref<512xf32, #tpu.memory_space<vmem>>, vector<16xf32>,
        %get3A_817 = arith.constant 144 : index
        %get3A_818 = tpu.vector_load %arg13[%get3A_817] {strides = array<i32>} : memref<512xf32, #tpu.memory_space<vmem>>, vector<16xf32>,
        %mul3A_819 = arith.mulf %mul3A_688, %get3A_818 : vector<16xf32>
        %add3A_820 = arith.addf %get3A_816, %mul3A_819 : vector<16xf32>
        %mul3A_821 = arith.mulf %add3A_820, %div3A_682 : vector<16xf32>
        %get3A_822 = arith.constant 144 : index
        %get3A_823 = tpu.vector_load %arg15[%get3A_822] {strides = array<i32>} : memref<512xf32, #tpu.memory_space<vmem>>, vector<16xf32>,
        %select_n3A_824 = arith.select %lt3A_683, %mul3A_821, %get3A_823 : vector<16xi1>, vector<16xf32>
        %swap3A_825 = arith.constant 144 : index
        %swap3A_826 = tpu.vector_load %arg15[%swap3A_825] {strides = array<i32>} : memref<512xf32, #tpu.memory_space<vmem>>, vector<16xf32>,
        tpu.vector_store %arg15[%swap3A_825], %select_n3A_824 {strides = array<i32>} : memref<512xf32, #tpu.memory_space<vmem>>, vector<16xf32>,
        %swap3A_827 = arith.constant 144 : index
        %swap3A_828 = tpu.vector_load %arg16[%swap3A_827] {strides = array<i32>} : memref<512xf32, #tpu.memory_space<vmem>>, vector<16xf32>,
        tpu.vector_store %arg16[%swap3A_827], %broadcast_in_dim3A_1 {strides = array<i32>} : memref<512xf32, #tpu.memory_space<vmem>>, vector<16xf32>,
        %get3A_829 = arith.constant 160 : index
        %get3A_830 = tpu.vector_load %arg16[%get3A_829] {strides = array<i32>} : memref<512xf32, #tpu.memory_space<vmem>>, vector<16xf32>,
        %get3A_831 = arith.constant 160 : index
        %get3A_832 = tpu.vector_load %arg13[%get3A_831] {strides = array<i32>} : memref<512xf32, #tpu.memory_space<vmem>>, vector<16xf32>,
        %mul3A_833 = arith.mulf %mul3A_688, %get3A_832 : vector<16xf32>
        %add3A_834 = arith.addf %get3A_830, %mul3A_833 : vector<16xf32>
        %mul3A_835 = arith.mulf %add3A_834, %div3A_682 : vector<16xf32>
        %get3A_836 = arith.constant 160 : index
        %get3A_837 = tpu.vector_load %arg15[%get3A_836] {strides = array<i32>} : memref<512xf32, #tpu.memory_space<vmem>>, vector<16xf32>,
        %select_n3A_838 = arith.select %lt3A_683, %mul3A_835, %get3A_837 : vector<16xi1>, vector<16xf32>
        %swap3A_839 = arith.constant 160 : index
        %swap3A_840 = tpu.vector_load %arg15[%swap3A_839] {strides = array<i32>} : memref<512xf32, #tpu.memory_space<vmem>>, vector<16xf32>,
        tpu.vector_store %arg15[%swap3A_839], %select_n3A_838 {strides = array<i32>} : memref<512xf32, #tpu.memory_space<vmem>>, vector<16xf32>,
        %swap3A_841 = arith.constant 160 : index
        %swap3A_842 = tpu.vector_load %arg16[%swap3A_841] {strides = array<i32>} : memref<512xf32, #tpu.memory_space<vmem>>, vector<16xf32>,
        tpu.vector_store %arg16[%swap3A_841], %broadcast_in_dim3A_1 {strides = array<i32>} : memref<512xf32, #tpu.memory_space<vmem>>, vector<16xf32>,
        %get3A_843 = arith.constant 176 : index
        %get3A_844 = tpu.vector_load %arg16[%get3A_843] {strides = array<i32>} : memref<512xf32, #tpu.memory_space<vmem>>, vector<16xf32>,
        %get3A_845 = arith.constant 176 : index
        %get3A_846 = tpu.vector_load %arg13[%get3A_845] {strides = array<i32>} : memref<512xf32, #tpu.memory_space<vmem>>, vector<16xf32>,
        %mul3A_847 = arith.mulf %mul3A_688, %get3A_846 : vector<16xf32>
        %add3A_848 = arith.addf %get3A_844, %mul3A_847 : vector<16xf32>
        %mul3A_849 = arith.mulf %add3A_848, %div3A_682 : vector<16xf32>
        %get3A_850 = arith.constant 176 : index
        %get3A_851 = tpu.vector_load %arg15[%get3A_850] {strides = array<i32>} : memref<512xf32, #tpu.memory_space<vmem>>, vector<16xf32>,
        %select_n3A_852 = arith.select %lt3A_683, %mul3A_849, %get3A_851 : vector<16xi1>, vector<16xf32>
        %swap3A_853 = arith.constant 176 : index
        %swap3A_854 = tpu.vector_load %arg15[%swap3A_853] {strides = array<i32>} : memref<512xf32, #tpu.memory_space<vmem>>, vector<16xf32>,
        tpu.vector_store %arg15[%swap3A_853], %select_n3A_852 {strides = array<i32>} : memref<512xf32, #tpu.memory_space<vmem>>, vector<16xf32>,
        %swap3A_855 = arith.constant 176 : index
        %swap3A_856 = tpu.vector_load %arg16[%swap3A_855] {strides = array<i32>} : memref<512xf32, #tpu.memory_space<vmem>>, vector<16xf32>,
        tpu.vector_store %arg16[%swap3A_855], %broadcast_in_dim3A_1 {strides = array<i32>} : memref<512xf32, #tpu.memory_space<vmem>>, vector<16xf32>,
        %get3A_857 = arith.constant 192 : index
        %get3A_858 = tpu.vector_load %arg16[%get3A_857] {strides = array<i32>} : memref<512xf32, #tpu.memory_space<vmem>>, vector<16xf32>,
        %get3A_859 = arith.constant 192 : index
        %get3A_860 = tpu.vector_load %arg13[%get3A_859] {strides = array<i32>} : memref<512xf32, #tpu.memory_space<vmem>>, vector<16xf32>,
        %mul3A_861 = arith.mulf %mul3A_688, %get3A_860 : vector<16xf32>
        %add3A_862 = arith.addf %get3A_858, %mul3A_861 : vector<16xf32>
        %mul3A_863 = arith.mulf %add3A_862, %div3A_682 : vector<16xf32>
        %get3A_864 = arith.constant 192 : index
        %get3A_865 = tpu.vector_load %arg15[%get3A_864] {strides = array<i32>} : memref<512xf32, #tpu.memory_space<vmem>>, vector<16xf32>,
        %select_n3A_866 = arith.select %lt3A_683, %mul3A_863, %get3A_865 : vector<16xi1>, vector<16xf32>
        %swap3A_867 = arith.constant 192 : index
        %swap3A_868 = tpu.vector_load %arg15[%swap3A_867] {strides = array<i32>} : memref<512xf32, #tpu.memory_space<vmem>>, vector<16xf32>,
        tpu.vector_store %arg15[%swap3A_867], %select_n3A_866 {strides = array<i32>} : memref<512xf32, #tpu.memory_space<vmem>>, vector<16xf32>,
        %swap3A_869 = arith.constant 192 : index
        %swap3A_870 = tpu.vector_load %arg16[%swap3A_869] {strides = array<i32>} : memref<512xf32, #tpu.memory_space<vmem>>, vector<16xf32>,
        tpu.vector_store %arg16[%swap3A_869], %broadcast_in_dim3A_1 {strides = array<i32>} : memref<512xf32, #tpu.memory_space<vmem>>, vector<16xf32>,
        %get3A_871 = arith.constant 208 : index
        %get3A_872 = tpu.vector_load %arg16[%get3A_871] {strides = array<i32>} : memref<512xf32, #tpu.memory_space<vmem>>, vector<16xf32>,
        %get3A_873 = arith.constant 208 : index
        %get3A_874 = tpu.vector_load %arg13[%get3A_873] {strides = array<i32>} : memref<512xf32, #tpu.memory_space<vmem>>, vector<16xf32>,
        %mul3A_875 = arith.mulf %mul3A_688, %get3A_874 : vector<16xf32>
        %add3A_876 = arith.addf %get3A_872, %mul3A_875 : vector<16xf32>
        %mul3A_877 = arith.mulf %add3A_876, %div3A_682 : vector<16xf32>
        %get3A_878 = arith.constant 208 : index
        %get3A_879 = tpu.vector_load %arg15[%get3A_878] {strides = array<i32>} : memref<512xf32, #tpu.memory_space<vmem>>, vector<16xf32>,
        %select_n3A_880 = arith.select %lt3A_683, %mul3A_877, %get3A_879 : vector<16xi1>, vector<16xf32>
        %swap3A_881 = arith.constant 208 : index
        %swap3A_882 = tpu.vector_load %arg15[%swap3A_881] {strides = array<i32>} : memref<512xf32, #tpu.memory_space<vmem>>, vector<16xf32>,
        tpu.vector_store %arg15[%swap3A_881], %select_n3A_880 {strides = array<i32>} : memref<512xf32, #tpu.memory_space<vmem>>, vector<16xf32>,
        %swap3A_883 = arith.constant 208 : index
        %swap3A_884 = tpu.vector_load %arg16[%swap3A_883] {strides = array<i32>} : memref<512xf32, #tpu.memory_space<vmem>>, vector<16xf32>,
        tpu.vector_store %arg16[%swap3A_883], %broadcast_in_dim3A_1 {strides = array<i32>} : memref<512xf32, #tpu.memory_space<vmem>>, vector<16xf32>,
        %get3A_885 = arith.constant 224 : index
        %get3A_886 = tpu.vector_load %arg16[%get3A_885] {strides = array<i32>} : memref<512xf32, #tpu.memory_space<vmem>>, vector<16xf32>,
        %get3A_887 = arith.constant 224 : index
        %get3A_888 = tpu.vector_load %arg13[%get3A_887] {strides = array<i32>} : memref<512xf32, #tpu.memory_space<vmem>>, vector<16xf32>,
        %mul3A_889 = arith.mulf %mul3A_688, %get3A_888 : vector<16xf32>
        %add3A_890 = arith.addf %get3A_886, %mul3A_889 : vector<16xf32>
        %mul3A_891 = arith.mulf %add3A_890, %div3A_682 : vector<16xf32>
        %get3A_892 = arith.constant 224 : index
        %get3A_893 = tpu.vector_load %arg15[%get3A_892] {strides = array<i32>} : memref<512xf32, #tpu.memory_space<vmem>>, vector<16xf32>,
        %select_n3A_894 = arith.select %lt3A_683, %mul3A_891, %get3A_893 : vector<16xi1>, vector<16xf32>
        %swap3A_895 = arith.constant 224 : index
        %swap3A_896 = tpu.vector_load %arg15[%swap3A_895] {strides = array<i32>} : memref<512xf32, #tpu.memory_space<vmem>>, vector<16xf32>,
        tpu.vector_store %arg15[%swap3A_895], %select_n3A_894 {strides = array<i32>} : memref<512xf32, #tpu.memory_space<vmem>>, vector<16xf32>,
        %swap3A_897 = arith.constant 224 : index
        %swap3A_898 = tpu.vector_load %arg16[%swap3A_897] {strides = array<i32>} : memref<512xf32, #tpu.memory_space<vmem>>, vector<16xf32>,
        tpu.vector_store %arg16[%swap3A_897], %broadcast_in_dim3A_1 {strides = array<i32>} : memref<512xf32, #tpu.memory_space<vmem>>, vector<16xf32>,
        %get3A_899 = arith.constant 240 : index
        %get3A_900 = tpu.vector_load %arg16[%get3A_899] {strides = array<i32>} : memref<512xf32, #tpu.memory_space<vmem>>, vector<16xf32>,
        %get3A_901 = arith.constant 240 : index
        %get3A_902 = tpu.vector_load %arg13[%get3A_901] {strides = array<i32>} : memref<512xf32, #tpu.memory_space<vmem>>, vector<16xf32>,
        %mul3A_903 = arith.mulf %mul3A_688, %get3A_902 : vector<16xf32>
        %add3A_904 = arith.addf %get3A_900, %mul3A_903 : vector<16xf32>
        %mul3A_905 = arith.mulf %add3A_904, %div3A_682 : vector<16xf32>
        %get3A_906 = arith.constant 240 : index
        %get3A_907 = tpu.vector_load %arg15[%get3A_906] {strides = array<i32>} : memref<512xf32, #tpu.memory_space<vmem>>, vector<16xf32>,
        %select_n3A_908 = arith.select %lt3A_683, %mul3A_905, %get3A_907 : vector<16xi1>, vector<16xf32>
        %swap3A_909 = arith.constant 240 : index
        %swap3A_910 = tpu.vector_load %arg15[%swap3A_909] {strides = array<i32>} : memref<512xf32, #tpu.memory_space<vmem>>, vector<16xf32>,
        tpu.vector_store %arg15[%swap3A_909], %select_n3A_908 {strides = array<i32>} : memref<512xf32, #tpu.memory_space<vmem>>, vector<16xf32>,
        %swap3A_911 = arith.constant 240 : index
        %swap3A_912 = tpu.vector_load %arg16[%swap3A_911] {strides = array<i32>} : memref<512xf32, #tpu.memory_space<vmem>>, vector<16xf32>,
        tpu.vector_store %arg16[%swap3A_911], %broadcast_in_dim3A_1 {strides = array<i32>} : memref<512xf32, #tpu.memory_space<vmem>>, vector<16xf32>,
        %get3A_913 = arith.constant 256 : index
        %get3A_914 = tpu.vector_load %arg16[%get3A_913] {strides = array<i32>} : memref<512xf32, #tpu.memory_space<vmem>>, vector<16xf32>,
        %get3A_915 = arith.constant 256 : index
        %get3A_916 = tpu.vector_load %arg13[%get3A_915] {strides = array<i32>} : memref<512xf32, #tpu.memory_space<vmem>>, vector<16xf32>,
        %mul3A_917 = arith.mulf %mul3A_688, %get3A_916 : vector<16xf32>
        %add3A_918 = arith.addf %get3A_914, %mul3A_917 : vector<16xf32>
        %mul3A_919 = arith.mulf %add3A_918, %div3A_682 : vector<16xf32>
        %get3A_920 = arith.constant 256 : index
        %get3A_921 = tpu.vector_load %arg15[%get3A_920] {strides = array<i32>} : memref<512xf32, #tpu.memory_space<vmem>>, vector<16xf32>,
        %select_n3A_922 = arith.select %lt3A_683, %mul3A_919, %get3A_921 : vector<16xi1>, vector<16xf32>
        %swap3A_923 = arith.constant 256 : index
        %swap3A_924 = tpu.vector_load %arg15[%swap3A_923] {strides = array<i32>} : memref<512xf32, #tpu.memory_space<vmem>>, vector<16xf32>,
        tpu.vector_store %arg15[%swap3A_923], %select_n3A_922 {strides = array<i32>} : memref<512xf32, #tpu.memory_space<vmem>>, vector<16xf32>,
        %swap3A_925 = arith.constant 256 : index
        %swap3A_926 = tpu.vector_load %arg16[%swap3A_925] {strides = array<i32>} : memref<512xf32, #tpu.memory_space<vmem>>, vector<16xf32>,
        tpu.vector_store %arg16[%swap3A_925], %broadcast_in_dim3A_1 {strides = array<i32>} : memref<512xf32, #tpu.memory_space<vmem>>, vector<16xf32>,
        %get3A_927 = arith.constant 272 : index
        %get3A_928 = tpu.vector_load %arg16[%get3A_927] {strides = array<i32>} : memref<512xf32, #tpu.memory_space<vmem>>, vector<16xf32>,
        %get3A_929 = arith.constant 272 : index
        %get3A_930 = tpu.vector_load %arg13[%get3A_929] {strides = array<i32>} : memref<512xf32, #tpu.memory_space<vmem>>, vector<16xf32>,
        %mul3A_931 = arith.mulf %mul3A_688, %get3A_930 : vector<16xf32>
        %add3A_932 = arith.addf %get3A_928, %mul3A_931 : vector<16xf32>
        %mul3A_933 = arith.mulf %add3A_932, %div3A_682 : vector<16xf32>
        %get3A_934 = arith.constant 272 : index
        %get3A_935 = tpu.vector_load %arg15[%get3A_934] {strides = array<i32>} : memref<512xf32, #tpu.memory_space<vmem>>, vector<16xf32>,
        %select_n3A_936 = arith.select %lt3A_683, %mul3A_933, %get3A_935 : vector<16xi1>, vector<16xf32>
        %swap3A_937 = arith.constant 272 : index
        %swap3A_938 = tpu.vector_load %arg15[%swap3A_937] {strides = array<i32>} : memref<512xf32, #tpu.memory_space<vmem>>, vector<16xf32>,
        tpu.vector_store %arg15[%swap3A_937], %select_n3A_936 {strides = array<i32>} : memref<512xf32, #tpu.memory_space<vmem>>, vector<16xf32>,
        %swap3A_939 = arith.constant 272 : index
        %swap3A_940 = tpu.vector_load %arg16[%swap3A_939] {strides = array<i32>} : memref<512xf32, #tpu.memory_space<vmem>>, vector<16xf32>,
        tpu.vector_store %arg16[%swap3A_939], %broadcast_in_dim3A_1 {strides = array<i32>} : memref<512xf32, #tpu.memory_space<vmem>>, vector<16xf32>,
        %get3A_941 = arith.constant 288 : index
        %get3A_942 = tpu.vector_load %arg16[%get3A_941] {strides = array<i32>} : memref<512xf32, #tpu.memory_space<vmem>>, vector<16xf32>,
        %get3A_943 = arith.constant 288 : index
        %get3A_944 = tpu.vector_load %arg13[%get3A_943] {strides = array<i32>} : memref<512xf32, #tpu.memory_space<vmem>>, vector<16xf32>,
        %mul3A_945 = arith.mulf %mul3A_688, %get3A_944 : vector<16xf32>
        %add3A_946 = arith.addf %get3A_942, %mul3A_945 : vector<16xf32>
        %mul3A_947 = arith.mulf %add3A_946, %div3A_682 : vector<16xf32>
        %get3A_948 = arith.constant 288 : index
        %get3A_949 = tpu.vector_load %arg15[%get3A_948] {strides = array<i32>} : memref<512xf32, #tpu.memory_space<vmem>>, vector<16xf32>,
        %select_n3A_950 = arith.select %lt3A_683, %mul3A_947, %get3A_949 : vector<16xi1>, vector<16xf32>
        %swap3A_951 = arith.constant 288 : index
        %swap3A_952 = tpu.vector_load %arg15[%swap3A_951] {strides = array<i32>} : memref<512xf32, #tpu.memory_space<vmem>>, vector<16xf32>,
        tpu.vector_store %arg15[%swap3A_951], %select_n3A_950 {strides = array<i32>} : memref<512xf32, #tpu.memory_space<vmem>>, vector<16xf32>,
        %swap3A_953 = arith.constant 288 : index
        %swap3A_954 = tpu.vector_load %arg16[%swap3A_953] {strides = array<i32>} : memref<512xf32, #tpu.memory_space<vmem>>, vector<16xf32>,
        tpu.vector_store %arg16[%swap3A_953], %broadcast_in_dim3A_1 {strides = array<i32>} : memref<512xf32, #tpu.memory_space<vmem>>, vector<16xf32>,
        %get3A_955 = arith.constant 304 : index
        %get3A_956 = tpu.vector_load %arg16[%get3A_955] {strides = array<i32>} : memref<512xf32, #tpu.memory_space<vmem>>, vector<16xf32>,
        %get3A_957 = arith.constant 304 : index
        %get3A_958 = tpu.vector_load %arg13[%get3A_957] {strides = array<i32>} : memref<512xf32, #tpu.memory_space<vmem>>, vector<16xf32>,
        %mul3A_959 = arith.mulf %mul3A_688, %get3A_958 : vector<16xf32>
        %add3A_960 = arith.addf %get3A_956, %mul3A_959 : vector<16xf32>
        %mul3A_961 = arith.mulf %add3A_960, %div3A_682 : vector<16xf32>
        %get3A_962 = arith.constant 304 : index
        %get3A_963 = tpu.vector_load %arg15[%get3A_962] {strides = array<i32>} : memref<512xf32, #tpu.memory_space<vmem>>, vector<16xf32>,
        %select_n3A_964 = arith.select %lt3A_683, %mul3A_961, %get3A_963 : vector<16xi1>, vector<16xf32>
        %swap3A_965 = arith.constant 304 : index
        %swap3A_966 = tpu.vector_load %arg15[%swap3A_965] {strides = array<i32>} : memref<512xf32, #tpu.memory_space<vmem>>, vector<16xf32>,
        tpu.vector_store %arg15[%swap3A_965], %select_n3A_964 {strides = array<i32>} : memref<512xf32, #tpu.memory_space<vmem>>, vector<16xf32>,
        %swap3A_967 = arith.constant 304 : index
        %swap3A_968 = tpu.vector_load %arg16[%swap3A_967] {strides = array<i32>} : memref<512xf32, #tpu.memory_space<vmem>>, vector<16xf32>,
        tpu.vector_store %arg16[%swap3A_967], %broadcast_in_dim3A_1 {strides = array<i32>} : memref<512xf32, #tpu.memory_space<vmem>>, vector<16xf32>,
        %get3A_969 = arith.constant 320 : index
        %get3A_970 = tpu.vector_load %arg16[%get3A_969] {strides = array<i32>} : memref<512xf32, #tpu.memory_space<vmem>>, vector<16xf32>,
        %get3A_971 = arith.constant 320 : index
        %get3A_972 = tpu.vector_load %arg13[%get3A_971] {strides = array<i32>} : memref<512xf32, #tpu.memory_space<vmem>>, vector<16xf32>,
        %mul3A_973 = arith.mulf %mul3A_688, %get3A_972 : vector<16xf32>
        %add3A_974 = arith.addf %get3A_970, %mul3A_973 : vector<16xf32>
        %mul3A_975 = arith.mulf %add3A_974, %div3A_682 : vector<16xf32>
        %get3A_976 = arith.constant 320 : index
        %get3A_977 = tpu.vector_load %arg15[%get3A_976] {strides = array<i32>} : memref<512xf32, #tpu.memory_space<vmem>>, vector<16xf32>,
        %select_n3A_978 = arith.select %lt3A_683, %mul3A_975, %get3A_977 : vector<16xi1>, vector<16xf32>
        %swap3A_979 = arith.constant 320 : index
        %swap3A_980 = tpu.vector_load %arg15[%swap3A_979] {strides = array<i32>} : memref<512xf32, #tpu.memory_space<vmem>>, vector<16xf32>,
        tpu.vector_store %arg15[%swap3A_979], %select_n3A_978 {strides = array<i32>} : memref<512xf32, #tpu.memory_space<vmem>>, vector<16xf32>,
        %swap3A_981 = arith.constant 320 : index
        %swap3A_982 = tpu.vector_load %arg16[%swap3A_981] {strides = array<i32>} : memref<512xf32, #tpu.memory_space<vmem>>, vector<16xf32>,
        tpu.vector_store %arg16[%swap3A_981], %broadcast_in_dim3A_1 {strides = array<i32>} : memref<512xf32, #tpu.memory_space<vmem>>, vector<16xf32>,
        %get3A_983 = arith.constant 336 : index
        %get3A_984 = tpu.vector_load %arg16[%get3A_983] {strides = array<i32>} : memref<512xf32, #tpu.memory_space<vmem>>, vector<16xf32>,
        %get3A_985 = arith.constant 336 : index
        %get3A_986 = tpu.vector_load %arg13[%get3A_985] {strides = array<i32>} : memref<512xf32, #tpu.memory_space<vmem>>, vector<16xf32>,
        %mul3A_987 = arith.mulf %mul3A_688, %get3A_986 : vector<16xf32>
        %add3A_988 = arith.addf %get3A_984, %mul3A_987 : vector<16xf32>
        %mul3A_989 = arith.mulf %add3A_988, %div3A_682 : vector<16xf32>
        %get3A_990 = arith.constant 336 : index
        %get3A_991 = tpu.vector_load %arg15[%get3A_990] {strides = array<i32>} : memref<512xf32, #tpu.memory_space<vmem>>, vector<16xf32>,
        %select_n3A_992 = arith.select %lt3A_683, %mul3A_989, %get3A_991 : vector<16xi1>, vector<16xf32>
        %swap3A_993 = arith.constant 336 : index
        %swap3A_994 = tpu.vector_load %arg15[%swap3A_993] {strides = array<i32>} : memref<512xf32, #tpu.memory_space<vmem>>, vector<16xf32>,
        tpu.vector_store %arg15[%swap3A_993], %select_n3A_992 {strides = array<i32>} : memref<512xf32, #tpu.memory_space<vmem>>, vector<16xf32>,
        %swap3A_995 = arith.constant 336 : index
        %swap3A_996 = tpu.vector_load %arg16[%swap3A_995] {strides = array<i32>} : memref<512xf32, #tpu.memory_space<vmem>>, vector<16xf32>,
        tpu.vector_store %arg16[%swap3A_995], %broadcast_in_dim3A_1 {strides = array<i32>} : memref<512xf32, #tpu.memory_space<vmem>>, vector<16xf32>,
        %get3A_997 = arith.constant 352 : index
        %get3A_998 = tpu.vector_load %arg16[%get3A_997] {strides = array<i32>} : memref<512xf32, #tpu.memory_space<vmem>>, vector<16xf32>,
        %get3A_999 = arith.constant 352 : index
        %get3A_1000 = tpu.vector_load %arg13[%get3A_999] {strides = array<i32>} : memref<512xf32, #tpu.memory_space<vmem>>, vector<16xf32>,
        %mul3A_1001 = arith.mulf %mul3A_688, %get3A_1000 : vector<16xf32>
        %add3A_1002 = arith.addf %get3A_998, %mul3A_1001 : vector<16xf32>
        %mul3A_1003 = arith.mulf %add3A_1002, %div3A_682 : vector<16xf32>
        %get3A_1004 = arith.constant 352 : index
        %get3A_1005 = tpu.vector_load %arg15[%get3A_1004] {strides = array<i32>} : memref<512xf32, #tpu.memory_space<vmem>>, vector<16xf32>,
        %select_n3A_1006 = arith.select %lt3A_683, %mul3A_1003, %get3A_1005 : vector<16xi1>, vector<16xf32>
        %swap3A_1007 = arith.constant 352 : index
        %swap3A_1008 = tpu.vector_load %arg15[%swap3A_1007] {strides = array<i32>} : memref<512xf32, #tpu.memory_space<vmem>>, vector<16xf32>,
        tpu.vector_store %arg15[%swap3A_1007], %select_n3A_1006 {strides = array<i32>} : memref<512xf32, #tpu.memory_space<vmem>>, vector<16xf32>,
        %swap3A_1009 = arith.constant 352 : index
        %swap3A_1010 = tpu.vector_load %arg16[%swap3A_1009] {strides = array<i32>} : memref<512xf32, #tpu.memory_space<vmem>>, vector<16xf32>,
        tpu.vector_store %arg16[%swap3A_1009], %broadcast_in_dim3A_1 {strides = array<i32>} : memref<512xf32, #tpu.memory_space<vmem>>, vector<16xf32>,
        %get3A_1011 = arith.constant 368 : index
        %get3A_1012 = tpu.vector_load %arg16[%get3A_1011] {strides = array<i32>} : memref<512xf32, #tpu.memory_space<vmem>>, vector<16xf32>,
        %get3A_1013 = arith.constant 368 : index
        %get3A_1014 = tpu.vector_load %arg13[%get3A_1013] {strides = array<i32>} : memref<512xf32, #tpu.memory_space<vmem>>, vector<16xf32>,
        %mul3A_1015 = arith.mulf %mul3A_688, %get3A_1014 : vector<16xf32>
        %add3A_1016 = arith.addf %get3A_1012, %mul3A_1015 : vector<16xf32>
        %mul3A_1017 = arith.mulf %add3A_1016, %div3A_682 : vector<16xf32>
        %get3A_1018 = arith.constant 368 : index
        %get3A_1019 = tpu.vector_load %arg15[%get3A_1018] {strides = array<i32>} : memref<512xf32, #tpu.memory_space<vmem>>, vector<16xf32>,
        %select_n3A_1020 = arith.select %lt3A_683, %mul3A_1017, %get3A_1019 : vector<16xi1>, vector<16xf32>
        %swap3A_1021 = arith.constant 368 : index
        %swap3A_1022 = tpu.vector_load %arg15[%swap3A_1021] {strides = array<i32>} : memref<512xf32, #tpu.memory_space<vmem>>, vector<16xf32>,
        tpu.vector_store %arg15[%swap3A_1021], %select_n3A_1020 {strides = array<i32>} : memref<512xf32, #tpu.memory_space<vmem>>, vector<16xf32>,
        %swap3A_1023 = arith.constant 368 : index
        %swap3A_1024 = tpu.vector_load %arg16[%swap3A_1023] {strides = array<i32>} : memref<512xf32, #tpu.memory_space<vmem>>, vector<16xf32>,
        tpu.vector_store %arg16[%swap3A_1023], %broadcast_in_dim3A_1 {strides = array<i32>} : memref<512xf32, #tpu.memory_space<vmem>>, vector<16xf32>,
        %get3A_1025 = arith.constant 384 : index
        %get3A_1026 = tpu.vector_load %arg16[%get3A_1025] {strides = array<i32>} : memref<512xf32, #tpu.memory_space<vmem>>, vector<16xf32>,
        %get3A_1027 = arith.constant 384 : index
        %get3A_1028 = tpu.vector_load %arg13[%get3A_1027] {strides = array<i32>} : memref<512xf32, #tpu.memory_space<vmem>>, vector<16xf32>,
        %mul3A_1029 = arith.mulf %mul3A_688, %get3A_1028 : vector<16xf32>
        %add3A_1030 = arith.addf %get3A_1026, %mul3A_1029 : vector<16xf32>
        %mul3A_1031 = arith.mulf %add3A_1030, %div3A_682 : vector<16xf32>
        %get3A_1032 = arith.constant 384 : index
        %get3A_1033 = tpu.vector_load %arg15[%get3A_1032] {strides = array<i32>} : memref<512xf32, #tpu.memory_space<vmem>>, vector<16xf32>,
        %select_n3A_1034 = arith.select %lt3A_683, %mul3A_1031, %get3A_1033 : vector<16xi1>, vector<16xf32>
        %swap3A_1035 = arith.constant 384 : index
        %swap3A_1036 = tpu.vector_load %arg15[%swap3A_1035] {strides = array<i32>} : memref<512xf32, #tpu.memory_space<vmem>>, vector<16xf32>,
        tpu.vector_store %arg15[%swap3A_1035], %select_n3A_1034 {strides = array<i32>} : memref<512xf32, #tpu.memory_space<vmem>>, vector<16xf32>,
        %swap3A_1037 = arith.constant 384 : index
        %swap3A_1038 = tpu.vector_load %arg16[%swap3A_1037] {strides = array<i32>} : memref<512xf32, #tpu.memory_space<vmem>>, vector<16xf32>,
        tpu.vector_store %arg16[%swap3A_1037], %broadcast_in_dim3A_1 {strides = array<i32>} : memref<512xf32, #tpu.memory_space<vmem>>, vector<16xf32>,
        %get3A_1039 = arith.constant 400 : index
        %get3A_1040 = tpu.vector_load %arg16[%get3A_1039] {strides = array<i32>} : memref<512xf32, #tpu.memory_space<vmem>>, vector<16xf32>,
        %get3A_1041 = arith.constant 400 : index
        %get3A_1042 = tpu.vector_load %arg13[%get3A_1041] {strides = array<i32>} : memref<512xf32, #tpu.memory_space<vmem>>, vector<16xf32>,
        %mul3A_1043 = arith.mulf %mul3A_688, %get3A_1042 : vector<16xf32>
        %add3A_1044 = arith.addf %get3A_1040, %mul3A_1043 : vector<16xf32>
        %mul3A_1045 = arith.mulf %add3A_1044, %div3A_682 : vector<16xf32>
        %get3A_1046 = arith.constant 400 : index
        %get3A_1047 = tpu.vector_load %arg15[%get3A_1046] {strides = array<i32>} : memref<512xf32, #tpu.memory_space<vmem>>, vector<16xf32>,
        %select_n3A_1048 = arith.select %lt3A_683, %mul3A_1045, %get3A_1047 : vector<16xi1>, vector<16xf32>
        %swap3A_1049 = arith.constant 400 : index
        %swap3A_1050 = tpu.vector_load %arg15[%swap3A_1049] {strides = array<i32>} : memref<512xf32, #tpu.memory_space<vmem>>, vector<16xf32>,
        tpu.vector_store %arg15[%swap3A_1049], %select_n3A_1048 {strides = array<i32>} : memref<512xf32, #tpu.memory_space<vmem>>, vector<16xf32>,
        %swap3A_1051 = arith.constant 400 : index
        %swap3A_1052 = tpu.vector_load %arg16[%swap3A_1051] {strides = array<i32>} : memref<512xf32, #tpu.memory_space<vmem>>, vector<16xf32>,
        tpu.vector_store %arg16[%swap3A_1051], %broadcast_in_dim3A_1 {strides = array<i32>} : memref<512xf32, #tpu.memory_space<vmem>>, vector<16xf32>,
        %get3A_1053 = arith.constant 416 : index
        %get3A_1054 = tpu.vector_load %arg16[%get3A_1053] {strides = array<i32>} : memref<512xf32, #tpu.memory_space<vmem>>, vector<16xf32>,
        %get3A_1055 = arith.constant 416 : index
        %get3A_1056 = tpu.vector_load %arg13[%get3A_1055] {strides = array<i32>} : memref<512xf32, #tpu.memory_space<vmem>>, vector<16xf32>,
        %mul3A_1057 = arith.mulf %mul3A_688, %get3A_1056 : vector<16xf32>
        %add3A_1058 = arith.addf %get3A_1054, %mul3A_1057 : vector<16xf32>
        %mul3A_1059 = arith.mulf %add3A_1058, %div3A_682 : vector<16xf32>
        %get3A_1060 = arith.constant 416 : index
        %get3A_1061 = tpu.vector_load %arg15[%get3A_1060] {strides = array<i32>} : memref<512xf32, #tpu.memory_space<vmem>>, vector<16xf32>,
        %select_n3A_1062 = arith.select %lt3A_683, %mul3A_1059, %get3A_1061 : vector<16xi1>, vector<16xf32>
        %swap3A_1063 = arith.constant 416 : index
        %swap3A_1064 = tpu.vector_load %arg15[%swap3A_1063] {strides = array<i32>} : memref<512xf32, #tpu.memory_space<vmem>>, vector<16xf32>,
        tpu.vector_store %arg15[%swap3A_1063], %select_n3A_1062 {strides = array<i32>} : memref<512xf32, #tpu.memory_space<vmem>>, vector<16xf32>,
        %swap3A_1065 = arith.constant 416 : index
        %swap3A_1066 = tpu.vector_load %arg16[%swap3A_1065] {strides = array<i32>} : memref<512xf32, #tpu.memory_space<vmem>>, vector<16xf32>,
        tpu.vector_store %arg16[%swap3A_1065], %broadcast_in_dim3A_1 {strides = array<i32>} : memref<512xf32, #tpu.memory_space<vmem>>, vector<16xf32>,
        %get3A_1067 = arith.constant 432 : index
        %get3A_1068 = tpu.vector_load %arg16[%get3A_1067] {strides = array<i32>} : memref<512xf32, #tpu.memory_space<vmem>>, vector<16xf32>,
        %get3A_1069 = arith.constant 432 : index
        %get3A_1070 = tpu.vector_load %arg13[%get3A_1069] {strides = array<i32>} : memref<512xf32, #tpu.memory_space<vmem>>, vector<16xf32>,
        %mul3A_1071 = arith.mulf %mul3A_688, %get3A_1070 : vector<16xf32>
        %add3A_1072 = arith.addf %get3A_1068, %mul3A_1071 : vector<16xf32>
        %mul3A_1073 = arith.mulf %add3A_1072, %div3A_682 : vector<16xf32>
        %get3A_1074 = arith.constant 432 : index
        %get3A_1075 = tpu.vector_load %arg15[%get3A_1074] {strides = array<i32>} : memref<512xf32, #tpu.memory_space<vmem>>, vector<16xf32>,
        %select_n3A_1076 = arith.select %lt3A_683, %mul3A_1073, %get3A_1075 : vector<16xi1>, vector<16xf32>
        %swap3A_1077 = arith.constant 432 : index
        %swap3A_1078 = tpu.vector_load %arg15[%swap3A_1077] {strides = array<i32>} : memref<512xf32, #tpu.memory_space<vmem>>, vector<16xf32>,
        tpu.vector_store %arg15[%swap3A_1077], %select_n3A_1076 {strides = array<i32>} : memref<512xf32, #tpu.memory_space<vmem>>, vector<16xf32>,
        %swap3A_1079 = arith.constant 432 : index
        %swap3A_1080 = tpu.vector_load %arg16[%swap3A_1079] {strides = array<i32>} : memref<512xf32, #tpu.memory_space<vmem>>, vector<16xf32>,
        tpu.vector_store %arg16[%swap3A_1079], %broadcast_in_dim3A_1 {strides = array<i32>} : memref<512xf32, #tpu.memory_space<vmem>>, vector<16xf32>,
        %get3A_1081 = arith.constant 448 : index
        %get3A_1082 = tpu.vector_load %arg16[%get3A_1081] {strides = array<i32>} : memref<512xf32, #tpu.memory_space<vmem>>, vector<16xf32>,
        %get3A_1083 = arith.constant 448 : index
        %get3A_1084 = tpu.vector_load %arg13[%get3A_1083] {strides = array<i32>} : memref<512xf32, #tpu.memory_space<vmem>>, vector<16xf32>,
        %mul3A_1085 = arith.mulf %mul3A_688, %get3A_1084 : vector<16xf32>
        %add3A_1086 = arith.addf %get3A_1082, %mul3A_1085 : vector<16xf32>
        %mul3A_1087 = arith.mulf %add3A_1086, %div3A_682 : vector<16xf32>
        %get3A_1088 = arith.constant 448 : index
        %get3A_1089 = tpu.vector_load %arg15[%get3A_1088] {strides = array<i32>} : memref<512xf32, #tpu.memory_space<vmem>>, vector<16xf32>,
        %select_n3A_1090 = arith.select %lt3A_683, %mul3A_1087, %get3A_1089 : vector<16xi1>, vector<16xf32>
        %swap3A_1091 = arith.constant 448 : index
        %swap3A_1092 = tpu.vector_load %arg15[%swap3A_1091] {strides = array<i32>} : memref<512xf32, #tpu.memory_space<vmem>>, vector<16xf32>,
        tpu.vector_store %arg15[%swap3A_1091], %select_n3A_1090 {strides = array<i32>} : memref<512xf32, #tpu.memory_space<vmem>>, vector<16xf32>,
        %swap3A_1093 = arith.constant 448 : index
        %swap3A_1094 = tpu.vector_load %arg16[%swap3A_1093] {strides = array<i32>} : memref<512xf32, #tpu.memory_space<vmem>>, vector<16xf32>,
        tpu.vector_store %arg16[%swap3A_1093], %broadcast_in_dim3A_1 {strides = array<i32>} : memref<512xf32, #tpu.memory_space<vmem>>, vector<16xf32>,
        %get3A_1095 = arith.constant 464 : index
        %get3A_1096 = tpu.vector_load %arg16[%get3A_1095] {strides = array<i32>} : memref<512xf32, #tpu.memory_space<vmem>>, vector<16xf32>,
        %get3A_1097 = arith.constant 464 : index
        %get3A_1098 = tpu.vector_load %arg13[%get3A_1097] {strides = array<i32>} : memref<512xf32, #tpu.memory_space<vmem>>, vector<16xf32>,
        %mul3A_1099 = arith.mulf %mul3A_688, %get3A_1098 : vector<16xf32>
        %add3A_1100 = arith.addf %get3A_1096, %mul3A_1099 : vector<16xf32>
        %mul3A_1101 = arith.mulf %add3A_1100, %div3A_682 : vector<16xf32>
        %get3A_1102 = arith.constant 464 : index
        %get3A_1103 = tpu.vector_load %arg15[%get3A_1102] {strides = array<i32>} : memref<512xf32, #tpu.memory_space<vmem>>, vector<16xf32>,
        %select_n3A_1104 = arith.select %lt3A_683, %mul3A_1101, %get3A_1103 : vector<16xi1>, vector<16xf32>
        %swap3A_1105 = arith.constant 464 : index
        %swap3A_1106 = tpu.vector_load %arg15[%swap3A_1105] {strides = array<i32>} : memref<512xf32, #tpu.memory_space<vmem>>, vector<16xf32>,
        tpu.vector_store %arg15[%swap3A_1105], %select_n3A_1104 {strides = array<i32>} : memref<512xf32, #tpu.memory_space<vmem>>, vector<16xf32>,
        %swap3A_1107 = arith.constant 464 : index
        %swap3A_1108 = tpu.vector_load %arg16[%swap3A_1107] {strides = array<i32>} : memref<512xf32, #tpu.memory_space<vmem>>, vector<16xf32>,
        tpu.vector_store %arg16[%swap3A_1107], %broadcast_in_dim3A_1 {strides = array<i32>} : memref<512xf32, #tpu.memory_space<vmem>>, vector<16xf32>,
        %get3A_1109 = arith.constant 480 : index
        %get3A_1110 = tpu.vector_load %arg16[%get3A_1109] {strides = array<i32>} : memref<512xf32, #tpu.memory_space<vmem>>, vector<16xf32>,
        %get3A_1111 = arith.constant 480 : index
        %get3A_1112 = tpu.vector_load %arg13[%get3A_1111] {strides = array<i32>} : memref<512xf32, #tpu.memory_space<vmem>>, vector<16xf32>,
        %mul3A_1113 = arith.mulf %mul3A_688, %get3A_1112 : vector<16xf32>
        %add3A_1114 = arith.addf %get3A_1110, %mul3A_1113 : vector<16xf32>
        %mul3A_1115 = arith.mulf %add3A_1114, %div3A_682 : vector<16xf32>
        %get3A_1116 = arith.constant 480 : index
        %get3A_1117 = tpu.vector_load %arg15[%get3A_1116] {strides = array<i32>} : memref<512xf32, #tpu.memory_space<vmem>>, vector<16xf32>,
        %select_n3A_1118 = arith.select %lt3A_683, %mul3A_1115, %get3A_1117 : vector<16xi1>, vector<16xf32>
        %swap3A_1119 = arith.constant 480 : index
        %swap3A_1120 = tpu.vector_load %arg15[%swap3A_1119] {strides = array<i32>} : memref<512xf32, #tpu.memory_space<vmem>>, vector<16xf32>,
        tpu.vector_store %arg15[%swap3A_1119], %select_n3A_1118 {strides = array<i32>} : memref<512xf32, #tpu.memory_space<vmem>>, vector<16xf32>,
        %swap3A_1121 = arith.constant 480 : index
        %swap3A_1122 = tpu.vector_load %arg16[%swap3A_1121] {strides = array<i32>} : memref<512xf32, #tpu.memory_space<vmem>>, vector<16xf32>,
        tpu.vector_store %arg16[%swap3A_1121], %broadcast_in_dim3A_1 {strides = array<i32>} : memref<512xf32, #tpu.memory_space<vmem>>, vector<16xf32>,
        %get3A_1123 = arith.constant 496 : index
        %get3A_1124 = tpu.vector_load %arg16[%get3A_1123] {strides = array<i32>} : memref<512xf32, #tpu.memory_space<vmem>>, vector<16xf32>,
        %get3A_1125 = arith.constant 496 : index
        %get3A_1126 = tpu.vector_load %arg13[%get3A_1125] {strides = array<i32>} : memref<512xf32, #tpu.memory_space<vmem>>, vector<16xf32>,
        %mul3A_1127 = arith.mulf %mul3A_688, %get3A_1126 : vector<16xf32>
        %add3A_1128 = arith.addf %get3A_1124, %mul3A_1127 : vector<16xf32>
        %mul3A_1129 = arith.mulf %add3A_1128, %div3A_682 : vector<16xf32>
        %get3A_1130 = arith.constant 496 : index
        %get3A_1131 = tpu.vector_load %arg15[%get3A_1130] {strides = array<i32>} : memref<512xf32, #tpu.memory_space<vmem>>, vector<16xf32>,
        %select_n3A_1132 = arith.select %lt3A_683, %mul3A_1129, %get3A_1131 : vector<16xi1>, vector<16xf32>
        %swap3A_1133 = arith.constant 496 : index
        %swap3A_1134 = tpu.vector_load %arg15[%swap3A_1133] {strides = array<i32>} : memref<512xf32, #tpu.memory_space<vmem>>, vector<16xf32>,
        tpu.vector_store %arg15[%swap3A_1133], %select_n3A_1132 {strides = array<i32>} : memref<512xf32, #tpu.memory_space<vmem>>, vector<16xf32>,
        %swap3A_1135 = arith.constant 496 : index
        %swap3A_1136 = tpu.vector_load %arg16[%swap3A_1135] {strides = array<i32>} : memref<512xf32, #tpu.memory_space<vmem>>, vector<16xf32>,
        tpu.vector_store %arg16[%swap3A_1135], %broadcast_in_dim3A_1 {strides = array<i32>} : memref<512xf32, #tpu.memory_space<vmem>>, vector<16xf32>,
        %scan3A_1137 = arith.constant 0 : i32
        scf.yield %scan3A_1137 : i32
      }
      %scan3A_509 = arith.constant 64 : i32
      %lt3A = arith.constant 15 : i32
      %lt3A_510 = arith.cmpi slt, %scan3A_476, %lt3A : i32
      %convert_element_type3A = arith.extui %lt3A_510 : i1 to i32
      %cond3A = arith.constant 0 : i32
      %cond3A_511 = arith.cmpi ne, %convert_element_type3A, %cond3A : i32
      scf.if %cond3A_511 {
        %mul3A_534 = arith.constant 2 : i32
        %mul3A_535 = arith.muli %mul3A_534, %scan3A_476 : i32
        %add3A_536 = arith.constant 2 : i32
        %add3A_537 = arith.addi %mul3A_535, %add3A_536 : i32
        %mul3A_538 = arith.constant 8192 : i32
        %mul3A_539 = arith.muli %add3A_537, %mul3A_538 : i32
        %dma_start3A_540 = arith.constant 0 : i32
        %dma_start3A_541 = tpu.memref_slice %arg10[%dma_start3A_540] : memref<16384xf32, #tpu.memory_space<vmem>> -> memref<8192xf32, #tpu.memory_space<vmem>>
        %dma_start3A_542 = tpu.memref_slice %arg2[%arg1, %mul3A_539] : memref<16x262144xf32, #tpu.memory_space<hbm>> -> memref<1x8192xf32, #tpu.memory_space<hbm>>
        %dma_start3A_543 = tpu.memref_squeeze %dma_start3A_542 : memref<1x8192xf32, #tpu.memory_space<hbm>> -> memref<8192xf32, #tpu.memory_space<hbm>>
        %dma_start3A_544 = arith.constant 0 : i32
        %dma_start3A_545 = tpu.memref_slice %arg10[%dma_start3A_544] : memref<16384xf32, #tpu.memory_space<vmem>> -> memref<8192xf32, #tpu.memory_space<vmem>>
        %dma_start3A_546 = tpu.memref_slice %arg2[%arg1, %mul3A_539] : memref<16x262144xf32, #tpu.memory_space<hbm>> -> memref<1x8192xf32, #tpu.memory_space<hbm>>
        %dma_start3A_547 = tpu.memref_squeeze %dma_start3A_546 : memref<1x8192xf32, #tpu.memory_space<hbm>> -> memref<8192xf32, #tpu.memory_space<hbm>>
        tpu.enqueue_dma source(%dma_start3A_547 : memref<8192xf32, #tpu.memory_space<hbm>>) target(%dma_start3A_545 : memref<8192xf32, #tpu.memory_space<vmem>>) target_semaphore(%arg20 : memref<!tpu.dma_semaphore, #tpu.memory_space<semaphore_mem>>)
      } else {
      }
      %dma_wait3A_512 = arith.constant 8192 : i32
      %dma_wait3A_513 = tpu.memref_slice %arg10[%dma_wait3A_512] : memref<16384xf32, #tpu.memory_space<vmem>> -> memref<8192xf32, #tpu.memory_space<vmem>>
      %dma_wait3A_514 = arith.constant 0 : i32
      %dma_wait3A_515 = tpu.memref_slice %arg2[%arg1, %dma_wait3A_514] : memref<16x262144xf32, #tpu.memory_space<hbm>> -> memref<1x8192xf32, #tpu.memory_space<hbm>>
      %dma_wait3A_516 = tpu.memref_squeeze %dma_wait3A_515 : memref<1x8192xf32, #tpu.memory_space<hbm>> -> memref<8192xf32, #tpu.memory_space<hbm>>
      %dma_wait3A_517 = arith.constant 8192 : i32
      %dma_wait3A_518 = tpu.memref_slice %arg10[%dma_wait3A_517] : memref<16384xf32, #tpu.memory_space<vmem>> -> memref<8192xf32, #tpu.memory_space<vmem>>
      %dma_wait3A_519 = arith.constant 0 : i32
      %dma_wait3A_520 = tpu.memref_slice %arg2[%arg1, %dma_wait3A_519] : memref<16x262144xf32, #tpu.memory_space<hbm>> -> memref<1x8192xf32, #tpu.memory_space<hbm>>
      %dma_wait3A_521 = tpu.memref_squeeze %dma_wait3A_520 : memref<1x8192xf32, #tpu.memory_space<hbm>> -> memref<8192xf32, #tpu.memory_space<hbm>>
      tpu.wait_dma2 semaphore(%arg21 : memref<!tpu.dma_semaphore, #tpu.memory_space<semaphore_mem>>) src(%dma_wait3A_521 : memref<8192xf32, #tpu.memory_space<hbm>>) dst(%dma_wait3A_518 : memref<8192xf32, #tpu.memory_space<vmem>>)
      %mul3A_522 = arith.constant 2 : i32
      %mul3A_523 = arith.muli %mul3A_522, %scan3A_476 : i32
      %add3A_524 = arith.constant 1 : i32
      %add3A_525 = arith.addi %mul3A_523, %add3A_524 : i32
      %scan3A_526 = arith.constant 0 : i32
      %scan3A_527 = arith.constant 0 : i32
      %scan3A_528 = arith.constant 64 : i32
      %scan3A_529 = arith.addi %scan3A_527, %scan3A_528 : i32
      %scan3A_530 = arith.constant 1 : i32
      %scan3A_531 = scf.for %scan3A_534 = %scan3A_527 to %scan3A_529 step %scan3A_530 iter_args(%scan3A_535 = %scan3A_526) -> (i32)  : i32 {
        %add3A_536 = arith.constant 64 : i32
        %add3A_537 = arith.addi %add3A_536, %scan3A_534 : i32
        %mul3A_538 = arith.constant 128 : i32
        %mul3A_539 = arith.muli %add3A_537, %mul3A_538 : i32
        %broadcast_in_dim3A_540 = vector.broadcast %mul3A_539 : i32 to vector<16xi32>
        %parallel_loop3A = arith.constant 0 : i32
        %parallel_loop3A_541 = arith.constant 8192 : i32
        %parallel_loop3A_542 = arith.constant 16 : i32
        scf.for %parallel_loop3A_1138 = %parallel_loop3A to %parallel_loop3A_541 step %parallel_loop3A_542  : i32 {
          %parallel_loop3A_1139 = arith.index_cast %parallel_loop3A_1138 : i32 to index
          %parallel_loop3A_1140 = tpu.vector_load %arg11[%parallel_loop3A_1139] {strides = array<i32>} : memref<8192xi32, #tpu.memory_space<vmem>>, vector<16xi32>,
          %parallel_loop3A_1141 = arith.constant 511 : i32
          %parallel_loop3A_1142 = vector.broadcast %parallel_loop3A_1141 : i32 to vector<16xi32>
          %parallel_loop3A_1143 = arith.andi %parallel_loop3A_1140, %parallel_loop3A_1142 : vector<16xi32>
          %parallel_loop3A_1144 = arith.constant 9 : i32
          %parallel_loop3A_1145 = vector.broadcast %parallel_loop3A_1144 : i32 to vector<16xi32>
          %parallel_loop3A_1146 = arith.shrui %parallel_loop3A_1140, %parallel_loop3A_1145 : vector<16xi32>
          %parallel_loop3A_1147 = arith.constant 511 : i32
          %parallel_loop3A_1148 = vector.broadcast %parallel_loop3A_1147 : i32 to vector<16xi32>
          %parallel_loop3A_1149 = arith.andi %parallel_loop3A_1146, %parallel_loop3A_1148 : vector<16xi32>
          %parallel_loop3A_1150 = arith.constant 18 : i32
          %parallel_loop3A_1151 = vector.broadcast %parallel_loop3A_1150 : i32 to vector<16xi32>
          %parallel_loop3A_1152 = arith.shrui %parallel_loop3A_1140, %parallel_loop3A_1151 : vector<16xi32>
          %parallel_loop3A_1153 = tpu.vector_load_idx %arg15[%parallel_loop3A_1143] : memref<512xf32, #tpu.memory_space<vmem>>[vector<16xi32>], vector<16xf32>,
          %parallel_loop3A_1154 = arith.addi %broadcast_in_dim3A_540, %parallel_loop3A_1152 : vector<16xi32>
          %parallel_loop3A_1155 = tpu.vector_load_idx %arg10[%parallel_loop3A_1154] : memref<16384xf32, #tpu.memory_space<vmem>>[vector<16xi32>], vector<16xf32>,
          %parallel_loop3A_1156 = arith.index_cast %parallel_loop3A_1138 : i32 to index
          %parallel_loop3A_1157 = tpu.vector_load %arg12[%parallel_loop3A_1156] {strides = array<i32>} : memref<8192xf32, #tpu.memory_space<vmem>>, vector<16xf32>,
          %parallel_loop3A_1158 = arith.mulf %parallel_loop3A_1153, %parallel_loop3A_1157 : vector<16xf32>
          %parallel_loop3A_1159 = arith.mulf %parallel_loop3A_1158, %parallel_loop3A_1155 : vector<16xf32>
          tpu.vector_store_idx %arg16[%parallel_loop3A_1149], %parallel_loop3A_1159 {add = true} : memref<512xf32, #tpu.memory_space<vmem>>[vector<16xi32>], vector<16xf32>,
        } {sc.loop_unroll_factor = 8 : i64, sc.parallel_access}
        %mul3A_543 = arith.constant 64 : i32
        %mul3A_544 = arith.muli %add3A_525, %mul3A_543 : i32
        %add3A_545 = arith.addi %mul3A_544, %scan3A_534 : i32
        %broadcast_in_dim3A_546 = vector.broadcast %add3A_545 : i32 to vector<16xi32>
        %get3A_547 = arith.constant 0 : index
        %get3A_548 = tpu.vector_load %arg16[%get3A_547] {strides = array<i32>} : memref<512xf32, #tpu.memory_space<vmem>>, vector<16xf32>,
        %add3A_549 = arith.addf %broadcast_in_dim3A_1, %get3A_548 : vector<16xf32>
        %get3A_550 = arith.constant 16 : index
        %get3A_551 = tpu.vector_load %arg16[%get3A_550] {strides = array<i32>} : memref<512xf32, #tpu.memory_space<vmem>>, vector<16xf32>,
        %add3A_552 = arith.addf %broadcast_in_dim3A_1, %get3A_551 : vector<16xf32>
        %get3A_553 = arith.constant 32 : index
        %get3A_554 = tpu.vector_load %arg16[%get3A_553] {strides = array<i32>} : memref<512xf32, #tpu.memory_space<vmem>>, vector<16xf32>,
        %add3A_555 = arith.addf %broadcast_in_dim3A_1, %get3A_554 : vector<16xf32>
        %get3A_556 = arith.constant 48 : index
        %get3A_557 = tpu.vector_load %arg16[%get3A_556] {strides = array<i32>} : memref<512xf32, #tpu.memory_space<vmem>>, vector<16xf32>,
        %add3A_558 = arith.addf %broadcast_in_dim3A_1, %get3A_557 : vector<16xf32>
        %get3A_559 = arith.constant 64 : index
        %get3A_560 = tpu.vector_load %arg16[%get3A_559] {strides = array<i32>} : memref<512xf32, #tpu.memory_space<vmem>>, vector<16xf32>,
        %add3A_561 = arith.addf %add3A_549, %get3A_560 : vector<16xf32>
        %get3A_562 = arith.constant 80 : index
        %get3A_563 = tpu.vector_load %arg16[%get3A_562] {strides = array<i32>} : memref<512xf32, #tpu.memory_space<vmem>>, vector<16xf32>,
        %add3A_564 = arith.addf %add3A_552, %get3A_563 : vector<16xf32>
        %get3A_565 = arith.constant 96 : index
        %get3A_566 = tpu.vector_load %arg16[%get3A_565] {strides = array<i32>} : memref<512xf32, #tpu.memory_space<vmem>>, vector<16xf32>,
        %add3A_567 = arith.addf %add3A_555, %get3A_566 : vector<16xf32>
        %get3A_568 = arith.constant 112 : index
        %get3A_569 = tpu.vector_load %arg16[%get3A_568] {strides = array<i32>} : memref<512xf32, #tpu.memory_space<vmem>>, vector<16xf32>,
        %add3A_570 = arith.addf %add3A_558, %get3A_569 : vector<16xf32>
        %get3A_571 = arith.constant 128 : index
        %get3A_572 = tpu.vector_load %arg16[%get3A_571] {strides = array<i32>} : memref<512xf32, #tpu.memory_space<vmem>>, vector<16xf32>,
        %add3A_573 = arith.addf %add3A_561, %get3A_572 : vector<16xf32>
        %get3A_574 = arith.constant 144 : index
        %get3A_575 = tpu.vector_load %arg16[%get3A_574] {strides = array<i32>} : memref<512xf32, #tpu.memory_space<vmem>>, vector<16xf32>,
        %add3A_576 = arith.addf %add3A_564, %get3A_575 : vector<16xf32>
        %get3A_577 = arith.constant 160 : index
        %get3A_578 = tpu.vector_load %arg16[%get3A_577] {strides = array<i32>} : memref<512xf32, #tpu.memory_space<vmem>>, vector<16xf32>,
        %add3A_579 = arith.addf %add3A_567, %get3A_578 : vector<16xf32>
        %get3A_580 = arith.constant 176 : index
        %get3A_581 = tpu.vector_load %arg16[%get3A_580] {strides = array<i32>} : memref<512xf32, #tpu.memory_space<vmem>>, vector<16xf32>,
        %add3A_582 = arith.addf %add3A_570, %get3A_581 : vector<16xf32>
        %get3A_583 = arith.constant 192 : index
        %get3A_584 = tpu.vector_load %arg16[%get3A_583] {strides = array<i32>} : memref<512xf32, #tpu.memory_space<vmem>>, vector<16xf32>,
        %add3A_585 = arith.addf %add3A_573, %get3A_584 : vector<16xf32>
        %get3A_586 = arith.constant 208 : index
        %get3A_587 = tpu.vector_load %arg16[%get3A_586] {strides = array<i32>} : memref<512xf32, #tpu.memory_space<vmem>>, vector<16xf32>,
        %add3A_588 = arith.addf %add3A_576, %get3A_587 : vector<16xf32>
        %get3A_589 = arith.constant 224 : index
        %get3A_590 = tpu.vector_load %arg16[%get3A_589] {strides = array<i32>} : memref<512xf32, #tpu.memory_space<vmem>>, vector<16xf32>,
        %add3A_591 = arith.addf %add3A_579, %get3A_590 : vector<16xf32>
        %get3A_592 = arith.constant 240 : index
        %get3A_593 = tpu.vector_load %arg16[%get3A_592] {strides = array<i32>} : memref<512xf32, #tpu.memory_space<vmem>>, vector<16xf32>,
        %add3A_594 = arith.addf %add3A_582, %get3A_593 : vector<16xf32>
        %get3A_595 = arith.constant 256 : index
        %get3A_596 = tpu.vector_load %arg16[%get3A_595] {strides = array<i32>} : memref<512xf32, #tpu.memory_space<vmem>>, vector<16xf32>,
        %add3A_597 = arith.addf %add3A_585, %get3A_596 : vector<16xf32>
        %get3A_598 = arith.constant 272 : index
        %get3A_599 = tpu.vector_load %arg16[%get3A_598] {strides = array<i32>} : memref<512xf32, #tpu.memory_space<vmem>>, vector<16xf32>,
        %add3A_600 = arith.addf %add3A_588, %get3A_599 : vector<16xf32>
        %get3A_601 = arith.constant 288 : index
        %get3A_602 = tpu.vector_load %arg16[%get3A_601] {strides = array<i32>} : memref<512xf32, #tpu.memory_space<vmem>>, vector<16xf32>,
        %add3A_603 = arith.addf %add3A_591, %get3A_602 : vector<16xf32>
        %get3A_604 = arith.constant 304 : index
        %get3A_605 = tpu.vector_load %arg16[%get3A_604] {strides = array<i32>} : memref<512xf32, #tpu.memory_space<vmem>>, vector<16xf32>,
        %add3A_606 = arith.addf %add3A_594, %get3A_605 : vector<16xf32>
        %get3A_607 = arith.constant 320 : index
        %get3A_608 = tpu.vector_load %arg16[%get3A_607] {strides = array<i32>} : memref<512xf32, #tpu.memory_space<vmem>>, vector<16xf32>,
        %add3A_609 = arith.addf %add3A_597, %get3A_608 : vector<16xf32>
        %get3A_610 = arith.constant 336 : index
        %get3A_611 = tpu.vector_load %arg16[%get3A_610] {strides = array<i32>} : memref<512xf32, #tpu.memory_space<vmem>>, vector<16xf32>,
        %add3A_612 = arith.addf %add3A_600, %get3A_611 : vector<16xf32>
        %get3A_613 = arith.constant 352 : index
        %get3A_614 = tpu.vector_load %arg16[%get3A_613] {strides = array<i32>} : memref<512xf32, #tpu.memory_space<vmem>>, vector<16xf32>,
        %add3A_615 = arith.addf %add3A_603, %get3A_614 : vector<16xf32>
        %get3A_616 = arith.constant 368 : index
        %get3A_617 = tpu.vector_load %arg16[%get3A_616] {strides = array<i32>} : memref<512xf32, #tpu.memory_space<vmem>>, vector<16xf32>,
        %add3A_618 = arith.addf %add3A_606, %get3A_617 : vector<16xf32>
        %get3A_619 = arith.constant 384 : index
        %get3A_620 = tpu.vector_load %arg16[%get3A_619] {strides = array<i32>} : memref<512xf32, #tpu.memory_space<vmem>>, vector<16xf32>,
        %add3A_621 = arith.addf %add3A_609, %get3A_620 : vector<16xf32>
        %get3A_622 = arith.constant 400 : index
        %get3A_623 = tpu.vector_load %arg16[%get3A_622] {strides = array<i32>} : memref<512xf32, #tpu.memory_space<vmem>>, vector<16xf32>,
        %add3A_624 = arith.addf %add3A_612, %get3A_623 : vector<16xf32>
        %get3A_625 = arith.constant 416 : index
        %get3A_626 = tpu.vector_load %arg16[%get3A_625] {strides = array<i32>} : memref<512xf32, #tpu.memory_space<vmem>>, vector<16xf32>,
        %add3A_627 = arith.addf %add3A_615, %get3A_626 : vector<16xf32>
        %get3A_628 = arith.constant 432 : index
        %get3A_629 = tpu.vector_load %arg16[%get3A_628] {strides = array<i32>} : memref<512xf32, #tpu.memory_space<vmem>>, vector<16xf32>,
        %add3A_630 = arith.addf %add3A_618, %get3A_629 : vector<16xf32>
        %get3A_631 = arith.constant 448 : index
        %get3A_632 = tpu.vector_load %arg16[%get3A_631] {strides = array<i32>} : memref<512xf32, #tpu.memory_space<vmem>>, vector<16xf32>,
        %add3A_633 = arith.addf %add3A_621, %get3A_632 : vector<16xf32>
        %get3A_634 = arith.constant 464 : index
        %get3A_635 = tpu.vector_load %arg16[%get3A_634] {strides = array<i32>} : memref<512xf32, #tpu.memory_space<vmem>>, vector<16xf32>,
        %add3A_636 = arith.addf %add3A_624, %get3A_635 : vector<16xf32>
        %get3A_637 = arith.constant 480 : index
        %get3A_638 = tpu.vector_load %arg16[%get3A_637] {strides = array<i32>} : memref<512xf32, #tpu.memory_space<vmem>>, vector<16xf32>,
        %add3A_639 = arith.addf %add3A_627, %get3A_638 : vector<16xf32>
        %get3A_640 = arith.constant 496 : index
        %get3A_641 = tpu.vector_load %arg16[%get3A_640] {strides = array<i32>} : memref<512xf32, #tpu.memory_space<vmem>>, vector<16xf32>,
        %add3A_642 = arith.addf %add3A_630, %get3A_641 : vector<16xf32>
        %add3A_643 = arith.addf %add3A_633, %add3A_636 : vector<16xf32>
        %add3A_644 = arith.addf %add3A_639, %add3A_642 : vector<16xf32>
        %add3A_645 = arith.addf %add3A_643, %add3A_644 : vector<16xf32>
        %xor3A_646 = arith.constant 8 : i32
        %xor3A_647 = vector.broadcast %xor3A_646 : i32 to vector<16xi32>
        %xor3A_648 = arith.xori %iota3A, %xor3A_647 : vector<16xi32>
        %broadcast_in_dim3A_649 = vector.shape_cast %xor3A_648 : vector<16xi32> to vector<16x1xi32>
        %gather3A_650 = vector.shape_cast %broadcast_in_dim3A_649 : vector<16x1xi32> to vector<16xi32>
        %gather3A_651 = tpu.dynamic_gather %add3A_645[%gather3A_650] in [0] : vector<16xf32>, vector<16xi32> -> vector<16xf32>
        %add3A_652 = arith.addf %add3A_645, %gather3A_651 : vector<16xf32>
        %xor3A_653 = arith.constant 4 : i32
        %xor3A_654 = vector.broadcast %xor3A_653 : i32 to vector<16xi32>
        %xor3A_655 = arith.xori %iota3A, %xor3A_654 : vector<16xi32>
        %broadcast_in_dim3A_656 = vector.shape_cast %xor3A_655 : vector<16xi32> to vector<16x1xi32>
        %gather3A_657 = vector.shape_cast %broadcast_in_dim3A_656 : vector<16x1xi32> to vector<16xi32>
        %gather3A_658 = tpu.dynamic_gather %add3A_652[%gather3A_657] in [0] : vector<16xf32>, vector<16xi32> -> vector<16xf32>
        %add3A_659 = arith.addf %add3A_652, %gather3A_658 : vector<16xf32>
        %xor3A_660 = arith.constant 2 : i32
        %xor3A_661 = vector.broadcast %xor3A_660 : i32 to vector<16xi32>
        %xor3A_662 = arith.xori %iota3A, %xor3A_661 : vector<16xi32>
        %broadcast_in_dim3A_663 = vector.shape_cast %xor3A_662 : vector<16xi32> to vector<16x1xi32>
        %gather3A_664 = vector.shape_cast %broadcast_in_dim3A_663 : vector<16x1xi32> to vector<16xi32>
        %gather3A_665 = tpu.dynamic_gather %add3A_659[%gather3A_664] in [0] : vector<16xf32>, vector<16xi32> -> vector<16xf32>
        %add3A_666 = arith.addf %add3A_659, %gather3A_665 : vector<16xf32>
        %xor3A_667 = arith.constant 1 : i32
        %xor3A_668 = vector.broadcast %xor3A_667 : i32 to vector<16xi32>
        %xor3A_669 = arith.xori %iota3A, %xor3A_668 : vector<16xi32>
        %broadcast_in_dim3A_670 = vector.shape_cast %xor3A_669 : vector<16xi32> to vector<16x1xi32>
        %gather3A_671 = vector.shape_cast %broadcast_in_dim3A_670 : vector<16x1xi32> to vector<16xi32>
        %gather3A_672 = tpu.dynamic_gather %add3A_666[%gather3A_671] in [0] : vector<16xf32>, vector<16xi32> -> vector<16xf32>
        %add3A_673 = arith.addf %add3A_666, %gather3A_672 : vector<16xf32>
        %mul3A_674 = vector.broadcast %select_n3A_261 : f32 to vector<16xf32>
        %mul3A_675 = arith.mulf %mul3A_674, %add3A_673 : vector<16xf32>
        %mul3A_676 = arith.mulf %mul3A_675, %add3A_256 : vector<16xf32>
        %add3A_677 = arith.addf %add3A_673, %mul3A_676 : vector<16xf32>
        %add3A_678 = arith.constant 1.000000e-30 : f32
        %add3A_679 = vector.broadcast %add3A_678 : f32 to vector<16xf32>
        %add3A_680 = arith.addf %add3A_677, %add3A_679 : vector<16xf32>
        %div3A = arith.constant 1.000000e+00 : f32
        %div3A_681 = vector.broadcast %div3A : f32 to vector<16xf32>
        %div3A_682 = arith.divf %div3A_681, %add3A_680 : vector<16xf32>
        %lt3A_683 = arith.cmpi slt, %broadcast_in_dim3A_546, %gather3A_266 : vector<16xi32>
        %jit3A_684 = arith.constant 1.000000e+00 : f32
        %broadcast_in_dim3A_685 = vector.broadcast %jit3A_684 : f32 to vector<16xf32>
        %select_n3A_686 = arith.select %lt3A_683, %add3A_680, %broadcast_in_dim3A_685 : vector<16xi1>, vector<16xf32>
        tpu.vector_store_idx %arg17[%broadcast_in_dim3A_546], %select_n3A_686 masked %eq3A_3 : memref<2048xf32, #tpu.memory_space<vmem>>[vector<16xi32>], vector<16xf32>, vector<16xi1>
        %mul3A_687 = vector.broadcast %select_n3A_261 : f32 to vector<16xf32>
        %mul3A_688 = arith.mulf %mul3A_687, %add3A_673 : vector<16xf32>
        %get3A_689 = arith.constant 0 : index
        %get3A_690 = tpu.vector_load %arg16[%get3A_689] {strides = array<i32>} : memref<512xf32, #tpu.memory_space<vmem>>, vector<16xf32>,
        %get3A_691 = arith.constant 0 : index
        %get3A_692 = tpu.vector_load %arg13[%get3A_691] {strides = array<i32>} : memref<512xf32, #tpu.memory_space<vmem>>, vector<16xf32>,
        %mul3A_693 = arith.mulf %mul3A_688, %get3A_692 : vector<16xf32>
        %add3A_694 = arith.addf %get3A_690, %mul3A_693 : vector<16xf32>
        %mul3A_695 = arith.mulf %add3A_694, %div3A_682 : vector<16xf32>
        %get3A_696 = arith.constant 0 : index
        %get3A_697 = tpu.vector_load %arg15[%get3A_696] {strides = array<i32>} : memref<512xf32, #tpu.memory_space<vmem>>, vector<16xf32>,
        %select_n3A_698 = arith.select %lt3A_683, %mul3A_695, %get3A_697 : vector<16xi1>, vector<16xf32>
        %swap3A_699 = arith.constant 0 : index
        %swap3A_700 = tpu.vector_load %arg15[%swap3A_699] {strides = array<i32>} : memref<512xf32, #tpu.memory_space<vmem>>, vector<16xf32>,
        tpu.vector_store %arg15[%swap3A_699], %select_n3A_698 {strides = array<i32>} : memref<512xf32, #tpu.memory_space<vmem>>, vector<16xf32>,
        %swap3A_701 = arith.constant 0 : index
        %swap3A_702 = tpu.vector_load %arg16[%swap3A_701] {strides = array<i32>} : memref<512xf32, #tpu.memory_space<vmem>>, vector<16xf32>,
        tpu.vector_store %arg16[%swap3A_701], %broadcast_in_dim3A_1 {strides = array<i32>} : memref<512xf32, #tpu.memory_space<vmem>>, vector<16xf32>,
        %get3A_703 = arith.constant 16 : index
        %get3A_704 = tpu.vector_load %arg16[%get3A_703] {strides = array<i32>} : memref<512xf32, #tpu.memory_space<vmem>>, vector<16xf32>,
        %get3A_705 = arith.constant 16 : index
        %get3A_706 = tpu.vector_load %arg13[%get3A_705] {strides = array<i32>} : memref<512xf32, #tpu.memory_space<vmem>>, vector<16xf32>,
        %mul3A_707 = arith.mulf %mul3A_688, %get3A_706 : vector<16xf32>
        %add3A_708 = arith.addf %get3A_704, %mul3A_707 : vector<16xf32>
        %mul3A_709 = arith.mulf %add3A_708, %div3A_682 : vector<16xf32>
        %get3A_710 = arith.constant 16 : index
        %get3A_711 = tpu.vector_load %arg15[%get3A_710] {strides = array<i32>} : memref<512xf32, #tpu.memory_space<vmem>>, vector<16xf32>,
        %select_n3A_712 = arith.select %lt3A_683, %mul3A_709, %get3A_711 : vector<16xi1>, vector<16xf32>
        %swap3A_713 = arith.constant 16 : index
        %swap3A_714 = tpu.vector_load %arg15[%swap3A_713] {strides = array<i32>} : memref<512xf32, #tpu.memory_space<vmem>>, vector<16xf32>,
        tpu.vector_store %arg15[%swap3A_713], %select_n3A_712 {strides = array<i32>} : memref<512xf32, #tpu.memory_space<vmem>>, vector<16xf32>,
        %swap3A_715 = arith.constant 16 : index
        %swap3A_716 = tpu.vector_load %arg16[%swap3A_715] {strides = array<i32>} : memref<512xf32, #tpu.memory_space<vmem>>, vector<16xf32>,
        tpu.vector_store %arg16[%swap3A_715], %broadcast_in_dim3A_1 {strides = array<i32>} : memref<512xf32, #tpu.memory_space<vmem>>, vector<16xf32>,
        %get3A_717 = arith.constant 32 : index
        %get3A_718 = tpu.vector_load %arg16[%get3A_717] {strides = array<i32>} : memref<512xf32, #tpu.memory_space<vmem>>, vector<16xf32>,
        %get3A_719 = arith.constant 32 : index
        %get3A_720 = tpu.vector_load %arg13[%get3A_719] {strides = array<i32>} : memref<512xf32, #tpu.memory_space<vmem>>, vector<16xf32>,
        %mul3A_721 = arith.mulf %mul3A_688, %get3A_720 : vector<16xf32>
        %add3A_722 = arith.addf %get3A_718, %mul3A_721 : vector<16xf32>
        %mul3A_723 = arith.mulf %add3A_722, %div3A_682 : vector<16xf32>
        %get3A_724 = arith.constant 32 : index
        %get3A_725 = tpu.vector_load %arg15[%get3A_724] {strides = array<i32>} : memref<512xf32, #tpu.memory_space<vmem>>, vector<16xf32>,
        %select_n3A_726 = arith.select %lt3A_683, %mul3A_723, %get3A_725 : vector<16xi1>, vector<16xf32>
        %swap3A_727 = arith.constant 32 : index
        %swap3A_728 = tpu.vector_load %arg15[%swap3A_727] {strides = array<i32>} : memref<512xf32, #tpu.memory_space<vmem>>, vector<16xf32>,
        tpu.vector_store %arg15[%swap3A_727], %select_n3A_726 {strides = array<i32>} : memref<512xf32, #tpu.memory_space<vmem>>, vector<16xf32>,
        %swap3A_729 = arith.constant 32 : index
        %swap3A_730 = tpu.vector_load %arg16[%swap3A_729] {strides = array<i32>} : memref<512xf32, #tpu.memory_space<vmem>>, vector<16xf32>,
        tpu.vector_store %arg16[%swap3A_729], %broadcast_in_dim3A_1 {strides = array<i32>} : memref<512xf32, #tpu.memory_space<vmem>>, vector<16xf32>,
        %get3A_731 = arith.constant 48 : index
        %get3A_732 = tpu.vector_load %arg16[%get3A_731] {strides = array<i32>} : memref<512xf32, #tpu.memory_space<vmem>>, vector<16xf32>,
        %get3A_733 = arith.constant 48 : index
        %get3A_734 = tpu.vector_load %arg13[%get3A_733] {strides = array<i32>} : memref<512xf32, #tpu.memory_space<vmem>>, vector<16xf32>,
        %mul3A_735 = arith.mulf %mul3A_688, %get3A_734 : vector<16xf32>
        %add3A_736 = arith.addf %get3A_732, %mul3A_735 : vector<16xf32>
        %mul3A_737 = arith.mulf %add3A_736, %div3A_682 : vector<16xf32>
        %get3A_738 = arith.constant 48 : index
        %get3A_739 = tpu.vector_load %arg15[%get3A_738] {strides = array<i32>} : memref<512xf32, #tpu.memory_space<vmem>>, vector<16xf32>,
        %select_n3A_740 = arith.select %lt3A_683, %mul3A_737, %get3A_739 : vector<16xi1>, vector<16xf32>
        %swap3A_741 = arith.constant 48 : index
        %swap3A_742 = tpu.vector_load %arg15[%swap3A_741] {strides = array<i32>} : memref<512xf32, #tpu.memory_space<vmem>>, vector<16xf32>,
        tpu.vector_store %arg15[%swap3A_741], %select_n3A_740 {strides = array<i32>} : memref<512xf32, #tpu.memory_space<vmem>>, vector<16xf32>,
        %swap3A_743 = arith.constant 48 : index
        %swap3A_744 = tpu.vector_load %arg16[%swap3A_743] {strides = array<i32>} : memref<512xf32, #tpu.memory_space<vmem>>, vector<16xf32>,
        tpu.vector_store %arg16[%swap3A_743], %broadcast_in_dim3A_1 {strides = array<i32>} : memref<512xf32, #tpu.memory_space<vmem>>, vector<16xf32>,
        %get3A_745 = arith.constant 64 : index
        %get3A_746 = tpu.vector_load %arg16[%get3A_745] {strides = array<i32>} : memref<512xf32, #tpu.memory_space<vmem>>, vector<16xf32>,
        %get3A_747 = arith.constant 64 : index
        %get3A_748 = tpu.vector_load %arg13[%get3A_747] {strides = array<i32>} : memref<512xf32, #tpu.memory_space<vmem>>, vector<16xf32>,
        %mul3A_749 = arith.mulf %mul3A_688, %get3A_748 : vector<16xf32>
        %add3A_750 = arith.addf %get3A_746, %mul3A_749 : vector<16xf32>
        %mul3A_751 = arith.mulf %add3A_750, %div3A_682 : vector<16xf32>
        %get3A_752 = arith.constant 64 : index
        %get3A_753 = tpu.vector_load %arg15[%get3A_752] {strides = array<i32>} : memref<512xf32, #tpu.memory_space<vmem>>, vector<16xf32>,
        %select_n3A_754 = arith.select %lt3A_683, %mul3A_751, %get3A_753 : vector<16xi1>, vector<16xf32>
        %swap3A_755 = arith.constant 64 : index
        %swap3A_756 = tpu.vector_load %arg15[%swap3A_755] {strides = array<i32>} : memref<512xf32, #tpu.memory_space<vmem>>, vector<16xf32>,
        tpu.vector_store %arg15[%swap3A_755], %select_n3A_754 {strides = array<i32>} : memref<512xf32, #tpu.memory_space<vmem>>, vector<16xf32>,
        %swap3A_757 = arith.constant 64 : index
        %swap3A_758 = tpu.vector_load %arg16[%swap3A_757] {strides = array<i32>} : memref<512xf32, #tpu.memory_space<vmem>>, vector<16xf32>,
        tpu.vector_store %arg16[%swap3A_757], %broadcast_in_dim3A_1 {strides = array<i32>} : memref<512xf32, #tpu.memory_space<vmem>>, vector<16xf32>,
        %get3A_759 = arith.constant 80 : index
        %get3A_760 = tpu.vector_load %arg16[%get3A_759] {strides = array<i32>} : memref<512xf32, #tpu.memory_space<vmem>>, vector<16xf32>,
        %get3A_761 = arith.constant 80 : index
        %get3A_762 = tpu.vector_load %arg13[%get3A_761] {strides = array<i32>} : memref<512xf32, #tpu.memory_space<vmem>>, vector<16xf32>,
        %mul3A_763 = arith.mulf %mul3A_688, %get3A_762 : vector<16xf32>
        %add3A_764 = arith.addf %get3A_760, %mul3A_763 : vector<16xf32>
        %mul3A_765 = arith.mulf %add3A_764, %div3A_682 : vector<16xf32>
        %get3A_766 = arith.constant 80 : index
        %get3A_767 = tpu.vector_load %arg15[%get3A_766] {strides = array<i32>} : memref<512xf32, #tpu.memory_space<vmem>>, vector<16xf32>,
        %select_n3A_768 = arith.select %lt3A_683, %mul3A_765, %get3A_767 : vector<16xi1>, vector<16xf32>
        %swap3A_769 = arith.constant 80 : index
        %swap3A_770 = tpu.vector_load %arg15[%swap3A_769] {strides = array<i32>} : memref<512xf32, #tpu.memory_space<vmem>>, vector<16xf32>,
        tpu.vector_store %arg15[%swap3A_769], %select_n3A_768 {strides = array<i32>} : memref<512xf32, #tpu.memory_space<vmem>>, vector<16xf32>,
        %swap3A_771 = arith.constant 80 : index
        %swap3A_772 = tpu.vector_load %arg16[%swap3A_771] {strides = array<i32>} : memref<512xf32, #tpu.memory_space<vmem>>, vector<16xf32>,
        tpu.vector_store %arg16[%swap3A_771], %broadcast_in_dim3A_1 {strides = array<i32>} : memref<512xf32, #tpu.memory_space<vmem>>, vector<16xf32>,
        %get3A_773 = arith.constant 96 : index
        %get3A_774 = tpu.vector_load %arg16[%get3A_773] {strides = array<i32>} : memref<512xf32, #tpu.memory_space<vmem>>, vector<16xf32>,
        %get3A_775 = arith.constant 96 : index
        %get3A_776 = tpu.vector_load %arg13[%get3A_775] {strides = array<i32>} : memref<512xf32, #tpu.memory_space<vmem>>, vector<16xf32>,
        %mul3A_777 = arith.mulf %mul3A_688, %get3A_776 : vector<16xf32>
        %add3A_778 = arith.addf %get3A_774, %mul3A_777 : vector<16xf32>
        %mul3A_779 = arith.mulf %add3A_778, %div3A_682 : vector<16xf32>
        %get3A_780 = arith.constant 96 : index
        %get3A_781 = tpu.vector_load %arg15[%get3A_780] {strides = array<i32>} : memref<512xf32, #tpu.memory_space<vmem>>, vector<16xf32>,
        %select_n3A_782 = arith.select %lt3A_683, %mul3A_779, %get3A_781 : vector<16xi1>, vector<16xf32>
        %swap3A_783 = arith.constant 96 : index
        %swap3A_784 = tpu.vector_load %arg15[%swap3A_783] {strides = array<i32>} : memref<512xf32, #tpu.memory_space<vmem>>, vector<16xf32>,
        tpu.vector_store %arg15[%swap3A_783], %select_n3A_782 {strides = array<i32>} : memref<512xf32, #tpu.memory_space<vmem>>, vector<16xf32>,
        %swap3A_785 = arith.constant 96 : index
        %swap3A_786 = tpu.vector_load %arg16[%swap3A_785] {strides = array<i32>} : memref<512xf32, #tpu.memory_space<vmem>>, vector<16xf32>,
        tpu.vector_store %arg16[%swap3A_785], %broadcast_in_dim3A_1 {strides = array<i32>} : memref<512xf32, #tpu.memory_space<vmem>>, vector<16xf32>,
        %get3A_787 = arith.constant 112 : index
        %get3A_788 = tpu.vector_load %arg16[%get3A_787] {strides = array<i32>} : memref<512xf32, #tpu.memory_space<vmem>>, vector<16xf32>,
        %get3A_789 = arith.constant 112 : index
        %get3A_790 = tpu.vector_load %arg13[%get3A_789] {strides = array<i32>} : memref<512xf32, #tpu.memory_space<vmem>>, vector<16xf32>,
        %mul3A_791 = arith.mulf %mul3A_688, %get3A_790 : vector<16xf32>
        %add3A_792 = arith.addf %get3A_788, %mul3A_791 : vector<16xf32>
        %mul3A_793 = arith.mulf %add3A_792, %div3A_682 : vector<16xf32>
        %get3A_794 = arith.constant 112 : index
        %get3A_795 = tpu.vector_load %arg15[%get3A_794] {strides = array<i32>} : memref<512xf32, #tpu.memory_space<vmem>>, vector<16xf32>,
        %select_n3A_796 = arith.select %lt3A_683, %mul3A_793, %get3A_795 : vector<16xi1>, vector<16xf32>
        %swap3A_797 = arith.constant 112 : index
        %swap3A_798 = tpu.vector_load %arg15[%swap3A_797] {strides = array<i32>} : memref<512xf32, #tpu.memory_space<vmem>>, vector<16xf32>,
        tpu.vector_store %arg15[%swap3A_797], %select_n3A_796 {strides = array<i32>} : memref<512xf32, #tpu.memory_space<vmem>>, vector<16xf32>,
        %swap3A_799 = arith.constant 112 : index
        %swap3A_800 = tpu.vector_load %arg16[%swap3A_799] {strides = array<i32>} : memref<512xf32, #tpu.memory_space<vmem>>, vector<16xf32>,
        tpu.vector_store %arg16[%swap3A_799], %broadcast_in_dim3A_1 {strides = array<i32>} : memref<512xf32, #tpu.memory_space<vmem>>, vector<16xf32>,
        %get3A_801 = arith.constant 128 : index
        %get3A_802 = tpu.vector_load %arg16[%get3A_801] {strides = array<i32>} : memref<512xf32, #tpu.memory_space<vmem>>, vector<16xf32>,
        %get3A_803 = arith.constant 128 : index
        %get3A_804 = tpu.vector_load %arg13[%get3A_803] {strides = array<i32>} : memref<512xf32, #tpu.memory_space<vmem>>, vector<16xf32>,
        %mul3A_805 = arith.mulf %mul3A_688, %get3A_804 : vector<16xf32>
        %add3A_806 = arith.addf %get3A_802, %mul3A_805 : vector<16xf32>
        %mul3A_807 = arith.mulf %add3A_806, %div3A_682 : vector<16xf32>
        %get3A_808 = arith.constant 128 : index
        %get3A_809 = tpu.vector_load %arg15[%get3A_808] {strides = array<i32>} : memref<512xf32, #tpu.memory_space<vmem>>, vector<16xf32>,
        %select_n3A_810 = arith.select %lt3A_683, %mul3A_807, %get3A_809 : vector<16xi1>, vector<16xf32>
        %swap3A_811 = arith.constant 128 : index
        %swap3A_812 = tpu.vector_load %arg15[%swap3A_811] {strides = array<i32>} : memref<512xf32, #tpu.memory_space<vmem>>, vector<16xf32>,
        tpu.vector_store %arg15[%swap3A_811], %select_n3A_810 {strides = array<i32>} : memref<512xf32, #tpu.memory_space<vmem>>, vector<16xf32>,
        %swap3A_813 = arith.constant 128 : index
        %swap3A_814 = tpu.vector_load %arg16[%swap3A_813] {strides = array<i32>} : memref<512xf32, #tpu.memory_space<vmem>>, vector<16xf32>,
        tpu.vector_store %arg16[%swap3A_813], %broadcast_in_dim3A_1 {strides = array<i32>} : memref<512xf32, #tpu.memory_space<vmem>>, vector<16xf32>,
        %get3A_815 = arith.constant 144 : index
        %get3A_816 = tpu.vector_load %arg16[%get3A_815] {strides = array<i32>} : memref<512xf32, #tpu.memory_space<vmem>>, vector<16xf32>,
        %get3A_817 = arith.constant 144 : index
        %get3A_818 = tpu.vector_load %arg13[%get3A_817] {strides = array<i32>} : memref<512xf32, #tpu.memory_space<vmem>>, vector<16xf32>,
        %mul3A_819 = arith.mulf %mul3A_688, %get3A_818 : vector<16xf32>
        %add3A_820 = arith.addf %get3A_816, %mul3A_819 : vector<16xf32>
        %mul3A_821 = arith.mulf %add3A_820, %div3A_682 : vector<16xf32>
        %get3A_822 = arith.constant 144 : index
        %get3A_823 = tpu.vector_load %arg15[%get3A_822] {strides = array<i32>} : memref<512xf32, #tpu.memory_space<vmem>>, vector<16xf32>,
        %select_n3A_824 = arith.select %lt3A_683, %mul3A_821, %get3A_823 : vector<16xi1>, vector<16xf32>
        %swap3A_825 = arith.constant 144 : index
        %swap3A_826 = tpu.vector_load %arg15[%swap3A_825] {strides = array<i32>} : memref<512xf32, #tpu.memory_space<vmem>>, vector<16xf32>,
        tpu.vector_store %arg15[%swap3A_825], %select_n3A_824 {strides = array<i32>} : memref<512xf32, #tpu.memory_space<vmem>>, vector<16xf32>,
        %swap3A_827 = arith.constant 144 : index
        %swap3A_828 = tpu.vector_load %arg16[%swap3A_827] {strides = array<i32>} : memref<512xf32, #tpu.memory_space<vmem>>, vector<16xf32>,
        tpu.vector_store %arg16[%swap3A_827], %broadcast_in_dim3A_1 {strides = array<i32>} : memref<512xf32, #tpu.memory_space<vmem>>, vector<16xf32>,
        %get3A_829 = arith.constant 160 : index
        %get3A_830 = tpu.vector_load %arg16[%get3A_829] {strides = array<i32>} : memref<512xf32, #tpu.memory_space<vmem>>, vector<16xf32>,
        %get3A_831 = arith.constant 160 : index
        %get3A_832 = tpu.vector_load %arg13[%get3A_831] {strides = array<i32>} : memref<512xf32, #tpu.memory_space<vmem>>, vector<16xf32>,
        %mul3A_833 = arith.mulf %mul3A_688, %get3A_832 : vector<16xf32>
        %add3A_834 = arith.addf %get3A_830, %mul3A_833 : vector<16xf32>
        %mul3A_835 = arith.mulf %add3A_834, %div3A_682 : vector<16xf32>
        %get3A_836 = arith.constant 160 : index
        %get3A_837 = tpu.vector_load %arg15[%get3A_836] {strides = array<i32>} : memref<512xf32, #tpu.memory_space<vmem>>, vector<16xf32>,
        %select_n3A_838 = arith.select %lt3A_683, %mul3A_835, %get3A_837 : vector<16xi1>, vector<16xf32>
        %swap3A_839 = arith.constant 160 : index
        %swap3A_840 = tpu.vector_load %arg15[%swap3A_839] {strides = array<i32>} : memref<512xf32, #tpu.memory_space<vmem>>, vector<16xf32>,
        tpu.vector_store %arg15[%swap3A_839], %select_n3A_838 {strides = array<i32>} : memref<512xf32, #tpu.memory_space<vmem>>, vector<16xf32>,
        %swap3A_841 = arith.constant 160 : index
        %swap3A_842 = tpu.vector_load %arg16[%swap3A_841] {strides = array<i32>} : memref<512xf32, #tpu.memory_space<vmem>>, vector<16xf32>,
        tpu.vector_store %arg16[%swap3A_841], %broadcast_in_dim3A_1 {strides = array<i32>} : memref<512xf32, #tpu.memory_space<vmem>>, vector<16xf32>,
        %get3A_843 = arith.constant 176 : index
        %get3A_844 = tpu.vector_load %arg16[%get3A_843] {strides = array<i32>} : memref<512xf32, #tpu.memory_space<vmem>>, vector<16xf32>,
        %get3A_845 = arith.constant 176 : index
        %get3A_846 = tpu.vector_load %arg13[%get3A_845] {strides = array<i32>} : memref<512xf32, #tpu.memory_space<vmem>>, vector<16xf32>,
        %mul3A_847 = arith.mulf %mul3A_688, %get3A_846 : vector<16xf32>
        %add3A_848 = arith.addf %get3A_844, %mul3A_847 : vector<16xf32>
        %mul3A_849 = arith.mulf %add3A_848, %div3A_682 : vector<16xf32>
        %get3A_850 = arith.constant 176 : index
        %get3A_851 = tpu.vector_load %arg15[%get3A_850] {strides = array<i32>} : memref<512xf32, #tpu.memory_space<vmem>>, vector<16xf32>,
        %select_n3A_852 = arith.select %lt3A_683, %mul3A_849, %get3A_851 : vector<16xi1>, vector<16xf32>
        %swap3A_853 = arith.constant 176 : index
        %swap3A_854 = tpu.vector_load %arg15[%swap3A_853] {strides = array<i32>} : memref<512xf32, #tpu.memory_space<vmem>>, vector<16xf32>,
        tpu.vector_store %arg15[%swap3A_853], %select_n3A_852 {strides = array<i32>} : memref<512xf32, #tpu.memory_space<vmem>>, vector<16xf32>,
        %swap3A_855 = arith.constant 176 : index
        %swap3A_856 = tpu.vector_load %arg16[%swap3A_855] {strides = array<i32>} : memref<512xf32, #tpu.memory_space<vmem>>, vector<16xf32>,
        tpu.vector_store %arg16[%swap3A_855], %broadcast_in_dim3A_1 {strides = array<i32>} : memref<512xf32, #tpu.memory_space<vmem>>, vector<16xf32>,
        %get3A_857 = arith.constant 192 : index
        %get3A_858 = tpu.vector_load %arg16[%get3A_857] {strides = array<i32>} : memref<512xf32, #tpu.memory_space<vmem>>, vector<16xf32>,
        %get3A_859 = arith.constant 192 : index
        %get3A_860 = tpu.vector_load %arg13[%get3A_859] {strides = array<i32>} : memref<512xf32, #tpu.memory_space<vmem>>, vector<16xf32>,
        %mul3A_861 = arith.mulf %mul3A_688, %get3A_860 : vector<16xf32>
        %add3A_862 = arith.addf %get3A_858, %mul3A_861 : vector<16xf32>
        %mul3A_863 = arith.mulf %add3A_862, %div3A_682 : vector<16xf32>
        %get3A_864 = arith.constant 192 : index
        %get3A_865 = tpu.vector_load %arg15[%get3A_864] {strides = array<i32>} : memref<512xf32, #tpu.memory_space<vmem>>, vector<16xf32>,
        %select_n3A_866 = arith.select %lt3A_683, %mul3A_863, %get3A_865 : vector<16xi1>, vector<16xf32>
        %swap3A_867 = arith.constant 192 : index
        %swap3A_868 = tpu.vector_load %arg15[%swap3A_867] {strides = array<i32>} : memref<512xf32, #tpu.memory_space<vmem>>, vector<16xf32>,
        tpu.vector_store %arg15[%swap3A_867], %select_n3A_866 {strides = array<i32>} : memref<512xf32, #tpu.memory_space<vmem>>, vector<16xf32>,
        %swap3A_869 = arith.constant 192 : index
        %swap3A_870 = tpu.vector_load %arg16[%swap3A_869] {strides = array<i32>} : memref<512xf32, #tpu.memory_space<vmem>>, vector<16xf32>,
        tpu.vector_store %arg16[%swap3A_869], %broadcast_in_dim3A_1 {strides = array<i32>} : memref<512xf32, #tpu.memory_space<vmem>>, vector<16xf32>,
        %get3A_871 = arith.constant 208 : index
        %get3A_872 = tpu.vector_load %arg16[%get3A_871] {strides = array<i32>} : memref<512xf32, #tpu.memory_space<vmem>>, vector<16xf32>,
        %get3A_873 = arith.constant 208 : index
        %get3A_874 = tpu.vector_load %arg13[%get3A_873] {strides = array<i32>} : memref<512xf32, #tpu.memory_space<vmem>>, vector<16xf32>,
        %mul3A_875 = arith.mulf %mul3A_688, %get3A_874 : vector<16xf32>
        %add3A_876 = arith.addf %get3A_872, %mul3A_875 : vector<16xf32>
        %mul3A_877 = arith.mulf %add3A_876, %div3A_682 : vector<16xf32>
        %get3A_878 = arith.constant 208 : index
        %get3A_879 = tpu.vector_load %arg15[%get3A_878] {strides = array<i32>} : memref<512xf32, #tpu.memory_space<vmem>>, vector<16xf32>,
        %select_n3A_880 = arith.select %lt3A_683, %mul3A_877, %get3A_879 : vector<16xi1>, vector<16xf32>
        %swap3A_881 = arith.constant 208 : index
        %swap3A_882 = tpu.vector_load %arg15[%swap3A_881] {strides = array<i32>} : memref<512xf32, #tpu.memory_space<vmem>>, vector<16xf32>,
        tpu.vector_store %arg15[%swap3A_881], %select_n3A_880 {strides = array<i32>} : memref<512xf32, #tpu.memory_space<vmem>>, vector<16xf32>,
        %swap3A_883 = arith.constant 208 : index
        %swap3A_884 = tpu.vector_load %arg16[%swap3A_883] {strides = array<i32>} : memref<512xf32, #tpu.memory_space<vmem>>, vector<16xf32>,
        tpu.vector_store %arg16[%swap3A_883], %broadcast_in_dim3A_1 {strides = array<i32>} : memref<512xf32, #tpu.memory_space<vmem>>, vector<16xf32>,
        %get3A_885 = arith.constant 224 : index
        %get3A_886 = tpu.vector_load %arg16[%get3A_885] {strides = array<i32>} : memref<512xf32, #tpu.memory_space<vmem>>, vector<16xf32>,
        %get3A_887 = arith.constant 224 : index
        %get3A_888 = tpu.vector_load %arg13[%get3A_887] {strides = array<i32>} : memref<512xf32, #tpu.memory_space<vmem>>, vector<16xf32>,
        %mul3A_889 = arith.mulf %mul3A_688, %get3A_888 : vector<16xf32>
        %add3A_890 = arith.addf %get3A_886, %mul3A_889 : vector<16xf32>
        %mul3A_891 = arith.mulf %add3A_890, %div3A_682 : vector<16xf32>
        %get3A_892 = arith.constant 224 : index
        %get3A_893 = tpu.vector_load %arg15[%get3A_892] {strides = array<i32>} : memref<512xf32, #tpu.memory_space<vmem>>, vector<16xf32>,
        %select_n3A_894 = arith.select %lt3A_683, %mul3A_891, %get3A_893 : vector<16xi1>, vector<16xf32>
        %swap3A_895 = arith.constant 224 : index
        %swap3A_896 = tpu.vector_load %arg15[%swap3A_895] {strides = array<i32>} : memref<512xf32, #tpu.memory_space<vmem>>, vector<16xf32>,
        tpu.vector_store %arg15[%swap3A_895], %select_n3A_894 {strides = array<i32>} : memref<512xf32, #tpu.memory_space<vmem>>, vector<16xf32>,
        %swap3A_897 = arith.constant 224 : index
        %swap3A_898 = tpu.vector_load %arg16[%swap3A_897] {strides = array<i32>} : memref<512xf32, #tpu.memory_space<vmem>>, vector<16xf32>,
        tpu.vector_store %arg16[%swap3A_897], %broadcast_in_dim3A_1 {strides = array<i32>} : memref<512xf32, #tpu.memory_space<vmem>>, vector<16xf32>,
        %get3A_899 = arith.constant 240 : index
        %get3A_900 = tpu.vector_load %arg16[%get3A_899] {strides = array<i32>} : memref<512xf32, #tpu.memory_space<vmem>>, vector<16xf32>,
        %get3A_901 = arith.constant 240 : index
        %get3A_902 = tpu.vector_load %arg13[%get3A_901] {strides = array<i32>} : memref<512xf32, #tpu.memory_space<vmem>>, vector<16xf32>,
        %mul3A_903 = arith.mulf %mul3A_688, %get3A_902 : vector<16xf32>
        %add3A_904 = arith.addf %get3A_900, %mul3A_903 : vector<16xf32>
        %mul3A_905 = arith.mulf %add3A_904, %div3A_682 : vector<16xf32>
        %get3A_906 = arith.constant 240 : index
        %get3A_907 = tpu.vector_load %arg15[%get3A_906] {strides = array<i32>} : memref<512xf32, #tpu.memory_space<vmem>>, vector<16xf32>,
        %select_n3A_908 = arith.select %lt3A_683, %mul3A_905, %get3A_907 : vector<16xi1>, vector<16xf32>
        %swap3A_909 = arith.constant 240 : index
        %swap3A_910 = tpu.vector_load %arg15[%swap3A_909] {strides = array<i32>} : memref<512xf32, #tpu.memory_space<vmem>>, vector<16xf32>,
        tpu.vector_store %arg15[%swap3A_909], %select_n3A_908 {strides = array<i32>} : memref<512xf32, #tpu.memory_space<vmem>>, vector<16xf32>,
        %swap3A_911 = arith.constant 240 : index
        %swap3A_912 = tpu.vector_load %arg16[%swap3A_911] {strides = array<i32>} : memref<512xf32, #tpu.memory_space<vmem>>, vector<16xf32>,
        tpu.vector_store %arg16[%swap3A_911], %broadcast_in_dim3A_1 {strides = array<i32>} : memref<512xf32, #tpu.memory_space<vmem>>, vector<16xf32>,
        %get3A_913 = arith.constant 256 : index
        %get3A_914 = tpu.vector_load %arg16[%get3A_913] {strides = array<i32>} : memref<512xf32, #tpu.memory_space<vmem>>, vector<16xf32>,
        %get3A_915 = arith.constant 256 : index
        %get3A_916 = tpu.vector_load %arg13[%get3A_915] {strides = array<i32>} : memref<512xf32, #tpu.memory_space<vmem>>, vector<16xf32>,
        %mul3A_917 = arith.mulf %mul3A_688, %get3A_916 : vector<16xf32>
        %add3A_918 = arith.addf %get3A_914, %mul3A_917 : vector<16xf32>
        %mul3A_919 = arith.mulf %add3A_918, %div3A_682 : vector<16xf32>
        %get3A_920 = arith.constant 256 : index
        %get3A_921 = tpu.vector_load %arg15[%get3A_920] {strides = array<i32>} : memref<512xf32, #tpu.memory_space<vmem>>, vector<16xf32>,
        %select_n3A_922 = arith.select %lt3A_683, %mul3A_919, %get3A_921 : vector<16xi1>, vector<16xf32>
        %swap3A_923 = arith.constant 256 : index
        %swap3A_924 = tpu.vector_load %arg15[%swap3A_923] {strides = array<i32>} : memref<512xf32, #tpu.memory_space<vmem>>, vector<16xf32>,
        tpu.vector_store %arg15[%swap3A_923], %select_n3A_922 {strides = array<i32>} : memref<512xf32, #tpu.memory_space<vmem>>, vector<16xf32>,
        %swap3A_925 = arith.constant 256 : index
        %swap3A_926 = tpu.vector_load %arg16[%swap3A_925] {strides = array<i32>} : memref<512xf32, #tpu.memory_space<vmem>>, vector<16xf32>,
        tpu.vector_store %arg16[%swap3A_925], %broadcast_in_dim3A_1 {strides = array<i32>} : memref<512xf32, #tpu.memory_space<vmem>>, vector<16xf32>,
        %get3A_927 = arith.constant 272 : index
        %get3A_928 = tpu.vector_load %arg16[%get3A_927] {strides = array<i32>} : memref<512xf32, #tpu.memory_space<vmem>>, vector<16xf32>,
        %get3A_929 = arith.constant 272 : index
        %get3A_930 = tpu.vector_load %arg13[%get3A_929] {strides = array<i32>} : memref<512xf32, #tpu.memory_space<vmem>>, vector<16xf32>,
        %mul3A_931 = arith.mulf %mul3A_688, %get3A_930 : vector<16xf32>
        %add3A_932 = arith.addf %get3A_928, %mul3A_931 : vector<16xf32>
        %mul3A_933 = arith.mulf %add3A_932, %div3A_682 : vector<16xf32>
        %get3A_934 = arith.constant 272 : index
        %get3A_935 = tpu.vector_load %arg15[%get3A_934] {strides = array<i32>} : memref<512xf32, #tpu.memory_space<vmem>>, vector<16xf32>,
        %select_n3A_936 = arith.select %lt3A_683, %mul3A_933, %get3A_935 : vector<16xi1>, vector<16xf32>
        %swap3A_937 = arith.constant 272 : index
        %swap3A_938 = tpu.vector_load %arg15[%swap3A_937] {strides = array<i32>} : memref<512xf32, #tpu.memory_space<vmem>>, vector<16xf32>,
        tpu.vector_store %arg15[%swap3A_937], %select_n3A_936 {strides = array<i32>} : memref<512xf32, #tpu.memory_space<vmem>>, vector<16xf32>,
        %swap3A_939 = arith.constant 272 : index
        %swap3A_940 = tpu.vector_load %arg16[%swap3A_939] {strides = array<i32>} : memref<512xf32, #tpu.memory_space<vmem>>, vector<16xf32>,
        tpu.vector_store %arg16[%swap3A_939], %broadcast_in_dim3A_1 {strides = array<i32>} : memref<512xf32, #tpu.memory_space<vmem>>, vector<16xf32>,
        %get3A_941 = arith.constant 288 : index
        %get3A_942 = tpu.vector_load %arg16[%get3A_941] {strides = array<i32>} : memref<512xf32, #tpu.memory_space<vmem>>, vector<16xf32>,
        %get3A_943 = arith.constant 288 : index
        %get3A_944 = tpu.vector_load %arg13[%get3A_943] {strides = array<i32>} : memref<512xf32, #tpu.memory_space<vmem>>, vector<16xf32>,
        %mul3A_945 = arith.mulf %mul3A_688, %get3A_944 : vector<16xf32>
        %add3A_946 = arith.addf %get3A_942, %mul3A_945 : vector<16xf32>
        %mul3A_947 = arith.mulf %add3A_946, %div3A_682 : vector<16xf32>
        %get3A_948 = arith.constant 288 : index
        %get3A_949 = tpu.vector_load %arg15[%get3A_948] {strides = array<i32>} : memref<512xf32, #tpu.memory_space<vmem>>, vector<16xf32>,
        %select_n3A_950 = arith.select %lt3A_683, %mul3A_947, %get3A_949 : vector<16xi1>, vector<16xf32>
        %swap3A_951 = arith.constant 288 : index
        %swap3A_952 = tpu.vector_load %arg15[%swap3A_951] {strides = array<i32>} : memref<512xf32, #tpu.memory_space<vmem>>, vector<16xf32>,
        tpu.vector_store %arg15[%swap3A_951], %select_n3A_950 {strides = array<i32>} : memref<512xf32, #tpu.memory_space<vmem>>, vector<16xf32>,
        %swap3A_953 = arith.constant 288 : index
        %swap3A_954 = tpu.vector_load %arg16[%swap3A_953] {strides = array<i32>} : memref<512xf32, #tpu.memory_space<vmem>>, vector<16xf32>,
        tpu.vector_store %arg16[%swap3A_953], %broadcast_in_dim3A_1 {strides = array<i32>} : memref<512xf32, #tpu.memory_space<vmem>>, vector<16xf32>,
        %get3A_955 = arith.constant 304 : index
        %get3A_956 = tpu.vector_load %arg16[%get3A_955] {strides = array<i32>} : memref<512xf32, #tpu.memory_space<vmem>>, vector<16xf32>,
        %get3A_957 = arith.constant 304 : index
        %get3A_958 = tpu.vector_load %arg13[%get3A_957] {strides = array<i32>} : memref<512xf32, #tpu.memory_space<vmem>>, vector<16xf32>,
        %mul3A_959 = arith.mulf %mul3A_688, %get3A_958 : vector<16xf32>
        %add3A_960 = arith.addf %get3A_956, %mul3A_959 : vector<16xf32>
        %mul3A_961 = arith.mulf %add3A_960, %div3A_682 : vector<16xf32>
        %get3A_962 = arith.constant 304 : index
        %get3A_963 = tpu.vector_load %arg15[%get3A_962] {strides = array<i32>} : memref<512xf32, #tpu.memory_space<vmem>>, vector<16xf32>,
        %select_n3A_964 = arith.select %lt3A_683, %mul3A_961, %get3A_963 : vector<16xi1>, vector<16xf32>
        %swap3A_965 = arith.constant 304 : index
        %swap3A_966 = tpu.vector_load %arg15[%swap3A_965] {strides = array<i32>} : memref<512xf32, #tpu.memory_space<vmem>>, vector<16xf32>,
        tpu.vector_store %arg15[%swap3A_965], %select_n3A_964 {strides = array<i32>} : memref<512xf32, #tpu.memory_space<vmem>>, vector<16xf32>,
        %swap3A_967 = arith.constant 304 : index
        %swap3A_968 = tpu.vector_load %arg16[%swap3A_967] {strides = array<i32>} : memref<512xf32, #tpu.memory_space<vmem>>, vector<16xf32>,
        tpu.vector_store %arg16[%swap3A_967], %broadcast_in_dim3A_1 {strides = array<i32>} : memref<512xf32, #tpu.memory_space<vmem>>, vector<16xf32>,
        %get3A_969 = arith.constant 320 : index
        %get3A_970 = tpu.vector_load %arg16[%get3A_969] {strides = array<i32>} : memref<512xf32, #tpu.memory_space<vmem>>, vector<16xf32>,
        %get3A_971 = arith.constant 320 : index
        %get3A_972 = tpu.vector_load %arg13[%get3A_971] {strides = array<i32>} : memref<512xf32, #tpu.memory_space<vmem>>, vector<16xf32>,
        %mul3A_973 = arith.mulf %mul3A_688, %get3A_972 : vector<16xf32>
        %add3A_974 = arith.addf %get3A_970, %mul3A_973 : vector<16xf32>
        %mul3A_975 = arith.mulf %add3A_974, %div3A_682 : vector<16xf32>
        %get3A_976 = arith.constant 320 : index
        %get3A_977 = tpu.vector_load %arg15[%get3A_976] {strides = array<i32>} : memref<512xf32, #tpu.memory_space<vmem>>, vector<16xf32>,
        %select_n3A_978 = arith.select %lt3A_683, %mul3A_975, %get3A_977 : vector<16xi1>, vector<16xf32>
        %swap3A_979 = arith.constant 320 : index
        %swap3A_980 = tpu.vector_load %arg15[%swap3A_979] {strides = array<i32>} : memref<512xf32, #tpu.memory_space<vmem>>, vector<16xf32>,
        tpu.vector_store %arg15[%swap3A_979], %select_n3A_978 {strides = array<i32>} : memref<512xf32, #tpu.memory_space<vmem>>, vector<16xf32>,
        %swap3A_981 = arith.constant 320 : index
        %swap3A_982 = tpu.vector_load %arg16[%swap3A_981] {strides = array<i32>} : memref<512xf32, #tpu.memory_space<vmem>>, vector<16xf32>,
        tpu.vector_store %arg16[%swap3A_981], %broadcast_in_dim3A_1 {strides = array<i32>} : memref<512xf32, #tpu.memory_space<vmem>>, vector<16xf32>,
        %get3A_983 = arith.constant 336 : index
        %get3A_984 = tpu.vector_load %arg16[%get3A_983] {strides = array<i32>} : memref<512xf32, #tpu.memory_space<vmem>>, vector<16xf32>,
        %get3A_985 = arith.constant 336 : index
        %get3A_986 = tpu.vector_load %arg13[%get3A_985] {strides = array<i32>} : memref<512xf32, #tpu.memory_space<vmem>>, vector<16xf32>,
        %mul3A_987 = arith.mulf %mul3A_688, %get3A_986 : vector<16xf32>
        %add3A_988 = arith.addf %get3A_984, %mul3A_987 : vector<16xf32>
        %mul3A_989 = arith.mulf %add3A_988, %div3A_682 : vector<16xf32>
        %get3A_990 = arith.constant 336 : index
        %get3A_991 = tpu.vector_load %arg15[%get3A_990] {strides = array<i32>} : memref<512xf32, #tpu.memory_space<vmem>>, vector<16xf32>,
        %select_n3A_992 = arith.select %lt3A_683, %mul3A_989, %get3A_991 : vector<16xi1>, vector<16xf32>
        %swap3A_993 = arith.constant 336 : index
        %swap3A_994 = tpu.vector_load %arg15[%swap3A_993] {strides = array<i32>} : memref<512xf32, #tpu.memory_space<vmem>>, vector<16xf32>,
        tpu.vector_store %arg15[%swap3A_993], %select_n3A_992 {strides = array<i32>} : memref<512xf32, #tpu.memory_space<vmem>>, vector<16xf32>,
        %swap3A_995 = arith.constant 336 : index
        %swap3A_996 = tpu.vector_load %arg16[%swap3A_995] {strides = array<i32>} : memref<512xf32, #tpu.memory_space<vmem>>, vector<16xf32>,
        tpu.vector_store %arg16[%swap3A_995], %broadcast_in_dim3A_1 {strides = array<i32>} : memref<512xf32, #tpu.memory_space<vmem>>, vector<16xf32>,
        %get3A_997 = arith.constant 352 : index
        %get3A_998 = tpu.vector_load %arg16[%get3A_997] {strides = array<i32>} : memref<512xf32, #tpu.memory_space<vmem>>, vector<16xf32>,
        %get3A_999 = arith.constant 352 : index
        %get3A_1000 = tpu.vector_load %arg13[%get3A_999] {strides = array<i32>} : memref<512xf32, #tpu.memory_space<vmem>>, vector<16xf32>,
        %mul3A_1001 = arith.mulf %mul3A_688, %get3A_1000 : vector<16xf32>
        %add3A_1002 = arith.addf %get3A_998, %mul3A_1001 : vector<16xf32>
        %mul3A_1003 = arith.mulf %add3A_1002, %div3A_682 : vector<16xf32>
        %get3A_1004 = arith.constant 352 : index
        %get3A_1005 = tpu.vector_load %arg15[%get3A_1004] {strides = array<i32>} : memref<512xf32, #tpu.memory_space<vmem>>, vector<16xf32>,
        %select_n3A_1006 = arith.select %lt3A_683, %mul3A_1003, %get3A_1005 : vector<16xi1>, vector<16xf32>
        %swap3A_1007 = arith.constant 352 : index
        %swap3A_1008 = tpu.vector_load %arg15[%swap3A_1007] {strides = array<i32>} : memref<512xf32, #tpu.memory_space<vmem>>, vector<16xf32>,
        tpu.vector_store %arg15[%swap3A_1007], %select_n3A_1006 {strides = array<i32>} : memref<512xf32, #tpu.memory_space<vmem>>, vector<16xf32>,
        %swap3A_1009 = arith.constant 352 : index
        %swap3A_1010 = tpu.vector_load %arg16[%swap3A_1009] {strides = array<i32>} : memref<512xf32, #tpu.memory_space<vmem>>, vector<16xf32>,
        tpu.vector_store %arg16[%swap3A_1009], %broadcast_in_dim3A_1 {strides = array<i32>} : memref<512xf32, #tpu.memory_space<vmem>>, vector<16xf32>,
        %get3A_1011 = arith.constant 368 : index
        %get3A_1012 = tpu.vector_load %arg16[%get3A_1011] {strides = array<i32>} : memref<512xf32, #tpu.memory_space<vmem>>, vector<16xf32>,
        %get3A_1013 = arith.constant 368 : index
        %get3A_1014 = tpu.vector_load %arg13[%get3A_1013] {strides = array<i32>} : memref<512xf32, #tpu.memory_space<vmem>>, vector<16xf32>,
        %mul3A_1015 = arith.mulf %mul3A_688, %get3A_1014 : vector<16xf32>
        %add3A_1016 = arith.addf %get3A_1012, %mul3A_1015 : vector<16xf32>
        %mul3A_1017 = arith.mulf %add3A_1016, %div3A_682 : vector<16xf32>
        %get3A_1018 = arith.constant 368 : index
        %get3A_1019 = tpu.vector_load %arg15[%get3A_1018] {strides = array<i32>} : memref<512xf32, #tpu.memory_space<vmem>>, vector<16xf32>,
        %select_n3A_1020 = arith.select %lt3A_683, %mul3A_1017, %get3A_1019 : vector<16xi1>, vector<16xf32>
        %swap3A_1021 = arith.constant 368 : index
        %swap3A_1022 = tpu.vector_load %arg15[%swap3A_1021] {strides = array<i32>} : memref<512xf32, #tpu.memory_space<vmem>>, vector<16xf32>,
        tpu.vector_store %arg15[%swap3A_1021], %select_n3A_1020 {strides = array<i32>} : memref<512xf32, #tpu.memory_space<vmem>>, vector<16xf32>,
        %swap3A_1023 = arith.constant 368 : index
        %swap3A_1024 = tpu.vector_load %arg16[%swap3A_1023] {strides = array<i32>} : memref<512xf32, #tpu.memory_space<vmem>>, vector<16xf32>,
        tpu.vector_store %arg16[%swap3A_1023], %broadcast_in_dim3A_1 {strides = array<i32>} : memref<512xf32, #tpu.memory_space<vmem>>, vector<16xf32>,
        %get3A_1025 = arith.constant 384 : index
        %get3A_1026 = tpu.vector_load %arg16[%get3A_1025] {strides = array<i32>} : memref<512xf32, #tpu.memory_space<vmem>>, vector<16xf32>,
        %get3A_1027 = arith.constant 384 : index
        %get3A_1028 = tpu.vector_load %arg13[%get3A_1027] {strides = array<i32>} : memref<512xf32, #tpu.memory_space<vmem>>, vector<16xf32>,
        %mul3A_1029 = arith.mulf %mul3A_688, %get3A_1028 : vector<16xf32>
        %add3A_1030 = arith.addf %get3A_1026, %mul3A_1029 : vector<16xf32>
        %mul3A_1031 = arith.mulf %add3A_1030, %div3A_682 : vector<16xf32>
        %get3A_1032 = arith.constant 384 : index
        %get3A_1033 = tpu.vector_load %arg15[%get3A_1032] {strides = array<i32>} : memref<512xf32, #tpu.memory_space<vmem>>, vector<16xf32>,
        %select_n3A_1034 = arith.select %lt3A_683, %mul3A_1031, %get3A_1033 : vector<16xi1>, vector<16xf32>
        %swap3A_1035 = arith.constant 384 : index
        %swap3A_1036 = tpu.vector_load %arg15[%swap3A_1035] {strides = array<i32>} : memref<512xf32, #tpu.memory_space<vmem>>, vector<16xf32>,
        tpu.vector_store %arg15[%swap3A_1035], %select_n3A_1034 {strides = array<i32>} : memref<512xf32, #tpu.memory_space<vmem>>, vector<16xf32>,
        %swap3A_1037 = arith.constant 384 : index
        %swap3A_1038 = tpu.vector_load %arg16[%swap3A_1037] {strides = array<i32>} : memref<512xf32, #tpu.memory_space<vmem>>, vector<16xf32>,
        tpu.vector_store %arg16[%swap3A_1037], %broadcast_in_dim3A_1 {strides = array<i32>} : memref<512xf32, #tpu.memory_space<vmem>>, vector<16xf32>,
        %get3A_1039 = arith.constant 400 : index
        %get3A_1040 = tpu.vector_load %arg16[%get3A_1039] {strides = array<i32>} : memref<512xf32, #tpu.memory_space<vmem>>, vector<16xf32>,
        %get3A_1041 = arith.constant 400 : index
        %get3A_1042 = tpu.vector_load %arg13[%get3A_1041] {strides = array<i32>} : memref<512xf32, #tpu.memory_space<vmem>>, vector<16xf32>,
        %mul3A_1043 = arith.mulf %mul3A_688, %get3A_1042 : vector<16xf32>
        %add3A_1044 = arith.addf %get3A_1040, %mul3A_1043 : vector<16xf32>
        %mul3A_1045 = arith.mulf %add3A_1044, %div3A_682 : vector<16xf32>
        %get3A_1046 = arith.constant 400 : index
        %get3A_1047 = tpu.vector_load %arg15[%get3A_1046] {strides = array<i32>} : memref<512xf32, #tpu.memory_space<vmem>>, vector<16xf32>,
        %select_n3A_1048 = arith.select %lt3A_683, %mul3A_1045, %get3A_1047 : vector<16xi1>, vector<16xf32>
        %swap3A_1049 = arith.constant 400 : index
        %swap3A_1050 = tpu.vector_load %arg15[%swap3A_1049] {strides = array<i32>} : memref<512xf32, #tpu.memory_space<vmem>>, vector<16xf32>,
        tpu.vector_store %arg15[%swap3A_1049], %select_n3A_1048 {strides = array<i32>} : memref<512xf32, #tpu.memory_space<vmem>>, vector<16xf32>,
        %swap3A_1051 = arith.constant 400 : index
        %swap3A_1052 = tpu.vector_load %arg16[%swap3A_1051] {strides = array<i32>} : memref<512xf32, #tpu.memory_space<vmem>>, vector<16xf32>,
        tpu.vector_store %arg16[%swap3A_1051], %broadcast_in_dim3A_1 {strides = array<i32>} : memref<512xf32, #tpu.memory_space<vmem>>, vector<16xf32>,
        %get3A_1053 = arith.constant 416 : index
        %get3A_1054 = tpu.vector_load %arg16[%get3A_1053] {strides = array<i32>} : memref<512xf32, #tpu.memory_space<vmem>>, vector<16xf32>,
        %get3A_1055 = arith.constant 416 : index
        %get3A_1056 = tpu.vector_load %arg13[%get3A_1055] {strides = array<i32>} : memref<512xf32, #tpu.memory_space<vmem>>, vector<16xf32>,
        %mul3A_1057 = arith.mulf %mul3A_688, %get3A_1056 : vector<16xf32>
        %add3A_1058 = arith.addf %get3A_1054, %mul3A_1057 : vector<16xf32>
        %mul3A_1059 = arith.mulf %add3A_1058, %div3A_682 : vector<16xf32>
        %get3A_1060 = arith.constant 416 : index
        %get3A_1061 = tpu.vector_load %arg15[%get3A_1060] {strides = array<i32>} : memref<512xf32, #tpu.memory_space<vmem>>, vector<16xf32>,
        %select_n3A_1062 = arith.select %lt3A_683, %mul3A_1059, %get3A_1061 : vector<16xi1>, vector<16xf32>
        %swap3A_1063 = arith.constant 416 : index
        %swap3A_1064 = tpu.vector_load %arg15[%swap3A_1063] {strides = array<i32>} : memref<512xf32, #tpu.memory_space<vmem>>, vector<16xf32>,
        tpu.vector_store %arg15[%swap3A_1063], %select_n3A_1062 {strides = array<i32>} : memref<512xf32, #tpu.memory_space<vmem>>, vector<16xf32>,
        %swap3A_1065 = arith.constant 416 : index
        %swap3A_1066 = tpu.vector_load %arg16[%swap3A_1065] {strides = array<i32>} : memref<512xf32, #tpu.memory_space<vmem>>, vector<16xf32>,
        tpu.vector_store %arg16[%swap3A_1065], %broadcast_in_dim3A_1 {strides = array<i32>} : memref<512xf32, #tpu.memory_space<vmem>>, vector<16xf32>,
        %get3A_1067 = arith.constant 432 : index
        %get3A_1068 = tpu.vector_load %arg16[%get3A_1067] {strides = array<i32>} : memref<512xf32, #tpu.memory_space<vmem>>, vector<16xf32>,
        %get3A_1069 = arith.constant 432 : index
        %get3A_1070 = tpu.vector_load %arg13[%get3A_1069] {strides = array<i32>} : memref<512xf32, #tpu.memory_space<vmem>>, vector<16xf32>,
        %mul3A_1071 = arith.mulf %mul3A_688, %get3A_1070 : vector<16xf32>
        %add3A_1072 = arith.addf %get3A_1068, %mul3A_1071 : vector<16xf32>
        %mul3A_1073 = arith.mulf %add3A_1072, %div3A_682 : vector<16xf32>
        %get3A_1074 = arith.constant 432 : index
        %get3A_1075 = tpu.vector_load %arg15[%get3A_1074] {strides = array<i32>} : memref<512xf32, #tpu.memory_space<vmem>>, vector<16xf32>,
        %select_n3A_1076 = arith.select %lt3A_683, %mul3A_1073, %get3A_1075 : vector<16xi1>, vector<16xf32>
        %swap3A_1077 = arith.constant 432 : index
        %swap3A_1078 = tpu.vector_load %arg15[%swap3A_1077] {strides = array<i32>} : memref<512xf32, #tpu.memory_space<vmem>>, vector<16xf32>,
        tpu.vector_store %arg15[%swap3A_1077], %select_n3A_1076 {strides = array<i32>} : memref<512xf32, #tpu.memory_space<vmem>>, vector<16xf32>,
        %swap3A_1079 = arith.constant 432 : index
        %swap3A_1080 = tpu.vector_load %arg16[%swap3A_1079] {strides = array<i32>} : memref<512xf32, #tpu.memory_space<vmem>>, vector<16xf32>,
        tpu.vector_store %arg16[%swap3A_1079], %broadcast_in_dim3A_1 {strides = array<i32>} : memref<512xf32, #tpu.memory_space<vmem>>, vector<16xf32>,
        %get3A_1081 = arith.constant 448 : index
        %get3A_1082 = tpu.vector_load %arg16[%get3A_1081] {strides = array<i32>} : memref<512xf32, #tpu.memory_space<vmem>>, vector<16xf32>,
        %get3A_1083 = arith.constant 448 : index
        %get3A_1084 = tpu.vector_load %arg13[%get3A_1083] {strides = array<i32>} : memref<512xf32, #tpu.memory_space<vmem>>, vector<16xf32>,
        %mul3A_1085 = arith.mulf %mul3A_688, %get3A_1084 : vector<16xf32>
        %add3A_1086 = arith.addf %get3A_1082, %mul3A_1085 : vector<16xf32>
        %mul3A_1087 = arith.mulf %add3A_1086, %div3A_682 : vector<16xf32>
        %get3A_1088 = arith.constant 448 : index
        %get3A_1089 = tpu.vector_load %arg15[%get3A_1088] {strides = array<i32>} : memref<512xf32, #tpu.memory_space<vmem>>, vector<16xf32>,
        %select_n3A_1090 = arith.select %lt3A_683, %mul3A_1087, %get3A_1089 : vector<16xi1>, vector<16xf32>
        %swap3A_1091 = arith.constant 448 : index
        %swap3A_1092 = tpu.vector_load %arg15[%swap3A_1091] {strides = array<i32>} : memref<512xf32, #tpu.memory_space<vmem>>, vector<16xf32>,
        tpu.vector_store %arg15[%swap3A_1091], %select_n3A_1090 {strides = array<i32>} : memref<512xf32, #tpu.memory_space<vmem>>, vector<16xf32>,
        %swap3A_1093 = arith.constant 448 : index
        %swap3A_1094 = tpu.vector_load %arg16[%swap3A_1093] {strides = array<i32>} : memref<512xf32, #tpu.memory_space<vmem>>, vector<16xf32>,
        tpu.vector_store %arg16[%swap3A_1093], %broadcast_in_dim3A_1 {strides = array<i32>} : memref<512xf32, #tpu.memory_space<vmem>>, vector<16xf32>,
        %get3A_1095 = arith.constant 464 : index
        %get3A_1096 = tpu.vector_load %arg16[%get3A_1095] {strides = array<i32>} : memref<512xf32, #tpu.memory_space<vmem>>, vector<16xf32>,
        %get3A_1097 = arith.constant 464 : index
        %get3A_1098 = tpu.vector_load %arg13[%get3A_1097] {strides = array<i32>} : memref<512xf32, #tpu.memory_space<vmem>>, vector<16xf32>,
        %mul3A_1099 = arith.mulf %mul3A_688, %get3A_1098 : vector<16xf32>
        %add3A_1100 = arith.addf %get3A_1096, %mul3A_1099 : vector<16xf32>
        %mul3A_1101 = arith.mulf %add3A_1100, %div3A_682 : vector<16xf32>
        %get3A_1102 = arith.constant 464 : index
        %get3A_1103 = tpu.vector_load %arg15[%get3A_1102] {strides = array<i32>} : memref<512xf32, #tpu.memory_space<vmem>>, vector<16xf32>,
        %select_n3A_1104 = arith.select %lt3A_683, %mul3A_1101, %get3A_1103 : vector<16xi1>, vector<16xf32>
        %swap3A_1105 = arith.constant 464 : index
        %swap3A_1106 = tpu.vector_load %arg15[%swap3A_1105] {strides = array<i32>} : memref<512xf32, #tpu.memory_space<vmem>>, vector<16xf32>,
        tpu.vector_store %arg15[%swap3A_1105], %select_n3A_1104 {strides = array<i32>} : memref<512xf32, #tpu.memory_space<vmem>>, vector<16xf32>,
        %swap3A_1107 = arith.constant 464 : index
        %swap3A_1108 = tpu.vector_load %arg16[%swap3A_1107] {strides = array<i32>} : memref<512xf32, #tpu.memory_space<vmem>>, vector<16xf32>,
        tpu.vector_store %arg16[%swap3A_1107], %broadcast_in_dim3A_1 {strides = array<i32>} : memref<512xf32, #tpu.memory_space<vmem>>, vector<16xf32>,
        %get3A_1109 = arith.constant 480 : index
        %get3A_1110 = tpu.vector_load %arg16[%get3A_1109] {strides = array<i32>} : memref<512xf32, #tpu.memory_space<vmem>>, vector<16xf32>,
        %get3A_1111 = arith.constant 480 : index
        %get3A_1112 = tpu.vector_load %arg13[%get3A_1111] {strides = array<i32>} : memref<512xf32, #tpu.memory_space<vmem>>, vector<16xf32>,
        %mul3A_1113 = arith.mulf %mul3A_688, %get3A_1112 : vector<16xf32>
        %add3A_1114 = arith.addf %get3A_1110, %mul3A_1113 : vector<16xf32>
        %mul3A_1115 = arith.mulf %add3A_1114, %div3A_682 : vector<16xf32>
        %get3A_1116 = arith.constant 480 : index
        %get3A_1117 = tpu.vector_load %arg15[%get3A_1116] {strides = array<i32>} : memref<512xf32, #tpu.memory_space<vmem>>, vector<16xf32>,
        %select_n3A_1118 = arith.select %lt3A_683, %mul3A_1115, %get3A_1117 : vector<16xi1>, vector<16xf32>
        %swap3A_1119 = arith.constant 480 : index
        %swap3A_1120 = tpu.vector_load %arg15[%swap3A_1119] {strides = array<i32>} : memref<512xf32, #tpu.memory_space<vmem>>, vector<16xf32>,
        tpu.vector_store %arg15[%swap3A_1119], %select_n3A_1118 {strides = array<i32>} : memref<512xf32, #tpu.memory_space<vmem>>, vector<16xf32>,
        %swap3A_1121 = arith.constant 480 : index
        %swap3A_1122 = tpu.vector_load %arg16[%swap3A_1121] {strides = array<i32>} : memref<512xf32, #tpu.memory_space<vmem>>, vector<16xf32>,
        tpu.vector_store %arg16[%swap3A_1121], %broadcast_in_dim3A_1 {strides = array<i32>} : memref<512xf32, #tpu.memory_space<vmem>>, vector<16xf32>,
        %get3A_1123 = arith.constant 496 : index
        %get3A_1124 = tpu.vector_load %arg16[%get3A_1123] {strides = array<i32>} : memref<512xf32, #tpu.memory_space<vmem>>, vector<16xf32>,
        %get3A_1125 = arith.constant 496 : index
        %get3A_1126 = tpu.vector_load %arg13[%get3A_1125] {strides = array<i32>} : memref<512xf32, #tpu.memory_space<vmem>>, vector<16xf32>,
        %mul3A_1127 = arith.mulf %mul3A_688, %get3A_1126 : vector<16xf32>
        %add3A_1128 = arith.addf %get3A_1124, %mul3A_1127 : vector<16xf32>
        %mul3A_1129 = arith.mulf %add3A_1128, %div3A_682 : vector<16xf32>
        %get3A_1130 = arith.constant 496 : index
        %get3A_1131 = tpu.vector_load %arg15[%get3A_1130] {strides = array<i32>} : memref<512xf32, #tpu.memory_space<vmem>>, vector<16xf32>,
        %select_n3A_1132 = arith.select %lt3A_683, %mul3A_1129, %get3A_1131 : vector<16xi1>, vector<16xf32>
        %swap3A_1133 = arith.constant 496 : index
        %swap3A_1134 = tpu.vector_load %arg15[%swap3A_1133] {strides = array<i32>} : memref<512xf32, #tpu.memory_space<vmem>>, vector<16xf32>,
        tpu.vector_store %arg15[%swap3A_1133], %select_n3A_1132 {strides = array<i32>} : memref<512xf32, #tpu.memory_space<vmem>>, vector<16xf32>,
        %swap3A_1135 = arith.constant 496 : index
        %swap3A_1136 = tpu.vector_load %arg16[%swap3A_1135] {strides = array<i32>} : memref<512xf32, #tpu.memory_space<vmem>>, vector<16xf32>,
        tpu.vector_store %arg16[%swap3A_1135], %broadcast_in_dim3A_1 {strides = array<i32>} : memref<512xf32, #tpu.memory_space<vmem>>, vector<16xf32>,
        %scan3A_1137 = arith.constant 0 : i32
        scf.yield %scan3A_1137 : i32
      }
      %scan3A_532 = arith.constant 64 : i32
      %scan3A_533 = arith.constant 0 : i32
      scf.yield %scan3A_533 : i32
    }
    %scan3A_281 = arith.constant 16 : i32
    %get3A_282 = arith.constant 0 : index
    %get3A_283 = tpu.vector_load %arg15[%get3A_282] {strides = array<i32>} : memref<512xf32, #tpu.memory_space<vmem>>, vector<16xf32>,
    %get3A_284 = arith.constant 0 : index
    %get3A_285 = tpu.vector_load %arg14[%get3A_284] {strides = array<i32>} : memref<512xf32, #tpu.memory_space<vmem>>, vector<16xf32>,
    %mul3A_286 = arith.mulf %get3A_283, %get3A_285 : vector<16xf32>
    %add3A_287 = arith.addf %broadcast_in_dim3A_1, %mul3A_286 : vector<16xf32>
    %get3A_288 = arith.constant 16 : index
    %get3A_289 = tpu.vector_load %arg15[%get3A_288] {strides = array<i32>} : memref<512xf32, #tpu.memory_space<vmem>>, vector<16xf32>,
    %get3A_290 = arith.constant 16 : index
    %get3A_291 = tpu.vector_load %arg14[%get3A_290] {strides = array<i32>} : memref<512xf32, #tpu.memory_space<vmem>>, vector<16xf32>,
    %mul3A_292 = arith.mulf %get3A_289, %get3A_291 : vector<16xf32>
    %add3A_293 = arith.addf %add3A_287, %mul3A_292 : vector<16xf32>
    %get3A_294 = arith.constant 32 : index
    %get3A_295 = tpu.vector_load %arg15[%get3A_294] {strides = array<i32>} : memref<512xf32, #tpu.memory_space<vmem>>, vector<16xf32>,
    %get3A_296 = arith.constant 32 : index
    %get3A_297 = tpu.vector_load %arg14[%get3A_296] {strides = array<i32>} : memref<512xf32, #tpu.memory_space<vmem>>, vector<16xf32>,
    %mul3A_298 = arith.mulf %get3A_295, %get3A_297 : vector<16xf32>
    %add3A_299 = arith.addf %add3A_293, %mul3A_298 : vector<16xf32>
    %get3A_300 = arith.constant 48 : index
    %get3A_301 = tpu.vector_load %arg15[%get3A_300] {strides = array<i32>} : memref<512xf32, #tpu.memory_space<vmem>>, vector<16xf32>,
    %get3A_302 = arith.constant 48 : index
    %get3A_303 = tpu.vector_load %arg14[%get3A_302] {strides = array<i32>} : memref<512xf32, #tpu.memory_space<vmem>>, vector<16xf32>,
    %mul3A_304 = arith.mulf %get3A_301, %get3A_303 : vector<16xf32>
    %add3A_305 = arith.addf %add3A_299, %mul3A_304 : vector<16xf32>
    %get3A_306 = arith.constant 64 : index
    %get3A_307 = tpu.vector_load %arg15[%get3A_306] {strides = array<i32>} : memref<512xf32, #tpu.memory_space<vmem>>, vector<16xf32>,
    %get3A_308 = arith.constant 64 : index
    %get3A_309 = tpu.vector_load %arg14[%get3A_308] {strides = array<i32>} : memref<512xf32, #tpu.memory_space<vmem>>, vector<16xf32>,
    %mul3A_310 = arith.mulf %get3A_307, %get3A_309 : vector<16xf32>
    %add3A_311 = arith.addf %add3A_305, %mul3A_310 : vector<16xf32>
    %get3A_312 = arith.constant 80 : index
    %get3A_313 = tpu.vector_load %arg15[%get3A_312] {strides = array<i32>} : memref<512xf32, #tpu.memory_space<vmem>>, vector<16xf32>,
    %get3A_314 = arith.constant 80 : index
    %get3A_315 = tpu.vector_load %arg14[%get3A_314] {strides = array<i32>} : memref<512xf32, #tpu.memory_space<vmem>>, vector<16xf32>,
    %mul3A_316 = arith.mulf %get3A_313, %get3A_315 : vector<16xf32>
    %add3A_317 = arith.addf %add3A_311, %mul3A_316 : vector<16xf32>
    %get3A_318 = arith.constant 96 : index
    %get3A_319 = tpu.vector_load %arg15[%get3A_318] {strides = array<i32>} : memref<512xf32, #tpu.memory_space<vmem>>, vector<16xf32>,
    %get3A_320 = arith.constant 96 : index
    %get3A_321 = tpu.vector_load %arg14[%get3A_320] {strides = array<i32>} : memref<512xf32, #tpu.memory_space<vmem>>, vector<16xf32>,
    %mul3A_322 = arith.mulf %get3A_319, %get3A_321 : vector<16xf32>
    %add3A_323 = arith.addf %add3A_317, %mul3A_322 : vector<16xf32>
    %get3A_324 = arith.constant 112 : index
    %get3A_325 = tpu.vector_load %arg15[%get3A_324] {strides = array<i32>} : memref<512xf32, #tpu.memory_space<vmem>>, vector<16xf32>,
    %get3A_326 = arith.constant 112 : index
    %get3A_327 = tpu.vector_load %arg14[%get3A_326] {strides = array<i32>} : memref<512xf32, #tpu.memory_space<vmem>>, vector<16xf32>,
    %mul3A_328 = arith.mulf %get3A_325, %get3A_327 : vector<16xf32>
    %add3A_329 = arith.addf %add3A_323, %mul3A_328 : vector<16xf32>
    %get3A_330 = arith.constant 128 : index
    %get3A_331 = tpu.vector_load %arg15[%get3A_330] {strides = array<i32>} : memref<512xf32, #tpu.memory_space<vmem>>, vector<16xf32>,
    %get3A_332 = arith.constant 128 : index
    %get3A_333 = tpu.vector_load %arg14[%get3A_332] {strides = array<i32>} : memref<512xf32, #tpu.memory_space<vmem>>, vector<16xf32>,
    %mul3A_334 = arith.mulf %get3A_331, %get3A_333 : vector<16xf32>
    %add3A_335 = arith.addf %add3A_329, %mul3A_334 : vector<16xf32>
    %get3A_336 = arith.constant 144 : index
    %get3A_337 = tpu.vector_load %arg15[%get3A_336] {strides = array<i32>} : memref<512xf32, #tpu.memory_space<vmem>>, vector<16xf32>,
    %get3A_338 = arith.constant 144 : index
    %get3A_339 = tpu.vector_load %arg14[%get3A_338] {strides = array<i32>} : memref<512xf32, #tpu.memory_space<vmem>>, vector<16xf32>,
    %mul3A_340 = arith.mulf %get3A_337, %get3A_339 : vector<16xf32>
    %add3A_341 = arith.addf %add3A_335, %mul3A_340 : vector<16xf32>
    %get3A_342 = arith.constant 160 : index
    %get3A_343 = tpu.vector_load %arg15[%get3A_342] {strides = array<i32>} : memref<512xf32, #tpu.memory_space<vmem>>, vector<16xf32>,
    %get3A_344 = arith.constant 160 : index
    %get3A_345 = tpu.vector_load %arg14[%get3A_344] {strides = array<i32>} : memref<512xf32, #tpu.memory_space<vmem>>, vector<16xf32>,
    %mul3A_346 = arith.mulf %get3A_343, %get3A_345 : vector<16xf32>
    %add3A_347 = arith.addf %add3A_341, %mul3A_346 : vector<16xf32>
    %get3A_348 = arith.constant 176 : index
    %get3A_349 = tpu.vector_load %arg15[%get3A_348] {strides = array<i32>} : memref<512xf32, #tpu.memory_space<vmem>>, vector<16xf32>,
    %get3A_350 = arith.constant 176 : index
    %get3A_351 = tpu.vector_load %arg14[%get3A_350] {strides = array<i32>} : memref<512xf32, #tpu.memory_space<vmem>>, vector<16xf32>,
    %mul3A_352 = arith.mulf %get3A_349, %get3A_351 : vector<16xf32>
    %add3A_353 = arith.addf %add3A_347, %mul3A_352 : vector<16xf32>
    %get3A_354 = arith.constant 192 : index
    %get3A_355 = tpu.vector_load %arg15[%get3A_354] {strides = array<i32>} : memref<512xf32, #tpu.memory_space<vmem>>, vector<16xf32>,
    %get3A_356 = arith.constant 192 : index
    %get3A_357 = tpu.vector_load %arg14[%get3A_356] {strides = array<i32>} : memref<512xf32, #tpu.memory_space<vmem>>, vector<16xf32>,
    %mul3A_358 = arith.mulf %get3A_355, %get3A_357 : vector<16xf32>
    %add3A_359 = arith.addf %add3A_353, %mul3A_358 : vector<16xf32>
    %get3A_360 = arith.constant 208 : index
    %get3A_361 = tpu.vector_load %arg15[%get3A_360] {strides = array<i32>} : memref<512xf32, #tpu.memory_space<vmem>>, vector<16xf32>,
    %get3A_362 = arith.constant 208 : index
    %get3A_363 = tpu.vector_load %arg14[%get3A_362] {strides = array<i32>} : memref<512xf32, #tpu.memory_space<vmem>>, vector<16xf32>,
    %mul3A_364 = arith.mulf %get3A_361, %get3A_363 : vector<16xf32>
    %add3A_365 = arith.addf %add3A_359, %mul3A_364 : vector<16xf32>
    %get3A_366 = arith.constant 224 : index
    %get3A_367 = tpu.vector_load %arg15[%get3A_366] {strides = array<i32>} : memref<512xf32, #tpu.memory_space<vmem>>, vector<16xf32>,
    %get3A_368 = arith.constant 224 : index
    %get3A_369 = tpu.vector_load %arg14[%get3A_368] {strides = array<i32>} : memref<512xf32, #tpu.memory_space<vmem>>, vector<16xf32>,
    %mul3A_370 = arith.mulf %get3A_367, %get3A_369 : vector<16xf32>
    %add3A_371 = arith.addf %add3A_365, %mul3A_370 : vector<16xf32>
    %get3A_372 = arith.constant 240 : index
    %get3A_373 = tpu.vector_load %arg15[%get3A_372] {strides = array<i32>} : memref<512xf32, #tpu.memory_space<vmem>>, vector<16xf32>,
    %get3A_374 = arith.constant 240 : index
    %get3A_375 = tpu.vector_load %arg14[%get3A_374] {strides = array<i32>} : memref<512xf32, #tpu.memory_space<vmem>>, vector<16xf32>,
    %mul3A_376 = arith.mulf %get3A_373, %get3A_375 : vector<16xf32>
    %add3A_377 = arith.addf %add3A_371, %mul3A_376 : vector<16xf32>
    %get3A_378 = arith.constant 256 : index
    %get3A_379 = tpu.vector_load %arg15[%get3A_378] {strides = array<i32>} : memref<512xf32, #tpu.memory_space<vmem>>, vector<16xf32>,
    %get3A_380 = arith.constant 256 : index
    %get3A_381 = tpu.vector_load %arg14[%get3A_380] {strides = array<i32>} : memref<512xf32, #tpu.memory_space<vmem>>, vector<16xf32>,
    %mul3A_382 = arith.mulf %get3A_379, %get3A_381 : vector<16xf32>
    %add3A_383 = arith.addf %add3A_377, %mul3A_382 : vector<16xf32>
    %get3A_384 = arith.constant 272 : index
    %get3A_385 = tpu.vector_load %arg15[%get3A_384] {strides = array<i32>} : memref<512xf32, #tpu.memory_space<vmem>>, vector<16xf32>,
    %get3A_386 = arith.constant 272 : index
    %get3A_387 = tpu.vector_load %arg14[%get3A_386] {strides = array<i32>} : memref<512xf32, #tpu.memory_space<vmem>>, vector<16xf32>,
    %mul3A_388 = arith.mulf %get3A_385, %get3A_387 : vector<16xf32>
    %add3A_389 = arith.addf %add3A_383, %mul3A_388 : vector<16xf32>
    %get3A_390 = arith.constant 288 : index
    %get3A_391 = tpu.vector_load %arg15[%get3A_390] {strides = array<i32>} : memref<512xf32, #tpu.memory_space<vmem>>, vector<16xf32>,
    %get3A_392 = arith.constant 288 : index
    %get3A_393 = tpu.vector_load %arg14[%get3A_392] {strides = array<i32>} : memref<512xf32, #tpu.memory_space<vmem>>, vector<16xf32>,
    %mul3A_394 = arith.mulf %get3A_391, %get3A_393 : vector<16xf32>
    %add3A_395 = arith.addf %add3A_389, %mul3A_394 : vector<16xf32>
    %get3A_396 = arith.constant 304 : index
    %get3A_397 = tpu.vector_load %arg15[%get3A_396] {strides = array<i32>} : memref<512xf32, #tpu.memory_space<vmem>>, vector<16xf32>,
    %get3A_398 = arith.constant 304 : index
    %get3A_399 = tpu.vector_load %arg14[%get3A_398] {strides = array<i32>} : memref<512xf32, #tpu.memory_space<vmem>>, vector<16xf32>,
    %mul3A_400 = arith.mulf %get3A_397, %get3A_399 : vector<16xf32>
    %add3A_401 = arith.addf %add3A_395, %mul3A_400 : vector<16xf32>
    %get3A_402 = arith.constant 320 : index
    %get3A_403 = tpu.vector_load %arg15[%get3A_402] {strides = array<i32>} : memref<512xf32, #tpu.memory_space<vmem>>, vector<16xf32>,
    %get3A_404 = arith.constant 320 : index
    %get3A_405 = tpu.vector_load %arg14[%get3A_404] {strides = array<i32>} : memref<512xf32, #tpu.memory_space<vmem>>, vector<16xf32>,
    %mul3A_406 = arith.mulf %get3A_403, %get3A_405 : vector<16xf32>
    %add3A_407 = arith.addf %add3A_401, %mul3A_406 : vector<16xf32>
    %get3A_408 = arith.constant 336 : index
    %get3A_409 = tpu.vector_load %arg15[%get3A_408] {strides = array<i32>} : memref<512xf32, #tpu.memory_space<vmem>>, vector<16xf32>,
    %get3A_410 = arith.constant 336 : index
    %get3A_411 = tpu.vector_load %arg14[%get3A_410] {strides = array<i32>} : memref<512xf32, #tpu.memory_space<vmem>>, vector<16xf32>,
    %mul3A_412 = arith.mulf %get3A_409, %get3A_411 : vector<16xf32>
    %add3A_413 = arith.addf %add3A_407, %mul3A_412 : vector<16xf32>
    %get3A_414 = arith.constant 352 : index
    %get3A_415 = tpu.vector_load %arg15[%get3A_414] {strides = array<i32>} : memref<512xf32, #tpu.memory_space<vmem>>, vector<16xf32>,
    %get3A_416 = arith.constant 352 : index
    %get3A_417 = tpu.vector_load %arg14[%get3A_416] {strides = array<i32>} : memref<512xf32, #tpu.memory_space<vmem>>, vector<16xf32>,
    %mul3A_418 = arith.mulf %get3A_415, %get3A_417 : vector<16xf32>
    %add3A_419 = arith.addf %add3A_413, %mul3A_418 : vector<16xf32>
    %get3A_420 = arith.constant 368 : index
    %get3A_421 = tpu.vector_load %arg15[%get3A_420] {strides = array<i32>} : memref<512xf32, #tpu.memory_space<vmem>>, vector<16xf32>,
    %get3A_422 = arith.constant 368 : index
    %get3A_423 = tpu.vector_load %arg14[%get3A_422] {strides = array<i32>} : memref<512xf32, #tpu.memory_space<vmem>>, vector<16xf32>,
    %mul3A_424 = arith.mulf %get3A_421, %get3A_423 : vector<16xf32>
    %add3A_425 = arith.addf %add3A_419, %mul3A_424 : vector<16xf32>
    %get3A_426 = arith.constant 384 : index
    %get3A_427 = tpu.vector_load %arg15[%get3A_426] {strides = array<i32>} : memref<512xf32, #tpu.memory_space<vmem>>, vector<16xf32>,
    %get3A_428 = arith.constant 384 : index
    %get3A_429 = tpu.vector_load %arg14[%get3A_428] {strides = array<i32>} : memref<512xf32, #tpu.memory_space<vmem>>, vector<16xf32>,
    %mul3A_430 = arith.mulf %get3A_427, %get3A_429 : vector<16xf32>
    %add3A_431 = arith.addf %add3A_425, %mul3A_430 : vector<16xf32>
    %get3A_432 = arith.constant 400 : index
    %get3A_433 = tpu.vector_load %arg15[%get3A_432] {strides = array<i32>} : memref<512xf32, #tpu.memory_space<vmem>>, vector<16xf32>,
    %get3A_434 = arith.constant 400 : index
    %get3A_435 = tpu.vector_load %arg14[%get3A_434] {strides = array<i32>} : memref<512xf32, #tpu.memory_space<vmem>>, vector<16xf32>,
    %mul3A_436 = arith.mulf %get3A_433, %get3A_435 : vector<16xf32>
    %add3A_437 = arith.addf %add3A_431, %mul3A_436 : vector<16xf32>
    %get3A_438 = arith.constant 416 : index
    %get3A_439 = tpu.vector_load %arg15[%get3A_438] {strides = array<i32>} : memref<512xf32, #tpu.memory_space<vmem>>, vector<16xf32>,
    %get3A_440 = arith.constant 416 : index
    %get3A_441 = tpu.vector_load %arg14[%get3A_440] {strides = array<i32>} : memref<512xf32, #tpu.memory_space<vmem>>, vector<16xf32>,
    %mul3A_442 = arith.mulf %get3A_439, %get3A_441 : vector<16xf32>
    %add3A_443 = arith.addf %add3A_437, %mul3A_442 : vector<16xf32>
    %get3A_444 = arith.constant 432 : index
    %get3A_445 = tpu.vector_load %arg15[%get3A_444] {strides = array<i32>} : memref<512xf32, #tpu.memory_space<vmem>>, vector<16xf32>,
    %get3A_446 = arith.constant 432 : index
    %get3A_447 = tpu.vector_load %arg14[%get3A_446] {strides = array<i32>} : memref<512xf32, #tpu.memory_space<vmem>>, vector<16xf32>,
    %mul3A_448 = arith.mulf %get3A_445, %get3A_447 : vector<16xf32>
    %add3A_449 = arith.addf %add3A_443, %mul3A_448 : vector<16xf32>
    %get3A_450 = arith.constant 448 : index
    %get3A_451 = tpu.vector_load %arg15[%get3A_450] {strides = array<i32>} : memref<512xf32, #tpu.memory_space<vmem>>, vector<16xf32>,
    %get3A_452 = arith.constant 448 : index
    %get3A_453 = tpu.vector_load %arg14[%get3A_452] {strides = array<i32>} : memref<512xf32, #tpu.memory_space<vmem>>, vector<16xf32>,
    %mul3A_454 = arith.mulf %get3A_451, %get3A_453 : vector<16xf32>
    %add3A_455 = arith.addf %add3A_449, %mul3A_454 : vector<16xf32>
    %get3A_456 = arith.constant 464 : index
    %get3A_457 = tpu.vector_load %arg15[%get3A_456] {strides = array<i32>} : memref<512xf32, #tpu.memory_space<vmem>>, vector<16xf32>,
    %get3A_458 = arith.constant 464 : index
    %get3A_459 = tpu.vector_load %arg14[%get3A_458] {strides = array<i32>} : memref<512xf32, #tpu.memory_space<vmem>>, vector<16xf32>,
    %mul3A_460 = arith.mulf %get3A_457, %get3A_459 : vector<16xf32>
    %add3A_461 = arith.addf %add3A_455, %mul3A_460 : vector<16xf32>
    %get3A_462 = arith.constant 480 : index
    %get3A_463 = tpu.vector_load %arg15[%get3A_462] {strides = array<i32>} : memref<512xf32, #tpu.memory_space<vmem>>, vector<16xf32>,
    %get3A_464 = arith.constant 480 : index
    %get3A_465 = tpu.vector_load %arg14[%get3A_464] {strides = array<i32>} : memref<512xf32, #tpu.memory_space<vmem>>, vector<16xf32>,
    %mul3A_466 = arith.mulf %get3A_463, %get3A_465 : vector<16xf32>
    %add3A_467 = arith.addf %add3A_461, %mul3A_466 : vector<16xf32>
    %get3A_468 = arith.constant 496 : index
    %get3A_469 = tpu.vector_load %arg15[%get3A_468] {strides = array<i32>} : memref<512xf32, #tpu.memory_space<vmem>>, vector<16xf32>,
    %get3A_470 = arith.constant 496 : index
    %get3A_471 = tpu.vector_load %arg14[%get3A_470] {strides = array<i32>} : memref<512xf32, #tpu.memory_space<vmem>>, vector<16xf32>,
    %mul3A_472 = arith.mulf %get3A_469, %get3A_471 : vector<16xf32>
    %add3A_473 = arith.addf %add3A_467, %mul3A_472 : vector<16xf32>
    %swap3A_474 = arith.constant 0 : index
    %swap3A_475 = tpu.vector_load %arg18[%swap3A_474] {strides = array<i32>} : memref<16xf32, #tpu.memory_space<vmem>>, vector<16xf32>,
    tpu.vector_store %arg18[%swap3A_474], %add3A_473 {strides = array<i32>} : memref<16xf32, #tpu.memory_space<vmem>>, vector<16xf32>,
    "tpu.region"() ({
      %run_scoped3A = tpu.sem_alloc : memref<!tpu.dma_semaphore, #tpu.memory_space<semaphore_mem>>
      %dma_start3A_476 = arith.constant 0 : i32
      %dma_start3A_477 = tpu.memref_slice %arg8[%add3A, %dma_start3A_476] : memref<32x2048xf32, #tpu.memory_space<hbm>> -> memref<1x2048xf32, #tpu.memory_space<hbm>>
      %dma_start3A_478 = tpu.memref_squeeze %dma_start3A_477 : memref<1x2048xf32, #tpu.memory_space<hbm>> -> memref<2048xf32, #tpu.memory_space<hbm>>
      %dma_start3A_479 = arith.constant 0 : i32
      %dma_start3A_480 = tpu.memref_slice %arg8[%add3A, %dma_start3A_479] : memref<32x2048xf32, #tpu.memory_space<hbm>> -> memref<1x2048xf32, #tpu.memory_space<hbm>>
      %dma_start3A_481 = tpu.memref_squeeze %dma_start3A_480 : memref<1x2048xf32, #tpu.memory_space<hbm>> -> memref<2048xf32, #tpu.memory_space<hbm>>
      tpu.enqueue_dma source(%arg17 : memref<2048xf32, #tpu.memory_space<vmem>>) target(%dma_start3A_481 : memref<2048xf32, #tpu.memory_space<hbm>>) target_semaphore(%run_scoped3A : memref<!tpu.dma_semaphore, #tpu.memory_space<semaphore_mem>>)
      %dma_wait3A = arith.constant 0 : i32
      %dma_wait3A_482 = tpu.memref_slice %arg8[%add3A, %dma_wait3A] : memref<32x2048xf32, #tpu.memory_space<hbm>> -> memref<1x2048xf32, #tpu.memory_space<hbm>>
      %dma_wait3A_483 = tpu.memref_squeeze %dma_wait3A_482 : memref<1x2048xf32, #tpu.memory_space<hbm>> -> memref<2048xf32, #tpu.memory_space<hbm>>
      %dma_wait3A_484 = arith.constant 0 : i32
      %dma_wait3A_485 = tpu.memref_slice %arg8[%add3A, %dma_wait3A_484] : memref<32x2048xf32, #tpu.memory_space<hbm>> -> memref<1x2048xf32, #tpu.memory_space<hbm>>
      %dma_wait3A_486 = tpu.memref_squeeze %dma_wait3A_485 : memref<1x2048xf32, #tpu.memory_space<hbm>> -> memref<2048xf32, #tpu.memory_space<hbm>>
      tpu.wait_dma2 semaphore(%run_scoped3A : memref<!tpu.dma_semaphore, #tpu.memory_space<semaphore_mem>>) src(%arg17 : memref<2048xf32, #tpu.memory_space<vmem>>) dst(%dma_wait3A_486 : memref<2048xf32, #tpu.memory_space<hbm>>)
      tpu.yield
    }) : () -> ()
    "tpu.region"() ({
      %run_scoped3A = tpu.sem_alloc : memref<!tpu.dma_semaphore, #tpu.memory_space<semaphore_mem>>
      %dma_start3A_476 = arith.constant 0 : i32
      %dma_start3A_477 = tpu.memref_slice %arg9[%add3A, %dma_start3A_476] : memref<32x16xf32, #tpu.memory_space<hbm>> -> memref<1x16xf32, #tpu.memory_space<hbm>>
      %dma_start3A_478 = tpu.memref_squeeze %dma_start3A_477 : memref<1x16xf32, #tpu.memory_space<hbm>> -> memref<16xf32, #tpu.memory_space<hbm>>
      %dma_start3A_479 = arith.constant 0 : i32
      %dma_start3A_480 = tpu.memref_slice %arg9[%add3A, %dma_start3A_479] : memref<32x16xf32, #tpu.memory_space<hbm>> -> memref<1x16xf32, #tpu.memory_space<hbm>>
      %dma_start3A_481 = tpu.memref_squeeze %dma_start3A_480 : memref<1x16xf32, #tpu.memory_space<hbm>> -> memref<16xf32, #tpu.memory_space<hbm>>
      tpu.enqueue_dma source(%arg18 : memref<16xf32, #tpu.memory_space<vmem>>) target(%dma_start3A_481 : memref<16xf32, #tpu.memory_space<hbm>>) target_semaphore(%run_scoped3A : memref<!tpu.dma_semaphore, #tpu.memory_space<semaphore_mem>>)
      %dma_wait3A = arith.constant 0 : i32
      %dma_wait3A_482 = tpu.memref_slice %arg9[%add3A, %dma_wait3A] : memref<32x16xf32, #tpu.memory_space<hbm>> -> memref<1x16xf32, #tpu.memory_space<hbm>>
      %dma_wait3A_483 = tpu.memref_squeeze %dma_wait3A_482 : memref<1x16xf32, #tpu.memory_space<hbm>> -> memref<16xf32, #tpu.memory_space<hbm>>
      %dma_wait3A_484 = arith.constant 0 : i32
      %dma_wait3A_485 = tpu.memref_slice %arg9[%add3A, %dma_wait3A_484] : memref<32x16xf32, #tpu.memory_space<hbm>> -> memref<1x16xf32, #tpu.memory_space<hbm>>
      %dma_wait3A_486 = tpu.memref_squeeze %dma_wait3A_485 : memref<1x16xf32, #tpu.memory_space<hbm>> -> memref<16xf32, #tpu.memory_space<hbm>>
      tpu.wait_dma2 semaphore(%run_scoped3A : memref<!tpu.dma_semaphore, #tpu.memory_space<semaphore_mem>>) src(%arg18 : memref<16xf32, #tpu.memory_space<vmem>>) dst(%dma_wait3A_486 : memref<16xf32, #tpu.memory_space<hbm>>)
      tpu.yield
    }) : () -> ()
    return
  }
}

module attributes {stable_mosaic.version = 14 : i64} {
  func.func @_exp_body(%arg0: i32, %arg1: memref<1x2048x128xf32, #tpu.memory_space<vmem>>, %arg2: memref<1x2048x128xf32, #tpu.memory_space<vmem>>) attributes {dimension_semantics = [#tpu.dimension_semantics<arbitrary>], iteration_bounds = array<i64: 16>, scalar_prefetch = 0 : i64, scratch_operands = 0 : i64, tpu.core_type = #tpu.core_type<tc>, window_params = [{transform_indices = @transform_0, window_bounds = array<i64: 1, 2048, 128>}, {transform_indices = @transform_1, window_bounds = array<i64: 1, 2048, 128>}]} {
    %get3A = arith.constant 0 : index
    %get3A_0 = arith.constant 0 : index
    %get3A_1 = arith.constant 0 : index
    %get3A_2 = vector.load %arg1[%get3A, %get3A_0, %get3A_1] : memref<1x2048x128xf32, #tpu.memory_space<vmem>>, vector<1x2048x128xf32>
    %jit3A = arith.constant -3.000000e+01 : f32
    %jit3A_3 = arith.constant 3.000000e+01 : f32
    %max3A = vector.broadcast %jit3A : f32 to vector<1x2048x128xf32>
    %max3A_4 = arith.maximumf %max3A, %get3A_2 : vector<1x2048x128xf32>
    %min3A = vector.broadcast %jit3A_3 : f32 to vector<1x2048x128xf32>
    %min3A_5 = arith.minimumf %min3A, %max3A_4 : vector<1x2048x128xf32>
    %exp3A = math.exp %min3A_5 : vector<1x2048x128xf32>
    %swap3A = arith.constant 0 : index
    %swap3A_6 = arith.constant 0 : index
    %swap3A_7 = arith.constant 0 : index
    %swap3A_8 = vector.load %arg2[%swap3A, %swap3A_6, %swap3A_7] : memref<1x2048x128xf32, #tpu.memory_space<vmem>>, vector<1x2048x128xf32>
    tpu.vector_store %arg2[%swap3A, %swap3A_6, %swap3A_7], %exp3A {strides = array<i32>} : memref<1x2048x128xf32, #tpu.memory_space<vmem>>, vector<1x2048x128xf32>,
    return
  }
  func.func @transform_0(%arg0: i32) -> (i32, i32, i32) {
    %c0_i32 = arith.constant 0 : i32
    %c0_i32_0 = arith.constant 0 : i32
    %c0_i32_1 = arith.constant 0 : i32
    return %arg0, %c0_i32, %c0_i32_0 : i32, i32, i32
  }
  func.func @transform_1(%arg0: i32) -> (i32, i32, i32) {
    %c0_i32 = arith.constant 0 : i32
    %c0_i32_0 = arith.constant 0 : i32
    %c0_i32_1 = arith.constant 0 : i32
    return %arg0, %c0_i32, %c0_i32_0 : i32, i32, i32
  }
}

module attributes {stable_mosaic.version = 14 : i64} {
  func.func @_reduce_body(%arg0: memref<32x2048xf32, #tpu.memory_space<vmem>>, %arg1: memref<32x16xf32, #tpu.memory_space<vmem>>, %arg2: memref<1x16xf32, #tpu.memory_space<vmem>>, %arg3: memref<1x1xf32, #tpu.memory_space<vmem>>) attributes {dimension_semantics = [], scalar_prefetch = 0 : i64, scratch_operands = 0 : i64, tpu.core_type = #tpu.core_type<tc>} {
    %get3A = arith.constant 0 : index
    %get3A_0 = arith.constant 0 : index
    %get3A_1 = vector.load %arg0[%get3A, %get3A_0] : memref<32x2048xf32, #tpu.memory_space<vmem>>, vector<32x2048xf32>
    %log3A = math.log %get3A_1 : vector<32x2048xf32>
    %reduce_sum3A = arith.constant dense<0.000000e+00> : vector<32xf32>
    %reduce_sum3A_2 = vector.multi_reduction <add>, %log3A, %reduce_sum3A [1] : vector<32x2048xf32> to vector<32xf32>
    %broadcast_in_dim3A = vector.shape_cast %reduce_sum3A_2 : vector<32xf32> to vector<32x1xf32>
    %get3A_3 = arith.constant 0 : index
    %get3A_4 = arith.constant 0 : index
    %get3A_5 = vector.load %arg1[%get3A_3, %get3A_4] : memref<32x16xf32, #tpu.memory_space<vmem>>, vector<32x16xf32>
    %reduce_sum3A_6 = arith.constant dense<0.000000e+00> : vector<32xf32>
    %reduce_sum3A_7 = vector.multi_reduction <add>, %get3A_5, %reduce_sum3A_6 [1] : vector<32x16xf32> to vector<32xf32>
    %broadcast_in_dim3A_8 = vector.shape_cast %reduce_sum3A_7 : vector<32xf32> to vector<32x1xf32>
    %add3A = arith.constant 1.000000e-30 : f32
    %add3A_9 = vector.broadcast %add3A : f32 to vector<32x1xf32>
    %add3A_10 = arith.addf %broadcast_in_dim3A_8, %add3A_9 : vector<32x1xf32>
    %log3A_11 = math.log %add3A_10 : vector<32x1xf32>
    %add3A_12 = arith.addf %broadcast_in_dim3A, %log3A_11 : vector<32x1xf32>
    %slice3A = vector.extract_strided_slice %add3A_12 {offsets = [0, 0], sizes = [16, 1], strides = [1, 1]} : vector<32x1xf32> to vector<16x1xf32>
    %reduce_sum3A_13 = vector.shape_cast %slice3A : vector<16x1xf32> to vector<1x16x1xf32>
    %reduce_sum3A_14 = arith.constant dense<0.000000e+00> : vector<1xf32>
    %reduce_sum3A_15 = vector.multi_reduction <add>, %reduce_sum3A_13, %reduce_sum3A_14 [1, 2] : vector<1x16x1xf32> to vector<1xf32>
    %reduce_sum3A_16 = vector.shape_cast %reduce_sum3A_15 : vector<1xf32> to vector<1x1x1xf32>
    %reduce_sum3A_17 = vector.extract %reduce_sum3A_16[0, 0, 0] : f32 from vector<1x1x1xf32>
    %slice3A_18 = vector.extract_strided_slice %add3A_12 {offsets = [16, 0], sizes = [16, 1], strides = [1, 1]} : vector<32x1xf32> to vector<16x1xf32>
    %reduce_sum3A_19 = vector.shape_cast %slice3A_18 : vector<16x1xf32> to vector<1x16x1xf32>
    %reduce_sum3A_20 = arith.constant dense<0.000000e+00> : vector<1xf32>
    %reduce_sum3A_21 = vector.multi_reduction <add>, %reduce_sum3A_19, %reduce_sum3A_20 [1, 2] : vector<1x16x1xf32> to vector<1xf32>
    %reduce_sum3A_22 = vector.shape_cast %reduce_sum3A_21 : vector<1xf32> to vector<1x1x1xf32>
    %reduce_sum3A_23 = vector.extract %reduce_sum3A_22[0, 0, 0] : f32 from vector<1x1x1xf32>
    %get3A_24 = arith.constant 0 : index
    %get3A_25 = arith.constant 0 : index
    %get3A_26 = vector.load %arg2[%get3A_24, %get3A_25] : memref<1x16xf32, #tpu.memory_space<vmem>>, vector<1x16xf32>
    %reduce_sum3A_27 = vector.shape_cast %get3A_26 : vector<1x16xf32> to vector<1x1x16xf32>
    %reduce_sum3A_28 = arith.constant dense<0.000000e+00> : vector<1xf32>
    %reduce_sum3A_29 = vector.multi_reduction <add>, %reduce_sum3A_27, %reduce_sum3A_28 [1, 2] : vector<1x1x16xf32> to vector<1xf32>
    %reduce_sum3A_30 = vector.shape_cast %reduce_sum3A_29 : vector<1xf32> to vector<1x1x1xf32>
    %reduce_sum3A_31 = vector.extract %reduce_sum3A_30[0, 0, 0] : f32 from vector<1x1x1xf32>
    %sub3A = arith.subf %reduce_sum3A_23, %reduce_sum3A_17 : f32
    %neg3A = arith.constant 0.000000e+00 : f32
    %neg3A_32 = arith.subf %neg3A, %sub3A : f32
    %div3A = arith.divf %neg3A_32, %reduce_sum3A_31 : f32
    %reshape3A = vector.broadcast %div3A : f32 to vector<1x1xf32>
    %swap3A = arith.constant 0 : index
    %swap3A_33 = arith.constant 0 : index
    %swap3A_34 = vector.load %arg3[%swap3A, %swap3A_33] : memref<1x1xf32, #tpu.memory_space<vmem>>, vector<1x1xf32>
    tpu.vector_store %arg3[%swap3A, %swap3A_33], %reshape3A {strides = array<i32>} : memref<1x1xf32, #tpu.memory_space<vmem>>, vector<1x1xf32>,
    return
  }
}

</mosaic_0001>

<sc_bundles>
// kernel: gather_offload_async_start.1
scs
__scs_entry_jumppad:
0x0: {  	(pc) =	sbr.rel $0x88, $3  }
0x1: {  	(tag) =	ssettag $0x0;
	lr =	simm.s32 $0x1  }
0x2: {  	[smem:$0x3F93] =	sst lr;
	_ =	strace $0xD0000000  }
0x3: {  	_ = 	snop  }
0x4: {  	_ = 	snop  }
0x5: {  	_ = 	snop  }
0x6: {  	_ = 	snop  }
0x7: {  	_ = 	snop  }
__scs_overlays_trampoline_lowered:
0x8: {  	[smem:$0x3FA2] =	sst s0  }
0x9: {  	[smem:$0x3FA3] =	sst s1  }
0xa: {  	[smem:$0x3FA4] =	sst s2  }
0xb: {  	[smem:$0x3FA5] =	sst s3  }
0xc: {  	[smem:$0x3FA6] =	sst s4  }
0xd: {  	[smem:$0x3FA7] =	sst s5  }
0xe: {  	[smem:$0x3FA8] =	sst s6  }
0xf: {  	[smem:$0x3FA9] =	sst s7  }
0x10: {  	[smem:$0x3FAA] =	sst s8  }
0x11: {  	[smem:$0x3FAB] =	sst s9;
	s0 =	simm.s32 @!p0 $0x0  }
0x12: {  	s1 =	sld [smem:$0x3F91];
	s0 =	simm.s32 @p0 $0x1  }
0x13: {  	[smem:$0x3FAC] =	sst s0;
	s0 =	simm.s32 @!p1 $0x0  }
0x14: {  	s2 =	sld [smem:$0x3F90];
	s0 =	simm.s32 @p1 $0x1  }
0x15: {  	[smem:$0x3FAD] =	sst s0;
	s0 =	simm.s32 @!p2 $0x0  }
0x16: {  	s3 =	sld [smem:$0x3FDB];
	s0 =	simm.s32 @p2 $0x1  }
0x17: {  	s4 =	simm.s32 $0x1BF5;
	[smem:$0x3FAF] =	sst s0  }
0x18: {  	s0 =	sld [smem:$0x3F92];
	_ =	swait.ge [sflag:s4], $0x0  }
0x19: {  	s7 =	sld [smem:$0x3F93]  }
0x1a: {  	s8 =	sadd.s32 $0xFFFFE003, lr  }
0x1b: {  	s9 =	sadd.s32 $0xFFFFFEF7, lr;
	s5 =	simm.s32 $0xFFFFFFFF;
	p2 =	slt.u32 s8, $0xFFFFF086  }
0x1c: {  	p1 =	slt.u32 s9, $0xF7A;
	s5 =	simm.s32 @!p2 $0x0  }
0x1d: {  	s5 =	simm.s32 @p1 $0x1;
	p0 =	seq.s32 s7, s2  }
0x1e: {  	s7 =	smul.u32 @!p0 $0xF7A, s2;
	p2 =	seq.s32 @!p0 s5, $0x0  }
0x1f: {  	s9 =	smul.u32 $0xF7A, s1;
	s8 =	simm.s32 @!p0 $0x1BF5;
	p2 =	por !p2, p0  }
0x20: {  	[sflag:s8] =	ssyncset.s32 @!p0 $0xFFFFF086;
	s6 =	sadd.s32 @!p0 s3, s7;
	s7 =	simm.s32 @!p0 $0x108  }
0x21: {  	s3 =	sadd.s32 s3, s9;
	s6 =	sadd.s32 @!p0 $0x88, s6;
	s7 =	simm.s32 @p2 $0x1082  }
0x22: {  	[simem:s7], [sflag:s8] =	dma.local @!p0 [hbm:s6], $0xF7A  }
0x23: {  	s9 =	sor.u32 $0xD0000000, s2;
	s6 =	simm.s32 $0x108;
	_ =	swait.ge @!p0 [sflag:s8], $0x0  }
0x24: {  	s3 =	sadd.s32 $0x88, s3;
	s6 =	simm.s32 @!p1 $0x1082;
	[sflag:s4] =	ssyncset.s32 $0xFFFFF086  }
0x25: {  	[simem:s6], [sflag:s4] =	dma.local [hbm:s3], $0xF7A  }
0x26: {  	[smem:$0x3F93] =	sst s1;
	(tag) =	ssettag s2;
	_ =	strace s9  }
0x27: {  	s1 =	sld [smem:$0x3FA3]  }
0x28: {  	s2 =	sld [smem:$0x3FA4]  }
0x29: {  	s4 =	sld [smem:$0x3FA6]  }
0x2a: {  	p0 =	seq.s32 s5, $0x0;
	s5 =	sld [smem:$0x3FA7]  }
0x2b: {  	s6 =	sld [smem:$0x3FA8]  }
0x2c: {  	s7 =	sld [smem:$0x3FA9]  }
0x2d: {  	s3 =	simm.s32 $0x108;
	s8 =	sld [smem:$0x3FAA]  }
0x2e: {  	s3 =	simm.s32 @!p0 $0x1082;
	s9 =	sld [smem:$0x3FAB]  }
0x2f: {  	lr =	sadd.s32 s0, s3;
	s0 =	sld [smem:$0x3FA2]  }
0x30: {  	s3 =	sld [smem:$0x3FA5]  }
0x31: {  	[smem:$0x3FAE] =	sst s10  }
0x32: {  	s10 =	sld [smem:$0x3FAC];
	_ =	sdelay $0x3  }
0x33: {  	p0 =	seq.s32 s10, $0x1;
	s10 =	sld [smem:$0x3FAE];
	_ =	sdelay $0x3  }
0x34: {  	[smem:$0x3FAE] =	sst s10  }
0x35: {  	s10 =	sld [smem:$0x3FAD];
	_ =	sdelay $0x3  }
0x36: {  	p1 =	seq.s32 s10, $0x1;
	s10 =	sld [smem:$0x3FAE];
	_ =	sdelay $0x3  }
0x37: {  	[smem:$0x3FAE] =	sst s10  }
0x38: {  	s10 =	sld [smem:$0x3FAF]  }
0x39: {  	_ = 	snop;
	(pc) =	sbr.ind lr, $3  }
0x3a: {  	_ = 	snop  }
0x3b: {  	_ = 	snop  }
0x3c: {  	p2 =	seq.s32 s10, $0x1;
	s10 =	sld [smem:$0x3FAE]  }
0x3d: {  	_ =	shalt  }
0x3e: {  	_ =	shalt  }
0x3f: {  	_ =	shalt  }
0x40: {  	_ =	shalt  }
0x41: {  	_ =	shalt  }
0x42: {  	_ =	shalt  }
0x43: {  	_ =	shalt  }
0x44: {  	_ =	shalt  }
0x45: {  	_ =	shalt  }
0x46: {  	_ =	shalt  }
0x47: {  	_ =	shalt  }
0x48: {  	_ =	shalt  }
0x49: {  	_ =	shalt  }
0x4a: {  	_ =	shalt  }
0x4b: {  	_ =	shalt  }
0x4c: {  	_ =	shalt  }
0x4d: {  	_ =	shalt  }
0x4e: {  	_ =	shalt  }
0x4f: {  	_ =	shalt  }
0x50: {  	_ =	shalt  }
0x51: {  	_ =	shalt  }
0x52: {  	_ =	shalt  }
0x53: {  	_ =	shalt  }
0x54: {  	_ =	shalt  }
0x55: {  	_ =	shalt  }
0x56: {  	_ =	shalt  }
0x57: {  	_ =	shalt  }
0x58: {  	_ =	shalt  }
0x59: {  	_ =	shalt  }
0x5a: {  	_ =	shalt  }
0x5b: {  	_ =	shalt  }
0x5c: {  	_ =	shalt  }
0x5d: {  	_ =	shalt  }
0x5e: {  	_ =	shalt  }
0x5f: {  	_ =	shalt  }
0x60: {  	_ =	shalt  }
0x61: {  	_ =	shalt  }
0x62: {  	_ =	shalt  }
0x63: {  	_ =	shalt  }
0x64: {  	_ =	shalt  }
0x65: {  	_ =	shalt  }
0x66: {  	_ =	shalt  }
0x67: {  	_ =	shalt  }
0x68: {  	_ =	shalt  }
0x69: {  	_ =	shalt  }
0x6a: {  	_ =	shalt  }
0x6b: {  	_ =	shalt  }
0x6c: {  	_ =	shalt  }
0x6d: {  	_ =	shalt  }
0x6e: {  	_ =	shalt  }
0x6f: {  	_ =	shalt  }
0x70: {  	_ =	shalt  }
0x71: {  	_ =	shalt  }
0x72: {  	_ =	shalt  }
0x73: {  	_ =	shalt  }
0x74: {  	_ =	shalt  }
0x75: {  	_ =	shalt  }
0x76: {  	_ =	shalt  }
0x77: {  	_ =	shalt  }
0x78: {  	_ =	shalt  }
0x79: {  	_ =	shalt  }
0x7a: {  	_ =	shalt  }
0x7b: {  	_ =	shalt  }
0x7c: {  	_ =	shalt  }
0x7d: {  	_ =	shalt  }
0x7e: {  	_ =	shalt  }
0x7f: {  	_ =	shalt  }
0x80: {  	_ =	shalt  }
0x81: {  	_ =	shalt  }
0x82: {  	_ =	shalt  }
0x83: {  	_ =	shalt  }
0x84: {  	_ =	shalt  }
0x85: {  	_ =	shalt  }
0x86: {  	_ =	shalt  }
0x87: {  	_ =	shalt  }
.Lfunc_end0:
.L_simem_size_0:
called_computation.1_lowered:
.L_overlay_start_0:
0x88: {  	s2 =	sld [smem:$0x3FD9]  }
0x89: {  	s3 =	sld [smem:$0x3FFE];
	_ =	sdelay $0x1  }
0x8a: {  	s1 =	srdreg.scid  }
0x8b: {  	s0 =	sand.u32 $0x1, s1  }
0x8c: {  	s17 =	sshll.u32 s0, $0xA;
	s2 =	sadd.s32 s3, s2  }
0x8d: {  	s2 =	sadd.s32 s2, s17  }
0x8e: {  	[smem:$0x3FBA] =	sst s2  }
0x8f: {  	_ = 	snop  }
0x90: {  	s18 =	sld [smem:$0x3FC4];
	(tm) =	ssettm $0x1  }
0x91: {  	s19 =	sld [smem:$0x3FFB];
	_ =	sdelay $0x3  }
0x92: {  	_ =	strace s19  }
0x93: {  	s2 =	sld [smem:$0x3FFC];
	_ =	sdelay $0x3  }
0x94: {  	_ =	strace s2  }
0x95: {  	s2 =	sld [smem:$0x3FFD];
	_ =	sdelay $0x3  }
0x96: {  	_ =	strace s2  }
0x97: {  	_ =	strace $0x8FFFFFFF  }
0x98: {  	s20 =	sld [smem:$0x3FDB];
	_ =	sdelay $0x1  }
0x99: {  	s4 =	simm.s32 $_scs_section_size  }
0x9a: {  	s5 =	simm.s32 $_size__tile_overlayer_lowered;
	s6 =	simm.s32 $_tile_overlayer_lowered  }
0x9b: {  	s7 =	simm.s32 $0x1BFF;
	s21 =	sshll.u32 s6, $0x1;
	s4 =	sadd.s32 s4, s20  }
0x9c: {  	s22 =	simm.s32 $0x0;
	s5 =	sshll.u32 s5, $0x1;
	s6 =	sadd.s32 s21, s4  }
0x9d: {  	[timem:s22], [sflag:s7] =	dma.local [hbm:s6], s5  }
0x9e: {  	_ =	swait.ge [sflag:s7], s5  }
0x9f: {  	s5 =	ssub.s32 $0x0, s5;
	[sflag:s7] =	ssyncset.done $0x0  }
0xa0: {  	[sflag:s7] =	ssyncadd.s32 s5;
	_ =	sdelay $0x1  }
0xa1: {  	s23 =	simm.s32 $0x1B8B  }
0xa2: {  	_ =	swait.ge [sflag:s23], $0x1  }
0xa3: {  	[sflag:s23] =	ssyncset.done $0x0  }
0xa4: {  	[sflag:s23] =	ssyncadd.s32 $0xFFFFFFFF  }
0xa5: {  	s5 =	sld [smem:$0x0]  }
0xa6: {  	s6 =	sand.u32 $0xFFFFFFFE, s1  }
0xa7: {  	p0 =	sne.s32 s1, s6  }
0xa8: {  	s6 =	sshll.u32 @p0 s6, $0xE  }
0xa9: {  	s6 =	sadd.s32 @p0 $0x11B8D, s6;
	s7 =	sshll.u32 @p0 s5, $0x11  }
0xaa: {  	s6 =	sor.u32 @p0 s7, s6  }
0xab: {  	[sflag:s6] =	ssyncadd.remote.s32 @p0 $0x1;
	_ =	sdelay $0x1  }
0xac: {  	s6 =	simm.s32 @p0 $0x1B8D  }
0xad: {  	_ =	swait.eq @p0 [sflag:s6], $0x1  }
0xae: {  	[sflag:s6] =	ssyncadd.s32 @p0 $0xFFFFFFFF  }
0xaf: {  	s7 =	sshll.u32 @!p0 s1, $0xE  }
0xb0: {  	s7 =	sor.u32 @!p0 $0x4000, s7;
	s6 =	simm.s32 @!p0 $0x1B8D  }
0xb1: {  	s5 =	sshll.u32 @!p0 s5, $0x11;
	s7 =	sadd.s32 @!p0 $0x11B8D, s7;
	_ =	swait.eq @!p0 [sflag:s6], $0x1  }
0xb2: {  	s5 =	sor.u32 @!p0 s5, s7;
	[sflag:s6] =	ssyncadd.s32 @!p0 $0xFFFFFFFF  }
0xb3: {  	s25 =	simm.s32 $0x1B8E;
	s24 =	sld [smem:$0x3FFE];
	[sflag:s5] =	ssyncadd.remote.s32 @!p0 $0x1  }
0xb4: {  	s26 =	simm.s32 $execute0_lowered;
	[smem:$0x3FD2] =	sst s25  }
0xb5: {  	s6 =	sshll.u32 s26, $0x1;
	_ =	strace $0x8000004F;
	[dreg:$0x1] =	wrdreg $0xFFFFFFFF  }
0xb6: {  	s28 =	simm.s32 $_size_execute0_lowered;
	s4 =	sadd.s32 s4, s6;
	[dreg:$0x0] =	wrdreg $0x0  }
0xb7: {  	s6 =	sshll.u32 s28, $0x1;
	[dreg:$0x2] =	wrdreg s4  }
0xb8: {  	[dreg:$0x3] =	wrdreg s6  }
0xb9: {  	[dreg:$0x4] =	wrdreg $0xC0  }
0xba: {  	_ =	task [dreg:s22], $0x5FFFF  }
0xbb: {  	[dreg:$0x1] =	wrdreg $0xFFFFFFFF  }
0xbc: {  	[dreg:$0x0] =	wrdreg $0x60  }
0xbd: {  	[dreg:$0x2] =	wrdreg s18  }
0xbe: {  	[dreg:$0x3] =	wrdreg s24  }
0xbf: {  	[dreg:$0x4] =	wrdreg $0x9  }
0xc0: {  	_ =	task.clear_ibuf [dreg:s22], $0x5FFFF;
	_ =	strace $0x9000004F  }
0xc1: {  	s29 =	simm.s32 $0x9;
	_ =	strace $0x80000051  }
0xc2: {  	_ =	swait.ge [sflag:s29], $0x1  }
0xc3: {  	[sflag:s29] =	ssyncadd.s32 $0xFFFFFFFF  }
0xc4: {  	_ =	strace $0x90000051  }
0xc5: {  	_ =	sfence  }
0xc6: {  	s30 =	sld [smem:$0x0];
	_ =	sdelay $0x2  }
0xc7: {  	s31 =	sshll.u32 s1, $0xD;
	s1 =	sshrl.u32 s1, $0x2  }
0xc8: {  	s4 =	sand.u32 $0x4000, s31;
	s1 =	sadd.s32 s1, s30  }
0xc9: {  	s0 =	sor.u32 s4, s0;
	s1 =	sshll.u32 s1, $0x11  }
0xca: {  	s0 =	sor.u32 s1, s0  }
0xcb: {  	s0 =	sadd.s32 $0x8F2B, s0  }
0xcc: {  	[sflag:s0] =	ssyncadd.remote.s32 $0x1  }
0xcd: {  	_ =	sfence.sel $0xFFFF  }
0xce: {  	[dreg:$0x0] =	wrdreg $0xFFFFFFFF;
	(pc) =	sbr.abs _section_cstart, $3  }
0xcf: {  	[dreg:$0x1] =	wrdreg $0xFFFFFFFF  }
0xd0: {  	_ =	task.clear_ibuf [dreg:s22], $0x2FFFF;
	_ =	strace $0x9FFFFFFF  }
0xd1: {  	(tm) =	ssettm $0x7FFFFFFF  }
tec
execute0_lowered:
.L_overlay_start_1:
0x0: {  	(tag) =	ssettag $0x1  }
0x1: {  	s1 =	srdreg.scid;
	s2 =	rddreg [dreg:$0x0]  }
0x2: {  	s0 =	stileid.u32;
	s5 =	rddreg [dreg:$0x1];
	s6 =	simm.s32 $0x1  }
0x3: {  	s9 =	simm.s32 $0x1;
	s10 =	simm.s32 $0x3;
	s1 =	sshll.u32 s1, $0x7  }
0x4: {  	s13 =	simm.s32 $0x0;
	s3 =	sshll.u32 s0, $0x8;
	s4 =	sand.u32 $0x80, s1  }
0x5: {  	s12 =	simm.s32 $0x0;
	s1 =	rddreg [dreg:$0x2];
	s3 =	sor.u32 s3, s4  }
0x6: {  	_ =	strace $0x80000050;
	s4 =	sadd.s32 $0x82600, s5;
	s8 =	ssub.s32 $0x2000, s3  }
.Ltmp0:
0x7: {  	s5 =	sadd.s32 $0x82200, s5;
	s7 =	sand.u32 $0xF80, s8;
	(pc) =	sbr.rel .LBB2_1-.Ltmp0, $4  }
0x8: {  	[sflag:s6] =	ssyncpa.u1 $0x0;
	s11 =	smov.u32 s3;
	p0 =	sne.s32 s7, $0x0  }
0x9: {  	s8 =	sshrl.u32 s8, $0xC;
	s7 =	simm.s32 $0x2;
	s9 =	simm.s32 @!p0 $0x0  }
0xa: {  	[sflag:s7] =	ssyncpa.u1 $0x0;
	p0 =	por $0x0, $0x0;
	s8 =	sadd.s32 s9, s8  }
0xb: {  	vm0 =	vmmov $0xffff;
	[sflag:s10] =	ssyncpa.u1 $0x0;
	s10 =	simm.s32 $0x0;
	s9 =	sadd.s32 $0x1, s8  }
.LBB2_4:
0xc: {  	v2 =	vnsel vm1, $0x0, v2  }
0xd: {  	vm1 =	vgt.s32 v0, $0x0;
	v2 =	vmin.u32 v2, $0x1FFF  }
0xe: {  	v0 =	vnsel vm1, $0x0, v0  }
0xf: {  	v0 =	vmin.u32 v0, $0x1FFF  }
0x10: {  	[tilespmem:s15], [sflag:$0x1] =	stream.indirect_vreg.gather [hbm4b:s2+s10], $0x1, v1, vm0, $0x4038;
	[tilespmem:$0x200] =	vst v63  }
0x11: {  	(ifvalue) =	ssetifvalue $0x7FFFFFFF  }
0x12: {  	[tilespmem:s16], [sflag:$0x1] =	stream.indirect_vreg.gather [hbm4b:s2+s10], $0x1, v2, vm0, $0x4038;
	[tilespmem:$0x200] =	vst v63  }
0x13: {  	s29 =	sadd.s32 $0x10, s16;
	(ifvalue) =	ssetifvalue $0x7FFFFFFF  }
0x14: {  	[tilespmem:s29], [sflag:$0x1] =	stream.indirect_vreg.gather [hbm4b:s2+s10], $0x1, v0, vm0, $0x4038;
	[tilespmem:$0x200] =	vst v63  }
0x15: {  	_ =	swait.ge [sflag:s6], $0x80  }
0x16: {  	s30 =	sshrl.u32 s13, $0x3;
	[sflag:s6] =	ssyncset.done $0x0  }
0x17: {  	s31 =	sand.u32 $0x7, s13;
	s15 =	sadd.s32 s5, s30;
	[sflag:s6] =	ssyncadd.s32 $0xFFFFFF80  }
0x18: {  	[hbm4b:s15+s31] =	stream.linear.scatter [tilespmem:s14], [sflag:$0x3], $0x80, $0x38;
	[tilespmem:$0x200] =	vst v63  }
.LBB2_5:
0x19: {  	s15 =	sadd.s32 $0x1000, s11  }
0x1a: {  	p2 =	sgt.s32 s15, $0x1FFF  }
0x1b: {  	s15 =	smov.u32 @p2 s3;
	p2 =	sne.s32 s12, s9  }
.Ltmp1:
0x1c: {  	p1 =	slt.u32 s12, $0x2;
	(pc) =	sbr.rel @!p2 .LBB2_6-.Ltmp1, $4  }
0x1d: {  	s14 =	simm.s32 @!p1 $0x3  }
0x1e: {  	s16 =	sadd.s32 $0x1, s12;
	_ =	swait.ge @!p1 [sflag:s14], $0x80  }
0x1f: {  	s13 =	smov.u32 s11;
	p0 =	por !p0, !p0;
	[sflag:s14] =	ssyncset.done @!p1 $0x0  }
0x20: {  	s12 =	smov.u32 s16;
	s11 =	smov.u32 s15;
	[sflag:s14] =	ssyncadd.s32 @!p1 $0xFFFFFF80  }
.LBB2_1:
0x21: {  	p1 =	sge.u32 s12, s8  }
0x22: {  	s14 =	sxor.u32 @!p1 $0xFFFFFFFF, s12  }
0x23: {  	s31 =	sadd.s32 $0xFFFFFFFF, s12;
	s15 =	sshrl.u32 @!p1 s11, $0x3;
	s14 =	sshll.u32 @!p1 s14, $0x7  }
0x24: {  	s16 =	sand.u32 @!p1 $0x7, s11;
	s15 =	sadd.s32 @!p1 s4, s15;
	s14 =	sand.u32 @!p1 $0x80, s14  }
0x25: {  	[tilespmem:s14], [sflag:$0x2] =	stream.linear.gather @!p1 [hbm4b:s15+s16], $0x80, $0x38;
	[tilespmem:$0x200] =	vst v63  }
0x26: {  	p1 =	sge.u32 s31, s8  }
.Ltmp2:
0x27: {  	_ = 	snop;
	(pc) =	sbr.rel @p1 .LBB2_5-.Ltmp2, $1  }
0x28: {  	_ =	sdelay $0x3  }
0x29: {  	s14 =	simm.s32 $0x1  }
0x2a: {  	_ =	swait.ge [sflag:s7], $0x80;
	s14 =	simm.s32 @!p0 $0x0  }
0x2b: {  	[sflag:s7] =	ssyncset.done $0x0;
	s14 =	sshll.u32 s14, $0x7  }
0x2c: {  	[sflag:s7] =	ssyncadd.s32 $0xFFFFFF80;
	(ifvalue) =	ssetifvalue $0x7FFFFFFF;
	v0 =	vld.msk [tilespmem:s14+$0x0 ss:$0x1], $0xffff;
	_ =	sdelay $0x4  }
0x2d: {  	s15 =	sadd.s32 $0x10, s14;
	vm1 =	vgt.s32 v0, $0x0  }
0x2e: {  	v2 =	vld.msk [tilespmem:s15+$0x0 ss:$0x1], $0xffff;
	v1 =	vnsel vm1, $0x0, v0  }
0x2f: {  	v1 =	vmin.u32 v1, $0x1FFF;
	_ =	sdelay $0x1  }
0x30: {  	s16 =	sshll.u32 s12, $0x7;
	s18 =	simm.s32 $0x20  }
0x31: {  	s16 =	sand.u32 $0x80, s16;
	s17 =	sadd.s32 $0x10, s15;
	s15 =	sor.u32 $0x100, s14  }
0x32: {  	s14 =	sor.u32 $0x100, s16;
	s16 =	sadd.s32 $0x10, s15;
	v0 =	vld.msk [tilespmem:s17+$0x0 ss:$0x1], $0xffff;
	vm1 =	vgt.s32 v2, $0x0;
	(ifvalue) =	ssetifvalue $0x7FFFFFFF  }
.LBB2_3:
0x33: {  	[tilespmem:s15], [sflag:$0x1] =	stream.indirect_vreg.gather [hbm4b:s2+s10], $0x1, v1, vm0, $0x4038;
	[tilespmem:$0x200] =	vst v63  }
0x34: {  	s18 =	sadd.s32 $0x10, s18  }
0x35: {  	v2 =	vnsel vm1, $0x0, v2;
	p1 =	slt.u32 s18, $0x70  }
.Ltmp3:
0x36: {  	s15 =	smov.u32 s16;
	v1 =	vmin.u32 v2, $0x1FFF;
	(pc) =	sbr.rel @p1 .LBB2_3-.Ltmp3, $3  }
0x37: {  	_ =	sdelay $0x1  }
0x38: {  	s17 =	sadd.s32 $0x10, s17  }
0x39: {  	vm1 =	vgt.s32 v0, $0x0;
	s16 =	sadd.s32 $0x10, s16;
	v2 =	vmov v0;
	(ifvalue) =	ssetifvalue $0x7FFFFFFF;
	v0 =	vld.msk [tilespmem:s17+$0x0 ss:$0x1], $0xffff  }
.Ltmp4:
0x3a: {  	_ = 	snop;
	(pc) =	sbr.rel .LBB2_4-.Ltmp4, $1  }
0x3b: {  	_ =	sdelay $0x3  }
.LBB2_6:
0x3c: {  	_ =	sfence.sel $0x180000  }
0x3d: {  	s2 =	simm.s32 $0x2;
	[bflag:$0x0] =	sbarrier.arrive $0xFFFF  }
0x3e: {  	s30 =	simm.s32 $0x3;
	[sflag:s2] =	ssyncpa.u1 $0x1  }
0x3f: {  	s31 =	simm.s32 $0x1;
	[sflag:s30] =	ssyncpa.u1 $0x1  }
0x40: {  	[sflag:s31] =	ssyncpa.u1 $0x1  }
0x41: {  	p0 =	sne.s32 s0, $0x0;
	_ =	strace $0x90000050  }
0x42: {  	s0 =	sadd.s32 @!p0 $0x100000, s1;
	[bflag:$0x2] =	sbarrier.arrive $0xFFFF  }
0x43: {  	[sflag:s0] =	ssyncadd.tile.s32 @!p0 $0x1;
	_ =	shalt  }
.Lfunc_end2:
_tile_overlayer_lowered:
.L_overlay_start_2:
0x44: {  	(tag) =	ssettag $0x2  }
0x45: {  	s0 =	rddreg [dreg:$0x0];
	s2 =	stileid.u32  }
0x46: {  	s1 =	rddreg [dreg:$0x1];
	p0 =	sne.s32 s2, $0x0  }
0x47: {  	s3 =	rddreg [dreg:$0x2];
	[bflag:$0x3] =	sbarrier.arrive $0xFFFF;
	s2 =	simm.s32 @!p0 $0x1C01  }
0x48: {  	[timem:s3], [sflag:s2] =	dma.local @!p0 [hbm:s0], s1  }
0x49: {  	s0 =	simm.s32 @!p0 $0x1  }
0x4a: {  	_ =	swait.ge @!p0 [sflag:s0], s1  }
0x4b: {  	s1 =	ssub.s32 @!p0 $0x0, s1;
	[sflag:s0] =	ssyncset.done @!p0 $0x0  }
0x4c: {  	[sflag:s0] =	ssyncadd.s32 @!p0 s1  }
0x4d: {  	[bflag:$0x3] =	sbarrier.arrive $0xFFFF  }
0x4e: {  	_ =	shalt  }

// kernel: gather_offload_async_start.2
scs
__scs_entry_jumppad:
0x0: {  	(pc) =	sbr.rel $0x88, $3  }
0x1: {  	(tag) =	ssettag $0x0;
	lr =	simm.s32 $0x1  }
0x2: {  	[smem:$0x3F93] =	sst lr;
	_ =	strace $0xD0000000  }
0x3: {  	_ = 	snop  }
0x4: {  	_ = 	snop  }
0x5: {  	_ = 	snop  }
0x6: {  	_ = 	snop  }
0x7: {  	_ = 	snop  }
__scs_overlays_trampoline_lowered:
0x8: {  	[smem:$0x3FA2] =	sst s0  }
0x9: {  	[smem:$0x3FA3] =	sst s1  }
0xa: {  	[smem:$0x3FA4] =	sst s2  }
0xb: {  	[smem:$0x3FA5] =	sst s3  }
0xc: {  	[smem:$0x3FA6] =	sst s4  }
0xd: {  	[smem:$0x3FA7] =	sst s5  }
0xe: {  	[smem:$0x3FA8] =	sst s6  }
0xf: {  	[smem:$0x3FA9] =	sst s7  }
0x10: {  	[smem:$0x3FAA] =	sst s8  }
0x11: {  	[smem:$0x3FAB] =	sst s9;
	s0 =	simm.s32 @!p0 $0x0  }
0x12: {  	s1 =	sld [smem:$0x3F91];
	s0 =	simm.s32 @p0 $0x1  }
0x13: {  	[smem:$0x3FAC] =	sst s0;
	s0 =	simm.s32 @!p1 $0x0  }
0x14: {  	s2 =	sld [smem:$0x3F90];
	s0 =	simm.s32 @p1 $0x1  }
0x15: {  	[smem:$0x3FAD] =	sst s0;
	s0 =	simm.s32 @!p2 $0x0  }
0x16: {  	s3 =	sld [smem:$0x3FDB];
	s0 =	simm.s32 @p2 $0x1  }
0x17: {  	s4 =	simm.s32 $0x1BF5;
	[smem:$0x3FAF] =	sst s0  }
0x18: {  	s0 =	sld [smem:$0x3F92];
	_ =	swait.ge [sflag:s4], $0x0  }
0x19: {  	s7 =	sld [smem:$0x3F93]  }
0x1a: {  	s8 =	sadd.s32 $0xFFFFE003, lr  }
0x1b: {  	s9 =	sadd.s32 $0xFFFFFEF7, lr;
	s5 =	simm.s32 $0xFFFFFFFF;
	p2 =	slt.u32 s8, $0xFFFFF086  }
0x1c: {  	p1 =	slt.u32 s9, $0xF7A;
	s5 =	simm.s32 @!p2 $0x0  }
0x1d: {  	s5 =	simm.s32 @p1 $0x1;
	p0 =	seq.s32 s7, s2  }
0x1e: {  	s7 =	smul.u32 @!p0 $0xF7A, s2;
	p2 =	seq.s32 @!p0 s5, $0x0  }
0x1f: {  	s9 =	smul.u32 $0xF7A, s1;
	s8 =	simm.s32 @!p0 $0x1BF5;
	p2 =	por !p2, p0  }
0x20: {  	[sflag:s8] =	ssyncset.s32 @!p0 $0xFFFFF086;
	s6 =	sadd.s32 @!p0 s3, s7;
	s7 =	simm.s32 @!p0 $0x108  }
0x21: {  	s3 =	sadd.s32 s3, s9;
	s6 =	sadd.s32 @!p0 $0x88, s6;
	s7 =	simm.s32 @p2 $0x1082  }
0x22: {  	[simem:s7], [sflag:s8] =	dma.local @!p0 [hbm:s6], $0xF7A  }
0x23: {  	s9 =	sor.u32 $0xD0000000, s2;
	s6 =	simm.s32 $0x108;
	_ =	swait.ge @!p0 [sflag:s8], $0x0  }
0x24: {  	s3 =	sadd.s32 $0x88, s3;
	s6 =	simm.s32 @!p1 $0x1082;
	[sflag:s4] =	ssyncset.s32 $0xFFFFF086  }
0x25: {  	[simem:s6], [sflag:s4] =	dma.local [hbm:s3], $0xF7A  }
0x26: {  	[smem:$0x3F93] =	sst s1;
	(tag) =	ssettag s2;
	_ =	strace s9  }
0x27: {  	s1 =	sld [smem:$0x3FA3]  }
0x28: {  	s2 =	sld [smem:$0x3FA4]  }
0x29: {  	s4 =	sld [smem:$0x3FA6]  }
0x2a: {  	p0 =	seq.s32 s5, $0x0;
	s5 =	sld [smem:$0x3FA7]  }
0x2b: {  	s6 =	sld [smem:$0x3FA8]  }
0x2c: {  	s7 =	sld [smem:$0x3FA9]  }
0x2d: {  	s3 =	simm.s32 $0x108;
	s8 =	sld [smem:$0x3FAA]  }
0x2e: {  	s3 =	simm.s32 @!p0 $0x1082;
	s9 =	sld [smem:$0x3FAB]  }
0x2f: {  	lr =	sadd.s32 s0, s3;
	s0 =	sld [smem:$0x3FA2]  }
0x30: {  	s3 =	sld [smem:$0x3FA5]  }
0x31: {  	[smem:$0x3FAE] =	sst s10  }
0x32: {  	s10 =	sld [smem:$0x3FAC];
	_ =	sdelay $0x3  }
0x33: {  	p0 =	seq.s32 s10, $0x1;
	s10 =	sld [smem:$0x3FAE];
	_ =	sdelay $0x3  }
0x34: {  	[smem:$0x3FAE] =	sst s10  }
0x35: {  	s10 =	sld [smem:$0x3FAD];
	_ =	sdelay $0x3  }
0x36: {  	p1 =	seq.s32 s10, $0x1;
	s10 =	sld [smem:$0x3FAE];
	_ =	sdelay $0x3  }
0x37: {  	[smem:$0x3FAE] =	sst s10  }
0x38: {  	s10 =	sld [smem:$0x3FAF]  }
0x39: {  	_ = 	snop;
	(pc) =	sbr.ind lr, $3  }
0x3a: {  	_ = 	snop  }
0x3b: {  	_ = 	snop  }
0x3c: {  	p2 =	seq.s32 s10, $0x1;
	s10 =	sld [smem:$0x3FAE]  }
0x3d: {  	_ =	shalt  }
0x3e: {  	_ =	shalt  }
0x3f: {  	_ =	shalt  }
0x40: {  	_ =	shalt  }
0x41: {  	_ =	shalt  }
0x42: {  	_ =	shalt  }
0x43: {  	_ =	shalt  }
0x44: {  	_ =	shalt  }
0x45: {  	_ =	shalt  }
0x46: {  	_ =	shalt  }
0x47: {  	_ =	shalt  }
0x48: {  	_ =	shalt  }
0x49: {  	_ =	shalt  }
0x4a: {  	_ =	shalt  }
0x4b: {  	_ =	shalt  }
0x4c: {  	_ =	shalt  }
0x4d: {  	_ =	shalt  }
0x4e: {  	_ =	shalt  }
0x4f: {  	_ =	shalt  }
0x50: {  	_ =	shalt  }
0x51: {  	_ =	shalt  }
0x52: {  	_ =	shalt  }
0x53: {  	_ =	shalt  }
0x54: {  	_ =	shalt  }
0x55: {  	_ =	shalt  }
0x56: {  	_ =	shalt  }
0x57: {  	_ =	shalt  }
0x58: {  	_ =	shalt  }
0x59: {  	_ =	shalt  }
0x5a: {  	_ =	shalt  }
0x5b: {  	_ =	shalt  }
0x5c: {  	_ =	shalt  }
0x5d: {  	_ =	shalt  }
0x5e: {  	_ =	shalt  }
0x5f: {  	_ =	shalt  }
0x60: {  	_ =	shalt  }
0x61: {  	_ =	shalt  }
0x62: {  	_ =	shalt  }
0x63: {  	_ =	shalt  }
0x64: {  	_ =	shalt  }
0x65: {  	_ =	shalt  }
0x66: {  	_ =	shalt  }
0x67: {  	_ =	shalt  }
0x68: {  	_ =	shalt  }
0x69: {  	_ =	shalt  }
0x6a: {  	_ =	shalt  }
0x6b: {  	_ =	shalt  }
0x6c: {  	_ =	shalt  }
0x6d: {  	_ =	shalt  }
0x6e: {  	_ =	shalt  }
0x6f: {  	_ =	shalt  }
0x70: {  	_ =	shalt  }
0x71: {  	_ =	shalt  }
0x72: {  	_ =	shalt  }
0x73: {  	_ =	shalt  }
0x74: {  	_ =	shalt  }
0x75: {  	_ =	shalt  }
0x76: {  	_ =	shalt  }
0x77: {  	_ =	shalt  }
0x78: {  	_ =	shalt  }
0x79: {  	_ =	shalt  }
0x7a: {  	_ =	shalt  }
0x7b: {  	_ =	shalt  }
0x7c: {  	_ =	shalt  }
0x7d: {  	_ =	shalt  }
0x7e: {  	_ =	shalt  }
0x7f: {  	_ =	shalt  }
0x80: {  	_ =	shalt  }
0x81: {  	_ =	shalt  }
0x82: {  	_ =	shalt  }
0x83: {  	_ =	shalt  }
0x84: {  	_ =	shalt  }
0x85: {  	_ =	shalt  }
0x86: {  	_ =	shalt  }
0x87: {  	_ =	shalt  }
.Lfunc_end0:
.L_simem_size_0:
called_computation.2_lowered:
.L_overlay_start_0:
0x88: {  	s2 =	sld [smem:$0x3FD9]  }
0x89: {  	s3 =	sld [smem:$0x3FFE];
	_ =	sdelay $0x1  }
0x8a: {  	s1 =	srdreg.scid  }
0x8b: {  	s0 =	sand.u32 $0x1, s1  }
0x8c: {  	s16 =	sshll.u32 s0, $0xA;
	s2 =	sadd.s32 s3, s2  }
0x8d: {  	s2 =	sadd.s32 s2, s16  }
0x8e: {  	[smem:$0x3FBA] =	sst s2  }
0x8f: {  	_ = 	snop  }
0x90: {  	(tm) =	ssettm $0x1  }
0x91: {  	s17 =	sld [smem:$0x3FFB];
	_ =	sdelay $0x3  }
0x92: {  	_ =	strace s17  }
0x93: {  	s2 =	sld [smem:$0x3FFC];
	_ =	sdelay $0x3  }
0x94: {  	_ =	strace s2  }
0x95: {  	s2 =	sld [smem:$0x3FFD];
	_ =	sdelay $0x3  }
0x96: {  	_ =	strace s2  }
0x97: {  	_ =	strace $0x8FFFFFFF  }
0x98: {  	s18 =	sld [smem:$0x3FDB];
	_ =	sdelay $0x1  }
0x99: {  	s19 =	simm.s32 $_scs_section_size  }
0x9a: {  	s4 =	simm.s32 $_size__tile_overlayer_lowered;
	s5 =	simm.s32 $_tile_overlayer_lowered  }
0x9b: {  	s22 =	simm.s32 $0x1BFF;
	s21 =	sshll.u32 s5, $0x1;
	s2 =	sadd.s32 s19, s18  }
0x9c: {  	s6 =	simm.s32 $0x0;
	s20 =	sshll.u32 s4, $0x1;
	s4 =	sadd.s32 s21, s2  }
0x9d: {  	[timem:s6], [sflag:s22] =	dma.local [hbm:s4], s20  }
0x9e: {  	_ =	swait.ge [sflag:s22], s20  }
0x9f: {  	s3 =	ssub.s32 $0x0, s20;
	[sflag:s22] =	ssyncset.done $0x0  }
0xa0: {  	[sflag:s22] =	ssyncadd.s32 s3;
	_ =	sdelay $0x1  }
0xa1: {  	s23 =	simm.s32 $0x1B8B  }
0xa2: {  	_ =	swait.ge [sflag:s23], $0x1  }
0xa3: {  	[sflag:s23] =	ssyncset.done $0x0  }
0xa4: {  	s25 =	simm.s32 $0x1B8E;
	s24 =	sld [smem:$0x3FFE];
	[sflag:s23] =	ssyncadd.s32 $0xFFFFFFFF  }
0xa5: {  	s26 =	simm.s32 $execute0_lowered;
	[smem:$0x3FD2] =	sst s25  }
0xa6: {  	s4 =	sshll.u32 s26, $0x1;
	_ =	strace $0x80000046;
	[dreg:$0x1] =	wrdreg $0xFFFFFFFF  }
0xa7: {  	s28 =	simm.s32 $_size_execute0_lowered;
	s2 =	sadd.s32 s2, s4;
	[dreg:$0x0] =	wrdreg $0x0  }
0xa8: {  	s4 =	sshll.u32 s28, $0x1;
	[dreg:$0x2] =	wrdreg s2  }
0xa9: {  	[dreg:$0x3] =	wrdreg s4  }
0xaa: {  	[dreg:$0x4] =	wrdreg $0xC0  }
0xab: {  	_ =	task [dreg:s6], $0x5FFFF  }
0xac: {  	[dreg:$0x1] =	wrdreg $0xFFFFFFFF  }
0xad: {  	[dreg:$0x0] =	wrdreg $0x60  }
0xae: {  	[dreg:$0x2] =	wrdreg s24  }
0xaf: {  	[dreg:$0x3] =	wrdreg $0xA  }
0xb0: {  	_ =	task.clear_ibuf [dreg:s6], $0x4FFFF;
	_ =	strace $0x90000046  }
0xb1: {  	s29 =	simm.s32 $0xA;
	_ =	strace $0x80000048  }
0xb2: {  	_ =	swait.ge [sflag:s29], $0x1  }
0xb3: {  	[sflag:s29] =	ssyncadd.s32 $0xFFFFFFFF  }
0xb4: {  	_ =	strace $0x90000048  }
0xb5: {  	_ =	sfence  }
0xb6: {  	s30 =	sld [smem:$0x0];
	_ =	sdelay $0x2  }
0xb7: {  	s31 =	sshll.u32 s1, $0xD;
	s1 =	sshrl.u32 s1, $0x2  }
0xb8: {  	s3 =	sand.u32 $0x4000, s31;
	s1 =	sadd.s32 s1, s30  }
0xb9: {  	s0 =	sor.u32 s3, s0;
	s1 =	sshll.u32 s1, $0x11  }
0xba: {  	s0 =	sor.u32 s1, s0  }
0xbb: {  	s0 =	sadd.s32 $0x8F2B, s0  }
0xbc: {  	[sflag:s0] =	ssyncadd.remote.s32 $0x1  }
0xbd: {  	_ =	sfence.sel $0xFFFF  }
0xbe: {  	[dreg:$0x0] =	wrdreg $0xFFFFFFFF;
	(pc) =	sbr.abs _section_cstart, $3  }
0xbf: {  	[dreg:$0x1] =	wrdreg $0xFFFFFFFF  }
0xc0: {  	_ =	task.clear_ibuf [dreg:s6], $0x2FFFF;
	_ =	strace $0x9FFFFFFF  }
0xc1: {  	(tm) =	ssettm $0x7FFFFFFF  }
tec
execute0_lowered:
.L_overlay_start_1:
0x0: {  	(tag) =	ssettag $0x1  }
0x1: {  	s0 =	srdreg.scid;
	s5 =	rddreg [dreg:$0x0]  }
0x2: {  	s1 =	stileid.u32;
	s6 =	simm.s32 $0x1;
	s9 =	simm.s32 $0x1  }
0x3: {  	s10 =	simm.s32 $0x3;
	s13 =	simm.s32 $0x0;
	s2 =	sshll.u32 s0, $0x7  }
0x4: {  	s12 =	simm.s32 $0x0;
	s3 =	sshll.u32 s1, $0x8;
	s2 =	sand.u32 $0x80, s2  }
0x5: {  	s0 =	rddreg [dreg:$0x1];
	_ =	strace $0x80000047;
	s2 =	sor.u32 s3, s2  }
0x6: {  	s4 =	sadd.s32 $0x81E00, s5;
	[sflag:s6] =	ssyncpa.u1 $0x0;
	s8 =	ssub.s32 $0x2000, s2  }
.Ltmp0:
0x7: {  	s3 =	sadd.s32 $0x81A00, s5;
	s7 =	sand.u32 $0xF80, s8;
	(pc) =	sbr.rel .LBB2_1-.Ltmp0, $4  }
0x8: {  	s5 =	sadd.s32 $0x82E00, s5;
	s11 =	smov.u32 s2;
	p0 =	sne.s32 s7, $0x0  }
0x9: {  	s8 =	sshrl.u32 s8, $0xC;
	s7 =	simm.s32 $0x2;
	s9 =	simm.s32 @!p0 $0x0  }
0xa: {  	[sflag:s7] =	ssyncpa.u1 $0x0;
	p0 =	por $0x0, $0x0;
	s8 =	sadd.s32 s9, s8  }
0xb: {  	vm0 =	vmmov $0xffff;
	[sflag:s10] =	ssyncpa.u1 $0x0;
	s10 =	simm.s32 $0x0;
	s9 =	sadd.s32 $0x1, s8  }
.LBB2_4:
0xc: {  	v2 =	vnsel vm1, $0x0, v2  }
0xd: {  	vm1 =	vgt.s32 v0, $0x0;
	v2 =	vmin.u32 v2, $0x1FFF  }
0xe: {  	v0 =	vnsel vm1, $0x0, v0  }
0xf: {  	v0 =	vmin.u32 v0, $0x1FFF  }
0x10: {  	[tilespmem:s15], [sflag:$0x1] =	stream.indirect_vreg.gather [hbm4b:s3+s10], $0x1, v1, vm0, $0x4038;
	[tilespmem:$0x200] =	vst v63  }
0x11: {  	(ifvalue) =	ssetifvalue $0x7FFFFFFF  }
0x12: {  	[tilespmem:s16], [sflag:$0x1] =	stream.indirect_vreg.gather [hbm4b:s3+s10], $0x1, v2, vm0, $0x4038;
	[tilespmem:$0x200] =	vst v63  }
0x13: {  	s29 =	sadd.s32 $0x10, s16;
	(ifvalue) =	ssetifvalue $0x7FFFFFFF  }
0x14: {  	[tilespmem:s29], [sflag:$0x1] =	stream.indirect_vreg.gather [hbm4b:s3+s10], $0x1, v0, vm0, $0x4038;
	[tilespmem:$0x200] =	vst v63  }
0x15: {  	_ =	swait.ge [sflag:s6], $0x80  }
0x16: {  	s30 =	sshrl.u32 s13, $0x3;
	[sflag:s6] =	ssyncset.done $0x0  }
0x17: {  	s31 =	sand.u32 $0x7, s13;
	s15 =	sadd.s32 s5, s30;
	[sflag:s6] =	ssyncadd.s32 $0xFFFFFF80  }
0x18: {  	[hbm4b:s15+s31] =	stream.linear.scatter [tilespmem:s14], [sflag:$0x3], $0x80, $0x38;
	[tilespmem:$0x200] =	vst v63  }
.LBB2_5:
0x19: {  	s15 =	sadd.s32 $0x1000, s11  }
0x1a: {  	p2 =	sgt.s32 s15, $0x1FFF  }
0x1b: {  	s15 =	smov.u32 @p2 s2;
	p2 =	sne.s32 s12, s9  }
.Ltmp1:
0x1c: {  	p1 =	slt.u32 s12, $0x2;
	(pc) =	sbr.rel @!p2 .LBB2_6-.Ltmp1, $4  }
0x1d: {  	s14 =	simm.s32 @!p1 $0x3  }
0x1e: {  	s16 =	sadd.s32 $0x1, s12;
	_ =	swait.ge @!p1 [sflag:s14], $0x80  }
0x1f: {  	s13 =	smov.u32 s11;
	p0 =	por !p0, !p0;
	[sflag:s14] =	ssyncset.done @!p1 $0x0  }
0x20: {  	s12 =	smov.u32 s16;
	s11 =	smov.u32 s15;
	[sflag:s14] =	ssyncadd.s32 @!p1 $0xFFFFFF80  }
.LBB2_1:
0x21: {  	p1 =	sge.u32 s12, s8  }
0x22: {  	s14 =	sxor.u32 @!p1 $0xFFFFFFFF, s12  }
0x23: {  	s31 =	sadd.s32 $0xFFFFFFFF, s12;
	s15 =	sshrl.u32 @!p1 s11, $0x3;
	s14 =	sshll.u32 @!p1 s14, $0x7  }
0x24: {  	s16 =	sand.u32 @!p1 $0x7, s11;
	s15 =	sadd.s32 @!p1 s4, s15;
	s14 =	sand.u32 @!p1 $0x80, s14  }
0x25: {  	[tilespmem:s14], [sflag:$0x2] =	stream.linear.gather @!p1 [hbm4b:s15+s16], $0x80, $0x38;
	[tilespmem:$0x200] =	vst v63  }
0x26: {  	p1 =	sge.u32 s31, s8  }
.Ltmp2:
0x27: {  	_ = 	snop;
	(pc) =	sbr.rel @p1 .LBB2_5-.Ltmp2, $1  }
0x28: {  	_ =	sdelay $0x3  }
0x29: {  	s14 =	simm.s32 $0x1  }
0x2a: {  	_ =	swait.ge [sflag:s7], $0x80;
	s14 =	simm.s32 @!p0 $0x0  }
0x2b: {  	[sflag:s7] =	ssyncset.done $0x0;
	s14 =	sshll.u32 s14, $0x7  }
0x2c: {  	[sflag:s7] =	ssyncadd.s32 $0xFFFFFF80;
	(ifvalue) =	ssetifvalue $0x7FFFFFFF;
	v0 =	vld.msk [tilespmem:s14+$0x0 ss:$0x1], $0xffff;
	_ =	sdelay $0x4  }
0x2d: {  	s15 =	sadd.s32 $0x10, s14;
	vm1 =	vgt.s32 v0, $0x0  }
0x2e: {  	v2 =	vld.msk [tilespmem:s15+$0x0 ss:$0x1], $0xffff;
	v1 =	vnsel vm1, $0x0, v0  }
0x2f: {  	v1 =	vmin.u32 v1, $0x1FFF;
	_ =	sdelay $0x1  }
0x30: {  	s16 =	sshll.u32 s12, $0x7;
	s18 =	simm.s32 $0x20  }
0x31: {  	s16 =	sand.u32 $0x80, s16;
	s17 =	sadd.s32 $0x10, s15;
	s15 =	sor.u32 $0x100, s14  }
0x32: {  	s14 =	sor.u32 $0x100, s16;
	s16 =	sadd.s32 $0x10, s15;
	v0 =	vld.msk [tilespmem:s17+$0x0 ss:$0x1], $0xffff;
	vm1 =	vgt.s32 v2, $0x0;
	(ifvalue) =	ssetifvalue $0x7FFFFFFF  }
.LBB2_3:
0x33: {  	[tilespmem:s15], [sflag:$0x1] =	stream.indirect_vreg.gather [hbm4b:s3+s10], $0x1, v1, vm0, $0x4038;
	[tilespmem:$0x200] =	vst v63  }
0x34: {  	s18 =	sadd.s32 $0x10, s18  }
0x35: {  	v2 =	vnsel vm1, $0x0, v2;
	p1 =	slt.u32 s18, $0x70  }
.Ltmp3:
0x36: {  	s15 =	smov.u32 s16;
	v1 =	vmin.u32 v2, $0x1FFF;
	(pc) =	sbr.rel @p1 .LBB2_3-.Ltmp3, $3  }
0x37: {  	_ =	sdelay $0x1  }
0x38: {  	s17 =	sadd.s32 $0x10, s17  }
0x39: {  	vm1 =	vgt.s32 v0, $0x0;
	s16 =	sadd.s32 $0x10, s16;
	v2 =	vmov v0;
	(ifvalue) =	ssetifvalue $0x7FFFFFFF;
	v0 =	vld.msk [tilespmem:s17+$0x0 ss:$0x1], $0xffff  }
.Ltmp4:
0x3a: {  	_ = 	snop;
	(pc) =	sbr.rel .LBB2_4-.Ltmp4, $1  }
0x3b: {  	_ =	sdelay $0x3  }
.LBB2_6:
0x3c: {  	_ =	sfence.sel $0x180000  }
0x3d: {  	s2 =	simm.s32 $0x2;
	[bflag:$0x0] =	sbarrier.arrive $0xFFFF  }
0x3e: {  	s30 =	simm.s32 $0x3;
	[sflag:s2] =	ssyncpa.u1 $0x1  }
0x3f: {  	s31 =	simm.s32 $0x1;
	[sflag:s30] =	ssyncpa.u1 $0x1  }
0x40: {  	[sflag:s31] =	ssyncpa.u1 $0x1  }
0x41: {  	p0 =	sne.s32 s1, $0x0;
	_ =	strace $0x90000047  }
0x42: {  	s0 =	sadd.s32 @!p0 $0x100000, s0;
	[bflag:$0x2] =	sbarrier.arrive $0xFFFF  }
0x43: {  	[sflag:s0] =	ssyncadd.tile.s32 @!p0 $0x1;
	_ =	shalt  }
.Lfunc_end2:
_tile_overlayer_lowered:
.L_overlay_start_2:
0x44: {  	(tag) =	ssettag $0x2  }
0x45: {  	s0 =	rddreg [dreg:$0x0];
	s2 =	stileid.u32  }
0x46: {  	s1 =	rddreg [dreg:$0x1];
	p0 =	sne.s32 s2, $0x0  }
0x47: {  	s3 =	rddreg [dreg:$0x2];
	[bflag:$0x3] =	sbarrier.arrive $0xFFFF;
	s2 =	simm.s32 @!p0 $0x1C01  }
0x48: {  	[timem:s3], [sflag:s2] =	dma.local @!p0 [hbm:s0], s1  }
0x49: {  	s0 =	simm.s32 @!p0 $0x1  }
0x4a: {  	_ =	swait.ge @!p0 [sflag:s0], s1  }
0x4b: {  	s1 =	ssub.s32 @!p0 $0x0, s1;
	[sflag:s0] =	ssyncset.done @!p0 $0x0  }
0x4c: {  	[sflag:s0] =	ssyncadd.s32 @!p0 s1  }
0x4d: {  	[bflag:$0x3] =	sbarrier.arrive $0xFFFF  }
0x4e: {  	_ =	shalt  }

// kernel: gather_offload_async_start.3
scs
__scs_entry_jumppad:
0x0: {  	(pc) =	sbr.rel $0x88, $3  }
0x1: {  	(tag) =	ssettag $0x0;
	lr =	simm.s32 $0x1  }
0x2: {  	[smem:$0x3F93] =	sst lr;
	_ =	strace $0xD0000000  }
0x3: {  	_ = 	snop  }
0x4: {  	_ = 	snop  }
0x5: {  	_ = 	snop  }
0x6: {  	_ = 	snop  }
0x7: {  	_ = 	snop  }
__scs_overlays_trampoline_lowered:
0x8: {  	[smem:$0x3FA2] =	sst s0  }
0x9: {  	[smem:$0x3FA3] =	sst s1  }
0xa: {  	[smem:$0x3FA4] =	sst s2  }
0xb: {  	[smem:$0x3FA5] =	sst s3  }
0xc: {  	[smem:$0x3FA6] =	sst s4  }
0xd: {  	[smem:$0x3FA7] =	sst s5  }
0xe: {  	[smem:$0x3FA8] =	sst s6  }
0xf: {  	[smem:$0x3FA9] =	sst s7  }
0x10: {  	[smem:$0x3FAA] =	sst s8  }
0x11: {  	[smem:$0x3FAB] =	sst s9;
	s0 =	simm.s32 @!p0 $0x0  }
0x12: {  	s1 =	sld [smem:$0x3F91];
	s0 =	simm.s32 @p0 $0x1  }
0x13: {  	[smem:$0x3FAC] =	sst s0;
	s0 =	simm.s32 @!p1 $0x0  }
0x14: {  	s2 =	sld [smem:$0x3F90];
	s0 =	simm.s32 @p1 $0x1  }
0x15: {  	[smem:$0x3FAD] =	sst s0;
	s0 =	simm.s32 @!p2 $0x0  }
0x16: {  	s3 =	sld [smem:$0x3FDB];
	s0 =	simm.s32 @p2 $0x1  }
0x17: {  	s4 =	simm.s32 $0x1BF5;
	[smem:$0x3FAF] =	sst s0  }
0x18: {  	s0 =	sld [smem:$0x3F92];
	_ =	swait.ge [sflag:s4], $0x0  }
0x19: {  	s7 =	sld [smem:$0x3F93]  }
0x1a: {  	s8 =	sadd.s32 $0xFFFFE003, lr  }
0x1b: {  	s9 =	sadd.s32 $0xFFFFFEF7, lr;
	s5 =	simm.s32 $0xFFFFFFFF;
	p2 =	slt.u32 s8, $0xFFFFF086  }
0x1c: {  	p1 =	slt.u32 s9, $0xF7A;
	s5 =	simm.s32 @!p2 $0x0  }
0x1d: {  	s5 =	simm.s32 @p1 $0x1;
	p0 =	seq.s32 s7, s2  }
0x1e: {  	s7 =	smul.u32 @!p0 $0xF7A, s2;
	p2 =	seq.s32 @!p0 s5, $0x0  }
0x1f: {  	s9 =	smul.u32 $0xF7A, s1;
	s8 =	simm.s32 @!p0 $0x1BF5;
	p2 =	por !p2, p0  }
0x20: {  	[sflag:s8] =	ssyncset.s32 @!p0 $0xFFFFF086;
	s6 =	sadd.s32 @!p0 s3, s7;
	s7 =	simm.s32 @!p0 $0x108  }
0x21: {  	s3 =	sadd.s32 s3, s9;
	s6 =	sadd.s32 @!p0 $0x88, s6;
	s7 =	simm.s32 @p2 $0x1082  }
0x22: {  	[simem:s7], [sflag:s8] =	dma.local @!p0 [hbm:s6], $0xF7A  }
0x23: {  	s9 =	sor.u32 $0xD0000000, s2;
	s6 =	simm.s32 $0x108;
	_ =	swait.ge @!p0 [sflag:s8], $0x0  }
0x24: {  	s3 =	sadd.s32 $0x88, s3;
	s6 =	simm.s32 @!p1 $0x1082;
	[sflag:s4] =	ssyncset.s32 $0xFFFFF086  }
0x25: {  	[simem:s6], [sflag:s4] =	dma.local [hbm:s3], $0xF7A  }
0x26: {  	[smem:$0x3F93] =	sst s1;
	(tag) =	ssettag s2;
	_ =	strace s9  }
0x27: {  	s1 =	sld [smem:$0x3FA3]  }
0x28: {  	s2 =	sld [smem:$0x3FA4]  }
0x29: {  	s4 =	sld [smem:$0x3FA6]  }
0x2a: {  	p0 =	seq.s32 s5, $0x0;
	s5 =	sld [smem:$0x3FA7]  }
0x2b: {  	s6 =	sld [smem:$0x3FA8]  }
0x2c: {  	s7 =	sld [smem:$0x3FA9]  }
0x2d: {  	s3 =	simm.s32 $0x108;
	s8 =	sld [smem:$0x3FAA]  }
0x2e: {  	s3 =	simm.s32 @!p0 $0x1082;
	s9 =	sld [smem:$0x3FAB]  }
0x2f: {  	lr =	sadd.s32 s0, s3;
	s0 =	sld [smem:$0x3FA2]  }
0x30: {  	s3 =	sld [smem:$0x3FA5]  }
0x31: {  	[smem:$0x3FAE] =	sst s10  }
0x32: {  	s10 =	sld [smem:$0x3FAC];
	_ =	sdelay $0x3  }
0x33: {  	p0 =	seq.s32 s10, $0x1;
	s10 =	sld [smem:$0x3FAE];
	_ =	sdelay $0x3  }
0x34: {  	[smem:$0x3FAE] =	sst s10  }
0x35: {  	s10 =	sld [smem:$0x3FAD];
	_ =	sdelay $0x3  }
0x36: {  	p1 =	seq.s32 s10, $0x1;
	s10 =	sld [smem:$0x3FAE];
	_ =	sdelay $0x3  }
0x37: {  	[smem:$0x3FAE] =	sst s10  }
0x38: {  	s10 =	sld [smem:$0x3FAF]  }
0x39: {  	_ = 	snop;
	(pc) =	sbr.ind lr, $3  }
0x3a: {  	_ = 	snop  }
0x3b: {  	_ = 	snop  }
0x3c: {  	p2 =	seq.s32 s10, $0x1;
	s10 =	sld [smem:$0x3FAE]  }
0x3d: {  	_ =	shalt  }
0x3e: {  	_ =	shalt  }
0x3f: {  	_ =	shalt  }
0x40: {  	_ =	shalt  }
0x41: {  	_ =	shalt  }
0x42: {  	_ =	shalt  }
0x43: {  	_ =	shalt  }
0x44: {  	_ =	shalt  }
0x45: {  	_ =	shalt  }
0x46: {  	_ =	shalt  }
0x47: {  	_ =	shalt  }
0x48: {  	_ =	shalt  }
0x49: {  	_ =	shalt  }
0x4a: {  	_ =	shalt  }
0x4b: {  	_ =	shalt  }
0x4c: {  	_ =	shalt  }
0x4d: {  	_ =	shalt  }
0x4e: {  	_ =	shalt  }
0x4f: {  	_ =	shalt  }
0x50: {  	_ =	shalt  }
0x51: {  	_ =	shalt  }
0x52: {  	_ =	shalt  }
0x53: {  	_ =	shalt  }
0x54: {  	_ =	shalt  }
0x55: {  	_ =	shalt  }
0x56: {  	_ =	shalt  }
0x57: {  	_ =	shalt  }
0x58: {  	_ =	shalt  }
0x59: {  	_ =	shalt  }
0x5a: {  	_ =	shalt  }
0x5b: {  	_ =	shalt  }
0x5c: {  	_ =	shalt  }
0x5d: {  	_ =	shalt  }
0x5e: {  	_ =	shalt  }
0x5f: {  	_ =	shalt  }
0x60: {  	_ =	shalt  }
0x61: {  	_ =	shalt  }
0x62: {  	_ =	shalt  }
0x63: {  	_ =	shalt  }
0x64: {  	_ =	shalt  }
0x65: {  	_ =	shalt  }
0x66: {  	_ =	shalt  }
0x67: {  	_ =	shalt  }
0x68: {  	_ =	shalt  }
0x69: {  	_ =	shalt  }
0x6a: {  	_ =	shalt  }
0x6b: {  	_ =	shalt  }
0x6c: {  	_ =	shalt  }
0x6d: {  	_ =	shalt  }
0x6e: {  	_ =	shalt  }
0x6f: {  	_ =	shalt  }
0x70: {  	_ =	shalt  }
0x71: {  	_ =	shalt  }
0x72: {  	_ =	shalt  }
0x73: {  	_ =	shalt  }
0x74: {  	_ =	shalt  }
0x75: {  	_ =	shalt  }
0x76: {  	_ =	shalt  }
0x77: {  	_ =	shalt  }
0x78: {  	_ =	shalt  }
0x79: {  	_ =	shalt  }
0x7a: {  	_ =	shalt  }
0x7b: {  	_ =	shalt  }
0x7c: {  	_ =	shalt  }
0x7d: {  	_ =	shalt  }
0x7e: {  	_ =	shalt  }
0x7f: {  	_ =	shalt  }
0x80: {  	_ =	shalt  }
0x81: {  	_ =	shalt  }
0x82: {  	_ =	shalt  }
0x83: {  	_ =	shalt  }
0x84: {  	_ =	shalt  }
0x85: {  	_ =	shalt  }
0x86: {  	_ =	shalt  }
0x87: {  	_ =	shalt  }
.Lfunc_end0:
.L_simem_size_0:
called_computation.3_lowered:
.L_overlay_start_0:
0x88: {  	s2 =	sld [smem:$0x3FD9]  }
0x89: {  	s3 =	sld [smem:$0x3FFE];
	_ =	sdelay $0x1  }
0x8a: {  	s1 =	srdreg.scid  }
0x8b: {  	s0 =	sand.u32 $0x1, s1  }
0x8c: {  	s17 =	sshll.u32 s0, $0xA;
	s2 =	sadd.s32 s3, s2  }
0x8d: {  	s2 =	sadd.s32 s2, s17  }
0x8e: {  	[smem:$0x3FBA] =	sst s2  }
0x8f: {  	_ = 	snop  }
0x90: {  	s2 =	sld [smem:$0x3FBE];
	(tm) =	ssettm $0x1  }
0x91: {  	s18 =	sld [smem:$0x3FFB];
	_ =	sdelay $0x3  }
0x92: {  	_ =	strace s18  }
0x93: {  	s3 =	sld [smem:$0x3FFC];
	_ =	sdelay $0x3  }
0x94: {  	_ =	strace s3  }
0x95: {  	s3 =	sld [smem:$0x3FFD];
	_ =	sdelay $0x3  }
0x96: {  	_ =	strace s3  }
0x97: {  	_ =	strace $0x8FFFFFFF  }
0x98: {  	s19 =	sld [smem:$0x3FDB];
	_ =	sdelay $0x1  }
0x99: {  	s4 =	simm.s32 $_scs_section_size  }
0x9a: {  	s5 =	simm.s32 $_size__tile_overlayer_lowered;
	s6 =	simm.s32 $_tile_overlayer_lowered  }
0x9b: {  	s22 =	simm.s32 $0x1BFF;
	s21 =	sshll.u32 s6, $0x1;
	s3 =	sadd.s32 s4, s19  }
0x9c: {  	s7 =	simm.s32 $0x0;
	s20 =	sshll.u32 s5, $0x1;
	s5 =	sadd.s32 s21, s3  }
0x9d: {  	[timem:s7], [sflag:s22] =	dma.local [hbm:s5], s20  }
0x9e: {  	_ =	swait.ge [sflag:s22], s20  }
0x9f: {  	s4 =	ssub.s32 $0x0, s20;
	[sflag:s22] =	ssyncset.done $0x0  }
0xa0: {  	[sflag:s22] =	ssyncadd.s32 s4;
	_ =	sdelay $0x1  }
0xa1: {  	s23 =	simm.s32 $0x1B8B  }
0xa2: {  	_ =	swait.ge [sflag:s23], $0x1  }
0xa3: {  	[sflag:s23] =	ssyncset.done $0x0  }
0xa4: {  	s25 =	simm.s32 $0x1B8E;
	s24 =	sld [smem:$0x3FFE];
	[sflag:s23] =	ssyncadd.s32 $0xFFFFFFFF  }
0xa5: {  	s26 =	simm.s32 $execute0_lowered;
	[smem:$0x3FD2] =	sst s25  }
0xa6: {  	s5 =	sshll.u32 s26, $0x1;
	_ =	strace $0x8000004C;
	[dreg:$0x1] =	wrdreg $0xFFFFFFFF  }
0xa7: {  	s28 =	simm.s32 $_size_execute0_lowered;
	s3 =	sadd.s32 s3, s5;
	[dreg:$0x0] =	wrdreg $0x0  }
0xa8: {  	s5 =	sshll.u32 s28, $0x1;
	[dreg:$0x2] =	wrdreg s3  }
0xa9: {  	[dreg:$0x3] =	wrdreg s5  }
0xaa: {  	[dreg:$0x4] =	wrdreg $0xC0  }
0xab: {  	_ =	task [dreg:s7], $0x5FFFF  }
0xac: {  	[dreg:$0x1] =	wrdreg $0xFFFFFFFF  }
0xad: {  	[dreg:$0x0] =	wrdreg $0x60  }
0xae: {  	[dreg:$0x2] =	wrdreg s2  }
0xaf: {  	[dreg:$0x3] =	wrdreg s24  }
0xb0: {  	[dreg:$0x4] =	wrdreg $0xA  }
0xb1: {  	_ =	task.clear_ibuf [dreg:s7], $0x5FFFF;
	_ =	strace $0x9000004C  }
0xb2: {  	s29 =	simm.s32 $0xA;
	_ =	strace $0x8000004E  }
0xb3: {  	_ =	swait.ge [sflag:s29], $0x1  }
0xb4: {  	[sflag:s29] =	ssyncadd.s32 $0xFFFFFFFF  }
0xb5: {  	_ =	strace $0x9000004E  }
0xb6: {  	_ =	sfence  }
0xb7: {  	s30 =	sld [smem:$0x0];
	_ =	sdelay $0x2  }
0xb8: {  	s31 =	sshll.u32 s1, $0xD;
	s1 =	sshrl.u32 s1, $0x2  }
0xb9: {  	s3 =	sand.u32 $0x4000, s31;
	s1 =	sadd.s32 s1, s30  }
0xba: {  	s0 =	sor.u32 s3, s0;
	s1 =	sshll.u32 s1, $0x11  }
0xbb: {  	s0 =	sor.u32 s1, s0  }
0xbc: {  	s0 =	sadd.s32 $0x8F2B, s0  }
0xbd: {  	[sflag:s0] =	ssyncadd.remote.s32 $0x1  }
0xbe: {  	_ =	sfence.sel $0xFFFF  }
0xbf: {  	[dreg:$0x0] =	wrdreg $0xFFFFFFFF;
	(pc) =	sbr.abs _section_cstart, $3  }
0xc0: {  	[dreg:$0x1] =	wrdreg $0xFFFFFFFF  }
0xc1: {  	_ =	task.clear_ibuf [dreg:s7], $0x2FFFF;
	_ =	strace $0x9FFFFFFF  }
0xc2: {  	(tm) =	ssettm $0x7FFFFFFF  }
0xc3: {  	_ =	shalt  }
tec
execute0_lowered:
.L_overlay_start_1:
0x0: {  	(tag) =	ssettag $0x1  }
0x1: {  	s1 =	srdreg.scid;
	s2 =	rddreg [dreg:$0x0]  }
0x2: {  	s0 =	stileid.u32;
	s5 =	rddreg [dreg:$0x1];
	s6 =	simm.s32 $0x1  }
0x3: {  	s9 =	simm.s32 $0x1;
	s10 =	simm.s32 $0x3;
	s1 =	sshll.u32 s1, $0x7  }
0x4: {  	s13 =	simm.s32 $0x0;
	s3 =	sshll.u32 s0, $0x8;
	s4 =	sand.u32 $0x80, s1  }
0x5: {  	s12 =	simm.s32 $0x0;
	s1 =	rddreg [dreg:$0x2];
	s3 =	sor.u32 s3, s4  }
0x6: {  	_ =	strace $0x8000004D;
	s4 =	sadd.s32 $0x81E00, s5;
	s8 =	ssub.s32 $0x2000, s3  }
.Ltmp0:
0x7: {  	s5 =	sadd.s32 $0x81A00, s5;
	s7 =	sand.u32 $0xF80, s8;
	(pc) =	sbr.rel .LBB2_1-.Ltmp0, $4  }
0x8: {  	[sflag:s6] =	ssyncpa.u1 $0x0;
	s11 =	smov.u32 s3;
	p0 =	sne.s32 s7, $0x0  }
0x9: {  	s8 =	sshrl.u32 s8, $0xC;
	s7 =	simm.s32 $0x2;
	s9 =	simm.s32 @!p0 $0x0  }
0xa: {  	[sflag:s7] =	ssyncpa.u1 $0x0;
	p0 =	por $0x0, $0x0;
	s8 =	sadd.s32 s9, s8  }
0xb: {  	vm0 =	vmmov $0xffff;
	[sflag:s10] =	ssyncpa.u1 $0x0;
	s10 =	simm.s32 $0x0;
	s9 =	sadd.s32 $0x1, s8  }
.LBB2_4:
0xc: {  	v2 =	vnsel vm1, $0x0, v2  }
0xd: {  	vm1 =	vgt.s32 v0, $0x0;
	v2 =	vmin.u32 v2, $0x1FFF  }
0xe: {  	v0 =	vnsel vm1, $0x0, v0  }
0xf: {  	v0 =	vmin.u32 v0, $0x1FFF  }
0x10: {  	[tilespmem:s15], [sflag:$0x1] =	stream.indirect_vreg.gather [hbm4b:s2+s10], $0x1, v1, vm0, $0x4038;
	[tilespmem:$0x200] =	vst v63  }
0x11: {  	(ifvalue) =	ssetifvalue $0x7FFFFFFF  }
0x12: {  	[tilespmem:s16], [sflag:$0x1] =	stream.indirect_vreg.gather [hbm4b:s2+s10], $0x1, v2, vm0, $0x4038;
	[tilespmem:$0x200] =	vst v63  }
0x13: {  	s29 =	sadd.s32 $0x10, s16;
	(ifvalue) =	ssetifvalue $0x7FFFFFFF  }
0x14: {  	[tilespmem:s29], [sflag:$0x1] =	stream.indirect_vreg.gather [hbm4b:s2+s10], $0x1, v0, vm0, $0x4038;
	[tilespmem:$0x200] =	vst v63  }
0x15: {  	_ =	swait.ge [sflag:s6], $0x80  }
0x16: {  	s30 =	sshrl.u32 s13, $0x3;
	[sflag:s6] =	ssyncset.done $0x0  }
0x17: {  	s31 =	sand.u32 $0x7, s13;
	s15 =	sadd.s32 s5, s30;
	[sflag:s6] =	ssyncadd.s32 $0xFFFFFF80  }
0x18: {  	[hbm4b:s15+s31] =	stream.linear.scatter [tilespmem:s14], [sflag:$0x3], $0x80, $0x38;
	[tilespmem:$0x200] =	vst v63  }
.LBB2_5:
0x19: {  	s15 =	sadd.s32 $0x1000, s11  }
0x1a: {  	p2 =	sgt.s32 s15, $0x1FFF  }
0x1b: {  	s15 =	smov.u32 @p2 s3;
	p2 =	sne.s32 s12, s9  }
.Ltmp1:
0x1c: {  	p1 =	slt.u32 s12, $0x2;
	(pc) =	sbr.rel @!p2 .LBB2_6-.Ltmp1, $4  }
0x1d: {  	s14 =	simm.s32 @!p1 $0x3  }
0x1e: {  	s16 =	sadd.s32 $0x1, s12;
	_ =	swait.ge @!p1 [sflag:s14], $0x80  }
0x1f: {  	s13 =	smov.u32 s11;
	p0 =	por !p0, !p0;
	[sflag:s14] =	ssyncset.done @!p1 $0x0  }
0x20: {  	s12 =	smov.u32 s16;
	s11 =	smov.u32 s15;
	[sflag:s14] =	ssyncadd.s32 @!p1 $0xFFFFFF80  }
.LBB2_1:
0x21: {  	p1 =	sge.u32 s12, s8  }
0x22: {  	s14 =	sxor.u32 @!p1 $0xFFFFFFFF, s12  }
0x23: {  	s31 =	sadd.s32 $0xFFFFFFFF, s12;
	s15 =	sshrl.u32 @!p1 s11, $0x3;
	s14 =	sshll.u32 @!p1 s14, $0x7  }
0x24: {  	s16 =	sand.u32 @!p1 $0x7, s11;
	s15 =	sadd.s32 @!p1 s4, s15;
	s14 =	sand.u32 @!p1 $0x80, s14  }
0x25: {  	[tilespmem:s14], [sflag:$0x2] =	stream.linear.gather @!p1 [hbm4b:s15+s16], $0x80, $0x38;
	[tilespmem:$0x200] =	vst v63  }
0x26: {  	p1 =	sge.u32 s31, s8  }
.Ltmp2:
0x27: {  	_ = 	snop;
	(pc) =	sbr.rel @p1 .LBB2_5-.Ltmp2, $1  }
0x28: {  	_ =	sdelay $0x3  }
0x29: {  	s14 =	simm.s32 $0x1  }
0x2a: {  	_ =	swait.ge [sflag:s7], $0x80;
	s14 =	simm.s32 @!p0 $0x0  }
0x2b: {  	[sflag:s7] =	ssyncset.done $0x0;
	s14 =	sshll.u32 s14, $0x7  }
0x2c: {  	[sflag:s7] =	ssyncadd.s32 $0xFFFFFF80;
	(ifvalue) =	ssetifvalue $0x7FFFFFFF;
	v0 =	vld.msk [tilespmem:s14+$0x0 ss:$0x1], $0xffff;
	_ =	sdelay $0x4  }
0x2d: {  	s15 =	sadd.s32 $0x10, s14;
	vm1 =	vgt.s32 v0, $0x0  }
0x2e: {  	v2 =	vld.msk [tilespmem:s15+$0x0 ss:$0x1], $0xffff;
	v1 =	vnsel vm1, $0x0, v0  }
0x2f: {  	v1 =	vmin.u32 v1, $0x1FFF;
	_ =	sdelay $0x1  }
0x30: {  	s16 =	sshll.u32 s12, $0x7;
	s18 =	simm.s32 $0x20  }
0x31: {  	s16 =	sand.u32 $0x80, s16;
	s17 =	sadd.s32 $0x10, s15;
	s15 =	sor.u32 $0x100, s14  }
0x32: {  	s14 =	sor.u32 $0x100, s16;
	s16 =	sadd.s32 $0x10, s15;
	v0 =	vld.msk [tilespmem:s17+$0x0 ss:$0x1], $0xffff;
	vm1 =	vgt.s32 v2, $0x0;
	(ifvalue) =	ssetifvalue $0x7FFFFFFF  }
.LBB2_3:
0x33: {  	[tilespmem:s15], [sflag:$0x1] =	stream.indirect_vreg.gather [hbm4b:s2+s10], $0x1, v1, vm0, $0x4038;
	[tilespmem:$0x200] =	vst v63  }
0x34: {  	s18 =	sadd.s32 $0x10, s18  }
0x35: {  	v2 =	vnsel vm1, $0x0, v2;
	p1 =	slt.u32 s18, $0x70  }
.Ltmp3:
0x36: {  	s15 =	smov.u32 s16;
	v1 =	vmin.u32 v2, $0x1FFF;
	(pc) =	sbr.rel @p1 .LBB2_3-.Ltmp3, $3  }
0x37: {  	_ =	sdelay $0x1  }
0x38: {  	s17 =	sadd.s32 $0x10, s17  }
0x39: {  	vm1 =	vgt.s32 v0, $0x0;
	s16 =	sadd.s32 $0x10, s16;
	v2 =	vmov v0;
	(ifvalue) =	ssetifvalue $0x7FFFFFFF;
	v0 =	vld.msk [tilespmem:s17+$0x0 ss:$0x1], $0xffff  }
.Ltmp4:
0x3a: {  	_ = 	snop;
	(pc) =	sbr.rel .LBB2_4-.Ltmp4, $1  }
0x3b: {  	_ =	sdelay $0x3  }
.LBB2_6:
0x3c: {  	_ =	sfence.sel $0x180000  }
0x3d: {  	s2 =	simm.s32 $0x2;
	[bflag:$0x0] =	sbarrier.arrive $0xFFFF  }
0x3e: {  	s30 =	simm.s32 $0x3;
	[sflag:s2] =	ssyncpa.u1 $0x1  }
0x3f: {  	s31 =	simm.s32 $0x1;
	[sflag:s30] =	ssyncpa.u1 $0x1  }
0x40: {  	[sflag:s31] =	ssyncpa.u1 $0x1  }
0x41: {  	p0 =	sne.s32 s0, $0x0;
	_ =	strace $0x9000004D  }
0x42: {  	s0 =	sadd.s32 @!p0 $0x100000, s1;
	[bflag:$0x2] =	sbarrier.arrive $0xFFFF  }
0x43: {  	[sflag:s0] =	ssyncadd.tile.s32 @!p0 $0x1;
	_ =	shalt  }
.Lfunc_end2:
_tile_overlayer_lowered:
.L_overlay_start_2:
0x44: {  	(tag) =	ssettag $0x2  }
0x45: {  	s0 =	rddreg [dreg:$0x0];
	s2 =	stileid.u32  }
0x46: {  	s1 =	rddreg [dreg:$0x1];
	p0 =	sne.s32 s2, $0x0  }
0x47: {  	s3 =	rddreg [dreg:$0x2];
	[bflag:$0x3] =	sbarrier.arrive $0xFFFF;
	s2 =	simm.s32 @!p0 $0x1C01  }
0x48: {  	[timem:s3], [sflag:s2] =	dma.local @!p0 [hbm:s0], s1  }
0x49: {  	s0 =	simm.s32 @!p0 $0x1  }
0x4a: {  	_ =	swait.ge @!p0 [sflag:s0], s1  }
0x4b: {  	s1 =	ssub.s32 @!p0 $0x0, s1;
	[sflag:s0] =	ssyncset.done @!p0 $0x0  }
0x4c: {  	[sflag:s0] =	ssyncadd.s32 @!p0 s1  }
0x4d: {  	[bflag:$0x3] =	sbarrier.arrive $0xFFFF  }
0x4e: {  	_ =	shalt  }

// kernel: gather_offload_async_start
scs
__scs_entry_jumppad:
0x0: {  	(pc) =	sbr.rel $0x88, $3  }
0x1: {  	(tag) =	ssettag $0x0;
	lr =	simm.s32 $0x1  }
0x2: {  	[smem:$0x3F93] =	sst lr;
	_ =	strace $0xD0000000  }
0x3: {  	_ = 	snop  }
0x4: {  	_ = 	snop  }
0x5: {  	_ = 	snop  }
0x6: {  	_ = 	snop  }
0x7: {  	_ = 	snop  }
__scs_overlays_trampoline_lowered:
0x8: {  	[smem:$0x3FA2] =	sst s0  }
0x9: {  	[smem:$0x3FA3] =	sst s1  }
0xa: {  	[smem:$0x3FA4] =	sst s2  }
0xb: {  	[smem:$0x3FA5] =	sst s3  }
0xc: {  	[smem:$0x3FA6] =	sst s4  }
0xd: {  	[smem:$0x3FA7] =	sst s5  }
0xe: {  	[smem:$0x3FA8] =	sst s6  }
0xf: {  	[smem:$0x3FA9] =	sst s7  }
0x10: {  	[smem:$0x3FAA] =	sst s8  }
0x11: {  	[smem:$0x3FAB] =	sst s9;
	s0 =	simm.s32 @!p0 $0x0  }
0x12: {  	s1 =	sld [smem:$0x3F91];
	s0 =	simm.s32 @p0 $0x1  }
0x13: {  	[smem:$0x3FAC] =	sst s0;
	s0 =	simm.s32 @!p1 $0x0  }
0x14: {  	s2 =	sld [smem:$0x3F90];
	s0 =	simm.s32 @p1 $0x1  }
0x15: {  	[smem:$0x3FAD] =	sst s0;
	s0 =	simm.s32 @!p2 $0x0  }
0x16: {  	s3 =	sld [smem:$0x3FDB];
	s0 =	simm.s32 @p2 $0x1  }
0x17: {  	s4 =	simm.s32 $0x1BF5;
	[smem:$0x3FAF] =	sst s0  }
0x18: {  	s0 =	sld [smem:$0x3F92];
	_ =	swait.ge [sflag:s4], $0x0  }
0x19: {  	s7 =	sld [smem:$0x3F93]  }
0x1a: {  	s8 =	sadd.s32 $0xFFFFE003, lr  }
0x1b: {  	s9 =	sadd.s32 $0xFFFFFEF7, lr;
	s5 =	simm.s32 $0xFFFFFFFF;
	p2 =	slt.u32 s8, $0xFFFFF086  }
0x1c: {  	p1 =	slt.u32 s9, $0xF7A;
	s5 =	simm.s32 @!p2 $0x0  }
0x1d: {  	s5 =	simm.s32 @p1 $0x1;
	p0 =	seq.s32 s7, s2  }
0x1e: {  	s7 =	smul.u32 @!p0 $0xF7A, s2;
	p2 =	seq.s32 @!p0 s5, $0x0  }
0x1f: {  	s9 =	smul.u32 $0xF7A, s1;
	s8 =	simm.s32 @!p0 $0x1BF5;
	p2 =	por !p2, p0  }
0x20: {  	[sflag:s8] =	ssyncset.s32 @!p0 $0xFFFFF086;
	s6 =	sadd.s32 @!p0 s3, s7;
	s7 =	simm.s32 @!p0 $0x108  }
0x21: {  	s3 =	sadd.s32 s3, s9;
	s6 =	sadd.s32 @!p0 $0x88, s6;
	s7 =	simm.s32 @p2 $0x1082  }
0x22: {  	[simem:s7], [sflag:s8] =	dma.local @!p0 [hbm:s6], $0xF7A  }
0x23: {  	s9 =	sor.u32 $0xD0000000, s2;
	s6 =	simm.s32 $0x108;
	_ =	swait.ge @!p0 [sflag:s8], $0x0  }
0x24: {  	s3 =	sadd.s32 $0x88, s3;
	s6 =	simm.s32 @!p1 $0x1082;
	[sflag:s4] =	ssyncset.s32 $0xFFFFF086  }
0x25: {  	[simem:s6], [sflag:s4] =	dma.local [hbm:s3], $0xF7A  }
0x26: {  	[smem:$0x3F93] =	sst s1;
	(tag) =	ssettag s2;
	_ =	strace s9  }
0x27: {  	s1 =	sld [smem:$0x3FA3]  }
0x28: {  	s2 =	sld [smem:$0x3FA4]  }
0x29: {  	s4 =	sld [smem:$0x3FA6]  }
0x2a: {  	p0 =	seq.s32 s5, $0x0;
	s5 =	sld [smem:$0x3FA7]  }
0x2b: {  	s6 =	sld [smem:$0x3FA8]  }
0x2c: {  	s7 =	sld [smem:$0x3FA9]  }
0x2d: {  	s3 =	simm.s32 $0x108;
	s8 =	sld [smem:$0x3FAA]  }
0x2e: {  	s3 =	simm.s32 @!p0 $0x1082;
	s9 =	sld [smem:$0x3FAB]  }
0x2f: {  	lr =	sadd.s32 s0, s3;
	s0 =	sld [smem:$0x3FA2]  }
0x30: {  	s3 =	sld [smem:$0x3FA5]  }
0x31: {  	[smem:$0x3FAE] =	sst s10  }
0x32: {  	s10 =	sld [smem:$0x3FAC];
	_ =	sdelay $0x3  }
0x33: {  	p0 =	seq.s32 s10, $0x1;
	s10 =	sld [smem:$0x3FAE];
	_ =	sdelay $0x3  }
0x34: {  	[smem:$0x3FAE] =	sst s10  }
0x35: {  	s10 =	sld [smem:$0x3FAD];
	_ =	sdelay $0x3  }
0x36: {  	p1 =	seq.s32 s10, $0x1;
	s10 =	sld [smem:$0x3FAE];
	_ =	sdelay $0x3  }
0x37: {  	[smem:$0x3FAE] =	sst s10  }
0x38: {  	s10 =	sld [smem:$0x3FAF]  }
0x39: {  	_ = 	snop;
	(pc) =	sbr.ind lr, $3  }
0x3a: {  	_ = 	snop  }
0x3b: {  	_ = 	snop  }
0x3c: {  	p2 =	seq.s32 s10, $0x1;
	s10 =	sld [smem:$0x3FAE]  }
0x3d: {  	_ =	shalt  }
0x3e: {  	_ =	shalt  }
0x3f: {  	_ =	shalt  }
0x40: {  	_ =	shalt  }
0x41: {  	_ =	shalt  }
0x42: {  	_ =	shalt  }
0x43: {  	_ =	shalt  }
0x44: {  	_ =	shalt  }
0x45: {  	_ =	shalt  }
0x46: {  	_ =	shalt  }
0x47: {  	_ =	shalt  }
0x48: {  	_ =	shalt  }
0x49: {  	_ =	shalt  }
0x4a: {  	_ =	shalt  }
0x4b: {  	_ =	shalt  }
0x4c: {  	_ =	shalt  }
0x4d: {  	_ =	shalt  }
0x4e: {  	_ =	shalt  }
0x4f: {  	_ =	shalt  }
0x50: {  	_ =	shalt  }
0x51: {  	_ =	shalt  }
0x52: {  	_ =	shalt  }
0x53: {  	_ =	shalt  }
0x54: {  	_ =	shalt  }
0x55: {  	_ =	shalt  }
0x56: {  	_ =	shalt  }
0x57: {  	_ =	shalt  }
0x58: {  	_ =	shalt  }
0x59: {  	_ =	shalt  }
0x5a: {  	_ =	shalt  }
0x5b: {  	_ =	shalt  }
0x5c: {  	_ =	shalt  }
0x5d: {  	_ =	shalt  }
0x5e: {  	_ =	shalt  }
0x5f: {  	_ =	shalt  }
0x60: {  	_ =	shalt  }
0x61: {  	_ =	shalt  }
0x62: {  	_ =	shalt  }
0x63: {  	_ =	shalt  }
0x64: {  	_ =	shalt  }
0x65: {  	_ =	shalt  }
0x66: {  	_ =	shalt  }
0x67: {  	_ =	shalt  }
0x68: {  	_ =	shalt  }
0x69: {  	_ =	shalt  }
0x6a: {  	_ =	shalt  }
0x6b: {  	_ =	shalt  }
0x6c: {  	_ =	shalt  }
0x6d: {  	_ =	shalt  }
0x6e: {  	_ =	shalt  }
0x6f: {  	_ =	shalt  }
0x70: {  	_ =	shalt  }
0x71: {  	_ =	shalt  }
0x72: {  	_ =	shalt  }
0x73: {  	_ =	shalt  }
0x74: {  	_ =	shalt  }
0x75: {  	_ =	shalt  }
0x76: {  	_ =	shalt  }
0x77: {  	_ =	shalt  }
0x78: {  	_ =	shalt  }
0x79: {  	_ =	shalt  }
0x7a: {  	_ =	shalt  }
0x7b: {  	_ =	shalt  }
0x7c: {  	_ =	shalt  }
0x7d: {  	_ =	shalt  }
0x7e: {  	_ =	shalt  }
0x7f: {  	_ =	shalt  }
0x80: {  	_ =	shalt  }
0x81: {  	_ =	shalt  }
0x82: {  	_ =	shalt  }
0x83: {  	_ =	shalt  }
0x84: {  	_ =	shalt  }
0x85: {  	_ =	shalt  }
0x86: {  	_ =	shalt  }
0x87: {  	_ =	shalt  }
.Lfunc_end0:
.L_simem_size_0:
called_computation_lowered:
.L_overlay_start_0:
0x88: {  	s2 =	sld [smem:$0x3FD9]  }
0x89: {  	s3 =	sld [smem:$0x3FFE];
	_ =	sdelay $0x1  }
0x8a: {  	s1 =	srdreg.scid  }
0x8b: {  	s0 =	sand.u32 $0x1, s1  }
0x8c: {  	s17 =	sshll.u32 s0, $0xA;
	s2 =	sadd.s32 s3, s2  }
0x8d: {  	s2 =	sadd.s32 s2, s17  }
0x8e: {  	[smem:$0x3FBA] =	sst s2  }
0x8f: {  	_ = 	snop  }
0x90: {  	(tm) =	ssettm $0x1  }
0x91: {  	s18 =	sld [smem:$0x3FFB];
	_ =	sdelay $0x3  }
0x92: {  	_ =	strace s18  }
0x93: {  	s2 =	sld [smem:$0x3FFC];
	_ =	sdelay $0x3  }
0x94: {  	_ =	strace s2  }
0x95: {  	s2 =	sld [smem:$0x3FFD];
	_ =	sdelay $0x3  }
0x96: {  	_ =	strace s2  }
0x97: {  	_ =	strace $0x8FFFFFFF  }
0x98: {  	s19 =	sld [smem:$0x3FDB];
	_ =	sdelay $0x1  }
0x99: {  	s20 =	simm.s32 $_scs_section_size  }
0x9a: {  	s4 =	simm.s32 $_size__tile_overlayer_lowered;
	s5 =	simm.s32 $_tile_overlayer_lowered  }
0x9b: {  	s6 =	simm.s32 $0x1BFF;
	s21 =	sshll.u32 s5, $0x1;
	s3 =	sadd.s32 s20, s19  }
0x9c: {  	s22 =	simm.s32 $0x0;
	s4 =	sshll.u32 s4, $0x1;
	s5 =	sadd.s32 s21, s3  }
0x9d: {  	[timem:s22], [sflag:s6] =	dma.local [hbm:s5], s4  }
0x9e: {  	_ =	swait.ge [sflag:s6], s4  }
0x9f: {  	s4 =	ssub.s32 $0x0, s4;
	[sflag:s6] =	ssyncset.done $0x0  }
0xa0: {  	[sflag:s6] =	ssyncadd.s32 s4;
	_ =	sdelay $0x1  }
0xa1: {  	s23 =	simm.s32 $0x1B8B  }
0xa2: {  	_ =	swait.ge [sflag:s23], $0x1  }
0xa3: {  	[sflag:s23] =	ssyncset.done $0x0  }
0xa4: {  	[sflag:s23] =	ssyncadd.s32 $0xFFFFFFFF  }
0xa5: {  	s4 =	sld [smem:$0x0]  }
0xa6: {  	s5 =	sand.u32 $0xFFFFFFFE, s1  }
0xa7: {  	p0 =	sne.s32 s1, s5  }
0xa8: {  	s5 =	sshll.u32 @p0 s5, $0xE  }
0xa9: {  	s5 =	sadd.s32 @p0 $0x11B8D, s5;
	s6 =	sshll.u32 @p0 s4, $0x11  }
0xaa: {  	s5 =	sor.u32 @p0 s6, s5  }
0xab: {  	[sflag:s5] =	ssyncadd.remote.s32 @p0 $0x1;
	_ =	sdelay $0x1  }
0xac: {  	s5 =	simm.s32 @p0 $0x1B8D  }
0xad: {  	_ =	swait.eq @p0 [sflag:s5], $0x1  }
0xae: {  	[sflag:s5] =	ssyncadd.s32 @p0 $0xFFFFFFFF  }
0xaf: {  	s6 =	sshll.u32 @!p0 s1, $0xE  }
0xb0: {  	s6 =	sor.u32 @!p0 $0x4000, s6;
	s5 =	simm.s32 @!p0 $0x1B8D  }
0xb1: {  	s4 =	sshll.u32 @!p0 s4, $0x11;
	s6 =	sadd.s32 @!p0 $0x11B8D, s6;
	_ =	swait.eq @!p0 [sflag:s5], $0x1  }
0xb2: {  	s4 =	sor.u32 @!p0 s4, s6;
	[sflag:s5] =	ssyncadd.s32 @!p0 $0xFFFFFFFF  }
0xb3: {  	s25 =	simm.s32 $0x1B8E;
	s24 =	sld [smem:$0x3FFE];
	[sflag:s4] =	ssyncadd.remote.s32 @!p0 $0x1  }
0xb4: {  	s26 =	simm.s32 $execute0_lowered;
	[smem:$0x3FD2] =	sst s25  }
0xb5: {  	s5 =	sshll.u32 s26, $0x1;
	_ =	strace $0x80000049;
	[dreg:$0x1] =	wrdreg $0xFFFFFFFF  }
0xb6: {  	s28 =	simm.s32 $_size_execute0_lowered;
	s3 =	sadd.s32 s3, s5;
	[dreg:$0x0] =	wrdreg $0x0  }
0xb7: {  	s5 =	sshll.u32 s28, $0x1;
	[dreg:$0x2] =	wrdreg s3  }
0xb8: {  	[dreg:$0x3] =	wrdreg s5  }
0xb9: {  	[dreg:$0x4] =	wrdreg $0xC0  }
0xba: {  	_ =	task [dreg:s22], $0x5FFFF  }
0xbb: {  	[dreg:$0x1] =	wrdreg $0xFFFFFFFF  }
0xbc: {  	[dreg:$0x0] =	wrdreg $0x60  }
0xbd: {  	[dreg:$0x2] =	wrdreg s24  }
0xbe: {  	[dreg:$0x3] =	wrdreg $0x9  }
0xbf: {  	_ =	task.clear_ibuf [dreg:s22], $0x4FFFF;
	_ =	strace $0x90000049  }
0xc0: {  	s29 =	simm.s32 $0x9;
	_ =	strace $0x8000004B  }
0xc1: {  	_ =	swait.ge [sflag:s29], $0x1  }
0xc2: {  	[sflag:s29] =	ssyncadd.s32 $0xFFFFFFFF  }
0xc3: {  	_ =	strace $0x9000004B  }
0xc4: {  	_ =	sfence  }
0xc5: {  	s30 =	sld [smem:$0x0];
	_ =	sdelay $0x2  }
0xc6: {  	s31 =	sshll.u32 s1, $0xD;
	s1 =	sshrl.u32 s1, $0x2  }
0xc7: {  	s4 =	sand.u32 $0x4000, s31;
	s1 =	sadd.s32 s1, s30  }
0xc8: {  	s0 =	sor.u32 s4, s0;
	s1 =	sshll.u32 s1, $0x11  }
0xc9: {  	s0 =	sor.u32 s1, s0  }
0xca: {  	s0 =	sadd.s32 $0x8F2B, s0  }
0xcb: {  	[sflag:s0] =	ssyncadd.remote.s32 $0x1  }
0xcc: {  	_ =	sfence.sel $0xFFFF  }
0xcd: {  	[dreg:$0x0] =	wrdreg $0xFFFFFFFF;
	(pc) =	sbr.abs _section_cstart, $3  }
0xce: {  	[dreg:$0x1] =	wrdreg $0xFFFFFFFF  }
0xcf: {  	_ =	task.clear_ibuf [dreg:s22], $0x2FFFF;
	_ =	strace $0x9FFFFFFF  }
0xd0: {  	(tm) =	ssettm $0x7FFFFFFF  }
0xd1: {  	_ =	shalt  }
tec
execute0_lowered:
.L_overlay_start_1:
0x0: {  	(tag) =	ssettag $0x1  }
0x1: {  	s0 =	srdreg.scid;
	s5 =	rddreg [dreg:$0x0]  }
0x2: {  	s1 =	stileid.u32;
	s6 =	simm.s32 $0x1;
	s9 =	simm.s32 $0x1  }
0x3: {  	s10 =	simm.s32 $0x3;
	s13 =	simm.s32 $0x0;
	s2 =	sshll.u32 s0, $0x7  }
0x4: {  	s12 =	simm.s32 $0x0;
	s3 =	sshll.u32 s1, $0x8;
	s2 =	sand.u32 $0x80, s2  }
0x5: {  	s0 =	rddreg [dreg:$0x1];
	_ =	strace $0x8000004A;
	s2 =	sor.u32 s3, s2  }
0x6: {  	s4 =	sadd.s32 $0x82600, s5;
	[sflag:s6] =	ssyncpa.u1 $0x0;
	s8 =	ssub.s32 $0x2000, s2  }
.Ltmp0:
0x7: {  	s3 =	sadd.s32 $0x82200, s5;
	s7 =	sand.u32 $0xF80, s8;
	(pc) =	sbr.rel .LBB2_1-.Ltmp0, $4  }
0x8: {  	s5 =	sadd.s32 $0x83200, s5;
	s11 =	smov.u32 s2;
	p0 =	sne.s32 s7, $0x0  }
0x9: {  	s8 =	sshrl.u32 s8, $0xC;
	s7 =	simm.s32 $0x2;
	s9 =	simm.s32 @!p0 $0x0  }
0xa: {  	[sflag:s7] =	ssyncpa.u1 $0x0;
	p0 =	por $0x0, $0x0;
	s8 =	sadd.s32 s9, s8  }
0xb: {  	vm0 =	vmmov $0xffff;
	[sflag:s10] =	ssyncpa.u1 $0x0;
	s10 =	simm.s32 $0x0;
	s9 =	sadd.s32 $0x1, s8  }
.LBB2_4:
0xc: {  	v2 =	vnsel vm1, $0x0, v2  }
0xd: {  	vm1 =	vgt.s32 v0, $0x0;
	v2 =	vmin.u32 v2, $0x1FFF  }
0xe: {  	v0 =	vnsel vm1, $0x0, v0  }
0xf: {  	v0 =	vmin.u32 v0, $0x1FFF  }
0x10: {  	[tilespmem:s15], [sflag:$0x1] =	stream.indirect_vreg.gather [hbm4b:s3+s10], $0x1, v1, vm0, $0x4038;
	[tilespmem:$0x200] =	vst v63  }
0x11: {  	(ifvalue) =	ssetifvalue $0x7FFFFFFF  }
0x12: {  	[tilespmem:s16], [sflag:$0x1] =	stream.indirect_vreg.gather [hbm4b:s3+s10], $0x1, v2, vm0, $0x4038;
	[tilespmem:$0x200] =	vst v63  }
0x13: {  	s29 =	sadd.s32 $0x10, s16;
	(ifvalue) =	ssetifvalue $0x7FFFFFFF  }
0x14: {  	[tilespmem:s29], [sflag:$0x1] =	stream.indirect_vreg.gather [hbm4b:s3+s10], $0x1, v0, vm0, $0x4038;
	[tilespmem:$0x200] =	vst v63  }
0x15: {  	_ =	swait.ge [sflag:s6], $0x80  }
0x16: {  	s30 =	sshrl.u32 s13, $0x3;
	[sflag:s6] =	ssyncset.done $0x0  }
0x17: {  	s31 =	sand.u32 $0x7, s13;
	s15 =	sadd.s32 s5, s30;
	[sflag:s6] =	ssyncadd.s32 $0xFFFFFF80  }
0x18: {  	[hbm4b:s15+s31] =	stream.linear.scatter [tilespmem:s14], [sflag:$0x3], $0x80, $0x38;
	[tilespmem:$0x200] =	vst v63  }
.LBB2_5:
0x19: {  	s15 =	sadd.s32 $0x1000, s11  }
0x1a: {  	p2 =	sgt.s32 s15, $0x1FFF  }
0x1b: {  	s15 =	smov.u32 @p2 s2;
	p2 =	sne.s32 s12, s9  }
.Ltmp1:
0x1c: {  	p1 =	slt.u32 s12, $0x2;
	(pc) =	sbr.rel @!p2 .LBB2_6-.Ltmp1, $4  }
0x1d: {  	s14 =	simm.s32 @!p1 $0x3  }
0x1e: {  	s16 =	sadd.s32 $0x1, s12;
	_ =	swait.ge @!p1 [sflag:s14], $0x80  }
0x1f: {  	s13 =	smov.u32 s11;
	p0 =	por !p0, !p0;
	[sflag:s14] =	ssyncset.done @!p1 $0x0  }
0x20: {  	s12 =	smov.u32 s16;
	s11 =	smov.u32 s15;
	[sflag:s14] =	ssyncadd.s32 @!p1 $0xFFFFFF80  }
.LBB2_1:
0x21: {  	p1 =	sge.u32 s12, s8  }
0x22: {  	s14 =	sxor.u32 @!p1 $0xFFFFFFFF, s12  }
0x23: {  	s31 =	sadd.s32 $0xFFFFFFFF, s12;
	s15 =	sshrl.u32 @!p1 s11, $0x3;
	s14 =	sshll.u32 @!p1 s14, $0x7  }
0x24: {  	s16 =	sand.u32 @!p1 $0x7, s11;
	s15 =	sadd.s32 @!p1 s4, s15;
	s14 =	sand.u32 @!p1 $0x80, s14  }
0x25: {  	[tilespmem:s14], [sflag:$0x2] =	stream.linear.gather @!p1 [hbm4b:s15+s16], $0x80, $0x38;
	[tilespmem:$0x200] =	vst v63  }
0x26: {  	p1 =	sge.u32 s31, s8  }
.Ltmp2:
0x27: {  	_ = 	snop;
	(pc) =	sbr.rel @p1 .LBB2_5-.Ltmp2, $1  }
0x28: {  	_ =	sdelay $0x3  }
0x29: {  	s14 =	simm.s32 $0x1  }
0x2a: {  	_ =	swait.ge [sflag:s7], $0x80;
	s14 =	simm.s32 @!p0 $0x0  }
0x2b: {  	[sflag:s7] =	ssyncset.done $0x0;
	s14 =	sshll.u32 s14, $0x7  }
0x2c: {  	[sflag:s7] =	ssyncadd.s32 $0xFFFFFF80;
	(ifvalue) =	ssetifvalue $0x7FFFFFFF;
	v0 =	vld.msk [tilespmem:s14+$0x0 ss:$0x1], $0xffff;
	_ =	sdelay $0x4  }
0x2d: {  	s15 =	sadd.s32 $0x10, s14;
	vm1 =	vgt.s32 v0, $0x0  }
0x2e: {  	v2 =	vld.msk [tilespmem:s15+$0x0 ss:$0x1], $0xffff;
	v1 =	vnsel vm1, $0x0, v0  }
0x2f: {  	v1 =	vmin.u32 v1, $0x1FFF;
	_ =	sdelay $0x1  }
0x30: {  	s16 =	sshll.u32 s12, $0x7;
	s18 =	simm.s32 $0x20  }
0x31: {  	s16 =	sand.u32 $0x80, s16;
	s17 =	sadd.s32 $0x10, s15;
	s15 =	sor.u32 $0x100, s14  }
0x32: {  	s14 =	sor.u32 $0x100, s16;
	s16 =	sadd.s32 $0x10, s15;
	v0 =	vld.msk [tilespmem:s17+$0x0 ss:$0x1], $0xffff;
	vm1 =	vgt.s32 v2, $0x0;
	(ifvalue) =	ssetifvalue $0x7FFFFFFF  }
.LBB2_3:
0x33: {  	[tilespmem:s15], [sflag:$0x1] =	stream.indirect_vreg.gather [hbm4b:s3+s10], $0x1, v1, vm0, $0x4038;
	[tilespmem:$0x200] =	vst v63  }
0x34: {  	s18 =	sadd.s32 $0x10, s18  }
0x35: {  	v2 =	vnsel vm1, $0x0, v2;
	p1 =	slt.u32 s18, $0x70  }
.Ltmp3:
0x36: {  	s15 =	smov.u32 s16;
	v1 =	vmin.u32 v2, $0x1FFF;
	(pc) =	sbr.rel @p1 .LBB2_3-.Ltmp3, $3  }
0x37: {  	_ =	sdelay $0x1  }
0x38: {  	s17 =	sadd.s32 $0x10, s17  }
0x39: {  	vm1 =	vgt.s32 v0, $0x0;
	s16 =	sadd.s32 $0x10, s16;
	v2 =	vmov v0;
	(ifvalue) =	ssetifvalue $0x7FFFFFFF;
	v0 =	vld.msk [tilespmem:s17+$0x0 ss:$0x1], $0xffff  }
.Ltmp4:
0x3a: {  	_ = 	snop;
	(pc) =	sbr.rel .LBB2_4-.Ltmp4, $1  }
0x3b: {  	_ =	sdelay $0x3  }
.LBB2_6:
0x3c: {  	_ =	sfence.sel $0x180000  }
0x3d: {  	s2 =	simm.s32 $0x2;
	[bflag:$0x0] =	sbarrier.arrive $0xFFFF  }
0x3e: {  	s30 =	simm.s32 $0x3;
	[sflag:s2] =	ssyncpa.u1 $0x1  }
0x3f: {  	s31 =	simm.s32 $0x1;
	[sflag:s30] =	ssyncpa.u1 $0x1  }
0x40: {  	[sflag:s31] =	ssyncpa.u1 $0x1  }
0x41: {  	p0 =	sne.s32 s1, $0x0;
	_ =	strace $0x9000004A  }
0x42: {  	s0 =	sadd.s32 @!p0 $0x100000, s0;
	[bflag:$0x2] =	sbarrier.arrive $0xFFFF  }
0x43: {  	[sflag:s0] =	ssyncadd.tile.s32 @!p0 $0x1;
	_ =	shalt  }
.Lfunc_end2:
_tile_overlayer_lowered:
.L_overlay_start_2:
0x44: {  	(tag) =	ssettag $0x2  }
0x45: {  	s0 =	rddreg [dreg:$0x0];
	s2 =	stileid.u32  }
0x46: {  	s1 =	rddreg [dreg:$0x1];
	p0 =	sne.s32 s2, $0x0  }
0x47: {  	s3 =	rddreg [dreg:$0x2];
	[bflag:$0x3] =	sbarrier.arrive $0xFFFF;
	s2 =	simm.s32 @!p0 $0x1C01  }
0x48: {  	[timem:s3], [sflag:s2] =	dma.local @!p0 [hbm:s0], s1  }
0x49: {  	s0 =	simm.s32 @!p0 $0x1  }
0x4a: {  	_ =	swait.ge @!p0 [sflag:s0], s1  }
0x4b: {  	s1 =	ssub.s32 @!p0 $0x0, s1;
	[sflag:s0] =	ssyncset.done @!p0 $0x0  }
0x4c: {  	[sflag:s0] =	ssyncadd.s32 @!p0 s1  }
0x4d: {  	[bflag:$0x3] =	sbarrier.arrive $0xFFFF  }
0x4e: {  	_ =	shalt  }

// kernel: kernel.5.cloned.1.call-start
scs
__scs_entry_jumppad:
0x0: {  	(pc) =	sbr.rel $0x88, $3  }
0x1: {  	(tag) =	ssettag $0x0;
	lr =	simm.s32 $0x1  }
0x2: {  	[smem:$0x3F93] =	sst lr;
	_ =	strace $0xD0000000  }
0x3: {  	_ = 	snop  }
0x4: {  	_ = 	snop  }
0x5: {  	_ = 	snop  }
0x6: {  	_ = 	snop  }
0x7: {  	_ = 	snop  }
__scs_overlays_trampoline_lowered:
0x8: {  	[smem:$0x3FA2] =	sst s0  }
0x9: {  	[smem:$0x3FA3] =	sst s1  }
0xa: {  	[smem:$0x3FA4] =	sst s2  }
0xb: {  	[smem:$0x3FA5] =	sst s3  }
0xc: {  	[smem:$0x3FA6] =	sst s4  }
0xd: {  	[smem:$0x3FA7] =	sst s5  }
0xe: {  	[smem:$0x3FA8] =	sst s6  }
0xf: {  	[smem:$0x3FA9] =	sst s7  }
0x10: {  	[smem:$0x3FAA] =	sst s8  }
0x11: {  	[smem:$0x3FAB] =	sst s9;
	s0 =	simm.s32 @!p0 $0x0  }
0x12: {  	s1 =	sld [smem:$0x3F91];
	s0 =	simm.s32 @p0 $0x1  }
0x13: {  	[smem:$0x3FAC] =	sst s0;
	s0 =	simm.s32 @!p1 $0x0  }
0x14: {  	s2 =	sld [smem:$0x3F90];
	s0 =	simm.s32 @p1 $0x1  }
0x15: {  	[smem:$0x3FAD] =	sst s0;
	s0 =	simm.s32 @!p2 $0x0  }
0x16: {  	s3 =	sld [smem:$0x3FDB];
	s0 =	simm.s32 @p2 $0x1  }
0x17: {  	s4 =	simm.s32 $0x1BF5;
	[smem:$0x3FAF] =	sst s0  }
0x18: {  	s0 =	sld [smem:$0x3F92];
	_ =	swait.ge [sflag:s4], $0x0  }
0x19: {  	s7 =	sld [smem:$0x3F93]  }
0x1a: {  	s8 =	sadd.s32 $0xFFFFE003, lr  }
0x1b: {  	s9 =	sadd.s32 $0xFFFFFEF7, lr;
	s5 =	simm.s32 $0xFFFFFFFF;
	p2 =	slt.u32 s8, $0xFFFFF086  }
0x1c: {  	p1 =	slt.u32 s9, $0xF7A;
	s5 =	simm.s32 @!p2 $0x0  }
0x1d: {  	s5 =	simm.s32 @p1 $0x1;
	p0 =	seq.s32 s7, s2  }
0x1e: {  	s7 =	smul.u32 @!p0 $0xF7A, s2;
	p2 =	seq.s32 @!p0 s5, $0x0  }
0x1f: {  	s9 =	smul.u32 $0xF7A, s1;
	s8 =	simm.s32 @!p0 $0x1BF5;
	p2 =	por !p2, p0  }
0x20: {  	[sflag:s8] =	ssyncset.s32 @!p0 $0xFFFFF086;
	s6 =	sadd.s32 @!p0 s3, s7;
	s7 =	simm.s32 @!p0 $0x108  }
0x21: {  	s3 =	sadd.s32 s3, s9;
	s6 =	sadd.s32 @!p0 $0x88, s6;
	s7 =	simm.s32 @p2 $0x1082  }
0x22: {  	[simem:s7], [sflag:s8] =	dma.local @!p0 [hbm:s6], $0xF7A  }
0x23: {  	s9 =	sor.u32 $0xD0000000, s2;
	s6 =	simm.s32 $0x108;
	_ =	swait.ge @!p0 [sflag:s8], $0x0  }
0x24: {  	s3 =	sadd.s32 $0x88, s3;
	s6 =	simm.s32 @!p1 $0x1082;
	[sflag:s4] =	ssyncset.s32 $0xFFFFF086  }
0x25: {  	[simem:s6], [sflag:s4] =	dma.local [hbm:s3], $0xF7A  }
0x26: {  	[smem:$0x3F93] =	sst s1;
	(tag) =	ssettag s2;
	_ =	strace s9  }
0x27: {  	s1 =	sld [smem:$0x3FA3]  }
0x28: {  	s2 =	sld [smem:$0x3FA4]  }
0x29: {  	s4 =	sld [smem:$0x3FA6]  }
0x2a: {  	p0 =	seq.s32 s5, $0x0;
	s5 =	sld [smem:$0x3FA7]  }
0x2b: {  	s6 =	sld [smem:$0x3FA8]  }
0x2c: {  	s7 =	sld [smem:$0x3FA9]  }
0x2d: {  	s3 =	simm.s32 $0x108;
	s8 =	sld [smem:$0x3FAA]  }
0x2e: {  	s3 =	simm.s32 @!p0 $0x1082;
	s9 =	sld [smem:$0x3FAB]  }
0x2f: {  	lr =	sadd.s32 s0, s3;
	s0 =	sld [smem:$0x3FA2]  }
0x30: {  	s3 =	sld [smem:$0x3FA5]  }
0x31: {  	[smem:$0x3FAE] =	sst s10  }
0x32: {  	s10 =	sld [smem:$0x3FAC];
	_ =	sdelay $0x3  }
0x33: {  	p0 =	seq.s32 s10, $0x1;
	s10 =	sld [smem:$0x3FAE];
	_ =	sdelay $0x3  }
0x34: {  	[smem:$0x3FAE] =	sst s10  }
0x35: {  	s10 =	sld [smem:$0x3FAD];
	_ =	sdelay $0x3  }
0x36: {  	p1 =	seq.s32 s10, $0x1;
	s10 =	sld [smem:$0x3FAE];
	_ =	sdelay $0x3  }
0x37: {  	[smem:$0x3FAE] =	sst s10  }
0x38: {  	s10 =	sld [smem:$0x3FAF]  }
0x39: {  	_ = 	snop;
	(pc) =	sbr.ind lr, $3  }
0x3a: {  	_ = 	snop  }
0x3b: {  	_ = 	snop  }
0x3c: {  	p2 =	seq.s32 s10, $0x1;
	s10 =	sld [smem:$0x3FAE]  }
0x3d: {  	_ =	shalt  }
0x3e: {  	_ =	shalt  }
0x3f: {  	_ =	shalt  }
0x40: {  	_ =	shalt  }
0x41: {  	_ =	shalt  }
0x42: {  	_ =	shalt  }
0x43: {  	_ =	shalt  }
0x44: {  	_ =	shalt  }
0x45: {  	_ =	shalt  }
0x46: {  	_ =	shalt  }
0x47: {  	_ =	shalt  }
0x48: {  	_ =	shalt  }
0x49: {  	_ =	shalt  }
0x4a: {  	_ =	shalt  }
0x4b: {  	_ =	shalt  }
0x4c: {  	_ =	shalt  }
0x4d: {  	_ =	shalt  }
0x4e: {  	_ =	shalt  }
0x4f: {  	_ =	shalt  }
0x50: {  	_ =	shalt  }
0x51: {  	_ =	shalt  }
0x52: {  	_ =	shalt  }
0x53: {  	_ =	shalt  }
0x54: {  	_ =	shalt  }
0x55: {  	_ =	shalt  }
0x56: {  	_ =	shalt  }
0x57: {  	_ =	shalt  }
0x58: {  	_ =	shalt  }
0x59: {  	_ =	shalt  }
0x5a: {  	_ =	shalt  }
0x5b: {  	_ =	shalt  }
0x5c: {  	_ =	shalt  }
0x5d: {  	_ =	shalt  }
0x5e: {  	_ =	shalt  }
0x5f: {  	_ =	shalt  }
0x60: {  	_ =	shalt  }
0x61: {  	_ =	shalt  }
0x62: {  	_ =	shalt  }
0x63: {  	_ =	shalt  }
0x64: {  	_ =	shalt  }
0x65: {  	_ =	shalt  }
0x66: {  	_ =	shalt  }
0x67: {  	_ =	shalt  }
0x68: {  	_ =	shalt  }
0x69: {  	_ =	shalt  }
0x6a: {  	_ =	shalt  }
0x6b: {  	_ =	shalt  }
0x6c: {  	_ =	shalt  }
0x6d: {  	_ =	shalt  }
0x6e: {  	_ =	shalt  }
0x6f: {  	_ =	shalt  }
0x70: {  	_ =	shalt  }
0x71: {  	_ =	shalt  }
0x72: {  	_ =	shalt  }
0x73: {  	_ =	shalt  }
0x74: {  	_ =	shalt  }
0x75: {  	_ =	shalt  }
0x76: {  	_ =	shalt  }
0x77: {  	_ =	shalt  }
0x78: {  	_ =	shalt  }
0x79: {  	_ =	shalt  }
0x7a: {  	_ =	shalt  }
0x7b: {  	_ =	shalt  }
0x7c: {  	_ =	shalt  }
0x7d: {  	_ =	shalt  }
0x7e: {  	_ =	shalt  }
0x7f: {  	_ =	shalt  }
0x80: {  	_ =	shalt  }
0x81: {  	_ =	shalt  }
0x82: {  	_ =	shalt  }
0x83: {  	_ =	shalt  }
0x84: {  	_ =	shalt  }
0x85: {  	_ =	shalt  }
0x86: {  	_ =	shalt  }
0x87: {  	_ =	shalt  }
.Lfunc_end0:
.L_simem_size_0:
called_computation.4_lowered:
.L_overlay_start_0:
0x88: {  	s2 =	sld [smem:$0x3FD9]  }
0x89: {  	s3 =	sld [smem:$0x3FFE];
	_ =	sdelay $0x1  }
0x8a: {  	s1 =	srdreg.scid  }
0x8b: {  	s0 =	sand.u32 $0x1, s1  }
0x8c: {  	s17 =	sshll.u32 s0, $0xA;
	s2 =	sadd.s32 s3, s2  }
0x8d: {  	s2 =	sadd.s32 s2, s17  }
0x8e: {  	[smem:$0x3FBA] =	sst s2  }
0x8f: {  	_ = 	snop  }
0x90: {  	s2 =	sld [smem:$0x3FC8];
	(tm) =	ssettm $0x1  }
0x91: {  	s18 =	sld [smem:$0x3FFB];
	_ =	sdelay $0x3  }
0x92: {  	_ =	strace s18  }
0x93: {  	s3 =	sld [smem:$0x3FFC];
	_ =	sdelay $0x3  }
0x94: {  	_ =	strace s3  }
0x95: {  	s3 =	sld [smem:$0x3FFD];
	_ =	sdelay $0x3  }
0x96: {  	_ =	strace s3  }
0x97: {  	_ =	strace $0x8FFFFFFF  }
0x98: {  	s19 =	sld [smem:$0x3FDB];
	_ =	sdelay $0x1  }
0x99: {  	s4 =	simm.s32 $_scs_section_size  }
0x9a: {  	s5 =	simm.s32 $_size__tile_overlayer_lowered;
	s6 =	simm.s32 $_tile_overlayer_lowered  }
0x9b: {  	s22 =	simm.s32 $0x1BFF;
	s21 =	sshll.u32 s6, $0x1;
	s3 =	sadd.s32 s4, s19  }
0x9c: {  	s7 =	simm.s32 $0x0;
	s20 =	sshll.u32 s5, $0x1;
	s5 =	sadd.s32 s21, s3  }
0x9d: {  	[timem:s7], [sflag:s22] =	dma.local [hbm:s5], s20  }
0x9e: {  	_ =	swait.ge [sflag:s22], s20  }
0x9f: {  	s4 =	ssub.s32 $0x0, s20;
	[sflag:s22] =	ssyncset.done $0x0  }
0xa0: {  	[sflag:s22] =	ssyncadd.s32 s4;
	_ =	sdelay $0x1  }
0xa1: {  	s23 =	simm.s32 $0x1B8B  }
0xa2: {  	_ =	swait.ge [sflag:s23], $0x1  }
0xa3: {  	[sflag:s23] =	ssyncset.done $0x0  }
0xa4: {  	s25 =	simm.s32 $0x1B8E;
	s24 =	sld [smem:$0x3FFE];
	[sflag:s23] =	ssyncadd.s32 $0xFFFFFFFF  }
0xa5: {  	s26 =	simm.s32 $execute0_lowered;
	[smem:$0x3FD2] =	sst s25  }
0xa6: {  	s5 =	sshll.u32 s26, $0x1;
	_ =	strace $0x80000052;
	[dreg:$0x1] =	wrdreg $0xFFFFFFFF  }
0xa7: {  	s28 =	simm.s32 $_size_execute0_lowered;
	s3 =	sadd.s32 s3, s5;
	[dreg:$0x0] =	wrdreg $0x0  }
0xa8: {  	s5 =	sshll.u32 s28, $0x1;
	[dreg:$0x2] =	wrdreg s3  }
0xa9: {  	[dreg:$0x3] =	wrdreg s5  }
0xaa: {  	[dreg:$0x4] =	wrdreg $0xC0  }
0xab: {  	_ =	task [dreg:s7], $0x5FFFF  }
0xac: {  	[dreg:$0x1] =	wrdreg $0xFFFFFFFF  }
0xad: {  	[dreg:$0x0] =	wrdreg $0x60  }
0xae: {  	[dreg:$0x2] =	wrdreg s24  }
0xaf: {  	[dreg:$0x3] =	wrdreg s2  }
0xb0: {  	[dreg:$0x4] =	wrdreg $0x9  }
0xb1: {  	_ =	task.clear_ibuf [dreg:s7], $0x5FFFF;
	_ =	strace $0x90000052  }
0xb2: {  	s29 =	simm.s32 $0x9;
	_ =	strace $0x80000054  }
0xb3: {  	_ =	swait.ge [sflag:s29], $0x1  }
0xb4: {  	[sflag:s29] =	ssyncadd.s32 $0xFFFFFFFF  }
0xb5: {  	_ =	strace $0x90000054  }
0xb6: {  	_ =	sfence  }
0xb7: {  	s30 =	sld [smem:$0x0];
	_ =	sdelay $0x2  }
0xb8: {  	s31 =	sshll.u32 s1, $0xD;
	s1 =	sshrl.u32 s1, $0x2  }
0xb9: {  	s3 =	sand.u32 $0x4000, s31;
	s1 =	sadd.s32 s1, s30  }
0xba: {  	s0 =	sor.u32 s3, s0;
	s1 =	sshll.u32 s1, $0x11  }
0xbb: {  	s0 =	sor.u32 s1, s0  }
0xbc: {  	s0 =	sadd.s32 $0x8F2B, s0  }
0xbd: {  	[sflag:s0] =	ssyncadd.remote.s32 $0x1  }
0xbe: {  	_ =	sfence.sel $0xFFFF  }
0xbf: {  	[dreg:$0x0] =	wrdreg $0xFFFFFFFF;
	(pc) =	sbr.abs _section_cstart, $3  }
0xc0: {  	[dreg:$0x1] =	wrdreg $0xFFFFFFFF  }
0xc1: {  	_ =	task.clear_ibuf [dreg:s7], $0x2FFFF;
	_ =	strace $0x9FFFFFFF  }
0xc2: {  	(tm) =	ssettm $0x7FFFFFFF  }
0xc3: {  	_ =	shalt  }
tec
execute0_lowered:
.L_overlay_start_1:
0x0: {  	(tag) =	ssettag $0x1  }
0x1: {  	s0 =	srdreg.scid;
	s1 =	rddreg [dreg:$0x0]  }
0x2: {  	s17 =	stileid.u32;
	s3 =	simm.s32 $0x0;
	s15 =	simm.s32 $0x80  }
0x3: {  	s16 =	simm.s32 $0x100;
	s18 =	simm.s32 $0x3;
	s23 =	simm.s32 $0x400  }
0x4: {  	s28 =	simm.s32 $0x8600;
	s29 =	simm.s32 $0x8800;
	s30 =	simm.s32 $0x2  }
0x5: {  	s31 =	simm.s32 $0x9000;
	s0 =	sand.u32 $0x1, s0;
	[smem:$0x7FF] =	sst s3  }
0x6: {  	v0 =	vimm.s32 $0xFEDCBA98;
	s5 =	sshll.u32 s17, $0x7;
	s26 =	sshll.u32 s17, $0x12;
	s2 =	sshll.u32 s0, $0x4  }
0x7: {  	v1 =	vimm.s32 $0x76543210;
	_ =	strace $0x80000053;
	s7 =	sand.u32 $0x380, s5;
	s24 =	ssub.s32 $0x2, s0  }
0x8: {  	v3 =	vimm.s32 $0x32107654;
	v4 =	vimm.s32 $0xDCFE98BA;
	v0 =	vunpack.c.l.s4.s8 v0;
	p0 =	seq.s32 s0, $0x0;
	s0 =	simm.f32 $9.999999740e-06;
	s5 =	sor.u32 s5, s26  }
0x9: {  	v5 =	vimm.s32 $0x54761032;
	v6 =	vimm.s32 $0xEFCDAB89;
	v1 =	vunpack.c.l.s4.s8 v1;
	s26 =	simm.s32 $0x8400;
	s4 =	sor.u32 s17, s2;
	s2 =	sadd.s32 s2, s1  }
0xa: {  	v7 =	vimm.s32 $0x67452301;
	s25 =	sshrl.u32 s24, $0x1;
	v0 =	vunpack.c.0.s8.s32 v0;
	s0 =	simm.s32 @!p0 $0x1E3CE508;
	s5 =	sand.u32 $0x200380, s5  }
0xb: {  	vm0 =	vcmask $0x300;
	v3 =	vunpack.c.l.s4.s8 v3;
	v1 =	vunpack.c.0.s8.s32 v1;
	s6 =	sshrl.u32 s4, $0x3;
	s4 =	sadd.s32 $0x1A00, s1;
	s14 =	ssub.s32 s24, s25  }
0xc: {  	v4 =	vunpack.c.l.s4.s8 v4;
	v5 =	vunpack.c.l.s4.s8 v5;
	s10 =	sshrl.u32 s5, $0x3;
	s9 =	sadd.s32 $0x82C00, s2;
	s11 =	sor.u32 $0x20000, s5;
	v2 =	vand.u32 $0xF, v0  }
0xd: {  	v6 =	vunpack.c.l.s4.s8 v6;
	s24 =	simm.s32 $0x1;
	s25 =	simm.s32 $0x2000;
	s8 =	sshll.u32 s6, $0xE;
	v1 =	vcombine.low v2, v1;
	v2 =	vimm.s32 $0xBA98FEDC  }
0xe: {  	v7 =	vunpack.c.l.s4.s8 v7;
	v3 =	vunpack.c.0.s8.s32 v3;
	s6 =	sshll.u32 s6, $0xA;
	s10 =	sadd.s32 s4, s10;
	s14 =	smax.u32 s14, $0x1;
	v2 =	vunpack.c.l.s4.s8 v2  }
0xf: {  	v4 =	vunpack.c.0.s8.s32 v4;
	v5 =	vunpack.c.0.s8.s32 v5;
	v0 =	vmov s0;
	s0 =	simm.s32 $0x0;
	s8 =	sor.u32 s7, s8;
	s6 =	sor.u32 s7, s6  }
0x10: {  	v9 =	vunpack.c.0.s8.s32 v6;
	v7 =	vunpack.c.0.s8.s32 v7;
	s7 =	sadd.s32 $0x82E00, s2;
	s8 =	sshrl.u32 s8, $0x3;
	s6 =	sshrl.u32 s6, $0x3;
	v8 =	vunpack.c.0.s8.s32 v2  }
0x11: {  	v4 =	vcombine.low v5, v4;
	v5 =	vmov s17;
	s12 =	sadd.s32 s8, s1;
	s1 =	sadd.s32 s6, s1;
	s6 =	sadd.s32 $0x83600, s2;
	v2 =	vimm.f32 $0.0e+00  }
0x12: {  	v7 =	vcombine.low v7, v9;
	s8 =	sadd.s32 $0x82A00, s2;
	s12 =	sadd.s32 $0x83E00, s12;
	s13 =	sadd.s32 $0x81A00, s1;
	v6 =	vsel vm0, $0x3F800000, v2;
	v3 =	vcombine.low v3, v8  }
.LBB2_1:
0x13: {  	s1 =	simm.s32 $0x4000  }
0x14: {  	[tilespmem:s1], [sflag:$0x3] =	stream.strided.gather [hbm4b:s6+s15], $0x2000, s16, s15, $0x38;
	[tilespmem:$0x9100] =	vst v63  }
0x15: {  	_ =	swait.ge [sflag:s18], $0x2000  }
0x16: {  	[sflag:s18] =	ssyncset.done $0x0  }
0x17: {  	s19 =	simm.s32 $0x6000;
	[sflag:s18] =	ssyncadd.s32 $0xFFFFE000  }
0x18: {  	[tilespmem:s19], [sflag:$0x3] =	stream.strided.gather [hbm4b:s7+s15], $0x2000, s16, s15, $0x38;
	[tilespmem:$0x9100] =	vst v63  }
0x19: {  	_ =	swait.ge [sflag:s18], $0x2000  }
0x1a: {  	[sflag:s18] =	ssyncset.done $0x0  }
0x1b: {  	s20 =	simm.s32 $0x8000;
	[sflag:s18] =	ssyncadd.s32 $0xFFFFE000  }
0x1c: {  	[tilespmem:s20], [sflag:$0x3] =	stream.strided.gather [hbm4b:s8+s15], $0x200, s16, s15, $0x38;
	[tilespmem:$0x9100] =	vst v63  }
0x1d: {  	_ =	swait.ge [sflag:s18], $0x200  }
0x1e: {  	[sflag:s18] =	ssyncset.done $0x0  }
0x1f: {  	s21 =	simm.s32 $0x8200;
	[sflag:s18] =	ssyncadd.s32 $0xFFFFFE00  }
0x20: {  	[tilespmem:s21], [sflag:$0x3] =	stream.strided.gather [hbm4b:s9+s15], $0x200, s16, s15, $0x38;
	[tilespmem:$0x9100] =	vst v63  }
0x21: {  	_ =	swait.ge [sflag:s18], $0x200  }
0x22: {  	[sflag:s18] =	ssyncset.done $0x0  }
0x23: {  	[sflag:s18] =	ssyncadd.s32 $0xFFFFFE00  }
0x24: {  	s2 =	simm.s32 $0x9080;
	s22 =	rddreg [dreg:$0x1]  }
0x25: {  	[tilespmem:s2], [sflag:$0x3] =	stream.linear.gather [hbm4b:s22+s3], $0x80, $0x38;
	[tilespmem:$0x9100] =	vst v63  }
0x26: {  	_ =	swait.ge [sflag:s18], $0x80  }
0x27: {  	[sflag:s18] =	ssyncset.done $0x0  }
0x28: {  	[sflag:s18] =	ssyncadd.s32 $0xFFFFFF80  }
0x29: {  	v8 =	vld [tilespmem:$0x8000];
	_ =	sdelay $0x1  }
0x2a: {  	v9 =	vld [tilespmem:$0x8010];
	_ =	sdelay $0x1  }
0x2b: {  	v10 =	vld [tilespmem:$0x8020]  }
0x2c: {  	v8 =	vadd.f32 $0.0e+00, v8  }
0x2d: {  	v11 =	vld [tilespmem:$0x8030]  }
0x2e: {  	v8 =	vadd.f32 v9, v8  }
0x2f: {  	v9 =	vld [tilespmem:$0x8040]  }
0x30: {  	v8 =	vadd.f32 v10, v8  }
0x31: {  	v10 =	vld [tilespmem:$0x8050]  }
0x32: {  	v8 =	vadd.f32 v11, v8  }
0x33: {  	v11 =	vld [tilespmem:$0x8060]  }
0x34: {  	v8 =	vadd.f32 v9, v8  }
0x35: {  	v9 =	vld [tilespmem:$0x8070]  }
0x36: {  	v8 =	vadd.f32 v10, v8  }
0x37: {  	v10 =	vld [tilespmem:$0x8080]  }
0x38: {  	v8 =	vadd.f32 v11, v8  }
0x39: {  	v11 =	vld [tilespmem:$0x8090]  }
0x3a: {  	[tilespmem:$0x8600] =	vst v2;
	v8 =	vadd.f32 v9, v8  }
0x3b: {  	[tilespmem:$0x8410] =	vst v2;
	v9 =	vld [tilespmem:$0x80A0]  }
0x3c: {  	[tilespmem:$0x8610] =	vst v2;
	v8 =	vadd.f32 v10, v8  }
0x3d: {  	[tilespmem:$0x8420] =	vst v2;
	v10 =	vld [tilespmem:$0x80B0]  }
0x3e: {  	[tilespmem:$0x8620] =	vst v2;
	v8 =	vadd.f32 v11, v8  }
0x3f: {  	[tilespmem:$0x8430] =	vst v2;
	v11 =	vld [tilespmem:$0x80C0]  }
0x40: {  	[tilespmem:$0x8630] =	vst v2;
	v8 =	vadd.f32 v9, v8  }
0x41: {  	[tilespmem:$0x8440] =	vst v2;
	v9 =	vld [tilespmem:$0x80D0]  }
0x42: {  	[tilespmem:$0x8640] =	vst v2;
	v8 =	vadd.f32 v10, v8  }
0x43: {  	[tilespmem:$0x8450] =	vst v2;
	v10 =	vld [tilespmem:$0x80E0]  }
0x44: {  	[tilespmem:$0x8650] =	vst v2;
	v8 =	vadd.f32 v11, v8  }
0x45: {  	[tilespmem:$0x8460] =	vst v2;
	v11 =	vld [tilespmem:$0x80F0]  }
0x46: {  	[tilespmem:$0x8660] =	vst v2;
	v8 =	vadd.f32 v9, v8  }
0x47: {  	[tilespmem:$0x8470] =	vst v2;
	v9 =	vld [tilespmem:$0x8100]  }
0x48: {  	[tilespmem:$0x8670] =	vst v2;
	v8 =	vadd.f32 v10, v8  }
0x49: {  	[tilespmem:$0x8480] =	vst v2;
	v10 =	vld [tilespmem:$0x8110]  }
0x4a: {  	[tilespmem:$0x8680] =	vst v2;
	v8 =	vadd.f32 v11, v8  }
0x4b: {  	[tilespmem:$0x8490] =	vst v2;
	v11 =	vld [tilespmem:$0x8120]  }
0x4c: {  	[tilespmem:$0x8690] =	vst v2;
	v8 =	vadd.f32 v9, v8  }
0x4d: {  	[tilespmem:$0x84A0] =	vst v2;
	v9 =	vld [tilespmem:$0x8130]  }
0x4e: {  	[tilespmem:$0x86A0] =	vst v2;
	v8 =	vadd.f32 v10, v8  }
0x4f: {  	[tilespmem:$0x84B0] =	vst v2;
	v10 =	vld [tilespmem:$0x8140]  }
0x50: {  	[tilespmem:$0x86B0] =	vst v2;
	v8 =	vadd.f32 v11, v8  }
0x51: {  	[tilespmem:$0x84C0] =	vst v2;
	v11 =	vld [tilespmem:$0x8150]  }
0x52: {  	[tilespmem:$0x86C0] =	vst v2;
	v8 =	vadd.f32 v9, v8  }
0x53: {  	[tilespmem:$0x84D0] =	vst v2;
	v9 =	vld [tilespmem:$0x8160]  }
0x54: {  	[tilespmem:$0x86D0] =	vst v2;
	v8 =	vadd.f32 v10, v8  }
0x55: {  	[tilespmem:$0x84E0] =	vst v2;
	v10 =	vld [tilespmem:$0x8170]  }
0x56: {  	[tilespmem:$0x86E0] =	vst v2;
	v8 =	vadd.f32 v11, v8  }
0x57: {  	[tilespmem:$0x84F0] =	vst v2;
	v11 =	vld [tilespmem:$0x8180]  }
0x58: {  	[tilespmem:$0x86F0] =	vst v2;
	v8 =	vadd.f32 v9, v8  }
0x59: {  	[tilespmem:$0x8500] =	vst v2;
	v9 =	vld [tilespmem:$0x8190]  }
0x5a: {  	[tilespmem:$0x8700] =	vst v2;
	v8 =	vadd.f32 v10, v8  }
0x5b: {  	[tilespmem:$0x8510] =	vst v2;
	v10 =	vld [tilespmem:$0x81A0]  }
0x5c: {  	[tilespmem:$0x8710] =	vst v2;
	v8 =	vadd.f32 v11, v8  }
0x5d: {  	[tilespmem:$0x8520] =	vst v2;
	v11 =	vld [tilespmem:$0x81B0]  }
0x5e: {  	[tilespmem:$0x8720] =	vst v2;
	v8 =	vadd.f32 v9, v8  }
0x5f: {  	[tilespmem:$0x8530] =	vst v2;
	v9 =	vld [tilespmem:$0x81C0]  }
0x60: {  	[tilespmem:$0x8730] =	vst v2;
	v8 =	vadd.f32 v10, v8  }
0x61: {  	[tilespmem:$0x8540] =	vst v2;
	v10 =	vld [tilespmem:$0x81D0]  }
0x62: {  	[tilespmem:$0x8740] =	vst v2;
	v8 =	vadd.f32 v11, v8  }
0x63: {  	[tilespmem:$0x8550] =	vst v2;
	v11 =	vld [tilespmem:$0x81E0]  }
0x64: {  	[tilespmem:$0x8750] =	vst v2;
	v8 =	vadd.f32 v9, v8  }
0x65: {  	[tilespmem:$0x8560] =	vst v2;
	v9 =	vld [tilespmem:$0x81F0]  }
0x66: {  	[tilespmem:$0x8760] =	vst v2;
	v8 =	vadd.f32 v10, v8  }
0x67: {  	[tilespmem:$0x8570] =	vst v2  }
0x68: {  	[tilespmem:$0x8770] =	vst v2;
	v8 =	vadd.f32 v11, v8  }
0x69: {  	[tilespmem:$0x8580] =	vst v2  }
0x6a: {  	[tilespmem:$0x8780] =	vst v2;
	v8 =	vadd.f32 v9, v8  }
0x6b: {  	[tilespmem:$0x8590] =	vst v2  }
0x6c: {  	[tilespmem:$0x8790] =	vst v2;
	v9 =	vperm.xlane v8, v1  }
0x6d: {  	[tilespmem:$0x85A0] =	vst v2  }
0x6e: {  	[tilespmem:$0x87A0] =	vst v2;
	v8 =	vadd.f32 v9, v8  }
0x6f: {  	[tilespmem:$0x85B0] =	vst v2  }
0x70: {  	[tilespmem:$0x87B0] =	vst v2;
	v9 =	vperm.xlane v8, v3  }
0x71: {  	[tilespmem:$0x85C0] =	vst v2  }
0x72: {  	[tilespmem:$0x87C0] =	vst v2;
	v8 =	vadd.f32 v9, v8  }
0x73: {  	[tilespmem:$0x85D0] =	vst v2  }
0x74: {  	[tilespmem:$0x87D0] =	vst v2;
	v9 =	vperm.xlane v8, v4  }
0x75: {  	[tilespmem:$0x85E0] =	vst v2;
	v10 =	vld [tilespmem:$0x9080]  }
0x76: {  	[tilespmem:$0x87E0] =	vst v2;
	v8 =	vadd.f32 v9, v8  }
0x77: {  	[tilespmem:$0x85F0] =	vst v2  }
0x78: {  	[tilespmem:$0x87F0] =	vst v2;
	v9 =	vperm.xlane v8, v7  }
0x79: {  	s1 =	simm.s32 $0x0;
	[tilespmem:$0x8400] =	vst v6  }
0x7a: {  	[tilespmem:s3], [sflag:$0x1] =	stream.strided.gather [hbm4b:s10+s15], $0x2000, s23, s15, $0x38;
	v8 =	vadd.f32 v9, v8;
	v9 =	vperm.xlane v10, v5;
	[tilespmem:$0x9100] =	vst v63  }
.LBB2_2:
0x7b: {  	s2 =	sshllo.u32 s1, $0x1  }
0x7c: {  	s17 =	sshll.u32 s2, $0x10  }
0x7d: {  	_ =	swait.ge [sflag:s24], $0x2000;
	s17 =	sadd.s32 s5, s17  }
0x7e: {  	[sflag:s24] =	ssyncset.done $0x0;
	s17 =	sshrl.u32 s17, $0x3  }
0x7f: {  	[sflag:s24] =	ssyncadd.s32 $0xFFFFE000;
	s17 =	sadd.s32 s4, s17  }
0x80: {  	[tilespmem:s25], [sflag:$0x2] =	stream.strided.gather [hbm4b:s17+s15], $0x2000, s23, s15, $0x38;
	[tilespmem:$0x9100] =	vst v63  }
0x81: {  	s19 =	simm.s32 $0x0;
	s17 =	sshll.u32 s1, $0x7  }
.LBB2_3:
0x82: {  	s20 =	simm.s32 $0x4040  }
0x83: {  	v11 =	vld [tilespmem:s20+$0x30]  }
0x84: {  	v12 =	vld [tilespmem:s20+$0xFFFFFFD0]  }
0x85: {  	v13 =	vld [tilespmem:s20+$0xFFFFFFE0]  }
0x86: {  	v14 =	vld [tilespmem:s20+$0xFFFFFFF0]  }
0x87: {  	v16 =	vld [tilespmem:s20+$0x0]  }
0x88: {  	v18 =	vld [tilespmem:s20+$0xFFFFFFC0]  }
0x89: {  	s21 =	sshll.u32 s19, $0x7;
	v19 =	vld [tilespmem:s20+$0x10];
	v15 =	vand.u32 $0x1FF, v11  }
0x8a: {  	v10 =	vmov s21;
	v21 =	vld [tilespmem:s20+$0x20];
	s20 =	simm.s32 $0x6040;
	v17 =	vshrl.u32 v11, $0x12  }
0x8b: {  	v25 =	vld [tilespmem:s20+$0x30];
	v17 =	vadd.s32 v10, v17  }
0x8c: {  	v54 =	vld [tilespmem:s20+$0xFFFFFFD0]  }
0x8d: {  	v29 =	vld [tilespmem:s20+$0xFFFFFFE0]  }
0x8e: {  	v15 =	vld.idx.msk [tilespmem:v15+s26+$0x0], $0xffff  }
0x8f: {  	v31 =	vld [tilespmem:s20+$0xFFFFFFF0];
	v20 =	vand.u32 $0x1FF, v12  }
0x90: {  	v22 =	vand.u32 $0x1FF, v13;
	v17 =	vld.idx.msk [tilespmem:v17+s3+$0x0], $0xffff  }
0x91: {  	v33 =	vld [tilespmem:s20+$0x0];
	v23 =	vand.u32 $0x1FF, v14;
	v11 =	vshrl.u32 v11, $0x9  }
0x92: {  	v35 =	vld [tilespmem:s20+$0x10];
	v11 =	vand.u32 $0x1FF, v11  }
0x93: {  	v37 =	vld [tilespmem:s20+$0x20];
	v24 =	vand.u32 $0x1FF, v16;
	v15 =	vmul.f32 v25, v15  }
0x94: {  	v28 =	vand.u32 $0x1FF, v21;
	v20 =	vld.idx.msk [tilespmem:v20+s26+$0x0], $0xffff  }
0x95: {  	v26 =	vand.u32 $0x1FF, v18;
	v22 =	vld.idx.msk [tilespmem:v22+s26+$0x0], $0xffff;
	v15 =	vmul.f32 v15, v17  }
0x96: {  	v23 =	vld.idx.msk [tilespmem:v23+s26+$0x0], $0xffff  }
0x97: {  	v27 =	vand.u32 $0x1FF, v19;
	[tilespmem:v11+s28+$0x0] =	vst.idx.add.f32.msk $0xffff, v15;
	v15 =	vshrl.u32 v18, $0x12  }
0x98: {  	v55 =	vshrl.u32 v12, $0x12;
	v24 =	vld.idx.msk [tilespmem:v24+s26+$0x0], $0xffff;
	v15 =	vadd.s32 v10, v15  }
0x99: {  	v30 =	vshrl.u32 v13, $0x12;
	v17 =	vld.idx.msk [tilespmem:v28+s26+$0x0], $0xffff;
	v28 =	vadd.s32 v10, v55  }
0x9a: {  	v32 =	vshrl.u32 v14, $0x12;
	v30 =	vadd.s32 v10, v30;
	v52 =	vld.idx.msk [tilespmem:v26+s26+$0x0], $0xffff  }
0x9b: {  	v34 =	vshrl.u32 v16, $0x12;
	v32 =	vadd.s32 v10, v32;
	v11 =	vld [tilespmem:s20+$0xFFFFFFC0]  }
0x9c: {  	v36 =	vshrl.u32 v19, $0x12;
	v34 =	vadd.s32 v10, v34;
	v53 =	vld.idx.msk [tilespmem:v27+s26+$0x0], $0xffff  }
0x9d: {  	v38 =	vshrl.u32 v21, $0x12;
	v36 =	vadd.s32 v10, v36;
	v15 =	vld.idx.msk [tilespmem:v15+s3+$0x0], $0xffff  }
0x9e: {  	v38 =	vadd.s32 v10, v38;
	v18 =	vshrl.u32 v18, $0x9;
	v28 =	vld.idx.msk [tilespmem:v28+s3+$0x0], $0xffff  }
0x9f: {  	v12 =	vshrl.u32 v12, $0x9;
	v13 =	vshrl.u32 v13, $0x9;
	v30 =	vld.idx.msk [tilespmem:v30+s3+$0x0], $0xffff;
	v18 =	vand.u32 $0x1FF, v18  }
0xa0: {  	v14 =	vshrl.u32 v14, $0x9;
	v12 =	vand.u32 $0x1FF, v12;
	v56 =	vld.idx.msk [tilespmem:v32+s3+$0x0], $0xffff;
	v11 =	vmul.f32 v11, v52  }
0xa1: {  	v57 =	vand.u32 $0x1FF, v13;
	v58 =	vld.idx.msk [tilespmem:v34+s3+$0x0], $0xffff;
	v20 =	vmul.f32 v54, v20;
	v13 =	vmul.f32 v29, v22  }
0xa2: {  	v59 =	vand.u32 $0x1FF, v14;
	v60 =	vld.idx.msk [tilespmem:v36+s3+$0x0], $0xffff;
	v61 =	vmul.f32 v33, v24;
	v11 =	vmul.f32 v11, v15  }
0xa3: {  	v14 =	vld.idx.msk [tilespmem:v38+s3+$0x0], $0xffff;
	v20 =	vmul.f32 v20, v28;
	v15 =	vshrl.u32 v16, $0x9;
	v16 =	vmul.f32 v31, v23  }
0xa4: {  	v62 =	vmul.f32 v35, v53;
	[tilespmem:v18+s28+$0x0] =	vst.idx.add.f32.msk $0xffff, v11;
	v11 =	vmul.f32 v13, v30  }
0xa5: {  	v19 =	vshrl.u32 v19, $0x9;
	v17 =	vmul.f32 v37, v17;
	[tilespmem:v12+s28+$0x0] =	vst.idx.add.f32.msk $0xffff, v20;
	v63 =	vmul.f32 v16, v56  }
0xa6: {  	v12 =	vand.u32 $0x1FF, v19;
	v18 =	vshrl.u32 v21, $0x9;
	v13 =	vand.u32 $0x1FF, v15;
	[tilespmem:v57+s28+$0x0] =	vst.idx.add.f32.msk $0xffff, v11  }
0xa7: {  	s22 =	simm.s32 $0x40C0;
	s21 =	simm.s32 $0x0;
	v16 =	vmul.f32 v61, v58;
	v15 =	vmul.f32 v62, v60;
	v11 =	vand.u32 $0x1FF, v18;
	[tilespmem:v59+s28+$0x0] =	vst.idx.add.f32.msk $0xffff, v63  }
.LBB2_4:
0xa8: {  	v18 =	vld [tilespmem:s22+$0x30];
	s21 =	sadd.s32 $0x80, s21;
	v19 =	vmul.f32 v17, v14  }
0xa9: {  	v14 =	vld [tilespmem:s22+$0xFFFFFFD0];
	p0 =	slt.u32 s21, $0x1F80  }
0xaa: {  	v17 =	vld [tilespmem:s22+$0xFFFFFFE0]  }
0xab: {  	v20 =	vld [tilespmem:s22+$0xFFFFFFF0]  }
0xac: {  	v21 =	vld [tilespmem:s22+$0x0]  }
0xad: {  	v22 =	vld [tilespmem:s22+$0x10];
	v23 =	vand.u32 $0x1FF, v18  }
0xae: {  	v27 =	vshrl.u32 v18, $0x12;
	v24 =	vshrl.u32 v14, $0x12;
	v25 =	vand.u32 $0x1FF, v14;
	v26 =	vld [tilespmem:s22+$0x20]  }
0xaf: {  	v27 =	vadd.s32 v10, v27;
	v28 =	vld [tilespmem:s22+$0xFFFFFFC0];
	v29 =	vshrl.u32 v17, $0x12;
	v30 =	vand.u32 $0x1FF, v17  }
0xb0: {  	v24 =	vadd.s32 v10, v24;
	v31 =	vshrl.u32 v20, $0x12;
	v32 =	vand.u32 $0x1FF, v20;
	[tilespmem:v13+s28+$0x0] =	vst.idx.add.f32.msk $0xffff, v16  }
0xb1: {  	v16 =	vadd.s32 v10, v29;
	v13 =	vshrl.u32 v21, $0x12;
	v29 =	vand.u32 $0x1FF, v21;
	[tilespmem:v12+s28+$0x0] =	vst.idx.add.f32.msk $0xffff, v15  }
0xb2: {  	s20 =	sadd.s32 $0x80, s20;
	v15 =	vadd.s32 v10, v31;
	v12 =	vshrl.u32 v22, $0x12;
	v31 =	vand.u32 $0x1FF, v22;
	v23 =	vld.idx.msk [tilespmem:v23+s26+$0x0], $0xffff  }
0xb3: {  	v33 =	vadd.s32 v10, v13;
	v13 =	vshrl.u32 v26, $0x12;
	v34 =	vand.u32 $0x1FF, v26;
	v35 =	vld [tilespmem:s20+$0x30]  }
0xb4: {  	v38 =	vadd.s32 v10, v12;
	v36 =	vshrl.u32 v28, $0x12;
	v37 =	vand.u32 $0x1FF, v28;
	v12 =	vld.idx.msk [tilespmem:v27+s3+$0x0], $0xffff  }
0xb5: {  	v27 =	vshrl.u32 v28, $0x9;
	v28 =	vadd.s32 v10, v36;
	v25 =	vld.idx.msk [tilespmem:v25+s26+$0x0], $0xffff;
	v36 =	vadd.s32 v10, v13  }
0xb6: {  	v18 =	vshrl.u32 v18, $0x9;
	v13 =	vshrl.u32 v14, $0x9;
	v14 =	vshrl.u32 v17, $0x9;
	v17 =	vld.idx.msk [tilespmem:v30+s26+$0x0], $0xffff  }
0xb7: {  	v18 =	vand.u32 $0x1FF, v18;
	v20 =	vshrl.u32 v20, $0x9;
	v21 =	vshrl.u32 v21, $0x9;
	v30 =	vld.idx.msk [tilespmem:v32+s26+$0x0], $0xffff  }
0xb8: {  	v22 =	vshrl.u32 v22, $0x9;
	v26 =	vshrl.u32 v26, $0x9;
	v29 =	vld.idx.msk [tilespmem:v29+s26+$0x0], $0xffff;
	v23 =	vmul.f32 v35, v23  }
0xb9: {  	v27 =	vand.u32 $0x1FF, v27;
	v35 =	vand.u32 $0x1FF, v13;
	v32 =	vld.idx.msk [tilespmem:v37+s26+$0x0], $0xffff;
	v37 =	vand.u32 $0x1FF, v14  }
0xba: {  	v20 =	vand.u32 $0x1FF, v20;
	v13 =	vand.u32 $0x1FF, v21;
	v14 =	vld.idx.msk [tilespmem:v31+s26+$0x0], $0xffff;
	v21 =	vmul.f32 v23, v12  }
0xbb: {  	v12 =	vand.u32 $0x1FF, v22;
	v23 =	vand.u32 $0x1FF, v26;
	v22 =	vld.idx.msk [tilespmem:v34+s26+$0x0], $0xffff  }
0xbc: {  	[tilespmem:v18+s28+$0x0] =	vst.idx.add.f32.msk $0xffff, v21  }
0xbd: {  	v18 =	vld [tilespmem:s20+$0xFFFFFFC0]  }
0xbe: {  	v21 =	vld [tilespmem:s20+$0xFFFFFFD0]  }
0xbf: {  	v26 =	vld [tilespmem:s20+$0xFFFFFFE0]  }
0xc0: {  	v31 =	vld [tilespmem:s20+$0xFFFFFFF0]  }
0xc1: {  	v34 =	vld [tilespmem:s20+$0x0]  }
0xc2: {  	v18 =	vmul.f32 v18, v32;
	v32 =	vld [tilespmem:s20+$0x10]  }
0xc3: {  	v21 =	vmul.f32 v21, v25;
	v25 =	vld [tilespmem:s20+$0x20]  }
0xc4: {  	v28 =	vld.idx.msk [tilespmem:v28+s3+$0x0], $0xffff;
	v26 =	vmul.f32 v26, v17  }
0xc5: {  	v24 =	vld.idx.msk [tilespmem:v24+s3+$0x0], $0xffff;
	v30 =	vmul.f32 v31, v30  }
0xc6: {  	v16 =	vld.idx.msk [tilespmem:v16+s3+$0x0], $0xffff;
	v29 =	vmul.f32 v34, v29  }
0xc7: {  	v15 =	vld.idx.msk [tilespmem:v15+s3+$0x0], $0xffff;
	v31 =	vmul.f32 v32, v14  }
0xc8: {  	v32 =	vld.idx.msk [tilespmem:v33+s3+$0x0], $0xffff;
	v17 =	vmul.f32 v25, v22  }
0xc9: {  	v22 =	vld.idx.msk [tilespmem:v38+s3+$0x0], $0xffff  }
0xca: {  	v18 =	vmul.f32 v18, v28;
	v14 =	vld.idx.msk [tilespmem:v36+s3+$0x0], $0xffff  }
.Ltmp0:
0xcb: {  	v21 =	vmul.f32 v21, v24;
	[tilespmem:v11+s28+$0x0] =	vst.idx.add.f32.msk $0xffff, v19;
	v11 =	vmov v23;
	(pc) =	sbr.rel @p0 .LBB2_4-.Ltmp0, $4  }
0xcc: {  	v16 =	vmul.f32 v26, v16;
	[tilespmem:v27+s28+$0x0] =	vst.idx.add.f32.msk $0xffff, v18  }
0xcd: {  	v15 =	vmul.f32 v30, v15;
	[tilespmem:v35+s28+$0x0] =	vst.idx.add.f32.msk $0xffff, v21  }
0xce: {  	[tilespmem:v37+s28+$0x0] =	vst.idx.add.f32.msk $0xffff, v16;
	v16 =	vmul.f32 v29, v32  }
0xcf: {  	s22 =	sadd.s32 $0x80, s22;
	[tilespmem:v20+s28+$0x0] =	vst.idx.add.f32.msk $0xffff, v15;
	v15 =	vmul.f32 v31, v22  }
0xd0: {  	_ =	sdelay $0x3  }
0xd1: {  	v10 =	vmul.f32 v17, v14;
	[tilespmem:v13+s28+$0x0] =	vst.idx.add.f32.msk $0xffff, v16  }
0xd2: {  	[tilespmem:v12+s28+$0x0] =	vst.idx.add.f32.msk $0xffff, v15  }
0xd3: {  	[tilespmem:v11+s28+$0x0] =	vst.idx.add.f32.msk $0xffff, v10  }
0xd4: {  	v10 =	vld [tilespmem:$0x8600]  }
0xd5: {  	v11 =	vld [tilespmem:$0x8610]  }
0xd6: {  	v12 =	vld [tilespmem:$0x8620]  }
0xd7: {  	v13 =	vld [tilespmem:$0x8630]  }
0xd8: {  	v40 =	vld [tilespmem:$0x8640]  }
0xd9: {  	v15 =	vld [tilespmem:$0x8650]  }
0xda: {  	v16 =	vld [tilespmem:$0x8660]  }
0xdb: {  	v41 =	vld [tilespmem:$0x8670]  }
0xdc: {  	v18 =	vld [tilespmem:$0x8680]  }
0xdd: {  	v19 =	vld [tilespmem:$0x8690]  }
0xde: {  	v20 =	vld [tilespmem:$0x86A0]  }
0xdf: {  	v21 =	vld [tilespmem:$0x86B0]  }
0xe0: {  	v22 =	vld [tilespmem:$0x86C0]  }
0xe1: {  	v23 =	vld [tilespmem:$0x86D0]  }
0xe2: {  	v24 =	vld [tilespmem:$0x86E0]  }
0xe3: {  	v25 =	vld [tilespmem:$0x86F0]  }
0xe4: {  	v26 =	vld [tilespmem:$0x8700]  }
0xe5: {  	v27 =	vld [tilespmem:$0x8710]  }
0xe6: {  	v28 =	vld [tilespmem:$0x8720]  }
0xe7: {  	v29 =	vld [tilespmem:$0x8730]  }
0xe8: {  	v30 =	vld [tilespmem:$0x8740]  }
0xe9: {  	v31 =	vld [tilespmem:$0x8750];
	v10 =	vadd.f32 $0.0e+00, v10;
	v11 =	vadd.f32 $0.0e+00, v11  }
0xea: {  	v32 =	vld [tilespmem:$0x8760];
	v12 =	vadd.f32 $0.0e+00, v12;
	v13 =	vadd.f32 $0.0e+00, v13  }
0xeb: {  	v42 =	vld [tilespmem:$0x8770];
	v10 =	vadd.f32 v40, v10;
	v11 =	vadd.f32 v15, v11  }
0xec: {  	v43 =	vld [tilespmem:$0x8780];
	v12 =	vadd.f32 v16, v12;
	v13 =	vadd.f32 v41, v13  }
0xed: {  	v44 =	vld [tilespmem:$0x8790];
	v10 =	vadd.f32 v18, v10;
	v11 =	vadd.f32 v19, v11  }
0xee: {  	v45 =	vld [tilespmem:$0x87A0];
	v12 =	vadd.f32 v20, v12;
	v13 =	vadd.f32 v21, v13  }
0xef: {  	v46 =	vld [tilespmem:$0x87B0];
	v10 =	vadd.f32 v22, v10;
	v11 =	vadd.f32 v23, v11  }
0xf0: {  	v47 =	vld [tilespmem:$0x87C0];
	v12 =	vadd.f32 v24, v12;
	v13 =	vadd.f32 v25, v13  }
0xf1: {  	v48 =	vld [tilespmem:$0x87D0];
	v10 =	vadd.f32 v26, v10;
	v11 =	vadd.f32 v27, v11  }
0xf2: {  	v49 =	vld [tilespmem:$0x87E0];
	v12 =	vadd.f32 v28, v12;
	v13 =	vadd.f32 v29, v13  }
0xf3: {  	v50 =	vld [tilespmem:$0x87F0];
	v10 =	vadd.f32 v30, v10;
	v11 =	vadd.f32 v31, v11  }
0xf4: {  	v12 =	vadd.f32 v32, v12;
	v13 =	vadd.f32 v42, v13  }
0xf5: {  	v10 =	vadd.f32 v43, v10;
	v11 =	vadd.f32 v44, v11  }
0xf6: {  	v12 =	vadd.f32 v45, v12;
	v13 =	vadd.f32 v46, v13  }
0xf7: {  	v10 =	vadd.f32 v47, v10;
	v11 =	vadd.f32 v48, v11  }
0xf8: {  	v12 =	vadd.f32 v49, v12;
	v13 =	vadd.f32 v50, v13;
	_ =	sdelay $0x1  }
0xf9: {  	v10 =	vadd.f32 v11, v10;
	v11 =	vadd.f32 v13, v12;
	_ =	sdelay $0x1  }
0xfa: {  	v10 =	vadd.f32 v11, v10;
	_ =	sdelay $0x1  }
0xfb: {  	v11 =	vperm.xlane v10, v1;
	_ =	sdelay $0x1  }
0xfc: {  	v10 =	vadd.f32 v10, v11;
	_ =	sdelay $0x1  }
0xfd: {  	v11 =	vperm.xlane v10, v3;
	_ =	sdelay $0x1  }
0xfe: {  	v10 =	vadd.f32 v10, v11;
	_ =	sdelay $0x1  }
0xff: {  	v11 =	vperm.xlane v10, v4;
	_ =	sdelay $0x1  }
0x100: {  	v10 =	vadd.f32 v10, v11;
	_ =	sdelay $0x1  }
0x101: {  	v11 =	vperm.xlane v10, v7;
	_ =	sdelay $0x1  }
0x102: {  	v11 =	vadd.f32 v10, v11;
	_ =	sdelay $0x1  }
0x103: {  	v10 =	vmul.f32 v11, v0;
	_ =	sdelay $0x1  }
0x104: {  	v51 =	vmul.f32 v10, v8  }
0x105: {  	s20 =	sadd.s32 s17, s19  }
0x106: {  	v52 =	vmov s20;
	v11 =	vadd.f32 v51, v11;
	_ =	sdelay $0x1  }
0x107: {  	v11 =	vadd.f32 $1.000000000e-30, v11  }
0x108: {  	vm0 =	vlt.s32 v52, v9  }
0x109: {  	v53 =	vnsel vm0, $0x3F800000, v11  }
0x10a: {  	[tilespmem:v52+s29+$0x0] =	vst.idx.msk $0x1, v53  }
0x10b: {  	v12 =	vld [tilespmem:$0x8600]  }
0x10c: {  	v13 =	vld [tilespmem:$0x8000]  }
0x10d: {  	v14 =	vld [tilespmem:$0x8400]  }
0x10e: {  	v54 =	vld [tilespmem:$0x8610]  }
0x10f: {  	v55 =	vld [tilespmem:$0x8010]  }
0x110: {  	v56 =	vld [tilespmem:$0x8410]  }
0x111: {  	v57 =	vld [tilespmem:$0x8620]  }
0x112: {  	v58 =	vld [tilespmem:$0x8020]  }
0x113: {  	v20 =	vld [tilespmem:$0x8420]  }
0x114: {  	v59 =	vld [tilespmem:$0x8630]  }
0x115: {  	v60 =	vld [tilespmem:$0x8030]  }
0x116: {  	v23 =	vld [tilespmem:$0x8430]  }
0x117: {  	v61 =	vld [tilespmem:$0x8640]  }
0x118: {  	v62 =	vld [tilespmem:$0x8040]  }
0x119: {  	v26 =	vld [tilespmem:$0x8440]  }
0x11a: {  	v63 =	vld [tilespmem:$0x8650]  }
0x11b: {  	v48 =	vld [tilespmem:$0x8050]  }
0x11c: {  	v49 =	vld [tilespmem:$0x8450]  }
0x11d: {  	v50 =	vld [tilespmem:$0x8660]  }
0x11e: {  	v51 =	vld [tilespmem:$0x8060]  }
0x11f: {  	v52 =	vld [tilespmem:$0x8460]  }
0x120: {  	v33 =	vld [tilespmem:$0x8670]  }
0x121: {  	v34 =	vld [tilespmem:$0x8070]  }
0x122: {  	v35 =	vld [tilespmem:$0x8470]  }
0x123: {  	v36 =	vld [tilespmem:$0x8680]  }
0x124: {  	v37 =	vld [tilespmem:$0x8080]  }
0x125: {  	v38 =	vld [tilespmem:$0x8480]  }
0x126: {  	v39 =	vld [tilespmem:$0x8690]  }
0x127: {  	v40 =	vld [tilespmem:$0x8090]  }
0x128: {  	v41 =	vld [tilespmem:$0x8490]  }
0x129: {  	v42 =	vld [tilespmem:$0x80A0]  }
0x12a: {  	v43 =	vld [tilespmem:$0x84A0]  }
0x12b: {  	v22 =	vld [tilespmem:$0x80B0]  }
0x12c: {  	v44 =	vld [tilespmem:$0x84B0]  }
0x12d: {  	(erf) = vrcp.f32 v11;
	v28 =	vld [tilespmem:$0x86D0]  }
0x12e: {  	v45 =	vld [tilespmem:$0x86E0]  }
0x12f: {  	v30 =	vld [tilespmem:$0x8100]  }
0x130: {  	v27 =	vld [tilespmem:$0x8170]  }
0x131: {  	[tilespmem:$0x8600] =	vst v2;
	v11 =	vmul.f32 v10, v13;
	v13 =	vld [tilespmem:$0x86A0];
	v16 =	vmul.f32 v55, v10  }
0x132: {  	[tilespmem:$0x8610] =	vst v2;
	v19 =	vmul.f32 v58, v10;
	v53 =	vmul.f32 v60, v10;
	v58 =	vld [tilespmem:$0x80C0]  }
0x133: {  	[tilespmem:$0x8620] =	vst v2;
	v25 =	vmul.f32 v62, v10;
	v60 =	vmul.f32 v34, v10;
	v62 =	vld [tilespmem:$0x80D0];
	v12 =	vadd.f32 v11, v12  }
0x134: {  	[tilespmem:$0x8630] =	vst v2;
	v40 =	vmul.f32 v40, v10;
	v15 =	vadd.f32 v16, v54;
	v16 =	vld [tilespmem:$0x86B0];
	v18 =	vadd.f32 v19, v57  }
0x135: {  	[tilespmem:$0x8640] =	vst v2;
	v55 =	vadd.f32 v53, v59;
	v19 =	vld [tilespmem:$0x86C0];
	v57 =	vmul.f32 v48, v10;
	v59 =	vmul.f32 v51, v10  }
0x136: {  	[tilespmem:$0x8650] =	vst v2;
	v33 =	vadd.f32 v60, v33;
	v48 =	vmul.f32 v42, v10;
	v51 =	vadd.f32 v40, v39;
	v40 =	vld [tilespmem:$0x8110];
	v11 =	vpop (erf)  }
0x137: {  	[tilespmem:$0x8660] =	vst v2;
	v54 =	vmul.f32 v18, v11;
	v18 =	vmul.f32 v55, v11;
	v55 =	vld [tilespmem:$0x80F0]  }
0x138: {  	[tilespmem:$0x8670] =	vst v2;
	v15 =	vmul.f32 v15, v11;
	v47 =	vmul.f32 v33, v11;
	v33 =	vld [tilespmem:$0x8700]  }
0x139: {  	[tilespmem:$0x8680] =	vst v2;
	v21 =	vadd.f32 v57, v63;
	v12 =	vmul.f32 v11, v12;
	v57 =	vmul.f32 v51, v11;
	v51 =	vld [tilespmem:$0x8720]  }
0x13a: {  	[tilespmem:$0x8690] =	vst v2;
	v58 =	vmul.f32 v58, v10;
	v15 =	vsel vm0, v15, v56;
	v56 =	vadd.f32 v25, v61;
	v25 =	vld [tilespmem:$0x84C0]  }
0x13b: {  	[tilespmem:$0x86D0] =	vst v2;
	v12 =	vsel vm0, v12, v14;
	v14 =	vsel vm0, v54, v20;
	v20 =	vadd.f32 v59, v50;
	v59 =	vld [tilespmem:$0x86F0]  }
0x13c: {  	[tilespmem:$0x86E0] =	vst v2;
	v31 =	vmul.f32 v21, v11;
	v24 =	vadd.f32 v58, v19;
	v58 =	vld [tilespmem:$0x8740]  }
0x13d: {  	[tilespmem:$0x86A0] =	vst v2;
	v13 =	vadd.f32 v48, v13;
	v18 =	vsel vm0, v18, v23;
	v23 =	vld [tilespmem:$0x8160]  }
0x13e: {  	[tilespmem:$0x86B0] =	vst v2;
	v61 =	vmul.f32 v37, v10;
	v53 =	vsel vm0, v47, v35;
	v46 =	vsel vm0, v31, v49;
	v49 =	vld [tilespmem:$0x80E0]  }
0x13f: {  	v13 =	vmul.f32 v13, v11;
	[tilespmem:$0x8470] =	vst v53;
	v53 =	vld [tilespmem:$0x8130]  }
0x140: {  	[tilespmem:$0x86C0] =	vst v2;
	v37 =	vadd.f32 v61, v36;
	v61 =	vmul.f32 v62, v10;
	v62 =	vld [tilespmem:$0x84F0]  }
0x141: {  	[tilespmem:$0x8700] =	vst v2;
	v54 =	vmul.f32 v22, v10;
	v13 =	vsel vm0, v13, v43;
	v43 =	vld [tilespmem:$0x8710]  }
0x142: {  	[tilespmem:$0x8450] =	vst v46;
	v46 =	vld [tilespmem:$0x8510]  }
0x143: {  	[tilespmem:$0x8720] =	vst v2;
	v17 =	vmul.f32 v56, v11;
	v60 =	vadd.f32 v54, v16;
	v54 =	vld [tilespmem:$0x8730]  }
0x144: {  	[tilespmem:$0x86F0] =	vst v2;
	v34 =	vmul.f32 v20, v11;
	v36 =	vmul.f32 v55, v10;
	v55 =	vld [tilespmem:$0x8530]  }
0x145: {  	[tilespmem:$0x8740] =	vst v2;
	v63 =	vsel vm0, v17, v26;
	v26 =	vld [tilespmem:$0x84D0]  }
0x146: {  	[tilespmem:$0x8410] =	vst v15;
	v15 =	vsel vm0, v34, v52;
	v52 =	vld [tilespmem:$0x84E0]  }
0x147: {  	[tilespmem:$0x8400] =	vst v12;
	v50 =	vmul.f32 v37, v11;
	v37 =	vld [tilespmem:$0x8500]  }
0x148: {  	[tilespmem:$0x8420] =	vst v14;
	v32 =	vadd.f32 v61, v28;
	v61 =	vld [tilespmem:$0x8150]  }
0x149: {  	[tilespmem:$0x8430] =	vst v18;
	v34 =	vmul.f32 v24, v11;
	v24 =	vld [tilespmem:$0x8760]  }
0x14a: {  	[tilespmem:$0x8710] =	vst v2;
	v28 =	vld [tilespmem:$0x8770]  }
0x14b: {  	[tilespmem:$0x8440] =	vst v63;
	v63 =	vsel vm0, v57, v41;
	v57 =	vld [tilespmem:$0x8140]  }
0x14c: {  	[tilespmem:$0x8730] =	vst v2;
	v42 =	vadd.f32 v36, v59;
	v59 =	vld [tilespmem:$0x8540]  }
0x14d: {  	[tilespmem:$0x84A0] =	vst v13;
	v36 =	vld [tilespmem:$0x8790]  }
0x14e: {  	[tilespmem:$0x8460] =	vst v15;
	v15 =	vmul.f32 v40, v10;
	v40 =	vld [tilespmem:$0x87A0]  }
0x14f: {  	[tilespmem:$0x8760] =	vst v2;
	v29 =	vmul.f32 v49, v10;
	v49 =	vld [tilespmem:$0x8120]  }
0x150: {  	v31 =	vmul.f32 v60, v11;
	[tilespmem:$0x8490] =	vst v63;
	v63 =	vld [tilespmem:$0x8550]  }
0x151: {  	[tilespmem:$0x8770] =	vst v2;
	v12 =	vsel vm0, v34, v25;
	v25 =	vld [tilespmem:$0x8560]  }
0x152: {  	[tilespmem:$0x8790] =	vst v2;
	v56 =	vsel vm0, v50, v38;
	v38 =	vsel vm0, v31, v44;
	v31 =	vld [tilespmem:$0x8180]  }
0x153: {  	[tilespmem:$0x87A0] =	vst v2;
	v39 =	vmul.f32 v32, v11;
	v32 =	vld [tilespmem:$0x8780];
	v48 =	vmul.f32 v42, v11;
	v15 =	vadd.f32 v15, v43  }
0x154: {  	[tilespmem:$0x8780] =	vst v2;
	v43 =	vld [tilespmem:$0x81B0];
	v35 =	vadd.f32 v29, v45  }
0x155: {  	[tilespmem:$0x8480] =	vst v56;
	v45 =	vmul.f32 v30, v10;
	v29 =	vld [tilespmem:$0x8570];
	v13 =	vsel vm0, v48, v62;
	v56 =	vmul.f32 v15, v11  }
0x156: {  	v62 =	vld [tilespmem:$0x8750];
	[tilespmem:$0x84F0] =	vst v13;
	v13 =	vmul.f32 v53, v10;
	v15 =	vmul.f32 v57, v10  }
0x157: {  	[tilespmem:$0x84B0] =	vst v38;
	v44 =	vsel vm0, v39, v26;
	v39 =	vld [tilespmem:$0x81A0];
	v50 =	vadd.f32 v45, v33  }
0x158: {  	[tilespmem:$0x84C0] =	vst v12;
	v48 =	vld [tilespmem:$0x87C0];
	v18 =	vmul.f32 v49, v10;
	v13 =	vadd.f32 v13, v54;
	v15 =	vadd.f32 v15, v58  }
0x159: {  	[tilespmem:$0x8750] =	vst v2;
	v41 =	vmul.f32 v35, v11;
	v33 =	vld [tilespmem:$0x8580];
	v12 =	vmul.f32 v50, v11  }
0x15a: {  	[tilespmem:$0x87C0] =	vst v2;
	v35 =	vld [tilespmem:$0x8190];
	v14 =	vadd.f32 v18, v51;
	v22 =	vmul.f32 v13, v11;
	v26 =	vmul.f32 v15, v11  }
0x15b: {  	[tilespmem:$0x84D0] =	vst v44;
	v47 =	vsel vm0, v41, v52;
	v52 =	vld [tilespmem:$0x8520];
	v13 =	vmul.f32 v23, v10;
	v15 =	vmul.f32 v27, v10  }
0x15c: {  	v44 =	vld [tilespmem:$0x87B0];
	[tilespmem:$0x87B0] =	vst v2;
	v12 =	vsel vm0, v12, v37;
	v60 =	vmul.f32 v14, v11  }
0x15d: {  	v53 =	vld [tilespmem:$0x81E0];
	[tilespmem:$0x84E0] =	vst v47;
	v14 =	vmul.f32 v61, v10;
	v13 =	vadd.f32 v13, v24;
	v15 =	vadd.f32 v15, v28  }
0x15e: {  	v47 =	vld [tilespmem:$0x81C0];
	[tilespmem:$0x8500] =	vst v12;
	v12 =	vsel vm0, v56, v46  }
0x15f: {  	v51 =	vld [tilespmem:$0x81D0];
	[tilespmem:$0x8510] =	vst v12;
	v14 =	vadd.f32 v14, v62;
	v34 =	vmul.f32 v13, v11;
	v38 =	vmul.f32 v15, v11  }
0x160: {  	v12 =	vsel vm0, v60, v52;
	v52 =	vld [tilespmem:$0x87D0];
	[tilespmem:$0x87D0] =	vst v2;
	v13 =	vmul.f32 v35, v10;
	v15 =	vmul.f32 v39, v10  }
0x161: {  	v56 =	vld [tilespmem:$0x81F0];
	[tilespmem:$0x8520] =	vst v12;
	v12 =	vsel vm0, v22, v55;
	v30 =	vmul.f32 v14, v11  }
0x162: {  	v55 =	vld [tilespmem:$0x87E0];
	[tilespmem:$0x87E0] =	vst v2;
	v14 =	vmul.f32 v31, v10;
	v13 =	vadd.f32 v13, v36;
	v15 =	vadd.f32 v15, v40  }
0x163: {  	v37 =	vld [tilespmem:$0x8590];
	v60 =	vmul.f32 v53, v10;
	[tilespmem:$0x8530] =	vst v12;
	v12 =	vsel vm0, v26, v59  }
0x164: {  	v59 =	vld [tilespmem:$0x87F0];
	[tilespmem:$0x87F0] =	vst v2;
	v14 =	vadd.f32 v14, v32;
	v46 =	vmul.f32 v13, v11;
	v50 =	vmul.f32 v15, v11  }
0x165: {  	v41 =	vld [tilespmem:$0x85A0];
	[tilespmem:$0x8540] =	vst v12;
	v12 =	vsel vm0, v30, v63;
	v13 =	vmul.f32 v47, v10;
	v15 =	vmul.f32 v51, v10  }
0x166: {  	v57 =	vld [tilespmem:$0x85D0];
	[tilespmem:$0x8550] =	vst v12;
	v12 =	vsel vm0, v34, v25;
	v42 =	vmul.f32 v14, v11;
	v14 =	vmul.f32 v43, v10  }
0x167: {  	v45 =	vld [tilespmem:$0x85B0];
	[tilespmem:$0x8560] =	vst v12;
	v12 =	vsel vm0, v38, v29;
	v10 =	vmul.f32 v56, v10;
	v15 =	vadd.f32 v15, v52  }
0x168: {  	v62 =	vld [tilespmem:$0x85F0];
	[tilespmem:$0x8570] =	vst v12;
	v12 =	vsel vm0, v42, v33;
	v14 =	vadd.f32 v14, v44  }
0x169: {  	v49 =	vld [tilespmem:$0x85C0];
	v10 =	vadd.f32 v10, v59;
	[tilespmem:$0x8580] =	vst v12;
	v12 =	vsel vm0, v46, v37;
	v15 =	vmul.f32 v15, v11  }
0x16a: {  	s19 =	sadd.s32 $0x1, s19;
	v61 =	vld [tilespmem:$0x85E0];
	v13 =	vadd.f32 v13, v48;
	[tilespmem:$0x8590] =	vst v12;
	v12 =	vsel vm0, v50, v41;
	v54 =	vmul.f32 v14, v11  }
0x16b: {  	p0 =	sne.s32 s19, $0x40;
	v14 =	vadd.f32 v60, v55;
	v10 =	vmul.f32 v10, v11;
	[tilespmem:$0x85A0] =	vst v12;
	v15 =	vsel vm0, v15, v57  }
.Ltmp1:
0x16c: {  	v58 =	vmul.f32 v13, v11;
	v12 =	vsel vm0, v54, v45;
	[tilespmem:$0x85D0] =	vst v15;
	(pc) =	sbr.rel @p0 .LBB2_3-.Ltmp1, $4  }
0x16d: {  	v63 =	vmul.f32 v14, v11;
	v10 =	vsel vm0, v10, v62;
	[tilespmem:$0x85B0] =	vst v12  }
0x16e: {  	v12 =	vsel vm0, v58, v49;
	[tilespmem:$0x85F0] =	vst v10  }
0x16f: {  	[tilespmem:$0x85C0] =	vst v12;
	v13 =	vsel vm0, v63, v61  }
0x170: {  	[tilespmem:$0x85E0] =	vst v13  }
0x171: {  	p0 =	seq.s32 s1, $0xF  }
0x172: {  	s17 =	sshll.u32 @!p0 s1, $0x11  }
0x173: {  	s17 =	sadd.s32 @!p0 s17, s11  }
0x174: {  	s19 =	simm.s32 @!p0 $0x80;
	s17 =	sshrl.u32 @!p0 s17, $0x3  }
0x175: {  	s20 =	simm.s32 @!p0 $0x400;
	s21 =	simm.s32 @!p0 $0x0;
	s17 =	sadd.s32 @!p0 s4, s17  }
0x176: {  	[tilespmem:s21], [sflag:$0x1] =	stream.strided.gather @!p0 [hbm4b:s17+s19], $0x2000, s20, s19, $0x38;
	[tilespmem:$0x9100] =	vst v63  }
0x177: {  	_ =	swait.ge [sflag:s30], $0x2000  }
0x178: {  	[sflag:s30] =	ssyncset.done $0x0  }
0x179: {  	s2 =	sshll.u32 s2, $0x6;
	s17 =	simm.s32 $0x0;
	[sflag:s30] =	ssyncadd.s32 $0xFFFFE000  }
.LBB2_7:
0x17a: {  	s19 =	simm.s32 $0x4040  }
0x17b: {  	v11 =	vld [tilespmem:s19+$0x30]  }
0x17c: {  	v12 =	vld [tilespmem:s19+$0xFFFFFFD0]  }
0x17d: {  	v13 =	vld [tilespmem:s19+$0xFFFFFFE0]  }
0x17e: {  	v14 =	vld [tilespmem:s19+$0xFFFFFFF0]  }
0x17f: {  	v16 =	vld [tilespmem:s19+$0x0]  }
0x180: {  	s20 =	sshll.u32 s17, $0x7;
	v18 =	vld [tilespmem:s19+$0xFFFFFFC0]  }
0x181: {  	s20 =	sadd.s32 $0x2000, s20;
	v19 =	vld [tilespmem:s19+$0x10];
	v15 =	vand.u32 $0x1FF, v11  }
0x182: {  	v21 =	vld [tilespmem:s19+$0x20];
	s19 =	simm.s32 $0x6040;
	v10 =	vmov s20;
	v17 =	vshrl.u32 v11, $0x12  }
0x183: {  	v25 =	vld [tilespmem:s19+$0x30];
	v17 =	vadd.s32 v10, v17  }
0x184: {  	v54 =	vld [tilespmem:s19+$0xFFFFFFD0]  }
0x185: {  	v29 =	vld [tilespmem:s19+$0xFFFFFFE0]  }
0x186: {  	v15 =	vld.idx.msk [tilespmem:v15+s26+$0x0], $0xffff  }
0x187: {  	v31 =	vld [tilespmem:s19+$0xFFFFFFF0];
	v20 =	vand.u32 $0x1FF, v12  }
0x188: {  	v22 =	vand.u32 $0x1FF, v13;
	v17 =	vld.idx.msk [tilespmem:v17+s3+$0x0], $0xffff  }
0x189: {  	v33 =	vld [tilespmem:s19+$0x0];
	v23 =	vand.u32 $0x1FF, v14;
	v11 =	vshrl.u32 v11, $0x9  }
0x18a: {  	v35 =	vld [tilespmem:s19+$0x10];
	v11 =	vand.u32 $0x1FF, v11  }
0x18b: {  	v37 =	vld [tilespmem:s19+$0x20];
	v24 =	vand.u32 $0x1FF, v16;
	v15 =	vmul.f32 v25, v15  }
0x18c: {  	v28 =	vand.u32 $0x1FF, v21;
	v20 =	vld.idx.msk [tilespmem:v20+s26+$0x0], $0xffff  }
0x18d: {  	v26 =	vand.u32 $0x1FF, v18;
	v22 =	vld.idx.msk [tilespmem:v22+s26+$0x0], $0xffff;
	v15 =	vmul.f32 v15, v17  }
0x18e: {  	v23 =	vld.idx.msk [tilespmem:v23+s26+$0x0], $0xffff  }
0x18f: {  	v27 =	vand.u32 $0x1FF, v19;
	[tilespmem:v11+s28+$0x0] =	vst.idx.add.f32.msk $0xffff, v15;
	v15 =	vshrl.u32 v18, $0x12  }
0x190: {  	v55 =	vshrl.u32 v12, $0x12;
	v24 =	vld.idx.msk [tilespmem:v24+s26+$0x0], $0xffff;
	v15 =	vadd.s32 v10, v15  }
0x191: {  	v30 =	vshrl.u32 v13, $0x12;
	v17 =	vld.idx.msk [tilespmem:v28+s26+$0x0], $0xffff;
	v28 =	vadd.s32 v10, v55  }
0x192: {  	v32 =	vshrl.u32 v14, $0x12;
	v30 =	vadd.s32 v10, v30;
	v52 =	vld.idx.msk [tilespmem:v26+s26+$0x0], $0xffff  }
0x193: {  	v34 =	vshrl.u32 v16, $0x12;
	v32 =	vadd.s32 v10, v32;
	v11 =	vld [tilespmem:s19+$0xFFFFFFC0]  }
0x194: {  	v36 =	vshrl.u32 v19, $0x12;
	v34 =	vadd.s32 v10, v34;
	v53 =	vld.idx.msk [tilespmem:v27+s26+$0x0], $0xffff  }
0x195: {  	v38 =	vshrl.u32 v21, $0x12;
	v36 =	vadd.s32 v10, v36;
	v15 =	vld.idx.msk [tilespmem:v15+s3+$0x0], $0xffff  }
0x196: {  	v38 =	vadd.s32 v10, v38;
	v18 =	vshrl.u32 v18, $0x9;
	v28 =	vld.idx.msk [tilespmem:v28+s3+$0x0], $0xffff  }
0x197: {  	v12 =	vshrl.u32 v12, $0x9;
	v13 =	vshrl.u32 v13, $0x9;
	v30 =	vld.idx.msk [tilespmem:v30+s3+$0x0], $0xffff;
	v18 =	vand.u32 $0x1FF, v18  }
0x198: {  	v14 =	vshrl.u32 v14, $0x9;
	v12 =	vand.u32 $0x1FF, v12;
	v56 =	vld.idx.msk [tilespmem:v32+s3+$0x0], $0xffff;
	v11 =	vmul.f32 v11, v52  }
0x199: {  	v57 =	vand.u32 $0x1FF, v13;
	v58 =	vld.idx.msk [tilespmem:v34+s3+$0x0], $0xffff;
	v20 =	vmul.f32 v54, v20;
	v13 =	vmul.f32 v29, v22  }
0x19a: {  	v59 =	vand.u32 $0x1FF, v14;
	v60 =	vld.idx.msk [tilespmem:v36+s3+$0x0], $0xffff;
	v61 =	vmul.f32 v33, v24;
	v11 =	vmul.f32 v11, v15  }
0x19b: {  	v14 =	vld.idx.msk [tilespmem:v38+s3+$0x0], $0xffff;
	v20 =	vmul.f32 v20, v28;
	v15 =	vshrl.u32 v16, $0x9;
	v16 =	vmul.f32 v31, v23  }
0x19c: {  	v62 =	vmul.f32 v35, v53;
	[tilespmem:v18+s28+$0x0] =	vst.idx.add.f32.msk $0xffff, v11;
	v11 =	vmul.f32 v13, v30  }
0x19d: {  	v19 =	vshrl.u32 v19, $0x9;
	v17 =	vmul.f32 v37, v17;
	[tilespmem:v12+s28+$0x0] =	vst.idx.add.f32.msk $0xffff, v20;
	v63 =	vmul.f32 v16, v56  }
0x19e: {  	v12 =	vand.u32 $0x1FF, v19;
	v18 =	vshrl.u32 v21, $0x9;
	v13 =	vand.u32 $0x1FF, v15;
	[tilespmem:v57+s28+$0x0] =	vst.idx.add.f32.msk $0xffff, v11  }
0x19f: {  	s21 =	simm.s32 $0x40C0;
	s20 =	simm.s32 $0x0;
	v16 =	vmul.f32 v61, v58;
	v15 =	vmul.f32 v62, v60;
	v11 =	vand.u32 $0x1FF, v18;
	[tilespmem:v59+s28+$0x0] =	vst.idx.add.f32.msk $0xffff, v63  }
.LBB2_8:
0x1a0: {  	v18 =	vld [tilespmem:s21+$0x30];
	s20 =	sadd.s32 $0x80, s20;
	v19 =	vmul.f32 v17, v14  }
0x1a1: {  	v14 =	vld [tilespmem:s21+$0xFFFFFFD0];
	p0 =	slt.u32 s20, $0x1F80  }
0x1a2: {  	v17 =	vld [tilespmem:s21+$0xFFFFFFE0]  }
0x1a3: {  	v20 =	vld [tilespmem:s21+$0xFFFFFFF0]  }
0x1a4: {  	v21 =	vld [tilespmem:s21+$0x0]  }
0x1a5: {  	v22 =	vld [tilespmem:s21+$0x10];
	v23 =	vand.u32 $0x1FF, v18  }
0x1a6: {  	v27 =	vshrl.u32 v18, $0x12;
	v24 =	vshrl.u32 v14, $0x12;
	v25 =	vand.u32 $0x1FF, v14;
	v26 =	vld [tilespmem:s21+$0x20]  }
0x1a7: {  	v27 =	vadd.s32 v10, v27;
	v28 =	vld [tilespmem:s21+$0xFFFFFFC0];
	v29 =	vshrl.u32 v17, $0x12;
	v30 =	vand.u32 $0x1FF, v17  }
0x1a8: {  	v24 =	vadd.s32 v10, v24;
	v31 =	vshrl.u32 v20, $0x12;
	v32 =	vand.u32 $0x1FF, v20;
	[tilespmem:v13+s28+$0x0] =	vst.idx.add.f32.msk $0xffff, v16  }
0x1a9: {  	v16 =	vadd.s32 v10, v29;
	v13 =	vshrl.u32 v21, $0x12;
	v29 =	vand.u32 $0x1FF, v21;
	[tilespmem:v12+s28+$0x0] =	vst.idx.add.f32.msk $0xffff, v15  }
0x1aa: {  	s19 =	sadd.s32 $0x80, s19;
	v15 =	vadd.s32 v10, v31;
	v12 =	vshrl.u32 v22, $0x12;
	v31 =	vand.u32 $0x1FF, v22;
	v23 =	vld.idx.msk [tilespmem:v23+s26+$0x0], $0xffff  }
0x1ab: {  	v33 =	vadd.s32 v10, v13;
	v13 =	vshrl.u32 v26, $0x12;
	v34 =	vand.u32 $0x1FF, v26;
	v35 =	vld [tilespmem:s19+$0x30]  }
0x1ac: {  	v38 =	vadd.s32 v10, v12;
	v36 =	vshrl.u32 v28, $0x12;
	v37 =	vand.u32 $0x1FF, v28;
	v12 =	vld.idx.msk [tilespmem:v27+s3+$0x0], $0xffff  }
0x1ad: {  	v27 =	vshrl.u32 v28, $0x9;
	v28 =	vadd.s32 v10, v36;
	v25 =	vld.idx.msk [tilespmem:v25+s26+$0x0], $0xffff;
	v36 =	vadd.s32 v10, v13  }
0x1ae: {  	v18 =	vshrl.u32 v18, $0x9;
	v13 =	vshrl.u32 v14, $0x9;
	v14 =	vshrl.u32 v17, $0x9;
	v17 =	vld.idx.msk [tilespmem:v30+s26+$0x0], $0xffff  }
0x1af: {  	v18 =	vand.u32 $0x1FF, v18;
	v20 =	vshrl.u32 v20, $0x9;
	v21 =	vshrl.u32 v21, $0x9;
	v30 =	vld.idx.msk [tilespmem:v32+s26+$0x0], $0xffff  }
0x1b0: {  	v22 =	vshrl.u32 v22, $0x9;
	v26 =	vshrl.u32 v26, $0x9;
	v29 =	vld.idx.msk [tilespmem:v29+s26+$0x0], $0xffff;
	v23 =	vmul.f32 v35, v23  }
0x1b1: {  	v27 =	vand.u32 $0x1FF, v27;
	v35 =	vand.u32 $0x1FF, v13;
	v32 =	vld.idx.msk [tilespmem:v37+s26+$0x0], $0xffff;
	v37 =	vand.u32 $0x1FF, v14  }
0x1b2: {  	v20 =	vand.u32 $0x1FF, v20;
	v13 =	vand.u32 $0x1FF, v21;
	v14 =	vld.idx.msk [tilespmem:v31+s26+$0x0], $0xffff;
	v21 =	vmul.f32 v23, v12  }
0x1b3: {  	v12 =	vand.u32 $0x1FF, v22;
	v23 =	vand.u32 $0x1FF, v26;
	v22 =	vld.idx.msk [tilespmem:v34+s26+$0x0], $0xffff  }
0x1b4: {  	[tilespmem:v18+s28+$0x0] =	vst.idx.add.f32.msk $0xffff, v21  }
0x1b5: {  	v18 =	vld [tilespmem:s19+$0xFFFFFFC0]  }
0x1b6: {  	v21 =	vld [tilespmem:s19+$0xFFFFFFD0]  }
0x1b7: {  	v26 =	vld [tilespmem:s19+$0xFFFFFFE0]  }
0x1b8: {  	v31 =	vld [tilespmem:s19+$0xFFFFFFF0]  }
0x1b9: {  	v34 =	vld [tilespmem:s19+$0x0]  }
0x1ba: {  	v18 =	vmul.f32 v18, v32;
	v32 =	vld [tilespmem:s19+$0x10]  }
0x1bb: {  	v21 =	vmul.f32 v21, v25;
	v25 =	vld [tilespmem:s19+$0x20]  }
0x1bc: {  	v28 =	vld.idx.msk [tilespmem:v28+s3+$0x0], $0xffff;
	v26 =	vmul.f32 v26, v17  }
0x1bd: {  	v24 =	vld.idx.msk [tilespmem:v24+s3+$0x0], $0xffff;
	v30 =	vmul.f32 v31, v30  }
0x1be: {  	v16 =	vld.idx.msk [tilespmem:v16+s3+$0x0], $0xffff;
	v29 =	vmul.f32 v34, v29  }
0x1bf: {  	v15 =	vld.idx.msk [tilespmem:v15+s3+$0x0], $0xffff;
	v31 =	vmul.f32 v32, v14  }
0x1c0: {  	v32 =	vld.idx.msk [tilespmem:v33+s3+$0x0], $0xffff;
	v17 =	vmul.f32 v25, v22  }
0x1c1: {  	v22 =	vld.idx.msk [tilespmem:v38+s3+$0x0], $0xffff  }
0x1c2: {  	v18 =	vmul.f32 v18, v28;
	v14 =	vld.idx.msk [tilespmem:v36+s3+$0x0], $0xffff  }
.Ltmp2:
0x1c3: {  	v21 =	vmul.f32 v21, v24;
	[tilespmem:v11+s28+$0x0] =	vst.idx.add.f32.msk $0xffff, v19;
	v11 =	vmov v23;
	(pc) =	sbr.rel @p0 .LBB2_8-.Ltmp2, $4  }
0x1c4: {  	v16 =	vmul.f32 v26, v16;
	[tilespmem:v27+s28+$0x0] =	vst.idx.add.f32.msk $0xffff, v18  }
0x1c5: {  	v15 =	vmul.f32 v30, v15;
	[tilespmem:v35+s28+$0x0] =	vst.idx.add.f32.msk $0xffff, v21  }
0x1c6: {  	[tilespmem:v37+s28+$0x0] =	vst.idx.add.f32.msk $0xffff, v16;
	v16 =	vmul.f32 v29, v32  }
0x1c7: {  	s21 =	sadd.s32 $0x80, s21;
	[tilespmem:v20+s28+$0x0] =	vst.idx.add.f32.msk $0xffff, v15;
	v15 =	vmul.f32 v31, v22  }
0x1c8: {  	_ =	sdelay $0x3  }
0x1c9: {  	v10 =	vmul.f32 v17, v14;
	[tilespmem:v13+s28+$0x0] =	vst.idx.add.f32.msk $0xffff, v16  }
0x1ca: {  	[tilespmem:v12+s28+$0x0] =	vst.idx.add.f32.msk $0xffff, v15  }
0x1cb: {  	[tilespmem:v11+s28+$0x0] =	vst.idx.add.f32.msk $0xffff, v10  }
0x1cc: {  	v10 =	vld [tilespmem:$0x8600]  }
0x1cd: {  	v11 =	vld [tilespmem:$0x8610]  }
0x1ce: {  	v12 =	vld [tilespmem:$0x8620]  }
0x1cf: {  	v13 =	vld [tilespmem:$0x8630]  }
0x1d0: {  	v40 =	vld [tilespmem:$0x8640]  }
0x1d1: {  	v15 =	vld [tilespmem:$0x8650]  }
0x1d2: {  	v16 =	vld [tilespmem:$0x8660]  }
0x1d3: {  	v41 =	vld [tilespmem:$0x8670]  }
0x1d4: {  	v18 =	vld [tilespmem:$0x8680]  }
0x1d5: {  	v19 =	vld [tilespmem:$0x8690]  }
0x1d6: {  	v20 =	vld [tilespmem:$0x86A0]  }
0x1d7: {  	v21 =	vld [tilespmem:$0x86B0]  }
0x1d8: {  	v22 =	vld [tilespmem:$0x86C0]  }
0x1d9: {  	v23 =	vld [tilespmem:$0x86D0]  }
0x1da: {  	v24 =	vld [tilespmem:$0x86E0]  }
0x1db: {  	v25 =	vld [tilespmem:$0x86F0]  }
0x1dc: {  	v26 =	vld [tilespmem:$0x8700]  }
0x1dd: {  	v27 =	vld [tilespmem:$0x8710]  }
0x1de: {  	v28 =	vld [tilespmem:$0x8720]  }
0x1df: {  	v29 =	vld [tilespmem:$0x8730]  }
0x1e0: {  	v30 =	vld [tilespmem:$0x8740]  }
0x1e1: {  	v31 =	vld [tilespmem:$0x8750];
	v10 =	vadd.f32 $0.0e+00, v10;
	v11 =	vadd.f32 $0.0e+00, v11  }
0x1e2: {  	v32 =	vld [tilespmem:$0x8760];
	v12 =	vadd.f32 $0.0e+00, v12;
	v13 =	vadd.f32 $0.0e+00, v13  }
0x1e3: {  	v42 =	vld [tilespmem:$0x8770];
	v10 =	vadd.f32 v40, v10;
	v11 =	vadd.f32 v15, v11  }
0x1e4: {  	v43 =	vld [tilespmem:$0x8780];
	v12 =	vadd.f32 v16, v12;
	v13 =	vadd.f32 v41, v13  }
0x1e5: {  	v44 =	vld [tilespmem:$0x8790];
	v10 =	vadd.f32 v18, v10;
	v11 =	vadd.f32 v19, v11  }
0x1e6: {  	v45 =	vld [tilespmem:$0x87A0];
	v12 =	vadd.f32 v20, v12;
	v13 =	vadd.f32 v21, v13  }
0x1e7: {  	v46 =	vld [tilespmem:$0x87B0];
	v10 =	vadd.f32 v22, v10;
	v11 =	vadd.f32 v23, v11  }
0x1e8: {  	v47 =	vld [tilespmem:$0x87C0];
	v12 =	vadd.f32 v24, v12;
	v13 =	vadd.f32 v25, v13  }
0x1e9: {  	v48 =	vld [tilespmem:$0x87D0];
	v10 =	vadd.f32 v26, v10;
	v11 =	vadd.f32 v27, v11  }
0x1ea: {  	v49 =	vld [tilespmem:$0x87E0];
	v12 =	vadd.f32 v28, v12;
	v13 =	vadd.f32 v29, v13  }
0x1eb: {  	v50 =	vld [tilespmem:$0x87F0];
	v10 =	vadd.f32 v30, v10;
	v11 =	vadd.f32 v31, v11  }
0x1ec: {  	v12 =	vadd.f32 v32, v12;
	v13 =	vadd.f32 v42, v13  }
0x1ed: {  	v10 =	vadd.f32 v43, v10;
	v11 =	vadd.f32 v44, v11  }
0x1ee: {  	v12 =	vadd.f32 v45, v12;
	v13 =	vadd.f32 v46, v13  }
0x1ef: {  	v10 =	vadd.f32 v47, v10;
	v11 =	vadd.f32 v48, v11  }
0x1f0: {  	v12 =	vadd.f32 v49, v12;
	v13 =	vadd.f32 v50, v13;
	_ =	sdelay $0x1  }
0x1f1: {  	v10 =	vadd.f32 v11, v10;
	v11 =	vadd.f32 v13, v12;
	_ =	sdelay $0x1  }
0x1f2: {  	v10 =	vadd.f32 v11, v10;
	_ =	sdelay $0x1  }
0x1f3: {  	v11 =	vperm.xlane v10, v1;
	_ =	sdelay $0x1  }
0x1f4: {  	v10 =	vadd.f32 v10, v11;
	_ =	sdelay $0x1  }
0x1f5: {  	v11 =	vperm.xlane v10, v3;
	_ =	sdelay $0x1  }
0x1f6: {  	v10 =	vadd.f32 v10, v11;
	_ =	sdelay $0x1  }
0x1f7: {  	v11 =	vperm.xlane v10, v4;
	_ =	sdelay $0x1  }
0x1f8: {  	v10 =	vadd.f32 v10, v11;
	_ =	sdelay $0x1  }
0x1f9: {  	v11 =	vperm.xlane v10, v7;
	_ =	sdelay $0x1  }
0x1fa: {  	v11 =	vadd.f32 v10, v11;
	_ =	sdelay $0x1  }
0x1fb: {  	v10 =	vmul.f32 v11, v0;
	_ =	sdelay $0x1  }
0x1fc: {  	v51 =	vmul.f32 v10, v8  }
0x1fd: {  	s19 =	sadd.s32 s2, s17  }
0x1fe: {  	v52 =	vmov s19;
	v11 =	vadd.f32 v51, v11;
	_ =	sdelay $0x1  }
0x1ff: {  	v11 =	vadd.f32 $1.000000000e-30, v11  }
0x200: {  	vm0 =	vlt.s32 v52, v9  }
0x201: {  	v53 =	vnsel vm0, $0x3F800000, v11  }
0x202: {  	[tilespmem:v52+s29+$0x0] =	vst.idx.msk $0x1, v53  }
0x203: {  	v12 =	vld [tilespmem:$0x8600]  }
0x204: {  	v13 =	vld [tilespmem:$0x8000]  }
0x205: {  	v14 =	vld [tilespmem:$0x8400]  }
0x206: {  	v54 =	vld [tilespmem:$0x8610]  }
0x207: {  	v55 =	vld [tilespmem:$0x8010]  }
0x208: {  	v56 =	vld [tilespmem:$0x8410]  }
0x209: {  	v57 =	vld [tilespmem:$0x8620]  }
0x20a: {  	v58 =	vld [tilespmem:$0x8020]  }
0x20b: {  	v20 =	vld [tilespmem:$0x8420]  }
0x20c: {  	v59 =	vld [tilespmem:$0x8630]  }
0x20d: {  	v60 =	vld [tilespmem:$0x8030]  }
0x20e: {  	v23 =	vld [tilespmem:$0x8430]  }
0x20f: {  	v61 =	vld [tilespmem:$0x8640]  }
0x210: {  	v62 =	vld [tilespmem:$0x8040]  }
0x211: {  	v26 =	vld [tilespmem:$0x8440]  }
0x212: {  	v63 =	vld [tilespmem:$0x8650]  }
0x213: {  	v48 =	vld [tilespmem:$0x8050]  }
0x214: {  	v49 =	vld [tilespmem:$0x8450]  }
0x215: {  	v50 =	vld [tilespmem:$0x8660]  }
0x216: {  	v51 =	vld [tilespmem:$0x8060]  }
0x217: {  	v52 =	vld [tilespmem:$0x8460]  }
0x218: {  	v33 =	vld [tilespmem:$0x8670]  }
0x219: {  	v34 =	vld [tilespmem:$0x8070]  }
0x21a: {  	v35 =	vld [tilespmem:$0x8470]  }
0x21b: {  	v36 =	vld [tilespmem:$0x8680]  }
0x21c: {  	v37 =	vld [tilespmem:$0x8080]  }
0x21d: {  	v38 =	vld [tilespmem:$0x8480]  }
0x21e: {  	v39 =	vld [tilespmem:$0x8690]  }
0x21f: {  	v40 =	vld [tilespmem:$0x8090]  }
0x220: {  	v41 =	vld [tilespmem:$0x8490]  }
0x221: {  	v42 =	vld [tilespmem:$0x80A0]  }
0x222: {  	v43 =	vld [tilespmem:$0x84A0]  }
0x223: {  	v22 =	vld [tilespmem:$0x80B0]  }
0x224: {  	v44 =	vld [tilespmem:$0x84B0]  }
0x225: {  	(erf) = vrcp.f32 v11;
	v28 =	vld [tilespmem:$0x86D0]  }
0x226: {  	v45 =	vld [tilespmem:$0x86E0]  }
0x227: {  	v30 =	vld [tilespmem:$0x8100]  }
0x228: {  	v27 =	vld [tilespmem:$0x8170]  }
0x229: {  	[tilespmem:$0x8600] =	vst v2;
	v11 =	vmul.f32 v10, v13;
	v13 =	vld [tilespmem:$0x86A0];
	v16 =	vmul.f32 v55, v10  }
0x22a: {  	[tilespmem:$0x8610] =	vst v2;
	v19 =	vmul.f32 v58, v10;
	v53 =	vmul.f32 v60, v10;
	v58 =	vld [tilespmem:$0x80C0]  }
0x22b: {  	[tilespmem:$0x8620] =	vst v2;
	v25 =	vmul.f32 v62, v10;
	v60 =	vmul.f32 v34, v10;
	v62 =	vld [tilespmem:$0x80D0];
	v12 =	vadd.f32 v11, v12  }
0x22c: {  	[tilespmem:$0x8630] =	vst v2;
	v40 =	vmul.f32 v40, v10;
	v15 =	vadd.f32 v16, v54;
	v16 =	vld [tilespmem:$0x86B0];
	v18 =	vadd.f32 v19, v57  }
0x22d: {  	[tilespmem:$0x8640] =	vst v2;
	v55 =	vadd.f32 v53, v59;
	v19 =	vld [tilespmem:$0x86C0];
	v57 =	vmul.f32 v48, v10;
	v59 =	vmul.f32 v51, v10  }
0x22e: {  	[tilespmem:$0x8650] =	vst v2;
	v33 =	vadd.f32 v60, v33;
	v48 =	vmul.f32 v42, v10;
	v51 =	vadd.f32 v40, v39;
	v40 =	vld [tilespmem:$0x8110];
	v11 =	vpop (erf)  }
0x22f: {  	[tilespmem:$0x8660] =	vst v2;
	v54 =	vmul.f32 v18, v11;
	v18 =	vmul.f32 v55, v11;
	v55 =	vld [tilespmem:$0x80F0]  }
0x230: {  	[tilespmem:$0x8670] =	vst v2;
	v15 =	vmul.f32 v15, v11;
	v47 =	vmul.f32 v33, v11;
	v33 =	vld [tilespmem:$0x8700]  }
0x231: {  	[tilespmem:$0x8680] =	vst v2;
	v21 =	vadd.f32 v57, v63;
	v12 =	vmul.f32 v11, v12;
	v57 =	vmul.f32 v51, v11;
	v51 =	vld [tilespmem:$0x8720]  }
0x232: {  	[tilespmem:$0x8690] =	vst v2;
	v58 =	vmul.f32 v58, v10;
	v15 =	vsel vm0, v15, v56;
	v56 =	vadd.f32 v25, v61;
	v25 =	vld [tilespmem:$0x84C0]  }
0x233: {  	[tilespmem:$0x86D0] =	vst v2;
	v12 =	vsel vm0, v12, v14;
	v14 =	vsel vm0, v54, v20;
	v20 =	vadd.f32 v59, v50;
	v59 =	vld [tilespmem:$0x86F0]  }
0x234: {  	[tilespmem:$0x86E0] =	vst v2;
	v31 =	vmul.f32 v21, v11;
	v24 =	vadd.f32 v58, v19;
	v58 =	vld [tilespmem:$0x8740]  }
0x235: {  	[tilespmem:$0x86A0] =	vst v2;
	v13 =	vadd.f32 v48, v13;
	v18 =	vsel vm0, v18, v23;
	v23 =	vld [tilespmem:$0x8160]  }
0x236: {  	[tilespmem:$0x86B0] =	vst v2;
	v61 =	vmul.f32 v37, v10;
	v53 =	vsel vm0, v47, v35;
	v46 =	vsel vm0, v31, v49;
	v49 =	vld [tilespmem:$0x80E0]  }
0x237: {  	v13 =	vmul.f32 v13, v11;
	[tilespmem:$0x8470] =	vst v53;
	v53 =	vld [tilespmem:$0x8130]  }
0x238: {  	[tilespmem:$0x86C0] =	vst v2;
	v37 =	vadd.f32 v61, v36;
	v61 =	vmul.f32 v62, v10;
	v62 =	vld [tilespmem:$0x84F0]  }
0x239: {  	[tilespmem:$0x8700] =	vst v2;
	v54 =	vmul.f32 v22, v10;
	v13 =	vsel vm0, v13, v43;
	v43 =	vld [tilespmem:$0x8710]  }
0x23a: {  	[tilespmem:$0x8450] =	vst v46;
	v46 =	vld [tilespmem:$0x8510]  }
0x23b: {  	[tilespmem:$0x8720] =	vst v2;
	v17 =	vmul.f32 v56, v11;
	v60 =	vadd.f32 v54, v16;
	v54 =	vld [tilespmem:$0x8730]  }
0x23c: {  	[tilespmem:$0x86F0] =	vst v2;
	v34 =	vmul.f32 v20, v11;
	v36 =	vmul.f32 v55, v10;
	v55 =	vld [tilespmem:$0x8530]  }
0x23d: {  	[tilespmem:$0x8740] =	vst v2;
	v63 =	vsel vm0, v17, v26;
	v26 =	vld [tilespmem:$0x84D0]  }
0x23e: {  	[tilespmem:$0x8410] =	vst v15;
	v15 =	vsel vm0, v34, v52;
	v52 =	vld [tilespmem:$0x84E0]  }
0x23f: {  	[tilespmem:$0x8400] =	vst v12;
	v50 =	vmul.f32 v37, v11;
	v37 =	vld [tilespmem:$0x8500]  }
0x240: {  	[tilespmem:$0x8420] =	vst v14;
	v32 =	vadd.f32 v61, v28;
	v61 =	vld [tilespmem:$0x8150]  }
0x241: {  	[tilespmem:$0x8430] =	vst v18;
	v34 =	vmul.f32 v24, v11;
	v24 =	vld [tilespmem:$0x8760]  }
0x242: {  	[tilespmem:$0x8710] =	vst v2;
	v28 =	vld [tilespmem:$0x8770]  }
0x243: {  	[tilespmem:$0x8440] =	vst v63;
	v63 =	vsel vm0, v57, v41;
	v57 =	vld [tilespmem:$0x8140]  }
0x244: {  	[tilespmem:$0x8730] =	vst v2;
	v42 =	vadd.f32 v36, v59;
	v59 =	vld [tilespmem:$0x8540]  }
0x245: {  	[tilespmem:$0x84A0] =	vst v13;
	v36 =	vld [tilespmem:$0x8790]  }
0x246: {  	[tilespmem:$0x8460] =	vst v15;
	v15 =	vmul.f32 v40, v10;
	v40 =	vld [tilespmem:$0x87A0]  }
0x247: {  	[tilespmem:$0x8760] =	vst v2;
	v29 =	vmul.f32 v49, v10;
	v49 =	vld [tilespmem:$0x8120]  }
0x248: {  	v31 =	vmul.f32 v60, v11;
	[tilespmem:$0x8490] =	vst v63;
	v63 =	vld [tilespmem:$0x8550]  }
0x249: {  	[tilespmem:$0x8770] =	vst v2;
	v12 =	vsel vm0, v34, v25;
	v25 =	vld [tilespmem:$0x8560]  }
0x24a: {  	[tilespmem:$0x8790] =	vst v2;
	v56 =	vsel vm0, v50, v38;
	v38 =	vsel vm0, v31, v44;
	v31 =	vld [tilespmem:$0x8180]  }
0x24b: {  	[tilespmem:$0x87A0] =	vst v2;
	v39 =	vmul.f32 v32, v11;
	v32 =	vld [tilespmem:$0x8780];
	v48 =	vmul.f32 v42, v11;
	v15 =	vadd.f32 v15, v43  }
0x24c: {  	[tilespmem:$0x8780] =	vst v2;
	v43 =	vld [tilespmem:$0x81B0];
	v35 =	vadd.f32 v29, v45  }
0x24d: {  	[tilespmem:$0x8480] =	vst v56;
	v45 =	vmul.f32 v30, v10;
	v29 =	vld [tilespmem:$0x8570];
	v13 =	vsel vm0, v48, v62;
	v56 =	vmul.f32 v15, v11  }
0x24e: {  	v62 =	vld [tilespmem:$0x8750];
	[tilespmem:$0x84F0] =	vst v13;
	v13 =	vmul.f32 v53, v10;
	v15 =	vmul.f32 v57, v10  }
0x24f: {  	[tilespmem:$0x84B0] =	vst v38;
	v44 =	vsel vm0, v39, v26;
	v39 =	vld [tilespmem:$0x81A0];
	v50 =	vadd.f32 v45, v33  }
0x250: {  	[tilespmem:$0x84C0] =	vst v12;
	v48 =	vld [tilespmem:$0x87C0];
	v18 =	vmul.f32 v49, v10;
	v13 =	vadd.f32 v13, v54;
	v15 =	vadd.f32 v15, v58  }
0x251: {  	[tilespmem:$0x8750] =	vst v2;
	v41 =	vmul.f32 v35, v11;
	v33 =	vld [tilespmem:$0x8580];
	v12 =	vmul.f32 v50, v11  }
0x252: {  	[tilespmem:$0x87C0] =	vst v2;
	v35 =	vld [tilespmem:$0x8190];
	v14 =	vadd.f32 v18, v51;
	v22 =	vmul.f32 v13, v11;
	v26 =	vmul.f32 v15, v11  }
0x253: {  	[tilespmem:$0x84D0] =	vst v44;
	v47 =	vsel vm0, v41, v52;
	v52 =	vld [tilespmem:$0x8520];
	v13 =	vmul.f32 v23, v10;
	v15 =	vmul.f32 v27, v10  }
0x254: {  	v44 =	vld [tilespmem:$0x87B0];
	[tilespmem:$0x87B0] =	vst v2;
	v12 =	vsel vm0, v12, v37;
	v60 =	vmul.f32 v14, v11  }
0x255: {  	v53 =	vld [tilespmem:$0x81E0];
	[tilespmem:$0x84E0] =	vst v47;
	v14 =	vmul.f32 v61, v10;
	v13 =	vadd.f32 v13, v24;
	v15 =	vadd.f32 v15, v28  }
0x256: {  	v47 =	vld [tilespmem:$0x81C0];
	[tilespmem:$0x8500] =	vst v12;
	v12 =	vsel vm0, v56, v46  }
0x257: {  	v51 =	vld [tilespmem:$0x81D0];
	[tilespmem:$0x8510] =	vst v12;
	v14 =	vadd.f32 v14, v62;
	v34 =	vmul.f32 v13, v11;
	v38 =	vmul.f32 v15, v11  }
0x258: {  	v12 =	vsel vm0, v60, v52;
	v52 =	vld [tilespmem:$0x87D0];
	[tilespmem:$0x87D0] =	vst v2;
	v13 =	vmul.f32 v35, v10;
	v15 =	vmul.f32 v39, v10  }
0x259: {  	v56 =	vld [tilespmem:$0x81F0];
	[tilespmem:$0x8520] =	vst v12;
	v12 =	vsel vm0, v22, v55;
	v30 =	vmul.f32 v14, v11  }
0x25a: {  	v55 =	vld [tilespmem:$0x87E0];
	[tilespmem:$0x87E0] =	vst v2;
	v14 =	vmul.f32 v31, v10;
	v13 =	vadd.f32 v13, v36;
	v15 =	vadd.f32 v15, v40  }
0x25b: {  	v37 =	vld [tilespmem:$0x8590];
	v60 =	vmul.f32 v53, v10;
	[tilespmem:$0x8530] =	vst v12;
	v12 =	vsel vm0, v26, v59  }
0x25c: {  	v59 =	vld [tilespmem:$0x87F0];
	[tilespmem:$0x87F0] =	vst v2;
	v14 =	vadd.f32 v14, v32;
	v46 =	vmul.f32 v13, v11;
	v50 =	vmul.f32 v15, v11  }
0x25d: {  	v41 =	vld [tilespmem:$0x85A0];
	[tilespmem:$0x8540] =	vst v12;
	v12 =	vsel vm0, v30, v63;
	v13 =	vmul.f32 v47, v10;
	v15 =	vmul.f32 v51, v10  }
0x25e: {  	v57 =	vld [tilespmem:$0x85D0];
	[tilespmem:$0x8550] =	vst v12;
	v12 =	vsel vm0, v34, v25;
	v42 =	vmul.f32 v14, v11;
	v14 =	vmul.f32 v43, v10  }
0x25f: {  	v45 =	vld [tilespmem:$0x85B0];
	[tilespmem:$0x8560] =	vst v12;
	v12 =	vsel vm0, v38, v29;
	v10 =	vmul.f32 v56, v10;
	v15 =	vadd.f32 v15, v52  }
0x260: {  	v62 =	vld [tilespmem:$0x85F0];
	[tilespmem:$0x8570] =	vst v12;
	v12 =	vsel vm0, v42, v33;
	v14 =	vadd.f32 v14, v44  }
0x261: {  	v49 =	vld [tilespmem:$0x85C0];
	v10 =	vadd.f32 v10, v59;
	[tilespmem:$0x8580] =	vst v12;
	v12 =	vsel vm0, v46, v37;
	v15 =	vmul.f32 v15, v11  }
0x262: {  	s17 =	sadd.s32 $0x1, s17;
	v61 =	vld [tilespmem:$0x85E0];
	v13 =	vadd.f32 v13, v48;
	[tilespmem:$0x8590] =	vst v12;
	v12 =	vsel vm0, v50, v41;
	v54 =	vmul.f32 v14, v11  }
0x263: {  	p0 =	sne.s32 s17, $0x40;
	v14 =	vadd.f32 v60, v55;
	v10 =	vmul.f32 v10, v11;
	[tilespmem:$0x85A0] =	vst v12;
	v15 =	vsel vm0, v15, v57  }
.Ltmp3:
0x264: {  	v58 =	vmul.f32 v13, v11;
	v12 =	vsel vm0, v54, v45;
	[tilespmem:$0x85D0] =	vst v15;
	(pc) =	sbr.rel @p0 .LBB2_7-.Ltmp3, $4  }
0x265: {  	v63 =	vmul.f32 v14, v11;
	v10 =	vsel vm0, v10, v62;
	[tilespmem:$0x85B0] =	vst v12  }
0x266: {  	v12 =	vsel vm0, v58, v49;
	[tilespmem:$0x85F0] =	vst v10  }
0x267: {  	[tilespmem:$0x85C0] =	vst v12;
	v13 =	vsel vm0, v63, v61  }
0x268: {  	[tilespmem:$0x85E0] =	vst v13  }
0x269: {  	s1 =	sadd.s32 $0x1, s1  }
0x26a: {  	p0 =	sne.s32 s1, $0x10  }
.Ltmp4:
0x26b: {  	_ = 	snop;
	(pc) =	sbr.rel @p0 .LBB2_2-.Ltmp4, $1  }
0x26c: {  	_ =	sdelay $0x3  }
0x26d: {  	v8 =	vld [tilespmem:$0x8400]  }
0x26e: {  	v9 =	vld [tilespmem:$0x8200]  }
0x26f: {  	v10 =	vld [tilespmem:$0x8410]  }
0x270: {  	v11 =	vld [tilespmem:$0x8210]  }
0x271: {  	v12 =	vld [tilespmem:$0x8420]  }
0x272: {  	v13 =	vld [tilespmem:$0x8220]  }
0x273: {  	v25 =	vld [tilespmem:$0x8430];
	v8 =	vmul.f32 v9, v8  }
0x274: {  	v14 =	vld [tilespmem:$0x8230]  }
0x275: {  	v26 =	vld [tilespmem:$0x8440];
	v10 =	vmul.f32 v11, v10;
	v8 =	vadd.f32 $0.0e+00, v8  }
0x276: {  	v15 =	vld [tilespmem:$0x8240]  }
0x277: {  	v28 =	vld [tilespmem:$0x8450];
	v27 =	vmul.f32 v13, v12;
	v8 =	vadd.f32 v10, v8  }
0x278: {  	v29 =	vld [tilespmem:$0x8250]  }
0x279: {  	v30 =	vld [tilespmem:$0x8460];
	v9 =	vmul.f32 v14, v25;
	v8 =	vadd.f32 v27, v8  }
0x27a: {  	v31 =	vld [tilespmem:$0x8260]  }
0x27b: {  	v33 =	vld [tilespmem:$0x8470];
	v32 =	vmul.f32 v15, v26;
	v8 =	vadd.f32 v9, v8  }
0x27c: {  	v34 =	vld [tilespmem:$0x8270]  }
0x27d: {  	v36 =	vld [tilespmem:$0x8480];
	v35 =	vmul.f32 v29, v28;
	v8 =	vadd.f32 v32, v8  }
0x27e: {  	v37 =	vld [tilespmem:$0x8280]  }
0x27f: {  	v39 =	vld [tilespmem:$0x8490];
	v38 =	vmul.f32 v31, v30;
	v8 =	vadd.f32 v35, v8  }
0x280: {  	v40 =	vld [tilespmem:$0x8290]  }
0x281: {  	v42 =	vld [tilespmem:$0x84A0];
	v41 =	vmul.f32 v34, v33;
	v8 =	vadd.f32 v38, v8  }
0x282: {  	v43 =	vld [tilespmem:$0x82A0]  }
0x283: {  	v45 =	vld [tilespmem:$0x84B0];
	v44 =	vmul.f32 v37, v36;
	v8 =	vadd.f32 v41, v8  }
0x284: {  	v46 =	vld [tilespmem:$0x82B0]  }
0x285: {  	v48 =	vld [tilespmem:$0x84C0];
	v47 =	vmul.f32 v40, v39;
	v8 =	vadd.f32 v44, v8  }
0x286: {  	v49 =	vld [tilespmem:$0x82C0]  }
0x287: {  	v51 =	vld [tilespmem:$0x84D0];
	v50 =	vmul.f32 v43, v42;
	v8 =	vadd.f32 v47, v8  }
0x288: {  	v52 =	vld [tilespmem:$0x82D0]  }
0x289: {  	v54 =	vld [tilespmem:$0x84E0];
	v53 =	vmul.f32 v46, v45;
	v8 =	vadd.f32 v50, v8  }
0x28a: {  	v55 =	vld [tilespmem:$0x82E0]  }
0x28b: {  	v57 =	vld [tilespmem:$0x84F0];
	v56 =	vmul.f32 v49, v48;
	v8 =	vadd.f32 v53, v8  }
0x28c: {  	v58 =	vld [tilespmem:$0x82F0]  }
0x28d: {  	v60 =	vld [tilespmem:$0x8500];
	v59 =	vmul.f32 v52, v51;
	v8 =	vadd.f32 v56, v8  }
0x28e: {  	v61 =	vld [tilespmem:$0x8300]  }
0x28f: {  	v63 =	vld [tilespmem:$0x8510];
	v62 =	vmul.f32 v55, v54;
	v8 =	vadd.f32 v59, v8  }
0x290: {  	v18 =	vld [tilespmem:$0x8310]  }
0x291: {  	v20 =	vld [tilespmem:$0x8520];
	v19 =	vmul.f32 v58, v57;
	v8 =	vadd.f32 v62, v8  }
0x292: {  	v21 =	vld [tilespmem:$0x8320]  }
0x293: {  	v23 =	vld [tilespmem:$0x8530];
	v22 =	vmul.f32 v61, v60;
	v8 =	vadd.f32 v19, v8  }
0x294: {  	v24 =	vld [tilespmem:$0x8330]  }
0x295: {  	v25 =	vmul.f32 v18, v63;
	v26 =	vld [tilespmem:$0x8540];
	v8 =	vadd.f32 v22, v8  }
0x296: {  	v27 =	vld [tilespmem:$0x8340]  }
0x297: {  	v28 =	vmul.f32 v21, v20;
	v29 =	vld [tilespmem:$0x8550];
	v8 =	vadd.f32 v25, v8  }
0x298: {  	v30 =	vld [tilespmem:$0x8350]  }
0x299: {  	v31 =	vmul.f32 v24, v23;
	v33 =	vld [tilespmem:$0x8360];
	v8 =	vadd.f32 v28, v8  }
0x29a: {  	v32 =	vld [tilespmem:$0x8560]  }
0x29b: {  	v36 =	vld [tilespmem:$0x8370];
	v34 =	vmul.f32 v27, v26;
	v8 =	vadd.f32 v31, v8  }
0x29c: {  	v35 =	vld [tilespmem:$0x8570]  }
0x29d: {  	v39 =	vld [tilespmem:$0x8380];
	v37 =	vmul.f32 v30, v29;
	v8 =	vadd.f32 v34, v8  }
0x29e: {  	v38 =	vld [tilespmem:$0x8580]  }
0x29f: {  	v42 =	vld [tilespmem:$0x8390];
	v40 =	vmul.f32 v33, v32;
	v8 =	vadd.f32 v37, v8  }
0x2a0: {  	v41 =	vld [tilespmem:$0x8590]  }
0x2a1: {  	v45 =	vld [tilespmem:$0x83A0];
	v43 =	vmul.f32 v36, v35;
	v8 =	vadd.f32 v40, v8  }
0x2a2: {  	v44 =	vld [tilespmem:$0x85A0]  }
0x2a3: {  	v48 =	vld [tilespmem:$0x83B0];
	v46 =	vmul.f32 v39, v38;
	v8 =	vadd.f32 v43, v8  }
0x2a4: {  	v47 =	vld [tilespmem:$0x85B0]  }
0x2a5: {  	v51 =	vld [tilespmem:$0x83C0];
	v49 =	vmul.f32 v42, v41;
	v8 =	vadd.f32 v46, v8  }
0x2a6: {  	v50 =	vld [tilespmem:$0x85C0]  }
0x2a7: {  	v54 =	vld [tilespmem:$0x83D0];
	v52 =	vmul.f32 v45, v44;
	v8 =	vadd.f32 v49, v8  }
0x2a8: {  	v53 =	vld [tilespmem:$0x85D0]  }
0x2a9: {  	v57 =	vld [tilespmem:$0x83E0];
	v55 =	vmul.f32 v48, v47;
	v8 =	vadd.f32 v52, v8  }
0x2aa: {  	v56 =	vld [tilespmem:$0x85E0]  }
0x2ab: {  	v60 =	vld [tilespmem:$0x83F0];
	v58 =	vmul.f32 v51, v50;
	v8 =	vadd.f32 v55, v8  }
0x2ac: {  	v59 =	vld [tilespmem:$0x85F0]  }
0x2ad: {  	v61 =	vmul.f32 v54, v53;
	v8 =	vadd.f32 v58, v8;
	_ =	sdelay $0x1  }
0x2ae: {  	v62 =	vmul.f32 v57, v56;
	v8 =	vadd.f32 v61, v8;
	_ =	sdelay $0x1  }
0x2af: {  	v63 =	vmul.f32 v60, v59;
	v8 =	vadd.f32 v62, v8;
	_ =	sdelay $0x1  }
0x2b0: {  	v8 =	vadd.f32 v63, v8;
	_ =	sdelay $0x1  }
0x2b1: {  	[tilespmem:$0x9000] =	vst v8  }
0x2b2: {  	[hbm4b:s12+s15] =	stream.strided.scatter [tilespmem:s29], [sflag:$0x3], $0x800, s23, s15, $0x38;
	[tilespmem:$0x9100] =	vst v63  }
0x2b3: {  	s0 =	sadd.s32 $0x1, s0;
	_ =	swait.ge [sflag:s18], $0x800  }
0x2b4: {  	p0 =	sne.s32 s0, s14;
	[sflag:s18] =	ssyncset.done $0x0  }
.Ltmp5:
0x2b5: {  	[sflag:s18] =	ssyncadd.s32 $0xFFFFF800;
	(pc) =	sbr.rel @p0 .LBB2_1-.Ltmp5, $4  }
0x2b6: {  	[hbm4b:s13+s3] =	stream.linear.scatter [tilespmem:s31], [sflag:$0x3], $0x80, $0x38;
	[tilespmem:$0x9100] =	vst v63  }
0x2b7: {  	_ =	swait.ge [sflag:s18], $0x80  }
0x2b8: {  	[sflag:s18] =	ssyncset.done $0x0  }
0x2b9: {  	[sflag:s18] =	ssyncadd.s32 $0xFFFFFF80  }
0x2ba: {  	_ =	sfence.sel $0x180000  }
0x2bb: {  	[bflag:$0x0] =	sbarrier.arrive $0xFFFF  }
0x2bc: {  	_ =	strace $0x90000053  }
0x2bd: {  	s0 =	stileid.u32;
	[bflag:$0x2] =	sbarrier.arrive $0xFFFF  }
0x2be: {  	p0 =	sne.s32 s0, $0x0;
	s0 =	rddreg [dreg:$0x2]  }
0x2bf: {  	s0 =	sadd.s32 @!p0 $0x100000, s0  }
0x2c0: {  	[sflag:s0] =	ssyncadd.tile.s32 @!p0 $0x1;
	_ =	shalt  }
.Lfunc_end2:
_tile_overlayer_lowered:
.L_overlay_start_2:
0x2c1: {  	(tag) =	ssettag $0x2  }
0x2c2: {  	s0 =	rddreg [dreg:$0x0];
	s2 =	stileid.u32  }
0x2c3: {  	s1 =	rddreg [dreg:$0x1];
	p0 =	sne.s32 s2, $0x0  }
0x2c4: {  	s3 =	rddreg [dreg:$0x2];
	[bflag:$0x3] =	sbarrier.arrive $0xFFFF;
	s2 =	simm.s32 @!p0 $0x1C03  }
0x2c5: {  	[timem:s3], [sflag:s2] =	dma.local @!p0 [hbm:s0], s1  }
0x2c6: {  	s0 =	simm.s32 @!p0 $0x3  }
0x2c7: {  	_ =	swait.ge @!p0 [sflag:s0], s1  }
0x2c8: {  	s1 =	ssub.s32 @!p0 $0x0, s1;
	[sflag:s0] =	ssyncset.done @!p0 $0x0  }
0x2c9: {  	[sflag:s0] =	ssyncadd.s32 @!p0 s1  }
0x2ca: {  	[bflag:$0x3] =	sbarrier.arrive $0xFFFF  }
0x2cb: {  	_ =	shalt  }

</sc_bundles>
